<compile_context>
chip_gen: v7x
topology: tpu7x:2x2x1
jax: 0.10.2.dev20260603
libtpu: 0.0.44.dev20260713+nightly
codegen_flags: <defaults>
</compile_context>

<pallas_src>
import functools

import jax
import jax.numpy as jnp
from jax import lax
from jax.experimental import pallas as pl
from jax.experimental.pallas import tpu as pltpu
from jax.experimental.pallas import tpu_sc as plsc

N = 10000
NP = 10240
D = 128
E = 320000
CHUNK = 64
NCHUNKS = 160
DCHUNK = 128
DNCHUNKS = 80
EDGES_PER_TILE = NCHUNKS * CHUNK
EP = 32 * EDGES_PER_TILE
ROWS_PER_TILE = NP // 16
TRASH = N
IB = 8
GB = 4

_MESH = plsc.VectorSubcoreMesh(core_axis_name="c", subcore_axis_name="s")


def _sc_deg_body(dst_hbm, zer_hbm, ones_hbm, out_hbm, onesv, didx, acc, sem):
    c = lax.axis_index("c")
    s = lax.axis_index("s")
    wid = c * 16 + s
    pltpu.sync_copy(ones_hbm, onesv)
    pltpu.sync_copy(dst_hbm.at[wid], didx)
    pltpu.sync_copy(zer_hbm, acc.at[pl.ds(s * ROWS_PER_TILE, ROWS_PER_TILE)])
    plsc.subcore_barrier()

    def chunk(j, carry):
        pltpu.sync_copy(onesv, acc.at[didx.at[j]], add=True)
        return carry

    lax.fori_loop(0, DNCHUNKS, chunk, 0)
    plsc.subcore_barrier()
    r0 = s * ROWS_PER_TILE
    pltpu.sync_copy(acc.at[pl.ds(r0, ROWS_PER_TILE)],
                    out_hbm.at[c, pl.ds(r0, ROWS_PER_TILE)])


_sc_deg = functools.partial(
    pl.kernel,
    out_type=jax.ShapeDtypeStruct((2, NP, D), jnp.float32),
    mesh=_MESH,
    scratch_types=[
        pltpu.VMEM((DCHUNK, D), jnp.float32),
        pltpu.VMEM((DNCHUNKS, DCHUNK), jnp.int32),
        pltpu.VMEM_SHARED((NP, D), jnp.float32),
        pltpu.SemaphoreType.DMA,
    ],
)(_sc_deg_body)


def _sc_gs_body(h_hbm, idx_hbm, zer_hbm, out_hbm, idxb, rows, acc, *sems):
    c = lax.axis_index("c")
    s = lax.axis_index("s")
    wid = c * 16 + s
    isems = sems[:IB]
    gsems = sems[IB:]
    pltpu.sync_copy(zer_hbm, acc.at[pl.ds(s * ROWS_PER_TILE, ROWS_PER_TILE)])

    pltpu.sync_copy(idx_hbm.at[wid, 0], idxb.at[0])
    for b in range(1, IB):
        pltpu.async_copy(idx_hbm.at[wid, b], idxb.at[b], isems[b])
    plsc.subcore_barrier()
    pltpu.async_copy(h_hbm.at[idxb.at[0, 0]], rows.at[0], gsems[0])
    for b in range(1, GB):
        pltpu.make_async_copy(idx_hbm.at[wid, b], idxb.at[b], isems[b]).wait()
        pltpu.async_copy(h_hbm.at[idxb.at[b, 0]], rows.at[b], gsems[b])

    def rnd(r, carry):
        for b in range(IB):
            j = r * IB + b
            gb = b % GB
            pltpu.make_async_copy(h_hbm.at[idxb.at[b, 0]], rows.at[gb],
                                  gsems[gb]).wait()
            pltpu.sync_copy(rows.at[gb], acc.at[idxb.at[b, 1]], add=True)
            pltpu.async_copy(idx_hbm.at[wid, j + IB], idxb.at[b], isems[b])
            bn = (b + GB) % IB
            pltpu.make_async_copy(idx_hbm.at[wid, j + GB], idxb.at[bn],
                                  isems[bn]).wait()
            pltpu.async_copy(h_hbm.at[idxb.at[bn, 0]], rows.at[gb], gsems[gb])
        return carry

    lax.fori_loop(0, (NCHUNKS - IB) // IB, rnd, 0)

    base = NCHUNKS - IB
    for b in range(IB):
        j = base + b
        gb = b % GB
        pltpu.make_async_copy(h_hbm.at[idxb.at[b, 0]], rows.at[gb],
                              gsems[gb]).wait()
        pltpu.sync_copy(rows.at[gb], acc.at[idxb.at[b, 1]], add=True)
        if b + GB < IB:
            bn = b + GB
            pltpu.make_async_copy(idx_hbm.at[wid, j + GB], idxb.at[bn],
                                  isems[bn]).wait()
            pltpu.async_copy(h_hbm.at[idxb.at[bn, 0]], rows.at[gb], gsems[gb])

    plsc.subcore_barrier()
    r0 = s * ROWS_PER_TILE
    pltpu.sync_copy(acc.at[pl.ds(r0, ROWS_PER_TILE)],
                    out_hbm.at[c, pl.ds(r0, ROWS_PER_TILE)])


_sc_gs = functools.partial(
    pl.kernel,
    out_type=jax.ShapeDtypeStruct((2, NP, D), jnp.float32),
    mesh=_MESH,
    scratch_types=[
        pltpu.VMEM((IB, 2, CHUNK), jnp.int32),
        pltpu.VMEM((GB, CHUNK, D), jnp.float32),
        pltpu.VMEM_SHARED((NP, D), jnp.float32),
    ] + [pltpu.SemaphoreType.DMA] * (IB + GB),
)(_sc_gs_body)


_BLK = 1024
_GRID = NP // _BLK


def _dinv_block(dp_ref):
    deg = dp_ref[0, :, 0:1] + dp_ref[1, :, 0:1] + 1.0
    return lax.rsqrt(deg)


def _tc_h1_body(x_ref, w_ref, dp_ref, o_ref):
    dinv = _dinv_block(dp_ref)
    o_ref[:, :] = dinv * jnp.dot(x_ref[:, :], w_ref[:, :],
                                 preferred_element_type=jnp.float32)


def _tc_h1(xp, w1t, dparts):
    return pl.pallas_call(
        _tc_h1_body,
        grid=(_GRID,),
        in_specs=[
            pl.BlockSpec((_BLK, D), lambda i: (i, 0)),
            pl.BlockSpec((D, D), lambda i: (0, 0)),
            pl.BlockSpec((2, _BLK, D), lambda i: (0, i, 0)),
        ],
        out_specs=pl.BlockSpec((_BLK, D), lambda i: (i, 0)),
        out_shape=jax.ShapeDtypeStruct((NP, D), jnp.float32),
    )(xp, w1t, dparts)


def _tc_mid_body(s_ref, h_ref, dp_ref, b_ref, w_ref, o_ref):
    dinv = _dinv_block(dp_ref)
    z = dinv * (s_ref[0, :, :] + s_ref[1, :, :] + h_ref[:, :]) + b_ref[:, :]
    a = jnp.maximum(z, 0.0)
    o_ref[:, :] = dinv * jnp.dot(a, w_ref[:, :],
                                 preferred_element_type=jnp.float32)


def _tc_mid(s1, h1p, dparts, b1r, w2t):
    return pl.pallas_call(
        _tc_mid_body,
        grid=(_GRID,),
        in_specs=[
            pl.BlockSpec((2, _BLK, D), lambda i: (0, i, 0)),
            pl.BlockSpec((_BLK, D), lambda i: (i, 0)),
            pl.BlockSpec((2, _BLK, D), lambda i: (0, i, 0)),
            pl.BlockSpec((1, D), lambda i: (0, 0)),
            pl.BlockSpec((D, D), lambda i: (0, 0)),
        ],
        out_specs=pl.BlockSpec((_BLK, D), lambda i: (i, 0)),
        out_shape=jax.ShapeDtypeStruct((NP, D), jnp.float32),
    )(s1, h1p, dparts, b1r, w2t)


def _tc_out_body(s_ref, h_ref, dp_ref, b_ref, o_ref):
    dinv = _dinv_block(dp_ref)
    o_ref[:, :] = dinv * (s_ref[0, :, :] + s_ref[1, :, :] + h_ref[:, :]) \
        + b_ref[:, :]


def _tc_out(s2, h2p, dparts, b2r):
    return pl.pallas_call(
        _tc_out_body,
        grid=(_GRID,),
        in_specs=[
            pl.BlockSpec((2, _BLK, D), lambda i: (0, i, 0)),
            pl.BlockSpec((_BLK, D), lambda i: (i, 0)),
            pl.BlockSpec((2, _BLK, D), lambda i: (0, i, 0)),
            pl.BlockSpec((1, D), lambda i: (0, 0)),
        ],
        out_specs=pl.BlockSpec((_BLK, D), lambda i: (i, 0)),
        out_shape=jax.ShapeDtypeStruct((NP, D), jnp.float32),
    )(s2, h2p, dparts, b2r)


def kernel(x, adj, W1, b1, W2, b2):
    src = adj[0].astype(jnp.int32)
    dst = adj[1].astype(jnp.int32)
    pad = EP - E
    srcp = jnp.concatenate([src, jnp.zeros((pad,), jnp.int32)])
    dstp = jnp.concatenate([dst, jnp.full((pad,), TRASH, jnp.int32)])
    idx2 = jnp.stack([srcp.reshape(32, NCHUNKS, CHUNK),
                      dstp.reshape(32, NCHUNKS, CHUNK)],
                     axis=2)
    dstp = dstp.reshape(32, DNCHUNKS, DCHUNK)
    xp = jnp.pad(x, ((0, NP - N), (0, 0)))
    w1t = W1.T
    w2t = W2.T
    b1r = b1.reshape(1, D)
    b2r = b2.reshape(1, D)
    zer = jnp.zeros((ROWS_PER_TILE, D), jnp.float32)
    ones128 = jnp.ones((DCHUNK, D), jnp.float32)

    dparts = _sc_deg(dstp, zer, ones128)
    h1p = _tc_h1(xp, w1t, dparts)
    s1 = _sc_gs(h1p, idx2, zer)
    h2p = _tc_mid(s1, h1p, dparts, b1r, w2t)
    s2 = _sc_gs(h2p, idx2, zer)
    outp = _tc_out(s2, h2p, dparts, b2r)
    return outp[:N]

# --- scband reference (transcript-rebuilt; emitter-appended) ---
"""Pipeline reference for scband-gcn-22316650070243 (READ-ONLY COPY).

The authoritative reference and input builder live on the scoring server;
editing this copy changes nothing except your own understanding.
"""

import jax, jax.numpy as jnp
import numpy as np

N_NODES = 10000
N_EDGES = 320000
D_IN = 128
D_HID = 128
D_OUT = 128


def setup_inputs(seed: int = 0) -> dict:
    key = jax.random.key(seed)
    k1, k2, k3, k4, k5, k6 = jax.random.split(key, 6)
    x = jax.random.normal(k1, (N_NODES, D_IN), dtype=jnp.float32)
    adj = jax.random.randint(k2, (2, N_EDGES), 0, N_NODES, dtype=jnp.int64)
    W1 = jax.random.normal(k3, (D_HID, D_IN), dtype=jnp.float32) * (1.0 / np.sqrt(D_IN))
    b1 = jnp.zeros((D_HID,), dtype=jnp.float32)
    W2 = jax.random.normal(k4, (D_OUT, D_HID), dtype=jnp.float32) * (1.0 / np.sqrt(D_HID))
    b2 = jnp.zeros((D_OUT,), dtype=jnp.float32)
    return {"x": x, "adj": adj, "W1": W1, "b1": b1, "W2": W2, "b2": b2}


def _gcn_conv(x, W, b, src, dst, num_nodes):
    # PyG GCNConv: h = x @ W^T; symmetric normalization with self-loops; scatter-add; + bias
    h = x @ W.T
    deg = jnp.zeros((num_nodes,), dtype=x.dtype).at[dst].add(1.0)
    deg_inv_sqrt = jnp.where(deg > 0, jax.lax.rsqrt(deg), 0.0)
    norm = deg_inv_sqrt[src] * deg_inv_sqrt[dst]
    msgs = norm[:, None] * jnp.take(h, src, axis=0)
    out = jnp.zeros((num_nodes, W.shape[0]), dtype=x.dtype).at[dst].add(msgs)
    return out + b


def reference(x, adj, W1, b1, W2, b2):
    num_nodes = x.shape[0]
    # add self-loops once (same adj used for every layer)
    loop = jnp.arange(num_nodes, dtype=adj.dtype)
    src = jnp.concatenate([adj[0], loop])
    dst = jnp.concatenate([adj[1], loop])
    # layer 1 + relu (dropout p=0.0 is a no-op)
    h = _gcn_conv(x, W1, b1, src, dst, num_nodes)
    h = jax.nn.relu(h)
    # layer 2 (no activation)
    out = _gcn_conv(h, W2, b2, src, dst, num_nodes)
    return out

if __name__ == "__main__":
    import jax
    _d = setup_inputs()
    print(jax.jit(kernel)(*tuple(_d.values())))

</pallas_src>

<mosaic_0001>
#map = affine_map<(d0, d1) -> (0, 0, 0)>
#map1 = affine_map<(d0, d1) -> (0, 0)>
module attributes {stable_mosaic.version = 14 : i64} {
  func.func @_sc_deg_body(%arg0: i32, %arg1: i32, %arg2: memref<32x80x128xi32, #tpu.memory_space<hbm>>, %arg3: memref<640x128xf32, #tpu.memory_space<hbm>>, %arg4: memref<128x128xf32, #tpu.memory_space<hbm>>, %arg5: memref<2x10240x128xf32, #tpu.memory_space<hbm>>, %arg6: memref<128x128xf32, #tpu.memory_space<vmem>>, %arg7: memref<80x128xi32, #tpu.memory_space<vmem>>, %arg8: memref<10240x128xf32, #tpu.memory_space<vmem_shared>>, %arg9: memref<!tpu.dma_semaphore, #tpu.memory_space<semaphore_mem>>) attributes {dimension_semantics = [#tpu.dimension_semantics<core_parallel>, #tpu.dimension_semantics<subcore_parallel>], iteration_bounds = array<i64: 2, 16>, scalar_prefetch = 0 : i64, scratch_operands = 4 : i64, tpu.core_type = #tpu.core_type<sc_vector_subcore>, window_params = [{transform_indices = #map}, {transform_indices = #map1}, {transform_indices = #map1}, {transform_indices = #map}]} {
    %mul3A = arith.constant 16 : i32
    %mul3A_0 = arith.muli %arg0, %mul3A : i32
    %add3A = arith.addi %mul3A_0, %arg1 : i32
    "tpu.region"() ({
      %run_scoped3A = tpu.sem_alloc : memref<!tpu.dma_semaphore, #tpu.memory_space<semaphore_mem>>
      tpu.enqueue_dma source(%arg4 : memref<128x128xf32, #tpu.memory_space<hbm>>) target(%arg6 : memref<128x128xf32, #tpu.memory_space<vmem>>) target_semaphore(%run_scoped3A : memref<!tpu.dma_semaphore, #tpu.memory_space<semaphore_mem>>)
      tpu.wait_dma2 semaphore(%run_scoped3A : memref<!tpu.dma_semaphore, #tpu.memory_space<semaphore_mem>>) src(%arg4 : memref<128x128xf32, #tpu.memory_space<hbm>>) dst(%arg6 : memref<128x128xf32, #tpu.memory_space<vmem>>)
      tpu.yield
    }) : () -> ()
    "tpu.region"() ({
      %run_scoped3A = tpu.sem_alloc : memref<!tpu.dma_semaphore, #tpu.memory_space<semaphore_mem>>
      %dma_start3A = arith.constant 0 : i32
      %dma_start3A_11 = arith.constant 0 : i32
      %dma_start3A_12 = tpu.memref_slice %arg2[%add3A, %dma_start3A, %dma_start3A_11] : memref<32x80x128xi32, #tpu.memory_space<hbm>> -> memref<1x80x128xi32, #tpu.memory_space<hbm>>
      %dma_start3A_13 = tpu.memref_squeeze %dma_start3A_12 : memref<1x80x128xi32, #tpu.memory_space<hbm>> -> memref<80x128xi32, #tpu.memory_space<hbm>>
      %dma_start3A_14 = arith.constant 0 : i32
      %dma_start3A_15 = arith.constant 0 : i32
      %dma_start3A_16 = tpu.memref_slice %arg2[%add3A, %dma_start3A_14, %dma_start3A_15] : memref<32x80x128xi32, #tpu.memory_space<hbm>> -> memref<1x80x128xi32, #tpu.memory_space<hbm>>
      %dma_start3A_17 = tpu.memref_squeeze %dma_start3A_16 : memref<1x80x128xi32, #tpu.memory_space<hbm>> -> memref<80x128xi32, #tpu.memory_space<hbm>>
      tpu.enqueue_dma source(%dma_start3A_17 : memref<80x128xi32, #tpu.memory_space<hbm>>) target(%arg7 : memref<80x128xi32, #tpu.memory_space<vmem>>) target_semaphore(%run_scoped3A : memref<!tpu.dma_semaphore, #tpu.memory_space<semaphore_mem>>)
      %dma_wait3A = arith.constant 0 : i32
      %dma_wait3A_18 = arith.constant 0 : i32
      %dma_wait3A_19 = tpu.memref_slice %arg2[%add3A, %dma_wait3A, %dma_wait3A_18] : memref<32x80x128xi32, #tpu.memory_space<hbm>> -> memref<1x80x128xi32, #tpu.memory_space<hbm>>
      %dma_wait3A_20 = tpu.memref_squeeze %dma_wait3A_19 : memref<1x80x128xi32, #tpu.memory_space<hbm>> -> memref<80x128xi32, #tpu.memory_space<hbm>>
      %dma_wait3A_21 = arith.constant 0 : i32
      %dma_wait3A_22 = arith.constant 0 : i32
      %dma_wait3A_23 = tpu.memref_slice %arg2[%add3A, %dma_wait3A_21, %dma_wait3A_22] : memref<32x80x128xi32, #tpu.memory_space<hbm>> -> memref<1x80x128xi32, #tpu.memory_space<hbm>>
      %dma_wait3A_24 = tpu.memref_squeeze %dma_wait3A_23 : memref<1x80x128xi32, #tpu.memory_space<hbm>> -> memref<80x128xi32, #tpu.memory_space<hbm>>
      tpu.wait_dma2 semaphore(%run_scoped3A : memref<!tpu.dma_semaphore, #tpu.memory_space<semaphore_mem>>) src(%dma_wait3A_24 : memref<80x128xi32, #tpu.memory_space<hbm>>) dst(%arg7 : memref<80x128xi32, #tpu.memory_space<vmem>>)
      tpu.yield
    }) : () -> ()
    %mul3A_1 = arith.constant 640 : i32
    %mul3A_2 = arith.muli %arg1, %mul3A_1 : i32
    "tpu.region"() ({
      %run_scoped3A = tpu.sem_alloc : memref<!tpu.dma_semaphore, #tpu.memory_space<semaphore_mem>>
      %dma_start3A = arith.constant 0 : i32
      %dma_start3A_11 = tpu.memref_slice %arg8[%mul3A_2, %dma_start3A] : memref<10240x128xf32, #tpu.memory_space<vmem_shared>> -> memref<640x128xf32, #tpu.memory_space<vmem_shared>>
      tpu.enqueue_dma source(%arg3 : memref<640x128xf32, #tpu.memory_space<hbm>>) target(%dma_start3A_11 : memref<640x128xf32, #tpu.memory_space<vmem_shared>>) target_semaphore(%run_scoped3A : memref<!tpu.dma_semaphore, #tpu.memory_space<semaphore_mem>>)
      %dma_wait3A = arith.constant 0 : i32
      %dma_wait3A_12 = tpu.memref_slice %arg8[%mul3A_2, %dma_wait3A] : memref<10240x128xf32, #tpu.memory_space<vmem_shared>> -> memref<640x128xf32, #tpu.memory_space<vmem_shared>>
      tpu.wait_dma2 semaphore(%run_scoped3A : memref<!tpu.dma_semaphore, #tpu.memory_space<semaphore_mem>>) src(%arg3 : memref<640x128xf32, #tpu.memory_space<hbm>>) dst(%dma_wait3A_12 : memref<640x128xf32, #tpu.memory_space<vmem_shared>>)
      tpu.yield
    }) : () -> ()
    %barrier3A = arith.constant 0 : index
    tpu.barrier barrier_id(%barrier3A)
    %scan3A = arith.constant 0 : i32
    %scan3A_3 = arith.constant 0 : i32
    %scan3A_4 = arith.constant 80 : i32
    %scan3A_5 = arith.addi %scan3A_3, %scan3A_4 : i32
    %scan3A_6 = arith.constant 1 : i32
    scf.for %scan3A_11 = %scan3A_3 to %scan3A_5 step %scan3A_6  : i32 {
      "tpu.region"() ({
        %run_scoped3A = tpu.sem_alloc : memref<!tpu.dma_semaphore, #tpu.memory_space<semaphore_mem>>
        %dma_start3A = arith.constant 0 : i32
        %dma_start3A_12 = tpu.memref_slice %arg7[%scan3A_11, %dma_start3A] : memref<80x128xi32, #tpu.memory_space<vmem>> -> memref<1x128xi32, #tpu.memory_space<vmem>>
        %dma_start3A_13 = tpu.memref_squeeze %dma_start3A_12 : memref<1x128xi32, #tpu.memory_space<vmem>> -> memref<128xi32, #tpu.memory_space<vmem>>
        %dma_start3A_14 = arith.constant 0 : i32
        %dma_start3A_15 = arith.constant 0 : i32
        %dma_start3A_16 = tpu.memref_slice %arg8[%dma_start3A_14, %dma_start3A_15] : memref<10240x128xf32, #tpu.memory_space<vmem_shared>> -> memref<10240x128xf32, #tpu.memory_space<vmem_shared>>
        tpu.enqueue_indirect_dma source(%arg6 : memref<128x128xf32, #tpu.memory_space<vmem>>) target(%dma_start3A_16 : memref<10240x128xf32, #tpu.memory_space<vmem_shared>>) offsets(%dma_start3A_13 : memref<128xi32, #tpu.memory_space<vmem>>) semaphore(%run_scoped3A : memref<!tpu.dma_semaphore, #tpu.memory_space<semaphore_mem>>) {add = true}
        %dma_wait3A = arith.constant 0 : i32
        %dma_wait3A_17 = tpu.memref_slice %arg7[%scan3A_11, %dma_wait3A] : memref<80x128xi32, #tpu.memory_space<vmem>> -> memref<1x128xi32, #tpu.memory_space<vmem>>
        %dma_wait3A_18 = tpu.memref_squeeze %dma_wait3A_17 : memref<1x128xi32, #tpu.memory_space<vmem>> -> memref<128xi32, #tpu.memory_space<vmem>>
        %dma_wait3A_19 = arith.constant 0 : i32
        %dma_wait3A_20 = arith.constant 0 : i32
        %dma_wait3A_21 = tpu.memref_slice %arg8[%dma_wait3A_19, %dma_wait3A_20] : memref<10240x128xf32, #tpu.memory_space<vmem_shared>> -> memref<10240x128xf32, #tpu.memory_space<vmem_shared>>
        tpu.wait_indirect_dma semaphore(%run_scoped3A : memref<!tpu.dma_semaphore, #tpu.memory_space<semaphore_mem>>) src(%arg6 : memref<128x128xf32, #tpu.memory_space<vmem>>) dst(%dma_wait3A_21 : memref<10240x128xf32, #tpu.memory_space<vmem_shared>>)
        tpu.yield
      }) : () -> ()
    }
    %scan3A_7 = arith.constant 80 : i32
    %barrier3A_8 = arith.constant 0 : index
    tpu.barrier barrier_id(%barrier3A_8)
    %mul3A_9 = arith.constant 640 : i32
    %mul3A_10 = arith.muli %arg1, %mul3A_9 : i32
    "tpu.region"() ({
      %run_scoped3A = tpu.sem_alloc : memref<!tpu.dma_semaphore, #tpu.memory_space<semaphore_mem>>
      %dma_start3A = arith.constant 0 : i32
      %dma_start3A_11 = tpu.memref_slice %arg5[%arg0, %mul3A_10, %dma_start3A] : memref<2x10240x128xf32, #tpu.memory_space<hbm>> -> memref<1x640x128xf32, #tpu.memory_space<hbm>>
      %dma_start3A_12 = tpu.memref_squeeze %dma_start3A_11 : memref<1x640x128xf32, #tpu.memory_space<hbm>> -> memref<640x128xf32, #tpu.memory_space<hbm>>
      %dma_start3A_13 = arith.constant 0 : i32
      %dma_start3A_14 = tpu.memref_slice %arg8[%mul3A_10, %dma_start3A_13] : memref<10240x128xf32, #tpu.memory_space<vmem_shared>> -> memref<640x128xf32, #tpu.memory_space<vmem_shared>>
      tpu.enqueue_dma source(%dma_start3A_14 : memref<640x128xf32, #tpu.memory_space<vmem_shared>>) target(%dma_start3A_12 : memref<640x128xf32, #tpu.memory_space<hbm>>) target_semaphore(%run_scoped3A : memref<!tpu.dma_semaphore, #tpu.memory_space<semaphore_mem>>)
      %dma_wait3A = arith.constant 0 : i32
      %dma_wait3A_15 = tpu.memref_slice %arg5[%arg0, %mul3A_10, %dma_wait3A] : memref<2x10240x128xf32, #tpu.memory_space<hbm>> -> memref<1x640x128xf32, #tpu.memory_space<hbm>>
      %dma_wait3A_16 = tpu.memref_squeeze %dma_wait3A_15 : memref<1x640x128xf32, #tpu.memory_space<hbm>> -> memref<640x128xf32, #tpu.memory_space<hbm>>
      %dma_wait3A_17 = arith.constant 0 : i32
      %dma_wait3A_18 = tpu.memref_slice %arg8[%mul3A_10, %dma_wait3A_17] : memref<10240x128xf32, #tpu.memory_space<vmem_shared>> -> memref<640x128xf32, #tpu.memory_space<vmem_shared>>
      tpu.wait_dma2 semaphore(%run_scoped3A : memref<!tpu.dma_semaphore, #tpu.memory_space<semaphore_mem>>) src(%dma_wait3A_18 : memref<640x128xf32, #tpu.memory_space<vmem_shared>>) dst(%dma_wait3A_16 : memref<640x128xf32, #tpu.memory_space<hbm>>)
      tpu.yield
    }) : () -> ()
    return
  }
}

#map = affine_map<(d0, d1) -> (0, 0)>
#map1 = affine_map<(d0, d1) -> (0, 0, 0, 0)>
#map2 = affine_map<(d0, d1) -> (0, 0, 0)>
module attributes {stable_mosaic.version = 14 : i64} {
  func.func @_sc_gs_body(%arg0: i32, %arg1: i32, %arg2: memref<10240x128xf32, #tpu.memory_space<hbm>>, %arg3: memref<32x160x2x64xi32, #tpu.memory_space<hbm>>, %arg4: memref<640x128xf32, #tpu.memory_space<hbm>>, %arg5: memref<2x10240x128xf32, #tpu.memory_space<hbm>>, %arg6: memref<8x2x64xi32, #tpu.memory_space<vmem>>, %arg7: memref<4x64x128xf32, #tpu.memory_space<vmem>>, %arg8: memref<10240x128xf32, #tpu.memory_space<vmem_shared>>, %arg9: memref<!tpu.dma_semaphore, #tpu.memory_space<semaphore_mem>>, %arg10: memref<!tpu.dma_semaphore, #tpu.memory_space<semaphore_mem>>, %arg11: memref<!tpu.dma_semaphore, #tpu.memory_space<semaphore_mem>>, %arg12: memref<!tpu.dma_semaphore, #tpu.memory_space<semaphore_mem>>, %arg13: memref<!tpu.dma_semaphore, #tpu.memory_space<semaphore_mem>>, %arg14: memref<!tpu.dma_semaphore, #tpu.memory_space<semaphore_mem>>, %arg15: memref<!tpu.dma_semaphore, #tpu.memory_space<semaphore_mem>>, %arg16: memref<!tpu.dma_semaphore, #tpu.memory_space<semaphore_mem>>, %arg17: memref<!tpu.dma_semaphore, #tpu.memory_space<semaphore_mem>>, %arg18: memref<!tpu.dma_semaphore, #tpu.memory_space<semaphore_mem>>, %arg19: memref<!tpu.dma_semaphore, #tpu.memory_space<semaphore_mem>>, %arg20: memref<!tpu.dma_semaphore, #tpu.memory_space<semaphore_mem>>) attributes {dimension_semantics = [#tpu.dimension_semantics<core_parallel>, #tpu.dimension_semantics<subcore_parallel>], iteration_bounds = array<i64: 2, 16>, scalar_prefetch = 0 : i64, scratch_operands = 15 : i64, tpu.core_type = #tpu.core_type<sc_vector_subcore>, window_params = [{transform_indices = #map}, {transform_indices = #map1}, {transform_indices = #map}, {transform_indices = #map2}]} {
    %mul3A = arith.constant 16 : i32
    %mul3A_0 = arith.muli %arg0, %mul3A : i32
    %add3A = arith.addi %mul3A_0, %arg1 : i32
    %mul3A_1 = arith.constant 640 : i32
    %mul3A_2 = arith.muli %arg1, %mul3A_1 : i32
    "tpu.region"() ({
      %run_scoped3A_494 = tpu.sem_alloc : memref<!tpu.dma_semaphore, #tpu.memory_space<semaphore_mem>>
      %dma_start3A_495 = arith.constant 0 : i32
      %dma_start3A_496 = tpu.memref_slice %arg8[%mul3A_2, %dma_start3A_495] : memref<10240x128xf32, #tpu.memory_space<vmem_shared>> -> memref<640x128xf32, #tpu.memory_space<vmem_shared>>
      tpu.enqueue_dma source(%arg4 : memref<640x128xf32, #tpu.memory_space<hbm>>) target(%dma_start3A_496 : memref<640x128xf32, #tpu.memory_space<vmem_shared>>) target_semaphore(%run_scoped3A_494 : memref<!tpu.dma_semaphore, #tpu.memory_space<semaphore_mem>>)
      %dma_wait3A_497 = arith.constant 0 : i32
      %dma_wait3A_498 = tpu.memref_slice %arg8[%mul3A_2, %dma_wait3A_497] : memref<10240x128xf32, #tpu.memory_space<vmem_shared>> -> memref<640x128xf32, #tpu.memory_space<vmem_shared>>
      tpu.wait_dma2 semaphore(%run_scoped3A_494 : memref<!tpu.dma_semaphore, #tpu.memory_space<semaphore_mem>>) src(%arg4 : memref<640x128xf32, #tpu.memory_space<hbm>>) dst(%dma_wait3A_498 : memref<640x128xf32, #tpu.memory_space<vmem_shared>>)
      tpu.yield
    }) : () -> ()
    %run_scoped3A = arith.constant 0 : i32
    %run_scoped3A_3 = arith.constant 0 : i32
    "tpu.region"() ({
      %run_scoped3A_494 = tpu.sem_alloc : memref<!tpu.dma_semaphore, #tpu.memory_space<semaphore_mem>>
      %dma_start3A_495 = arith.constant 0 : i32
      %dma_start3A_496 = arith.constant 0 : i32
      %dma_start3A_497 = tpu.memref_slice %arg6[%run_scoped3A_3, %dma_start3A_495, %dma_start3A_496] : memref<8x2x64xi32, #tpu.memory_space<vmem>> -> memref<1x2x64xi32, #tpu.memory_space<vmem>>
      %dma_start3A_498 = tpu.memref_squeeze %dma_start3A_497 : memref<1x2x64xi32, #tpu.memory_space<vmem>> -> memref<2x64xi32, #tpu.memory_space<vmem>>
      %dma_start3A_499 = arith.constant 0 : i32
      %dma_start3A_500 = arith.constant 0 : i32
      %dma_start3A_501 = tpu.memref_slice %arg3[%add3A, %run_scoped3A, %dma_start3A_499, %dma_start3A_500] : memref<32x160x2x64xi32, #tpu.memory_space<hbm>> -> memref<1x1x2x64xi32, #tpu.memory_space<hbm>>
      %dma_start3A_502 = tpu.memref_squeeze %dma_start3A_501 : memref<1x1x2x64xi32, #tpu.memory_space<hbm>> -> memref<2x64xi32, #tpu.memory_space<hbm>>
      %dma_start3A_503 = arith.constant 0 : i32
      %dma_start3A_504 = arith.constant 0 : i32
      %dma_start3A_505 = tpu.memref_slice %arg6[%run_scoped3A_3, %dma_start3A_503, %dma_start3A_504] : memref<8x2x64xi32, #tpu.memory_space<vmem>> -> memref<1x2x64xi32, #tpu.memory_space<vmem>>
      %dma_start3A_506 = tpu.memref_squeeze %dma_start3A_505 : memref<1x2x64xi32, #tpu.memory_space<vmem>> -> memref<2x64xi32, #tpu.memory_space<vmem>>
      %dma_start3A_507 = arith.constant 0 : i32
      %dma_start3A_508 = arith.constant 0 : i32
      %dma_start3A_509 = tpu.memref_slice %arg3[%add3A, %run_scoped3A, %dma_start3A_507, %dma_start3A_508] : memref<32x160x2x64xi32, #tpu.memory_space<hbm>> -> memref<1x1x2x64xi32, #tpu.memory_space<hbm>>
      %dma_start3A_510 = tpu.memref_squeeze %dma_start3A_509 : memref<1x1x2x64xi32, #tpu.memory_space<hbm>> -> memref<2x64xi32, #tpu.memory_space<hbm>>
      tpu.enqueue_dma source(%dma_start3A_510 : memref<2x64xi32, #tpu.memory_space<hbm>>) target(%dma_start3A_506 : memref<2x64xi32, #tpu.memory_space<vmem>>) target_semaphore(%run_scoped3A_494 : memref<!tpu.dma_semaphore, #tpu.memory_space<semaphore_mem>>)
      %dma_wait3A_511 = arith.constant 0 : i32
      %dma_wait3A_512 = arith.constant 0 : i32
      %dma_wait3A_513 = tpu.memref_slice %arg6[%run_scoped3A_3, %dma_wait3A_511, %dma_wait3A_512] : memref<8x2x64xi32, #tpu.memory_space<vmem>> -> memref<1x2x64xi32, #tpu.memory_space<vmem>>
      %dma_wait3A_514 = tpu.memref_squeeze %dma_wait3A_513 : memref<1x2x64xi32, #tpu.memory_space<vmem>> -> memref<2x64xi32, #tpu.memory_space<vmem>>
      %dma_wait3A_515 = arith.constant 0 : i32
      %dma_wait3A_516 = arith.constant 0 : i32
      %dma_wait3A_517 = tpu.memref_slice %arg3[%add3A, %run_scoped3A, %dma_wait3A_515, %dma_wait3A_516] : memref<32x160x2x64xi32, #tpu.memory_space<hbm>> -> memref<1x1x2x64xi32, #tpu.memory_space<hbm>>
      %dma_wait3A_518 = tpu.memref_squeeze %dma_wait3A_517 : memref<1x1x2x64xi32, #tpu.memory_space<hbm>> -> memref<2x64xi32, #tpu.memory_space<hbm>>
      %dma_wait3A_519 = arith.constant 0 : i32
      %dma_wait3A_520 = arith.constant 0 : i32
      %dma_wait3A_521 = tpu.memref_slice %arg6[%run_scoped3A_3, %dma_wait3A_519, %dma_wait3A_520] : memref<8x2x64xi32, #tpu.memory_space<vmem>> -> memref<1x2x64xi32, #tpu.memory_space<vmem>>
      %dma_wait3A_522 = tpu.memref_squeeze %dma_wait3A_521 : memref<1x2x64xi32, #tpu.memory_space<vmem>> -> memref<2x64xi32, #tpu.memory_space<vmem>>
      %dma_wait3A_523 = arith.constant 0 : i32
      %dma_wait3A_524 = arith.constant 0 : i32
      %dma_wait3A_525 = tpu.memref_slice %arg3[%add3A, %run_scoped3A, %dma_wait3A_523, %dma_wait3A_524] : memref<32x160x2x64xi32, #tpu.memory_space<hbm>> -> memref<1x1x2x64xi32, #tpu.memory_space<hbm>>
      %dma_wait3A_526 = tpu.memref_squeeze %dma_wait3A_525 : memref<1x1x2x64xi32, #tpu.memory_space<hbm>> -> memref<2x64xi32, #tpu.memory_space<hbm>>
      tpu.wait_dma2 semaphore(%run_scoped3A_494 : memref<!tpu.dma_semaphore, #tpu.memory_space<semaphore_mem>>) src(%dma_wait3A_526 : memref<2x64xi32, #tpu.memory_space<hbm>>) dst(%dma_wait3A_522 : memref<2x64xi32, #tpu.memory_space<vmem>>)
      tpu.yield
    }) : () -> ()
    %dma_start3A = arith.constant 1 : i32
    %dma_start3A_4 = arith.constant 1 : i32
    %dma_start3A_5 = arith.constant 0 : i32
    %dma_start3A_6 = arith.constant 0 : i32
    %dma_start3A_7 = tpu.memref_slice %arg6[%dma_start3A_4, %dma_start3A_5, %dma_start3A_6] : memref<8x2x64xi32, #tpu.memory_space<vmem>> -> memref<1x2x64xi32, #tpu.memory_space<vmem>>
    %dma_start3A_8 = tpu.memref_squeeze %dma_start3A_7 : memref<1x2x64xi32, #tpu.memory_space<vmem>> -> memref<2x64xi32, #tpu.memory_space<vmem>>
    %dma_start3A_9 = arith.constant 0 : i32
    %dma_start3A_10 = arith.constant 0 : i32
    %dma_start3A_11 = tpu.memref_slice %arg3[%add3A, %dma_start3A, %dma_start3A_9, %dma_start3A_10] : memref<32x160x2x64xi32, #tpu.memory_space<hbm>> -> memref<1x1x2x64xi32, #tpu.memory_space<hbm>>
    %dma_start3A_12 = tpu.memref_squeeze %dma_start3A_11 : memref<1x1x2x64xi32, #tpu.memory_space<hbm>> -> memref<2x64xi32, #tpu.memory_space<hbm>>
    %dma_start3A_13 = arith.constant 0 : i32
    %dma_start3A_14 = arith.constant 0 : i32
    %dma_start3A_15 = tpu.memref_slice %arg6[%dma_start3A_4, %dma_start3A_13, %dma_start3A_14] : memref<8x2x64xi32, #tpu.memory_space<vmem>> -> memref<1x2x64xi32, #tpu.memory_space<vmem>>
    %dma_start3A_16 = tpu.memref_squeeze %dma_start3A_15 : memref<1x2x64xi32, #tpu.memory_space<vmem>> -> memref<2x64xi32, #tpu.memory_space<vmem>>
    %dma_start3A_17 = arith.constant 0 : i32
    %dma_start3A_18 = arith.constant 0 : i32
    %dma_start3A_19 = tpu.memref_slice %arg3[%add3A, %dma_start3A, %dma_start3A_17, %dma_start3A_18] : memref<32x160x2x64xi32, #tpu.memory_space<hbm>> -> memref<1x1x2x64xi32, #tpu.memory_space<hbm>>
    %dma_start3A_20 = tpu.memref_squeeze %dma_start3A_19 : memref<1x1x2x64xi32, #tpu.memory_space<hbm>> -> memref<2x64xi32, #tpu.memory_space<hbm>>
    tpu.enqueue_dma source(%dma_start3A_20 : memref<2x64xi32, #tpu.memory_space<hbm>>) target(%dma_start3A_16 : memref<2x64xi32, #tpu.memory_space<vmem>>) target_semaphore(%arg10 : memref<!tpu.dma_semaphore, #tpu.memory_space<semaphore_mem>>)
    %dma_start3A_21 = arith.constant 2 : i32
    %dma_start3A_22 = arith.constant 2 : i32
    %dma_start3A_23 = arith.constant 0 : i32
    %dma_start3A_24 = arith.constant 0 : i32
    %dma_start3A_25 = tpu.memref_slice %arg6[%dma_start3A_22, %dma_start3A_23, %dma_start3A_24] : memref<8x2x64xi32, #tpu.memory_space<vmem>> -> memref<1x2x64xi32, #tpu.memory_space<vmem>>
    %dma_start3A_26 = tpu.memref_squeeze %dma_start3A_25 : memref<1x2x64xi32, #tpu.memory_space<vmem>> -> memref<2x64xi32, #tpu.memory_space<vmem>>
    %dma_start3A_27 = arith.constant 0 : i32
    %dma_start3A_28 = arith.constant 0 : i32
    %dma_start3A_29 = tpu.memref_slice %arg3[%add3A, %dma_start3A_21, %dma_start3A_27, %dma_start3A_28] : memref<32x160x2x64xi32, #tpu.memory_space<hbm>> -> memref<1x1x2x64xi32, #tpu.memory_space<hbm>>
    %dma_start3A_30 = tpu.memref_squeeze %dma_start3A_29 : memref<1x1x2x64xi32, #tpu.memory_space<hbm>> -> memref<2x64xi32, #tpu.memory_space<hbm>>
    %dma_start3A_31 = arith.constant 0 : i32
    %dma_start3A_32 = arith.constant 0 : i32
    %dma_start3A_33 = tpu.memref_slice %arg6[%dma_start3A_22, %dma_start3A_31, %dma_start3A_32] : memref<8x2x64xi32, #tpu.memory_space<vmem>> -> memref<1x2x64xi32, #tpu.memory_space<vmem>>
    %dma_start3A_34 = tpu.memref_squeeze %dma_start3A_33 : memref<1x2x64xi32, #tpu.memory_space<vmem>> -> memref<2x64xi32, #tpu.memory_space<vmem>>
    %dma_start3A_35 = arith.constant 0 : i32
    %dma_start3A_36 = arith.constant 0 : i32
    %dma_start3A_37 = tpu.memref_slice %arg3[%add3A, %dma_start3A_21, %dma_start3A_35, %dma_start3A_36] : memref<32x160x2x64xi32, #tpu.memory_space<hbm>> -> memref<1x1x2x64xi32, #tpu.memory_space<hbm>>
    %dma_start3A_38 = tpu.memref_squeeze %dma_start3A_37 : memref<1x1x2x64xi32, #tpu.memory_space<hbm>> -> memref<2x64xi32, #tpu.memory_space<hbm>>
    tpu.enqueue_dma source(%dma_start3A_38 : memref<2x64xi32, #tpu.memory_space<hbm>>) target(%dma_start3A_34 : memref<2x64xi32, #tpu.memory_space<vmem>>) target_semaphore(%arg11 : memref<!tpu.dma_semaphore, #tpu.memory_space<semaphore_mem>>)
    %dma_start3A_39 = arith.constant 3 : i32
    %dma_start3A_40 = arith.constant 3 : i32
    %dma_start3A_41 = arith.constant 0 : i32
    %dma_start3A_42 = arith.constant 0 : i32
    %dma_start3A_43 = tpu.memref_slice %arg6[%dma_start3A_40, %dma_start3A_41, %dma_start3A_42] : memref<8x2x64xi32, #tpu.memory_space<vmem>> -> memref<1x2x64xi32, #tpu.memory_space<vmem>>
    %dma_start3A_44 = tpu.memref_squeeze %dma_start3A_43 : memref<1x2x64xi32, #tpu.memory_space<vmem>> -> memref<2x64xi32, #tpu.memory_space<vmem>>
    %dma_start3A_45 = arith.constant 0 : i32
    %dma_start3A_46 = arith.constant 0 : i32
    %dma_start3A_47 = tpu.memref_slice %arg3[%add3A, %dma_start3A_39, %dma_start3A_45, %dma_start3A_46] : memref<32x160x2x64xi32, #tpu.memory_space<hbm>> -> memref<1x1x2x64xi32, #tpu.memory_space<hbm>>
    %dma_start3A_48 = tpu.memref_squeeze %dma_start3A_47 : memref<1x1x2x64xi32, #tpu.memory_space<hbm>> -> memref<2x64xi32, #tpu.memory_space<hbm>>
    %dma_start3A_49 = arith.constant 0 : i32
    %dma_start3A_50 = arith.constant 0 : i32
    %dma_start3A_51 = tpu.memref_slice %arg6[%dma_start3A_40, %dma_start3A_49, %dma_start3A_50] : memref<8x2x64xi32, #tpu.memory_space<vmem>> -> memref<1x2x64xi32, #tpu.memory_space<vmem>>
    %dma_start3A_52 = tpu.memref_squeeze %dma_start3A_51 : memref<1x2x64xi32, #tpu.memory_space<vmem>> -> memref<2x64xi32, #tpu.memory_space<vmem>>
    %dma_start3A_53 = arith.constant 0 : i32
    %dma_start3A_54 = arith.constant 0 : i32
    %dma_start3A_55 = tpu.memref_slice %arg3[%add3A, %dma_start3A_39, %dma_start3A_53, %dma_start3A_54] : memref<32x160x2x64xi32, #tpu.memory_space<hbm>> -> memref<1x1x2x64xi32, #tpu.memory_space<hbm>>
    %dma_start3A_56 = tpu.memref_squeeze %dma_start3A_55 : memref<1x1x2x64xi32, #tpu.memory_space<hbm>> -> memref<2x64xi32, #tpu.memory_space<hbm>>
    tpu.enqueue_dma source(%dma_start3A_56 : memref<2x64xi32, #tpu.memory_space<hbm>>) target(%dma_start3A_52 : memref<2x64xi32, #tpu.memory_space<vmem>>) target_semaphore(%arg12 : memref<!tpu.dma_semaphore, #tpu.memory_space<semaphore_mem>>)
    %dma_start3A_57 = arith.constant 4 : i32
    %dma_start3A_58 = arith.constant 4 : i32
    %dma_start3A_59 = arith.constant 0 : i32
    %dma_start3A_60 = arith.constant 0 : i32
    %dma_start3A_61 = tpu.memref_slice %arg6[%dma_start3A_58, %dma_start3A_59, %dma_start3A_60] : memref<8x2x64xi32, #tpu.memory_space<vmem>> -> memref<1x2x64xi32, #tpu.memory_space<vmem>>
    %dma_start3A_62 = tpu.memref_squeeze %dma_start3A_61 : memref<1x2x64xi32, #tpu.memory_space<vmem>> -> memref<2x64xi32, #tpu.memory_space<vmem>>
    %dma_start3A_63 = arith.constant 0 : i32
    %dma_start3A_64 = arith.constant 0 : i32
    %dma_start3A_65 = tpu.memref_slice %arg3[%add3A, %dma_start3A_57, %dma_start3A_63, %dma_start3A_64] : memref<32x160x2x64xi32, #tpu.memory_space<hbm>> -> memref<1x1x2x64xi32, #tpu.memory_space<hbm>>
    %dma_start3A_66 = tpu.memref_squeeze %dma_start3A_65 : memref<1x1x2x64xi32, #tpu.memory_space<hbm>> -> memref<2x64xi32, #tpu.memory_space<hbm>>
    %dma_start3A_67 = arith.constant 0 : i32
    %dma_start3A_68 = arith.constant 0 : i32
    %dma_start3A_69 = tpu.memref_slice %arg6[%dma_start3A_58, %dma_start3A_67, %dma_start3A_68] : memref<8x2x64xi32, #tpu.memory_space<vmem>> -> memref<1x2x64xi32, #tpu.memory_space<vmem>>
    %dma_start3A_70 = tpu.memref_squeeze %dma_start3A_69 : memref<1x2x64xi32, #tpu.memory_space<vmem>> -> memref<2x64xi32, #tpu.memory_space<vmem>>
    %dma_start3A_71 = arith.constant 0 : i32
    %dma_start3A_72 = arith.constant 0 : i32
    %dma_start3A_73 = tpu.memref_slice %arg3[%add3A, %dma_start3A_57, %dma_start3A_71, %dma_start3A_72] : memref<32x160x2x64xi32, #tpu.memory_space<hbm>> -> memref<1x1x2x64xi32, #tpu.memory_space<hbm>>
    %dma_start3A_74 = tpu.memref_squeeze %dma_start3A_73 : memref<1x1x2x64xi32, #tpu.memory_space<hbm>> -> memref<2x64xi32, #tpu.memory_space<hbm>>
    tpu.enqueue_dma source(%dma_start3A_74 : memref<2x64xi32, #tpu.memory_space<hbm>>) target(%dma_start3A_70 : memref<2x64xi32, #tpu.memory_space<vmem>>) target_semaphore(%arg13 : memref<!tpu.dma_semaphore, #tpu.memory_space<semaphore_mem>>)
    %dma_start3A_75 = arith.constant 5 : i32
    %dma_start3A_76 = arith.constant 5 : i32
    %dma_start3A_77 = arith.constant 0 : i32
    %dma_start3A_78 = arith.constant 0 : i32
    %dma_start3A_79 = tpu.memref_slice %arg6[%dma_start3A_76, %dma_start3A_77, %dma_start3A_78] : memref<8x2x64xi32, #tpu.memory_space<vmem>> -> memref<1x2x64xi32, #tpu.memory_space<vmem>>
    %dma_start3A_80 = tpu.memref_squeeze %dma_start3A_79 : memref<1x2x64xi32, #tpu.memory_space<vmem>> -> memref<2x64xi32, #tpu.memory_space<vmem>>
    %dma_start3A_81 = arith.constant 0 : i32
    %dma_start3A_82 = arith.constant 0 : i32
    %dma_start3A_83 = tpu.memref_slice %arg3[%add3A, %dma_start3A_75, %dma_start3A_81, %dma_start3A_82] : memref<32x160x2x64xi32, #tpu.memory_space<hbm>> -> memref<1x1x2x64xi32, #tpu.memory_space<hbm>>
    %dma_start3A_84 = tpu.memref_squeeze %dma_start3A_83 : memref<1x1x2x64xi32, #tpu.memory_space<hbm>> -> memref<2x64xi32, #tpu.memory_space<hbm>>
    %dma_start3A_85 = arith.constant 0 : i32
    %dma_start3A_86 = arith.constant 0 : i32
    %dma_start3A_87 = tpu.memref_slice %arg6[%dma_start3A_76, %dma_start3A_85, %dma_start3A_86] : memref<8x2x64xi32, #tpu.memory_space<vmem>> -> memref<1x2x64xi32, #tpu.memory_space<vmem>>
    %dma_start3A_88 = tpu.memref_squeeze %dma_start3A_87 : memref<1x2x64xi32, #tpu.memory_space<vmem>> -> memref<2x64xi32, #tpu.memory_space<vmem>>
    %dma_start3A_89 = arith.constant 0 : i32
    %dma_start3A_90 = arith.constant 0 : i32
    %dma_start3A_91 = tpu.memref_slice %arg3[%add3A, %dma_start3A_75, %dma_start3A_89, %dma_start3A_90] : memref<32x160x2x64xi32, #tpu.memory_space<hbm>> -> memref<1x1x2x64xi32, #tpu.memory_space<hbm>>
    %dma_start3A_92 = tpu.memref_squeeze %dma_start3A_91 : memref<1x1x2x64xi32, #tpu.memory_space<hbm>> -> memref<2x64xi32, #tpu.memory_space<hbm>>
    tpu.enqueue_dma source(%dma_start3A_92 : memref<2x64xi32, #tpu.memory_space<hbm>>) target(%dma_start3A_88 : memref<2x64xi32, #tpu.memory_space<vmem>>) target_semaphore(%arg14 : memref<!tpu.dma_semaphore, #tpu.memory_space<semaphore_mem>>)
    %dma_start3A_93 = arith.constant 6 : i32
    %dma_start3A_94 = arith.constant 6 : i32
    %dma_start3A_95 = arith.constant 0 : i32
    %dma_start3A_96 = arith.constant 0 : i32
    %dma_start3A_97 = tpu.memref_slice %arg6[%dma_start3A_94, %dma_start3A_95, %dma_start3A_96] : memref<8x2x64xi32, #tpu.memory_space<vmem>> -> memref<1x2x64xi32, #tpu.memory_space<vmem>>
    %dma_start3A_98 = tpu.memref_squeeze %dma_start3A_97 : memref<1x2x64xi32, #tpu.memory_space<vmem>> -> memref<2x64xi32, #tpu.memory_space<vmem>>
    %dma_start3A_99 = arith.constant 0 : i32
    %dma_start3A_100 = arith.constant 0 : i32
    %dma_start3A_101 = tpu.memref_slice %arg3[%add3A, %dma_start3A_93, %dma_start3A_99, %dma_start3A_100] : memref<32x160x2x64xi32, #tpu.memory_space<hbm>> -> memref<1x1x2x64xi32, #tpu.memory_space<hbm>>
    %dma_start3A_102 = tpu.memref_squeeze %dma_start3A_101 : memref<1x1x2x64xi32, #tpu.memory_space<hbm>> -> memref<2x64xi32, #tpu.memory_space<hbm>>
    %dma_start3A_103 = arith.constant 0 : i32
    %dma_start3A_104 = arith.constant 0 : i32
    %dma_start3A_105 = tpu.memref_slice %arg6[%dma_start3A_94, %dma_start3A_103, %dma_start3A_104] : memref<8x2x64xi32, #tpu.memory_space<vmem>> -> memref<1x2x64xi32, #tpu.memory_space<vmem>>
    %dma_start3A_106 = tpu.memref_squeeze %dma_start3A_105 : memref<1x2x64xi32, #tpu.memory_space<vmem>> -> memref<2x64xi32, #tpu.memory_space<vmem>>
    %dma_start3A_107 = arith.constant 0 : i32
    %dma_start3A_108 = arith.constant 0 : i32
    %dma_start3A_109 = tpu.memref_slice %arg3[%add3A, %dma_start3A_93, %dma_start3A_107, %dma_start3A_108] : memref<32x160x2x64xi32, #tpu.memory_space<hbm>> -> memref<1x1x2x64xi32, #tpu.memory_space<hbm>>
    %dma_start3A_110 = tpu.memref_squeeze %dma_start3A_109 : memref<1x1x2x64xi32, #tpu.memory_space<hbm>> -> memref<2x64xi32, #tpu.memory_space<hbm>>
    tpu.enqueue_dma source(%dma_start3A_110 : memref<2x64xi32, #tpu.memory_space<hbm>>) target(%dma_start3A_106 : memref<2x64xi32, #tpu.memory_space<vmem>>) target_semaphore(%arg15 : memref<!tpu.dma_semaphore, #tpu.memory_space<semaphore_mem>>)
    %dma_start3A_111 = arith.constant 7 : i32
    %dma_start3A_112 = arith.constant 7 : i32
    %dma_start3A_113 = arith.constant 0 : i32
    %dma_start3A_114 = arith.constant 0 : i32
    %dma_start3A_115 = tpu.memref_slice %arg6[%dma_start3A_112, %dma_start3A_113, %dma_start3A_114] : memref<8x2x64xi32, #tpu.memory_space<vmem>> -> memref<1x2x64xi32, #tpu.memory_space<vmem>>
    %dma_start3A_116 = tpu.memref_squeeze %dma_start3A_115 : memref<1x2x64xi32, #tpu.memory_space<vmem>> -> memref<2x64xi32, #tpu.memory_space<vmem>>
    %dma_start3A_117 = arith.constant 0 : i32
    %dma_start3A_118 = arith.constant 0 : i32
    %dma_start3A_119 = tpu.memref_slice %arg3[%add3A, %dma_start3A_111, %dma_start3A_117, %dma_start3A_118] : memref<32x160x2x64xi32, #tpu.memory_space<hbm>> -> memref<1x1x2x64xi32, #tpu.memory_space<hbm>>
    %dma_start3A_120 = tpu.memref_squeeze %dma_start3A_119 : memref<1x1x2x64xi32, #tpu.memory_space<hbm>> -> memref<2x64xi32, #tpu.memory_space<hbm>>
    %dma_start3A_121 = arith.constant 0 : i32
    %dma_start3A_122 = arith.constant 0 : i32
    %dma_start3A_123 = tpu.memref_slice %arg6[%dma_start3A_112, %dma_start3A_121, %dma_start3A_122] : memref<8x2x64xi32, #tpu.memory_space<vmem>> -> memref<1x2x64xi32, #tpu.memory_space<vmem>>
    %dma_start3A_124 = tpu.memref_squeeze %dma_start3A_123 : memref<1x2x64xi32, #tpu.memory_space<vmem>> -> memref<2x64xi32, #tpu.memory_space<vmem>>
    %dma_start3A_125 = arith.constant 0 : i32
    %dma_start3A_126 = arith.constant 0 : i32
    %dma_start3A_127 = tpu.memref_slice %arg3[%add3A, %dma_start3A_111, %dma_start3A_125, %dma_start3A_126] : memref<32x160x2x64xi32, #tpu.memory_space<hbm>> -> memref<1x1x2x64xi32, #tpu.memory_space<hbm>>
    %dma_start3A_128 = tpu.memref_squeeze %dma_start3A_127 : memref<1x1x2x64xi32, #tpu.memory_space<hbm>> -> memref<2x64xi32, #tpu.memory_space<hbm>>
    tpu.enqueue_dma source(%dma_start3A_128 : memref<2x64xi32, #tpu.memory_space<hbm>>) target(%dma_start3A_124 : memref<2x64xi32, #tpu.memory_space<vmem>>) target_semaphore(%arg16 : memref<!tpu.dma_semaphore, #tpu.memory_space<semaphore_mem>>)
    %barrier3A = arith.constant 0 : index
    tpu.barrier barrier_id(%barrier3A)
    %dma_start3A_129 = arith.constant 0 : i32
    %dma_start3A_130 = arith.constant 0 : i32
    %dma_start3A_131 = arith.constant 0 : i32
    %dma_start3A_132 = arith.constant 0 : i32
    %dma_start3A_133 = arith.constant 0 : i32
    %dma_start3A_134 = tpu.memref_slice %arg7[%dma_start3A_131, %dma_start3A_132, %dma_start3A_133] : memref<4x64x128xf32, #tpu.memory_space<vmem>> -> memref<1x64x128xf32, #tpu.memory_space<vmem>>
    %dma_start3A_135 = tpu.memref_squeeze %dma_start3A_134 : memref<1x64x128xf32, #tpu.memory_space<vmem>> -> memref<64x128xf32, #tpu.memory_space<vmem>>
    %dma_start3A_136 = arith.constant 0 : i32
    %dma_start3A_137 = tpu.memref_slice %arg6[%dma_start3A_129, %dma_start3A_130, %dma_start3A_136] : memref<8x2x64xi32, #tpu.memory_space<vmem>> -> memref<1x1x64xi32, #tpu.memory_space<vmem>>
    %dma_start3A_138 = tpu.memref_squeeze %dma_start3A_137 : memref<1x1x64xi32, #tpu.memory_space<vmem>> -> memref<64xi32, #tpu.memory_space<vmem>>
    %dma_start3A_139 = arith.constant 0 : i32
    %dma_start3A_140 = arith.constant 0 : i32
    %dma_start3A_141 = tpu.memref_slice %arg2[%dma_start3A_139, %dma_start3A_140] : memref<10240x128xf32, #tpu.memory_space<hbm>> -> memref<10240x128xf32, #tpu.memory_space<hbm>>
    tpu.enqueue_indirect_dma source(%dma_start3A_141 : memref<10240x128xf32, #tpu.memory_space<hbm>>) target(%dma_start3A_135 : memref<64x128xf32, #tpu.memory_space<vmem>>) offsets(%dma_start3A_138 : memref<64xi32, #tpu.memory_space<vmem>>) semaphore(%arg17 : memref<!tpu.dma_semaphore, #tpu.memory_space<semaphore_mem>>)
    %dma_wait3A = arith.constant 1 : i32
    %dma_wait3A_142 = arith.constant 1 : i32
    %dma_wait3A_143 = arith.constant 0 : i32
    %dma_wait3A_144 = arith.constant 0 : i32
    %dma_wait3A_145 = tpu.memref_slice %arg6[%dma_wait3A_142, %dma_wait3A_143, %dma_wait3A_144] : memref<8x2x64xi32, #tpu.memory_space<vmem>> -> memref<1x2x64xi32, #tpu.memory_space<vmem>>
    %dma_wait3A_146 = tpu.memref_squeeze %dma_wait3A_145 : memref<1x2x64xi32, #tpu.memory_space<vmem>> -> memref<2x64xi32, #tpu.memory_space<vmem>>
    %dma_wait3A_147 = arith.constant 0 : i32
    %dma_wait3A_148 = arith.constant 0 : i32
    %dma_wait3A_149 = tpu.memref_slice %arg3[%add3A, %dma_wait3A, %dma_wait3A_147, %dma_wait3A_148] : memref<32x160x2x64xi32, #tpu.memory_space<hbm>> -> memref<1x1x2x64xi32, #tpu.memory_space<hbm>>
    %dma_wait3A_150 = tpu.memref_squeeze %dma_wait3A_149 : memref<1x1x2x64xi32, #tpu.memory_space<hbm>> -> memref<2x64xi32, #tpu.memory_space<hbm>>
    %dma_wait3A_151 = arith.constant 0 : i32
    %dma_wait3A_152 = arith.constant 0 : i32
    %dma_wait3A_153 = tpu.memref_slice %arg6[%dma_wait3A_142, %dma_wait3A_151, %dma_wait3A_152] : memref<8x2x64xi32, #tpu.memory_space<vmem>> -> memref<1x2x64xi32, #tpu.memory_space<vmem>>
    %dma_wait3A_154 = tpu.memref_squeeze %dma_wait3A_153 : memref<1x2x64xi32, #tpu.memory_space<vmem>> -> memref<2x64xi32, #tpu.memory_space<vmem>>
    %dma_wait3A_155 = arith.constant 0 : i32
    %dma_wait3A_156 = arith.constant 0 : i32
    %dma_wait3A_157 = tpu.memref_slice %arg3[%add3A, %dma_wait3A, %dma_wait3A_155, %dma_wait3A_156] : memref<32x160x2x64xi32, #tpu.memory_space<hbm>> -> memref<1x1x2x64xi32, #tpu.memory_space<hbm>>
    %dma_wait3A_158 = tpu.memref_squeeze %dma_wait3A_157 : memref<1x1x2x64xi32, #tpu.memory_space<hbm>> -> memref<2x64xi32, #tpu.memory_space<hbm>>
    tpu.wait_dma2 semaphore(%arg10 : memref<!tpu.dma_semaphore, #tpu.memory_space<semaphore_mem>>) src(%dma_wait3A_158 : memref<2x64xi32, #tpu.memory_space<hbm>>) dst(%dma_wait3A_154 : memref<2x64xi32, #tpu.memory_space<vmem>>)
    %dma_start3A_159 = arith.constant 1 : i32
    %dma_start3A_160 = arith.constant 0 : i32
    %dma_start3A_161 = arith.constant 1 : i32
    %dma_start3A_162 = arith.constant 0 : i32
    %dma_start3A_163 = arith.constant 0 : i32
    %dma_start3A_164 = tpu.memref_slice %arg7[%dma_start3A_161, %dma_start3A_162, %dma_start3A_163] : memref<4x64x128xf32, #tpu.memory_space<vmem>> -> memref<1x64x128xf32, #tpu.memory_space<vmem>>
    %dma_start3A_165 = tpu.memref_squeeze %dma_start3A_164 : memref<1x64x128xf32, #tpu.memory_space<vmem>> -> memref<64x128xf32, #tpu.memory_space<vmem>>
    %dma_start3A_166 = arith.constant 0 : i32
    %dma_start3A_167 = tpu.memref_slice %arg6[%dma_start3A_159, %dma_start3A_160, %dma_start3A_166] : memref<8x2x64xi32, #tpu.memory_space<vmem>> -> memref<1x1x64xi32, #tpu.memory_space<vmem>>
    %dma_start3A_168 = tpu.memref_squeeze %dma_start3A_167 : memref<1x1x64xi32, #tpu.memory_space<vmem>> -> memref<64xi32, #tpu.memory_space<vmem>>
    %dma_start3A_169 = arith.constant 0 : i32
    %dma_start3A_170 = arith.constant 0 : i32
    %dma_start3A_171 = tpu.memref_slice %arg2[%dma_start3A_169, %dma_start3A_170] : memref<10240x128xf32, #tpu.memory_space<hbm>> -> memref<10240x128xf32, #tpu.memory_space<hbm>>
    tpu.enqueue_indirect_dma source(%dma_start3A_171 : memref<10240x128xf32, #tpu.memory_space<hbm>>) target(%dma_start3A_165 : memref<64x128xf32, #tpu.memory_space<vmem>>) offsets(%dma_start3A_168 : memref<64xi32, #tpu.memory_space<vmem>>) semaphore(%arg18 : memref<!tpu.dma_semaphore, #tpu.memory_space<semaphore_mem>>)
    %dma_wait3A_172 = arith.constant 2 : i32
    %dma_wait3A_173 = arith.constant 2 : i32
    %dma_wait3A_174 = arith.constant 0 : i32
    %dma_wait3A_175 = arith.constant 0 : i32
    %dma_wait3A_176 = tpu.memref_slice %arg6[%dma_wait3A_173, %dma_wait3A_174, %dma_wait3A_175] : memref<8x2x64xi32, #tpu.memory_space<vmem>> -> memref<1x2x64xi32, #tpu.memory_space<vmem>>
    %dma_wait3A_177 = tpu.memref_squeeze %dma_wait3A_176 : memref<1x2x64xi32, #tpu.memory_space<vmem>> -> memref<2x64xi32, #tpu.memory_space<vmem>>
    %dma_wait3A_178 = arith.constant 0 : i32
    %dma_wait3A_179 = arith.constant 0 : i32
    %dma_wait3A_180 = tpu.memref_slice %arg3[%add3A, %dma_wait3A_172, %dma_wait3A_178, %dma_wait3A_179] : memref<32x160x2x64xi32, #tpu.memory_space<hbm>> -> memref<1x1x2x64xi32, #tpu.memory_space<hbm>>
    %dma_wait3A_181 = tpu.memref_squeeze %dma_wait3A_180 : memref<1x1x2x64xi32, #tpu.memory_space<hbm>> -> memref<2x64xi32, #tpu.memory_space<hbm>>
    %dma_wait3A_182 = arith.constant 0 : i32
    %dma_wait3A_183 = arith.constant 0 : i32
    %dma_wait3A_184 = tpu.memref_slice %arg6[%dma_wait3A_173, %dma_wait3A_182, %dma_wait3A_183] : memref<8x2x64xi32, #tpu.memory_space<vmem>> -> memref<1x2x64xi32, #tpu.memory_space<vmem>>
    %dma_wait3A_185 = tpu.memref_squeeze %dma_wait3A_184 : memref<1x2x64xi32, #tpu.memory_space<vmem>> -> memref<2x64xi32, #tpu.memory_space<vmem>>
    %dma_wait3A_186 = arith.constant 0 : i32
    %dma_wait3A_187 = arith.constant 0 : i32
    %dma_wait3A_188 = tpu.memref_slice %arg3[%add3A, %dma_wait3A_172, %dma_wait3A_186, %dma_wait3A_187] : memref<32x160x2x64xi32, #tpu.memory_space<hbm>> -> memref<1x1x2x64xi32, #tpu.memory_space<hbm>>
    %dma_wait3A_189 = tpu.memref_squeeze %dma_wait3A_188 : memref<1x1x2x64xi32, #tpu.memory_space<hbm>> -> memref<2x64xi32, #tpu.memory_space<hbm>>
    tpu.wait_dma2 semaphore(%arg11 : memref<!tpu.dma_semaphore, #tpu.memory_space<semaphore_mem>>) src(%dma_wait3A_189 : memref<2x64xi32, #tpu.memory_space<hbm>>) dst(%dma_wait3A_185 : memref<2x64xi32, #tpu.memory_space<vmem>>)
    %dma_start3A_190 = arith.constant 2 : i32
    %dma_start3A_191 = arith.constant 0 : i32
    %dma_start3A_192 = arith.constant 2 : i32
    %dma_start3A_193 = arith.constant 0 : i32
    %dma_start3A_194 = arith.constant 0 : i32
    %dma_start3A_195 = tpu.memref_slice %arg7[%dma_start3A_192, %dma_start3A_193, %dma_start3A_194] : memref<4x64x128xf32, #tpu.memory_space<vmem>> -> memref<1x64x128xf32, #tpu.memory_space<vmem>>
    %dma_start3A_196 = tpu.memref_squeeze %dma_start3A_195 : memref<1x64x128xf32, #tpu.memory_space<vmem>> -> memref<64x128xf32, #tpu.memory_space<vmem>>
    %dma_start3A_197 = arith.constant 0 : i32
    %dma_start3A_198 = tpu.memref_slice %arg6[%dma_start3A_190, %dma_start3A_191, %dma_start3A_197] : memref<8x2x64xi32, #tpu.memory_space<vmem>> -> memref<1x1x64xi32, #tpu.memory_space<vmem>>
    %dma_start3A_199 = tpu.memref_squeeze %dma_start3A_198 : memref<1x1x64xi32, #tpu.memory_space<vmem>> -> memref<64xi32, #tpu.memory_space<vmem>>
    %dma_start3A_200 = arith.constant 0 : i32
    %dma_start3A_201 = arith.constant 0 : i32
    %dma_start3A_202 = tpu.memref_slice %arg2[%dma_start3A_200, %dma_start3A_201] : memref<10240x128xf32, #tpu.memory_space<hbm>> -> memref<10240x128xf32, #tpu.memory_space<hbm>>
    tpu.enqueue_indirect_dma source(%dma_start3A_202 : memref<10240x128xf32, #tpu.memory_space<hbm>>) target(%dma_start3A_196 : memref<64x128xf32, #tpu.memory_space<vmem>>) offsets(%dma_start3A_199 : memref<64xi32, #tpu.memory_space<vmem>>) semaphore(%arg19 : memref<!tpu.dma_semaphore, #tpu.memory_space<semaphore_mem>>)
    %dma_wait3A_203 = arith.constant 3 : i32
    %dma_wait3A_204 = arith.constant 3 : i32
    %dma_wait3A_205 = arith.constant 0 : i32
    %dma_wait3A_206 = arith.constant 0 : i32
    %dma_wait3A_207 = tpu.memref_slice %arg6[%dma_wait3A_204, %dma_wait3A_205, %dma_wait3A_206] : memref<8x2x64xi32, #tpu.memory_space<vmem>> -> memref<1x2x64xi32, #tpu.memory_space<vmem>>
    %dma_wait3A_208 = tpu.memref_squeeze %dma_wait3A_207 : memref<1x2x64xi32, #tpu.memory_space<vmem>> -> memref<2x64xi32, #tpu.memory_space<vmem>>
    %dma_wait3A_209 = arith.constant 0 : i32
    %dma_wait3A_210 = arith.constant 0 : i32
    %dma_wait3A_211 = tpu.memref_slice %arg3[%add3A, %dma_wait3A_203, %dma_wait3A_209, %dma_wait3A_210] : memref<32x160x2x64xi32, #tpu.memory_space<hbm>> -> memref<1x1x2x64xi32, #tpu.memory_space<hbm>>
    %dma_wait3A_212 = tpu.memref_squeeze %dma_wait3A_211 : memref<1x1x2x64xi32, #tpu.memory_space<hbm>> -> memref<2x64xi32, #tpu.memory_space<hbm>>
    %dma_wait3A_213 = arith.constant 0 : i32
    %dma_wait3A_214 = arith.constant 0 : i32
    %dma_wait3A_215 = tpu.memref_slice %arg6[%dma_wait3A_204, %dma_wait3A_213, %dma_wait3A_214] : memref<8x2x64xi32, #tpu.memory_space<vmem>> -> memref<1x2x64xi32, #tpu.memory_space<vmem>>
    %dma_wait3A_216 = tpu.memref_squeeze %dma_wait3A_215 : memref<1x2x64xi32, #tpu.memory_space<vmem>> -> memref<2x64xi32, #tpu.memory_space<vmem>>
    %dma_wait3A_217 = arith.constant 0 : i32
    %dma_wait3A_218 = arith.constant 0 : i32
    %dma_wait3A_219 = tpu.memref_slice %arg3[%add3A, %dma_wait3A_203, %dma_wait3A_217, %dma_wait3A_218] : memref<32x160x2x64xi32, #tpu.memory_space<hbm>> -> memref<1x1x2x64xi32, #tpu.memory_space<hbm>>
    %dma_wait3A_220 = tpu.memref_squeeze %dma_wait3A_219 : memref<1x1x2x64xi32, #tpu.memory_space<hbm>> -> memref<2x64xi32, #tpu.memory_space<hbm>>
    tpu.wait_dma2 semaphore(%arg12 : memref<!tpu.dma_semaphore, #tpu.memory_space<semaphore_mem>>) src(%dma_wait3A_220 : memref<2x64xi32, #tpu.memory_space<hbm>>) dst(%dma_wait3A_216 : memref<2x64xi32, #tpu.memory_space<vmem>>)
    %dma_start3A_221 = arith.constant 3 : i32
    %dma_start3A_222 = arith.constant 0 : i32
    %dma_start3A_223 = arith.constant 3 : i32
    %dma_start3A_224 = arith.constant 0 : i32
    %dma_start3A_225 = arith.constant 0 : i32
    %dma_start3A_226 = tpu.memref_slice %arg7[%dma_start3A_223, %dma_start3A_224, %dma_start3A_225] : memref<4x64x128xf32, #tpu.memory_space<vmem>> -> memref<1x64x128xf32, #tpu.memory_space<vmem>>
    %dma_start3A_227 = tpu.memref_squeeze %dma_start3A_226 : memref<1x64x128xf32, #tpu.memory_space<vmem>> -> memref<64x128xf32, #tpu.memory_space<vmem>>
    %dma_start3A_228 = arith.constant 0 : i32
    %dma_start3A_229 = tpu.memref_slice %arg6[%dma_start3A_221, %dma_start3A_222, %dma_start3A_228] : memref<8x2x64xi32, #tpu.memory_space<vmem>> -> memref<1x1x64xi32, #tpu.memory_space<vmem>>
    %dma_start3A_230 = tpu.memref_squeeze %dma_start3A_229 : memref<1x1x64xi32, #tpu.memory_space<vmem>> -> memref<64xi32, #tpu.memory_space<vmem>>
    %dma_start3A_231 = arith.constant 0 : i32
    %dma_start3A_232 = arith.constant 0 : i32
    %dma_start3A_233 = tpu.memref_slice %arg2[%dma_start3A_231, %dma_start3A_232] : memref<10240x128xf32, #tpu.memory_space<hbm>> -> memref<10240x128xf32, #tpu.memory_space<hbm>>
    tpu.enqueue_indirect_dma source(%dma_start3A_233 : memref<10240x128xf32, #tpu.memory_space<hbm>>) target(%dma_start3A_227 : memref<64x128xf32, #tpu.memory_space<vmem>>) offsets(%dma_start3A_230 : memref<64xi32, #tpu.memory_space<vmem>>) semaphore(%arg20 : memref<!tpu.dma_semaphore, #tpu.memory_space<semaphore_mem>>)
    %scan3A = arith.constant 0 : i32
    %scan3A_234 = arith.constant 0 : i32
    %scan3A_235 = arith.constant 19 : i32
    %scan3A_236 = arith.addi %scan3A_234, %scan3A_235 : i32
    %scan3A_237 = arith.constant 1 : i32
    scf.for %scan3A_494 = %scan3A_234 to %scan3A_236 step %scan3A_237  : i32 {
      %mul3A_495 = arith.constant 8 : i32
      %mul3A_496 = arith.muli %scan3A_494, %mul3A_495 : i32
      %add3A_497 = arith.constant 0 : i32
      %add3A_498 = arith.addi %mul3A_496, %add3A_497 : i32
      %dma_wait3A_499 = arith.constant 0 : i32
      %dma_wait3A_500 = arith.constant 0 : i32
      %dma_wait3A_501 = arith.constant 0 : i32
      %dma_wait3A_502 = arith.constant 0 : i32
      %dma_wait3A_503 = arith.constant 0 : i32
      %dma_wait3A_504 = tpu.memref_slice %arg7[%dma_wait3A_501, %dma_wait3A_502, %dma_wait3A_503] : memref<4x64x128xf32, #tpu.memory_space<vmem>> -> memref<1x64x128xf32, #tpu.memory_space<vmem>>
      %dma_wait3A_505 = tpu.memref_squeeze %dma_wait3A_504 : memref<1x64x128xf32, #tpu.memory_space<vmem>> -> memref<64x128xf32, #tpu.memory_space<vmem>>
      %dma_wait3A_506 = arith.constant 0 : i32
      %dma_wait3A_507 = tpu.memref_slice %arg6[%dma_wait3A_499, %dma_wait3A_500, %dma_wait3A_506] : memref<8x2x64xi32, #tpu.memory_space<vmem>> -> memref<1x1x64xi32, #tpu.memory_space<vmem>>
      %dma_wait3A_508 = tpu.memref_squeeze %dma_wait3A_507 : memref<1x1x64xi32, #tpu.memory_space<vmem>> -> memref<64xi32, #tpu.memory_space<vmem>>
      %dma_wait3A_509 = arith.constant 0 : i32
      %dma_wait3A_510 = arith.constant 0 : i32
      %dma_wait3A_511 = tpu.memref_slice %arg2[%dma_wait3A_509, %dma_wait3A_510] : memref<10240x128xf32, #tpu.memory_space<hbm>> -> memref<10240x128xf32, #tpu.memory_space<hbm>>
      tpu.wait_indirect_dma semaphore(%arg17 : memref<!tpu.dma_semaphore, #tpu.memory_space<semaphore_mem>>) src(%dma_wait3A_511 : memref<10240x128xf32, #tpu.memory_space<hbm>>) dst(%dma_wait3A_505 : memref<64x128xf32, #tpu.memory_space<vmem>>)
      %run_scoped3A_512 = arith.constant 0 : i32
      %run_scoped3A_513 = arith.constant 0 : i32
      %run_scoped3A_514 = arith.constant 1 : i32
      "tpu.region"() ({
        %run_scoped3A_1063 = tpu.sem_alloc : memref<!tpu.dma_semaphore, #tpu.memory_space<semaphore_mem>>
        %dma_start3A_1064 = arith.constant 0 : i32
        %dma_start3A_1065 = arith.constant 0 : i32
        %dma_start3A_1066 = tpu.memref_slice %arg7[%run_scoped3A_512, %dma_start3A_1064, %dma_start3A_1065] : memref<4x64x128xf32, #tpu.memory_space<vmem>> -> memref<1x64x128xf32, #tpu.memory_space<vmem>>
        %dma_start3A_1067 = tpu.memref_squeeze %dma_start3A_1066 : memref<1x64x128xf32, #tpu.memory_space<vmem>> -> memref<64x128xf32, #tpu.memory_space<vmem>>
        %dma_start3A_1068 = arith.constant 0 : i32
        %dma_start3A_1069 = tpu.memref_slice %arg6[%run_scoped3A_513, %run_scoped3A_514, %dma_start3A_1068] : memref<8x2x64xi32, #tpu.memory_space<vmem>> -> memref<1x1x64xi32, #tpu.memory_space<vmem>>
        %dma_start3A_1070 = tpu.memref_squeeze %dma_start3A_1069 : memref<1x1x64xi32, #tpu.memory_space<vmem>> -> memref<64xi32, #tpu.memory_space<vmem>>
        %dma_start3A_1071 = arith.constant 0 : i32
        %dma_start3A_1072 = arith.constant 0 : i32
        %dma_start3A_1073 = tpu.memref_slice %arg8[%dma_start3A_1071, %dma_start3A_1072] : memref<10240x128xf32, #tpu.memory_space<vmem_shared>> -> memref<10240x128xf32, #tpu.memory_space<vmem_shared>>
        tpu.enqueue_indirect_dma source(%dma_start3A_1067 : memref<64x128xf32, #tpu.memory_space<vmem>>) target(%dma_start3A_1073 : memref<10240x128xf32, #tpu.memory_space<vmem_shared>>) offsets(%dma_start3A_1070 : memref<64xi32, #tpu.memory_space<vmem>>) semaphore(%run_scoped3A_1063 : memref<!tpu.dma_semaphore, #tpu.memory_space<semaphore_mem>>) {add = true}
        %dma_wait3A_1074 = arith.constant 0 : i32
        %dma_wait3A_1075 = arith.constant 0 : i32
        %dma_wait3A_1076 = tpu.memref_slice %arg7[%run_scoped3A_512, %dma_wait3A_1074, %dma_wait3A_1075] : memref<4x64x128xf32, #tpu.memory_space<vmem>> -> memref<1x64x128xf32, #tpu.memory_space<vmem>>
        %dma_wait3A_1077 = tpu.memref_squeeze %dma_wait3A_1076 : memref<1x64x128xf32, #tpu.memory_space<vmem>> -> memref<64x128xf32, #tpu.memory_space<vmem>>
        %dma_wait3A_1078 = arith.constant 0 : i32
        %dma_wait3A_1079 = tpu.memref_slice %arg6[%run_scoped3A_513, %run_scoped3A_514, %dma_wait3A_1078] : memref<8x2x64xi32, #tpu.memory_space<vmem>> -> memref<1x1x64xi32, #tpu.memory_space<vmem>>
        %dma_wait3A_1080 = tpu.memref_squeeze %dma_wait3A_1079 : memref<1x1x64xi32, #tpu.memory_space<vmem>> -> memref<64xi32, #tpu.memory_space<vmem>>
        %dma_wait3A_1081 = arith.constant 0 : i32
        %dma_wait3A_1082 = arith.constant 0 : i32
        %dma_wait3A_1083 = tpu.memref_slice %arg8[%dma_wait3A_1081, %dma_wait3A_1082] : memref<10240x128xf32, #tpu.memory_space<vmem_shared>> -> memref<10240x128xf32, #tpu.memory_space<vmem_shared>>
        tpu.wait_indirect_dma semaphore(%run_scoped3A_1063 : memref<!tpu.dma_semaphore, #tpu.memory_space<semaphore_mem>>) src(%dma_wait3A_1077 : memref<64x128xf32, #tpu.memory_space<vmem>>) dst(%dma_wait3A_1083 : memref<10240x128xf32, #tpu.memory_space<vmem_shared>>)
        tpu.yield
      }) : () -> ()
      %add3A_515 = arith.constant 8 : i32
      %add3A_516 = arith.addi %add3A_498, %add3A_515 : i32
      %dma_start3A_517 = arith.constant 0 : i32
      %dma_start3A_518 = arith.constant 0 : i32
      %dma_start3A_519 = arith.constant 0 : i32
      %dma_start3A_520 = tpu.memref_slice %arg6[%dma_start3A_517, %dma_start3A_518, %dma_start3A_519] : memref<8x2x64xi32, #tpu.memory_space<vmem>> -> memref<1x2x64xi32, #tpu.memory_space<vmem>>
      %dma_start3A_521 = tpu.memref_squeeze %dma_start3A_520 : memref<1x2x64xi32, #tpu.memory_space<vmem>> -> memref<2x64xi32, #tpu.memory_space<vmem>>
      %dma_start3A_522 = arith.constant 0 : i32
      %dma_start3A_523 = arith.constant 0 : i32
      %dma_start3A_524 = tpu.memref_slice %arg3[%add3A, %add3A_516, %dma_start3A_522, %dma_start3A_523] : memref<32x160x2x64xi32, #tpu.memory_space<hbm>> -> memref<1x1x2x64xi32, #tpu.memory_space<hbm>>
      %dma_start3A_525 = tpu.memref_squeeze %dma_start3A_524 : memref<1x1x2x64xi32, #tpu.memory_space<hbm>> -> memref<2x64xi32, #tpu.memory_space<hbm>>
      %dma_start3A_526 = arith.constant 0 : i32
      %dma_start3A_527 = arith.constant 0 : i32
      %dma_start3A_528 = tpu.memref_slice %arg6[%dma_start3A_517, %dma_start3A_526, %dma_start3A_527] : memref<8x2x64xi32, #tpu.memory_space<vmem>> -> memref<1x2x64xi32, #tpu.memory_space<vmem>>
      %dma_start3A_529 = tpu.memref_squeeze %dma_start3A_528 : memref<1x2x64xi32, #tpu.memory_space<vmem>> -> memref<2x64xi32, #tpu.memory_space<vmem>>
      %dma_start3A_530 = arith.constant 0 : i32
      %dma_start3A_531 = arith.constant 0 : i32
      %dma_start3A_532 = tpu.memref_slice %arg3[%add3A, %add3A_516, %dma_start3A_530, %dma_start3A_531] : memref<32x160x2x64xi32, #tpu.memory_space<hbm>> -> memref<1x1x2x64xi32, #tpu.memory_space<hbm>>
      %dma_start3A_533 = tpu.memref_squeeze %dma_start3A_532 : memref<1x1x2x64xi32, #tpu.memory_space<hbm>> -> memref<2x64xi32, #tpu.memory_space<hbm>>
      tpu.enqueue_dma source(%dma_start3A_533 : memref<2x64xi32, #tpu.memory_space<hbm>>) target(%dma_start3A_529 : memref<2x64xi32, #tpu.memory_space<vmem>>) target_semaphore(%arg9 : memref<!tpu.dma_semaphore, #tpu.memory_space<semaphore_mem>>)
      %add3A_534 = arith.constant 4 : i32
      %add3A_535 = arith.addi %add3A_498, %add3A_534 : i32
      %dma_wait3A_536 = arith.constant 4 : i32
      %dma_wait3A_537 = arith.constant 0 : i32
      %dma_wait3A_538 = arith.constant 0 : i32
      %dma_wait3A_539 = tpu.memref_slice %arg6[%dma_wait3A_536, %dma_wait3A_537, %dma_wait3A_538] : memref<8x2x64xi32, #tpu.memory_space<vmem>> -> memref<1x2x64xi32, #tpu.memory_space<vmem>>
      %dma_wait3A_540 = tpu.memref_squeeze %dma_wait3A_539 : memref<1x2x64xi32, #tpu.memory_space<vmem>> -> memref<2x64xi32, #tpu.memory_space<vmem>>
      %dma_wait3A_541 = arith.constant 0 : i32
      %dma_wait3A_542 = arith.constant 0 : i32
      %dma_wait3A_543 = tpu.memref_slice %arg3[%add3A, %add3A_535, %dma_wait3A_541, %dma_wait3A_542] : memref<32x160x2x64xi32, #tpu.memory_space<hbm>> -> memref<1x1x2x64xi32, #tpu.memory_space<hbm>>
      %dma_wait3A_544 = tpu.memref_squeeze %dma_wait3A_543 : memref<1x1x2x64xi32, #tpu.memory_space<hbm>> -> memref<2x64xi32, #tpu.memory_space<hbm>>
      %dma_wait3A_545 = arith.constant 0 : i32
      %dma_wait3A_546 = arith.constant 0 : i32
      %dma_wait3A_547 = tpu.memref_slice %arg6[%dma_wait3A_536, %dma_wait3A_545, %dma_wait3A_546] : memref<8x2x64xi32, #tpu.memory_space<vmem>> -> memref<1x2x64xi32, #tpu.memory_space<vmem>>
      %dma_wait3A_548 = tpu.memref_squeeze %dma_wait3A_547 : memref<1x2x64xi32, #tpu.memory_space<vmem>> -> memref<2x64xi32, #tpu.memory_space<vmem>>
      %dma_wait3A_549 = arith.constant 0 : i32
      %dma_wait3A_550 = arith.constant 0 : i32
      %dma_wait3A_551 = tpu.memref_slice %arg3[%add3A, %add3A_535, %dma_wait3A_549, %dma_wait3A_550] : memref<32x160x2x64xi32, #tpu.memory_space<hbm>> -> memref<1x1x2x64xi32, #tpu.memory_space<hbm>>
      %dma_wait3A_552 = tpu.memref_squeeze %dma_wait3A_551 : memref<1x1x2x64xi32, #tpu.memory_space<hbm>> -> memref<2x64xi32, #tpu.memory_space<hbm>>
      tpu.wait_dma2 semaphore(%arg13 : memref<!tpu.dma_semaphore, #tpu.memory_space<semaphore_mem>>) src(%dma_wait3A_552 : memref<2x64xi32, #tpu.memory_space<hbm>>) dst(%dma_wait3A_548 : memref<2x64xi32, #tpu.memory_space<vmem>>)
      %dma_start3A_553 = arith.constant 4 : i32
      %dma_start3A_554 = arith.constant 0 : i32
      %dma_start3A_555 = arith.constant 0 : i32
      %dma_start3A_556 = arith.constant 0 : i32
      %dma_start3A_557 = arith.constant 0 : i32
      %dma_start3A_558 = tpu.memref_slice %arg7[%dma_start3A_555, %dma_start3A_556, %dma_start3A_557] : memref<4x64x128xf32, #tpu.memory_space<vmem>> -> memref<1x64x128xf32, #tpu.memory_space<vmem>>
      %dma_start3A_559 = tpu.memref_squeeze %dma_start3A_558 : memref<1x64x128xf32, #tpu.memory_space<vmem>> -> memref<64x128xf32, #tpu.memory_space<vmem>>
      %dma_start3A_560 = arith.constant 0 : i32
      %dma_start3A_561 = tpu.memref_slice %arg6[%dma_start3A_553, %dma_start3A_554, %dma_start3A_560] : memref<8x2x64xi32, #tpu.memory_space<vmem>> -> memref<1x1x64xi32, #tpu.memory_space<vmem>>
      %dma_start3A_562 = tpu.memref_squeeze %dma_start3A_561 : memref<1x1x64xi32, #tpu.memory_space<vmem>> -> memref<64xi32, #tpu.memory_space<vmem>>
      %dma_start3A_563 = arith.constant 0 : i32
      %dma_start3A_564 = arith.constant 0 : i32
      %dma_start3A_565 = tpu.memref_slice %arg2[%dma_start3A_563, %dma_start3A_564] : memref<10240x128xf32, #tpu.memory_space<hbm>> -> memref<10240x128xf32, #tpu.memory_space<hbm>>
      tpu.enqueue_indirect_dma source(%dma_start3A_565 : memref<10240x128xf32, #tpu.memory_space<hbm>>) target(%dma_start3A_559 : memref<64x128xf32, #tpu.memory_space<vmem>>) offsets(%dma_start3A_562 : memref<64xi32, #tpu.memory_space<vmem>>) semaphore(%arg17 : memref<!tpu.dma_semaphore, #tpu.memory_space<semaphore_mem>>)
      %mul3A_566 = arith.constant 8 : i32
      %mul3A_567 = arith.muli %scan3A_494, %mul3A_566 : i32
      %add3A_568 = arith.constant 1 : i32
      %add3A_569 = arith.addi %mul3A_567, %add3A_568 : i32
      %dma_wait3A_570 = arith.constant 1 : i32
      %dma_wait3A_571 = arith.constant 0 : i32
      %dma_wait3A_572 = arith.constant 1 : i32
      %dma_wait3A_573 = arith.constant 0 : i32
      %dma_wait3A_574 = arith.constant 0 : i32
      %dma_wait3A_575 = tpu.memref_slice %arg7[%dma_wait3A_572, %dma_wait3A_573, %dma_wait3A_574] : memref<4x64x128xf32, #tpu.memory_space<vmem>> -> memref<1x64x128xf32, #tpu.memory_space<vmem>>
      %dma_wait3A_576 = tpu.memref_squeeze %dma_wait3A_575 : memref<1x64x128xf32, #tpu.memory_space<vmem>> -> memref<64x128xf32, #tpu.memory_space<vmem>>
      %dma_wait3A_577 = arith.constant 0 : i32
      %dma_wait3A_578 = tpu.memref_slice %arg6[%dma_wait3A_570, %dma_wait3A_571, %dma_wait3A_577] : memref<8x2x64xi32, #tpu.memory_space<vmem>> -> memref<1x1x64xi32, #tpu.memory_space<vmem>>
      %dma_wait3A_579 = tpu.memref_squeeze %dma_wait3A_578 : memref<1x1x64xi32, #tpu.memory_space<vmem>> -> memref<64xi32, #tpu.memory_space<vmem>>
      %dma_wait3A_580 = arith.constant 0 : i32
      %dma_wait3A_581 = arith.constant 0 : i32
      %dma_wait3A_582 = tpu.memref_slice %arg2[%dma_wait3A_580, %dma_wait3A_581] : memref<10240x128xf32, #tpu.memory_space<hbm>> -> memref<10240x128xf32, #tpu.memory_space<hbm>>
      tpu.wait_indirect_dma semaphore(%arg18 : memref<!tpu.dma_semaphore, #tpu.memory_space<semaphore_mem>>) src(%dma_wait3A_582 : memref<10240x128xf32, #tpu.memory_space<hbm>>) dst(%dma_wait3A_576 : memref<64x128xf32, #tpu.memory_space<vmem>>)
      %run_scoped3A_583 = arith.constant 1 : i32
      %run_scoped3A_584 = arith.constant 1 : i32
      %run_scoped3A_585 = arith.constant 1 : i32
      "tpu.region"() ({
        %run_scoped3A_1063 = tpu.sem_alloc : memref<!tpu.dma_semaphore, #tpu.memory_space<semaphore_mem>>
        %dma_start3A_1064 = arith.constant 0 : i32
        %dma_start3A_1065 = arith.constant 0 : i32
        %dma_start3A_1066 = tpu.memref_slice %arg7[%run_scoped3A_583, %dma_start3A_1064, %dma_start3A_1065] : memref<4x64x128xf32, #tpu.memory_space<vmem>> -> memref<1x64x128xf32, #tpu.memory_space<vmem>>
        %dma_start3A_1067 = tpu.memref_squeeze %dma_start3A_1066 : memref<1x64x128xf32, #tpu.memory_space<vmem>> -> memref<64x128xf32, #tpu.memory_space<vmem>>
        %dma_start3A_1068 = arith.constant 0 : i32
        %dma_start3A_1069 = tpu.memref_slice %arg6[%run_scoped3A_584, %run_scoped3A_585, %dma_start3A_1068] : memref<8x2x64xi32, #tpu.memory_space<vmem>> -> memref<1x1x64xi32, #tpu.memory_space<vmem>>
        %dma_start3A_1070 = tpu.memref_squeeze %dma_start3A_1069 : memref<1x1x64xi32, #tpu.memory_space<vmem>> -> memref<64xi32, #tpu.memory_space<vmem>>
        %dma_start3A_1071 = arith.constant 0 : i32
        %dma_start3A_1072 = arith.constant 0 : i32
        %dma_start3A_1073 = tpu.memref_slice %arg8[%dma_start3A_1071, %dma_start3A_1072] : memref<10240x128xf32, #tpu.memory_space<vmem_shared>> -> memref<10240x128xf32, #tpu.memory_space<vmem_shared>>
        tpu.enqueue_indirect_dma source(%dma_start3A_1067 : memref<64x128xf32, #tpu.memory_space<vmem>>) target(%dma_start3A_1073 : memref<10240x128xf32, #tpu.memory_space<vmem_shared>>) offsets(%dma_start3A_1070 : memref<64xi32, #tpu.memory_space<vmem>>) semaphore(%run_scoped3A_1063 : memref<!tpu.dma_semaphore, #tpu.memory_space<semaphore_mem>>) {add = true}
        %dma_wait3A_1074 = arith.constant 0 : i32
        %dma_wait3A_1075 = arith.constant 0 : i32
        %dma_wait3A_1076 = tpu.memref_slice %arg7[%run_scoped3A_583, %dma_wait3A_1074, %dma_wait3A_1075] : memref<4x64x128xf32, #tpu.memory_space<vmem>> -> memref<1x64x128xf32, #tpu.memory_space<vmem>>
        %dma_wait3A_1077 = tpu.memref_squeeze %dma_wait3A_1076 : memref<1x64x128xf32, #tpu.memory_space<vmem>> -> memref<64x128xf32, #tpu.memory_space<vmem>>
        %dma_wait3A_1078 = arith.constant 0 : i32
        %dma_wait3A_1079 = tpu.memref_slice %arg6[%run_scoped3A_584, %run_scoped3A_585, %dma_wait3A_1078] : memref<8x2x64xi32, #tpu.memory_space<vmem>> -> memref<1x1x64xi32, #tpu.memory_space<vmem>>
        %dma_wait3A_1080 = tpu.memref_squeeze %dma_wait3A_1079 : memref<1x1x64xi32, #tpu.memory_space<vmem>> -> memref<64xi32, #tpu.memory_space<vmem>>
        %dma_wait3A_1081 = arith.constant 0 : i32
        %dma_wait3A_1082 = arith.constant 0 : i32
        %dma_wait3A_1083 = tpu.memref_slice %arg8[%dma_wait3A_1081, %dma_wait3A_1082] : memref<10240x128xf32, #tpu.memory_space<vmem_shared>> -> memref<10240x128xf32, #tpu.memory_space<vmem_shared>>
        tpu.wait_indirect_dma semaphore(%run_scoped3A_1063 : memref<!tpu.dma_semaphore, #tpu.memory_space<semaphore_mem>>) src(%dma_wait3A_1077 : memref<64x128xf32, #tpu.memory_space<vmem>>) dst(%dma_wait3A_1083 : memref<10240x128xf32, #tpu.memory_space<vmem_shared>>)
        tpu.yield
      }) : () -> ()
      %add3A_586 = arith.constant 8 : i32
      %add3A_587 = arith.addi %add3A_569, %add3A_586 : i32
      %dma_start3A_588 = arith.constant 1 : i32
      %dma_start3A_589 = arith.constant 0 : i32
      %dma_start3A_590 = arith.constant 0 : i32
      %dma_start3A_591 = tpu.memref_slice %arg6[%dma_start3A_588, %dma_start3A_589, %dma_start3A_590] : memref<8x2x64xi32, #tpu.memory_space<vmem>> -> memref<1x2x64xi32, #tpu.memory_space<vmem>>
      %dma_start3A_592 = tpu.memref_squeeze %dma_start3A_591 : memref<1x2x64xi32, #tpu.memory_space<vmem>> -> memref<2x64xi32, #tpu.memory_space<vmem>>
      %dma_start3A_593 = arith.constant 0 : i32
      %dma_start3A_594 = arith.constant 0 : i32
      %dma_start3A_595 = tpu.memref_slice %arg3[%add3A, %add3A_587, %dma_start3A_593, %dma_start3A_594] : memref<32x160x2x64xi32, #tpu.memory_space<hbm>> -> memref<1x1x2x64xi32, #tpu.memory_space<hbm>>
      %dma_start3A_596 = tpu.memref_squeeze %dma_start3A_595 : memref<1x1x2x64xi32, #tpu.memory_space<hbm>> -> memref<2x64xi32, #tpu.memory_space<hbm>>
      %dma_start3A_597 = arith.constant 0 : i32
      %dma_start3A_598 = arith.constant 0 : i32
      %dma_start3A_599 = tpu.memref_slice %arg6[%dma_start3A_588, %dma_start3A_597, %dma_start3A_598] : memref<8x2x64xi32, #tpu.memory_space<vmem>> -> memref<1x2x64xi32, #tpu.memory_space<vmem>>
      %dma_start3A_600 = tpu.memref_squeeze %dma_start3A_599 : memref<1x2x64xi32, #tpu.memory_space<vmem>> -> memref<2x64xi32, #tpu.memory_space<vmem>>
      %dma_start3A_601 = arith.constant 0 : i32
      %dma_start3A_602 = arith.constant 0 : i32
      %dma_start3A_603 = tpu.memref_slice %arg3[%add3A, %add3A_587, %dma_start3A_601, %dma_start3A_602] : memref<32x160x2x64xi32, #tpu.memory_space<hbm>> -> memref<1x1x2x64xi32, #tpu.memory_space<hbm>>
      %dma_start3A_604 = tpu.memref_squeeze %dma_start3A_603 : memref<1x1x2x64xi32, #tpu.memory_space<hbm>> -> memref<2x64xi32, #tpu.memory_space<hbm>>
      tpu.enqueue_dma source(%dma_start3A_604 : memref<2x64xi32, #tpu.memory_space<hbm>>) target(%dma_start3A_600 : memref<2x64xi32, #tpu.memory_space<vmem>>) target_semaphore(%arg10 : memref<!tpu.dma_semaphore, #tpu.memory_space<semaphore_mem>>)
      %add3A_605 = arith.constant 4 : i32
      %add3A_606 = arith.addi %add3A_569, %add3A_605 : i32
      %dma_wait3A_607 = arith.constant 5 : i32
      %dma_wait3A_608 = arith.constant 0 : i32
      %dma_wait3A_609 = arith.constant 0 : i32
      %dma_wait3A_610 = tpu.memref_slice %arg6[%dma_wait3A_607, %dma_wait3A_608, %dma_wait3A_609] : memref<8x2x64xi32, #tpu.memory_space<vmem>> -> memref<1x2x64xi32, #tpu.memory_space<vmem>>
      %dma_wait3A_611 = tpu.memref_squeeze %dma_wait3A_610 : memref<1x2x64xi32, #tpu.memory_space<vmem>> -> memref<2x64xi32, #tpu.memory_space<vmem>>
      %dma_wait3A_612 = arith.constant 0 : i32
      %dma_wait3A_613 = arith.constant 0 : i32
      %dma_wait3A_614 = tpu.memref_slice %arg3[%add3A, %add3A_606, %dma_wait3A_612, %dma_wait3A_613] : memref<32x160x2x64xi32, #tpu.memory_space<hbm>> -> memref<1x1x2x64xi32, #tpu.memory_space<hbm>>
      %dma_wait3A_615 = tpu.memref_squeeze %dma_wait3A_614 : memref<1x1x2x64xi32, #tpu.memory_space<hbm>> -> memref<2x64xi32, #tpu.memory_space<hbm>>
      %dma_wait3A_616 = arith.constant 0 : i32
      %dma_wait3A_617 = arith.constant 0 : i32
      %dma_wait3A_618 = tpu.memref_slice %arg6[%dma_wait3A_607, %dma_wait3A_616, %dma_wait3A_617] : memref<8x2x64xi32, #tpu.memory_space<vmem>> -> memref<1x2x64xi32, #tpu.memory_space<vmem>>
      %dma_wait3A_619 = tpu.memref_squeeze %dma_wait3A_618 : memref<1x2x64xi32, #tpu.memory_space<vmem>> -> memref<2x64xi32, #tpu.memory_space<vmem>>
      %dma_wait3A_620 = arith.constant 0 : i32
      %dma_wait3A_621 = arith.constant 0 : i32
      %dma_wait3A_622 = tpu.memref_slice %arg3[%add3A, %add3A_606, %dma_wait3A_620, %dma_wait3A_621] : memref<32x160x2x64xi32, #tpu.memory_space<hbm>> -> memref<1x1x2x64xi32, #tpu.memory_space<hbm>>
      %dma_wait3A_623 = tpu.memref_squeeze %dma_wait3A_622 : memref<1x1x2x64xi32, #tpu.memory_space<hbm>> -> memref<2x64xi32, #tpu.memory_space<hbm>>
      tpu.wait_dma2 semaphore(%arg14 : memref<!tpu.dma_semaphore, #tpu.memory_space<semaphore_mem>>) src(%dma_wait3A_623 : memref<2x64xi32, #tpu.memory_space<hbm>>) dst(%dma_wait3A_619 : memref<2x64xi32, #tpu.memory_space<vmem>>)
      %dma_start3A_624 = arith.constant 5 : i32
      %dma_start3A_625 = arith.constant 0 : i32
      %dma_start3A_626 = arith.constant 1 : i32
      %dma_start3A_627 = arith.constant 0 : i32
      %dma_start3A_628 = arith.constant 0 : i32
      %dma_start3A_629 = tpu.memref_slice %arg7[%dma_start3A_626, %dma_start3A_627, %dma_start3A_628] : memref<4x64x128xf32, #tpu.memory_space<vmem>> -> memref<1x64x128xf32, #tpu.memory_space<vmem>>
      %dma_start3A_630 = tpu.memref_squeeze %dma_start3A_629 : memref<1x64x128xf32, #tpu.memory_space<vmem>> -> memref<64x128xf32, #tpu.memory_space<vmem>>
      %dma_start3A_631 = arith.constant 0 : i32
      %dma_start3A_632 = tpu.memref_slice %arg6[%dma_start3A_624, %dma_start3A_625, %dma_start3A_631] : memref<8x2x64xi32, #tpu.memory_space<vmem>> -> memref<1x1x64xi32, #tpu.memory_space<vmem>>
      %dma_start3A_633 = tpu.memref_squeeze %dma_start3A_632 : memref<1x1x64xi32, #tpu.memory_space<vmem>> -> memref<64xi32, #tpu.memory_space<vmem>>
      %dma_start3A_634 = arith.constant 0 : i32
      %dma_start3A_635 = arith.constant 0 : i32
      %dma_start3A_636 = tpu.memref_slice %arg2[%dma_start3A_634, %dma_start3A_635] : memref<10240x128xf32, #tpu.memory_space<hbm>> -> memref<10240x128xf32, #tpu.memory_space<hbm>>
      tpu.enqueue_indirect_dma source(%dma_start3A_636 : memref<10240x128xf32, #tpu.memory_space<hbm>>) target(%dma_start3A_630 : memref<64x128xf32, #tpu.memory_space<vmem>>) offsets(%dma_start3A_633 : memref<64xi32, #tpu.memory_space<vmem>>) semaphore(%arg18 : memref<!tpu.dma_semaphore, #tpu.memory_space<semaphore_mem>>)
      %mul3A_637 = arith.constant 8 : i32
      %mul3A_638 = arith.muli %scan3A_494, %mul3A_637 : i32
      %add3A_639 = arith.constant 2 : i32
      %add3A_640 = arith.addi %mul3A_638, %add3A_639 : i32
      %dma_wait3A_641 = arith.constant 2 : i32
      %dma_wait3A_642 = arith.constant 0 : i32
      %dma_wait3A_643 = arith.constant 2 : i32
      %dma_wait3A_644 = arith.constant 0 : i32
      %dma_wait3A_645 = arith.constant 0 : i32
      %dma_wait3A_646 = tpu.memref_slice %arg7[%dma_wait3A_643, %dma_wait3A_644, %dma_wait3A_645] : memref<4x64x128xf32, #tpu.memory_space<vmem>> -> memref<1x64x128xf32, #tpu.memory_space<vmem>>
      %dma_wait3A_647 = tpu.memref_squeeze %dma_wait3A_646 : memref<1x64x128xf32, #tpu.memory_space<vmem>> -> memref<64x128xf32, #tpu.memory_space<vmem>>
      %dma_wait3A_648 = arith.constant 0 : i32
      %dma_wait3A_649 = tpu.memref_slice %arg6[%dma_wait3A_641, %dma_wait3A_642, %dma_wait3A_648] : memref<8x2x64xi32, #tpu.memory_space<vmem>> -> memref<1x1x64xi32, #tpu.memory_space<vmem>>
      %dma_wait3A_650 = tpu.memref_squeeze %dma_wait3A_649 : memref<1x1x64xi32, #tpu.memory_space<vmem>> -> memref<64xi32, #tpu.memory_space<vmem>>
      %dma_wait3A_651 = arith.constant 0 : i32
      %dma_wait3A_652 = arith.constant 0 : i32
      %dma_wait3A_653 = tpu.memref_slice %arg2[%dma_wait3A_651, %dma_wait3A_652] : memref<10240x128xf32, #tpu.memory_space<hbm>> -> memref<10240x128xf32, #tpu.memory_space<hbm>>
      tpu.wait_indirect_dma semaphore(%arg19 : memref<!tpu.dma_semaphore, #tpu.memory_space<semaphore_mem>>) src(%dma_wait3A_653 : memref<10240x128xf32, #tpu.memory_space<hbm>>) dst(%dma_wait3A_647 : memref<64x128xf32, #tpu.memory_space<vmem>>)
      %run_scoped3A_654 = arith.constant 2 : i32
      %run_scoped3A_655 = arith.constant 2 : i32
      %run_scoped3A_656 = arith.constant 1 : i32
      "tpu.region"() ({
        %run_scoped3A_1063 = tpu.sem_alloc : memref<!tpu.dma_semaphore, #tpu.memory_space<semaphore_mem>>
        %dma_start3A_1064 = arith.constant 0 : i32
        %dma_start3A_1065 = arith.constant 0 : i32
        %dma_start3A_1066 = tpu.memref_slice %arg7[%run_scoped3A_654, %dma_start3A_1064, %dma_start3A_1065] : memref<4x64x128xf32, #tpu.memory_space<vmem>> -> memref<1x64x128xf32, #tpu.memory_space<vmem>>
        %dma_start3A_1067 = tpu.memref_squeeze %dma_start3A_1066 : memref<1x64x128xf32, #tpu.memory_space<vmem>> -> memref<64x128xf32, #tpu.memory_space<vmem>>
        %dma_start3A_1068 = arith.constant 0 : i32
        %dma_start3A_1069 = tpu.memref_slice %arg6[%run_scoped3A_655, %run_scoped3A_656, %dma_start3A_1068] : memref<8x2x64xi32, #tpu.memory_space<vmem>> -> memref<1x1x64xi32, #tpu.memory_space<vmem>>
        %dma_start3A_1070 = tpu.memref_squeeze %dma_start3A_1069 : memref<1x1x64xi32, #tpu.memory_space<vmem>> -> memref<64xi32, #tpu.memory_space<vmem>>
        %dma_start3A_1071 = arith.constant 0 : i32
        %dma_start3A_1072 = arith.constant 0 : i32
        %dma_start3A_1073 = tpu.memref_slice %arg8[%dma_start3A_1071, %dma_start3A_1072] : memref<10240x128xf32, #tpu.memory_space<vmem_shared>> -> memref<10240x128xf32, #tpu.memory_space<vmem_shared>>
        tpu.enqueue_indirect_dma source(%dma_start3A_1067 : memref<64x128xf32, #tpu.memory_space<vmem>>) target(%dma_start3A_1073 : memref<10240x128xf32, #tpu.memory_space<vmem_shared>>) offsets(%dma_start3A_1070 : memref<64xi32, #tpu.memory_space<vmem>>) semaphore(%run_scoped3A_1063 : memref<!tpu.dma_semaphore, #tpu.memory_space<semaphore_mem>>) {add = true}
        %dma_wait3A_1074 = arith.constant 0 : i32
        %dma_wait3A_1075 = arith.constant 0 : i32
        %dma_wait3A_1076 = tpu.memref_slice %arg7[%run_scoped3A_654, %dma_wait3A_1074, %dma_wait3A_1075] : memref<4x64x128xf32, #tpu.memory_space<vmem>> -> memref<1x64x128xf32, #tpu.memory_space<vmem>>
        %dma_wait3A_1077 = tpu.memref_squeeze %dma_wait3A_1076 : memref<1x64x128xf32, #tpu.memory_space<vmem>> -> memref<64x128xf32, #tpu.memory_space<vmem>>
        %dma_wait3A_1078 = arith.constant 0 : i32
        %dma_wait3A_1079 = tpu.memref_slice %arg6[%run_scoped3A_655, %run_scoped3A_656, %dma_wait3A_1078] : memref<8x2x64xi32, #tpu.memory_space<vmem>> -> memref<1x1x64xi32, #tpu.memory_space<vmem>>
        %dma_wait3A_1080 = tpu.memref_squeeze %dma_wait3A_1079 : memref<1x1x64xi32, #tpu.memory_space<vmem>> -> memref<64xi32, #tpu.memory_space<vmem>>
        %dma_wait3A_1081 = arith.constant 0 : i32
        %dma_wait3A_1082 = arith.constant 0 : i32
        %dma_wait3A_1083 = tpu.memref_slice %arg8[%dma_wait3A_1081, %dma_wait3A_1082] : memref<10240x128xf32, #tpu.memory_space<vmem_shared>> -> memref<10240x128xf32, #tpu.memory_space<vmem_shared>>
        tpu.wait_indirect_dma semaphore(%run_scoped3A_1063 : memref<!tpu.dma_semaphore, #tpu.memory_space<semaphore_mem>>) src(%dma_wait3A_1077 : memref<64x128xf32, #tpu.memory_space<vmem>>) dst(%dma_wait3A_1083 : memref<10240x128xf32, #tpu.memory_space<vmem_shared>>)
        tpu.yield
      }) : () -> ()
      %add3A_657 = arith.constant 8 : i32
      %add3A_658 = arith.addi %add3A_640, %add3A_657 : i32
      %dma_start3A_659 = arith.constant 2 : i32
      %dma_start3A_660 = arith.constant 0 : i32
      %dma_start3A_661 = arith.constant 0 : i32
      %dma_start3A_662 = tpu.memref_slice %arg6[%dma_start3A_659, %dma_start3A_660, %dma_start3A_661] : memref<8x2x64xi32, #tpu.memory_space<vmem>> -> memref<1x2x64xi32, #tpu.memory_space<vmem>>
      %dma_start3A_663 = tpu.memref_squeeze %dma_start3A_662 : memref<1x2x64xi32, #tpu.memory_space<vmem>> -> memref<2x64xi32, #tpu.memory_space<vmem>>
      %dma_start3A_664 = arith.constant 0 : i32
      %dma_start3A_665 = arith.constant 0 : i32
      %dma_start3A_666 = tpu.memref_slice %arg3[%add3A, %add3A_658, %dma_start3A_664, %dma_start3A_665] : memref<32x160x2x64xi32, #tpu.memory_space<hbm>> -> memref<1x1x2x64xi32, #tpu.memory_space<hbm>>
      %dma_start3A_667 = tpu.memref_squeeze %dma_start3A_666 : memref<1x1x2x64xi32, #tpu.memory_space<hbm>> -> memref<2x64xi32, #tpu.memory_space<hbm>>
      %dma_start3A_668 = arith.constant 0 : i32
      %dma_start3A_669 = arith.constant 0 : i32
      %dma_start3A_670 = tpu.memref_slice %arg6[%dma_start3A_659, %dma_start3A_668, %dma_start3A_669] : memref<8x2x64xi32, #tpu.memory_space<vmem>> -> memref<1x2x64xi32, #tpu.memory_space<vmem>>
      %dma_start3A_671 = tpu.memref_squeeze %dma_start3A_670 : memref<1x2x64xi32, #tpu.memory_space<vmem>> -> memref<2x64xi32, #tpu.memory_space<vmem>>
      %dma_start3A_672 = arith.constant 0 : i32
      %dma_start3A_673 = arith.constant 0 : i32
      %dma_start3A_674 = tpu.memref_slice %arg3[%add3A, %add3A_658, %dma_start3A_672, %dma_start3A_673] : memref<32x160x2x64xi32, #tpu.memory_space<hbm>> -> memref<1x1x2x64xi32, #tpu.memory_space<hbm>>
      %dma_start3A_675 = tpu.memref_squeeze %dma_start3A_674 : memref<1x1x2x64xi32, #tpu.memory_space<hbm>> -> memref<2x64xi32, #tpu.memory_space<hbm>>
      tpu.enqueue_dma source(%dma_start3A_675 : memref<2x64xi32, #tpu.memory_space<hbm>>) target(%dma_start3A_671 : memref<2x64xi32, #tpu.memory_space<vmem>>) target_semaphore(%arg11 : memref<!tpu.dma_semaphore, #tpu.memory_space<semaphore_mem>>)
      %add3A_676 = arith.constant 4 : i32
      %add3A_677 = arith.addi %add3A_640, %add3A_676 : i32
      %dma_wait3A_678 = arith.constant 6 : i32
      %dma_wait3A_679 = arith.constant 0 : i32
      %dma_wait3A_680 = arith.constant 0 : i32
      %dma_wait3A_681 = tpu.memref_slice %arg6[%dma_wait3A_678, %dma_wait3A_679, %dma_wait3A_680] : memref<8x2x64xi32, #tpu.memory_space<vmem>> -> memref<1x2x64xi32, #tpu.memory_space<vmem>>
      %dma_wait3A_682 = tpu.memref_squeeze %dma_wait3A_681 : memref<1x2x64xi32, #tpu.memory_space<vmem>> -> memref<2x64xi32, #tpu.memory_space<vmem>>
      %dma_wait3A_683 = arith.constant 0 : i32
      %dma_wait3A_684 = arith.constant 0 : i32
      %dma_wait3A_685 = tpu.memref_slice %arg3[%add3A, %add3A_677, %dma_wait3A_683, %dma_wait3A_684] : memref<32x160x2x64xi32, #tpu.memory_space<hbm>> -> memref<1x1x2x64xi32, #tpu.memory_space<hbm>>
      %dma_wait3A_686 = tpu.memref_squeeze %dma_wait3A_685 : memref<1x1x2x64xi32, #tpu.memory_space<hbm>> -> memref<2x64xi32, #tpu.memory_space<hbm>>
      %dma_wait3A_687 = arith.constant 0 : i32
      %dma_wait3A_688 = arith.constant 0 : i32
      %dma_wait3A_689 = tpu.memref_slice %arg6[%dma_wait3A_678, %dma_wait3A_687, %dma_wait3A_688] : memref<8x2x64xi32, #tpu.memory_space<vmem>> -> memref<1x2x64xi32, #tpu.memory_space<vmem>>
      %dma_wait3A_690 = tpu.memref_squeeze %dma_wait3A_689 : memref<1x2x64xi32, #tpu.memory_space<vmem>> -> memref<2x64xi32, #tpu.memory_space<vmem>>
      %dma_wait3A_691 = arith.constant 0 : i32
      %dma_wait3A_692 = arith.constant 0 : i32
      %dma_wait3A_693 = tpu.memref_slice %arg3[%add3A, %add3A_677, %dma_wait3A_691, %dma_wait3A_692] : memref<32x160x2x64xi32, #tpu.memory_space<hbm>> -> memref<1x1x2x64xi32, #tpu.memory_space<hbm>>
      %dma_wait3A_694 = tpu.memref_squeeze %dma_wait3A_693 : memref<1x1x2x64xi32, #tpu.memory_space<hbm>> -> memref<2x64xi32, #tpu.memory_space<hbm>>
      tpu.wait_dma2 semaphore(%arg15 : memref<!tpu.dma_semaphore, #tpu.memory_space<semaphore_mem>>) src(%dma_wait3A_694 : memref<2x64xi32, #tpu.memory_space<hbm>>) dst(%dma_wait3A_690 : memref<2x64xi32, #tpu.memory_space<vmem>>)
      %dma_start3A_695 = arith.constant 6 : i32
      %dma_start3A_696 = arith.constant 0 : i32
      %dma_start3A_697 = arith.constant 2 : i32
      %dma_start3A_698 = arith.constant 0 : i32
      %dma_start3A_699 = arith.constant 0 : i32
      %dma_start3A_700 = tpu.memref_slice %arg7[%dma_start3A_697, %dma_start3A_698, %dma_start3A_699] : memref<4x64x128xf32, #tpu.memory_space<vmem>> -> memref<1x64x128xf32, #tpu.memory_space<vmem>>
      %dma_start3A_701 = tpu.memref_squeeze %dma_start3A_700 : memref<1x64x128xf32, #tpu.memory_space<vmem>> -> memref<64x128xf32, #tpu.memory_space<vmem>>
      %dma_start3A_702 = arith.constant 0 : i32
      %dma_start3A_703 = tpu.memref_slice %arg6[%dma_start3A_695, %dma_start3A_696, %dma_start3A_702] : memref<8x2x64xi32, #tpu.memory_space<vmem>> -> memref<1x1x64xi32, #tpu.memory_space<vmem>>
      %dma_start3A_704 = tpu.memref_squeeze %dma_start3A_703 : memref<1x1x64xi32, #tpu.memory_space<vmem>> -> memref<64xi32, #tpu.memory_space<vmem>>
      %dma_start3A_705 = arith.constant 0 : i32
      %dma_start3A_706 = arith.constant 0 : i32
      %dma_start3A_707 = tpu.memref_slice %arg2[%dma_start3A_705, %dma_start3A_706] : memref<10240x128xf32, #tpu.memory_space<hbm>> -> memref<10240x128xf32, #tpu.memory_space<hbm>>
      tpu.enqueue_indirect_dma source(%dma_start3A_707 : memref<10240x128xf32, #tpu.memory_space<hbm>>) target(%dma_start3A_701 : memref<64x128xf32, #tpu.memory_space<vmem>>) offsets(%dma_start3A_704 : memref<64xi32, #tpu.memory_space<vmem>>) semaphore(%arg19 : memref<!tpu.dma_semaphore, #tpu.memory_space<semaphore_mem>>)
      %mul3A_708 = arith.constant 8 : i32
      %mul3A_709 = arith.muli %scan3A_494, %mul3A_708 : i32
      %add3A_710 = arith.constant 3 : i32
      %add3A_711 = arith.addi %mul3A_709, %add3A_710 : i32
      %dma_wait3A_712 = arith.constant 3 : i32
      %dma_wait3A_713 = arith.constant 0 : i32
      %dma_wait3A_714 = arith.constant 3 : i32
      %dma_wait3A_715 = arith.constant 0 : i32
      %dma_wait3A_716 = arith.constant 0 : i32
      %dma_wait3A_717 = tpu.memref_slice %arg7[%dma_wait3A_714, %dma_wait3A_715, %dma_wait3A_716] : memref<4x64x128xf32, #tpu.memory_space<vmem>> -> memref<1x64x128xf32, #tpu.memory_space<vmem>>
      %dma_wait3A_718 = tpu.memref_squeeze %dma_wait3A_717 : memref<1x64x128xf32, #tpu.memory_space<vmem>> -> memref<64x128xf32, #tpu.memory_space<vmem>>
      %dma_wait3A_719 = arith.constant 0 : i32
      %dma_wait3A_720 = tpu.memref_slice %arg6[%dma_wait3A_712, %dma_wait3A_713, %dma_wait3A_719] : memref<8x2x64xi32, #tpu.memory_space<vmem>> -> memref<1x1x64xi32, #tpu.memory_space<vmem>>
      %dma_wait3A_721 = tpu.memref_squeeze %dma_wait3A_720 : memref<1x1x64xi32, #tpu.memory_space<vmem>> -> memref<64xi32, #tpu.memory_space<vmem>>
      %dma_wait3A_722 = arith.constant 0 : i32
      %dma_wait3A_723 = arith.constant 0 : i32
      %dma_wait3A_724 = tpu.memref_slice %arg2[%dma_wait3A_722, %dma_wait3A_723] : memref<10240x128xf32, #tpu.memory_space<hbm>> -> memref<10240x128xf32, #tpu.memory_space<hbm>>
      tpu.wait_indirect_dma semaphore(%arg20 : memref<!tpu.dma_semaphore, #tpu.memory_space<semaphore_mem>>) src(%dma_wait3A_724 : memref<10240x128xf32, #tpu.memory_space<hbm>>) dst(%dma_wait3A_718 : memref<64x128xf32, #tpu.memory_space<vmem>>)
      %run_scoped3A_725 = arith.constant 3 : i32
      %run_scoped3A_726 = arith.constant 3 : i32
      %run_scoped3A_727 = arith.constant 1 : i32
      "tpu.region"() ({
        %run_scoped3A_1063 = tpu.sem_alloc : memref<!tpu.dma_semaphore, #tpu.memory_space<semaphore_mem>>
        %dma_start3A_1064 = arith.constant 0 : i32
        %dma_start3A_1065 = arith.constant 0 : i32
        %dma_start3A_1066 = tpu.memref_slice %arg7[%run_scoped3A_725, %dma_start3A_1064, %dma_start3A_1065] : memref<4x64x128xf32, #tpu.memory_space<vmem>> -> memref<1x64x128xf32, #tpu.memory_space<vmem>>
        %dma_start3A_1067 = tpu.memref_squeeze %dma_start3A_1066 : memref<1x64x128xf32, #tpu.memory_space<vmem>> -> memref<64x128xf32, #tpu.memory_space<vmem>>
        %dma_start3A_1068 = arith.constant 0 : i32
        %dma_start3A_1069 = tpu.memref_slice %arg6[%run_scoped3A_726, %run_scoped3A_727, %dma_start3A_1068] : memref<8x2x64xi32, #tpu.memory_space<vmem>> -> memref<1x1x64xi32, #tpu.memory_space<vmem>>
        %dma_start3A_1070 = tpu.memref_squeeze %dma_start3A_1069 : memref<1x1x64xi32, #tpu.memory_space<vmem>> -> memref<64xi32, #tpu.memory_space<vmem>>
        %dma_start3A_1071 = arith.constant 0 : i32
        %dma_start3A_1072 = arith.constant 0 : i32
        %dma_start3A_1073 = tpu.memref_slice %arg8[%dma_start3A_1071, %dma_start3A_1072] : memref<10240x128xf32, #tpu.memory_space<vmem_shared>> -> memref<10240x128xf32, #tpu.memory_space<vmem_shared>>
        tpu.enqueue_indirect_dma source(%dma_start3A_1067 : memref<64x128xf32, #tpu.memory_space<vmem>>) target(%dma_start3A_1073 : memref<10240x128xf32, #tpu.memory_space<vmem_shared>>) offsets(%dma_start3A_1070 : memref<64xi32, #tpu.memory_space<vmem>>) semaphore(%run_scoped3A_1063 : memref<!tpu.dma_semaphore, #tpu.memory_space<semaphore_mem>>) {add = true}
        %dma_wait3A_1074 = arith.constant 0 : i32
        %dma_wait3A_1075 = arith.constant 0 : i32
        %dma_wait3A_1076 = tpu.memref_slice %arg7[%run_scoped3A_725, %dma_wait3A_1074, %dma_wait3A_1075] : memref<4x64x128xf32, #tpu.memory_space<vmem>> -> memref<1x64x128xf32, #tpu.memory_space<vmem>>
        %dma_wait3A_1077 = tpu.memref_squeeze %dma_wait3A_1076 : memref<1x64x128xf32, #tpu.memory_space<vmem>> -> memref<64x128xf32, #tpu.memory_space<vmem>>
        %dma_wait3A_1078 = arith.constant 0 : i32
        %dma_wait3A_1079 = tpu.memref_slice %arg6[%run_scoped3A_726, %run_scoped3A_727, %dma_wait3A_1078] : memref<8x2x64xi32, #tpu.memory_space<vmem>> -> memref<1x1x64xi32, #tpu.memory_space<vmem>>
        %dma_wait3A_1080 = tpu.memref_squeeze %dma_wait3A_1079 : memref<1x1x64xi32, #tpu.memory_space<vmem>> -> memref<64xi32, #tpu.memory_space<vmem>>
        %dma_wait3A_1081 = arith.constant 0 : i32
        %dma_wait3A_1082 = arith.constant 0 : i32
        %dma_wait3A_1083 = tpu.memref_slice %arg8[%dma_wait3A_1081, %dma_wait3A_1082] : memref<10240x128xf32, #tpu.memory_space<vmem_shared>> -> memref<10240x128xf32, #tpu.memory_space<vmem_shared>>
        tpu.wait_indirect_dma semaphore(%run_scoped3A_1063 : memref<!tpu.dma_semaphore, #tpu.memory_space<semaphore_mem>>) src(%dma_wait3A_1077 : memref<64x128xf32, #tpu.memory_space<vmem>>) dst(%dma_wait3A_1083 : memref<10240x128xf32, #tpu.memory_space<vmem_shared>>)
        tpu.yield
      }) : () -> ()
      %add3A_728 = arith.constant 8 : i32
      %add3A_729 = arith.addi %add3A_711, %add3A_728 : i32
      %dma_start3A_730 = arith.constant 3 : i32
      %dma_start3A_731 = arith.constant 0 : i32
      %dma_start3A_732 = arith.constant 0 : i32
      %dma_start3A_733 = tpu.memref_slice %arg6[%dma_start3A_730, %dma_start3A_731, %dma_start3A_732] : memref<8x2x64xi32, #tpu.memory_space<vmem>> -> memref<1x2x64xi32, #tpu.memory_space<vmem>>
      %dma_start3A_734 = tpu.memref_squeeze %dma_start3A_733 : memref<1x2x64xi32, #tpu.memory_space<vmem>> -> memref<2x64xi32, #tpu.memory_space<vmem>>
      %dma_start3A_735 = arith.constant 0 : i32
      %dma_start3A_736 = arith.constant 0 : i32
      %dma_start3A_737 = tpu.memref_slice %arg3[%add3A, %add3A_729, %dma_start3A_735, %dma_start3A_736] : memref<32x160x2x64xi32, #tpu.memory_space<hbm>> -> memref<1x1x2x64xi32, #tpu.memory_space<hbm>>
      %dma_start3A_738 = tpu.memref_squeeze %dma_start3A_737 : memref<1x1x2x64xi32, #tpu.memory_space<hbm>> -> memref<2x64xi32, #tpu.memory_space<hbm>>
      %dma_start3A_739 = arith.constant 0 : i32
      %dma_start3A_740 = arith.constant 0 : i32
      %dma_start3A_741 = tpu.memref_slice %arg6[%dma_start3A_730, %dma_start3A_739, %dma_start3A_740] : memref<8x2x64xi32, #tpu.memory_space<vmem>> -> memref<1x2x64xi32, #tpu.memory_space<vmem>>
      %dma_start3A_742 = tpu.memref_squeeze %dma_start3A_741 : memref<1x2x64xi32, #tpu.memory_space<vmem>> -> memref<2x64xi32, #tpu.memory_space<vmem>>
      %dma_start3A_743 = arith.constant 0 : i32
      %dma_start3A_744 = arith.constant 0 : i32
      %dma_start3A_745 = tpu.memref_slice %arg3[%add3A, %add3A_729, %dma_start3A_743, %dma_start3A_744] : memref<32x160x2x64xi32, #tpu.memory_space<hbm>> -> memref<1x1x2x64xi32, #tpu.memory_space<hbm>>
      %dma_start3A_746 = tpu.memref_squeeze %dma_start3A_745 : memref<1x1x2x64xi32, #tpu.memory_space<hbm>> -> memref<2x64xi32, #tpu.memory_space<hbm>>
      tpu.enqueue_dma source(%dma_start3A_746 : memref<2x64xi32, #tpu.memory_space<hbm>>) target(%dma_start3A_742 : memref<2x64xi32, #tpu.memory_space<vmem>>) target_semaphore(%arg12 : memref<!tpu.dma_semaphore, #tpu.memory_space<semaphore_mem>>)
      %add3A_747 = arith.constant 4 : i32
      %add3A_748 = arith.addi %add3A_711, %add3A_747 : i32
      %dma_wait3A_749 = arith.constant 7 : i32
      %dma_wait3A_750 = arith.constant 0 : i32
      %dma_wait3A_751 = arith.constant 0 : i32
      %dma_wait3A_752 = tpu.memref_slice %arg6[%dma_wait3A_749, %dma_wait3A_750, %dma_wait3A_751] : memref<8x2x64xi32, #tpu.memory_space<vmem>> -> memref<1x2x64xi32, #tpu.memory_space<vmem>>
      %dma_wait3A_753 = tpu.memref_squeeze %dma_wait3A_752 : memref<1x2x64xi32, #tpu.memory_space<vmem>> -> memref<2x64xi32, #tpu.memory_space<vmem>>
      %dma_wait3A_754 = arith.constant 0 : i32
      %dma_wait3A_755 = arith.constant 0 : i32
      %dma_wait3A_756 = tpu.memref_slice %arg3[%add3A, %add3A_748, %dma_wait3A_754, %dma_wait3A_755] : memref<32x160x2x64xi32, #tpu.memory_space<hbm>> -> memref<1x1x2x64xi32, #tpu.memory_space<hbm>>
      %dma_wait3A_757 = tpu.memref_squeeze %dma_wait3A_756 : memref<1x1x2x64xi32, #tpu.memory_space<hbm>> -> memref<2x64xi32, #tpu.memory_space<hbm>>
      %dma_wait3A_758 = arith.constant 0 : i32
      %dma_wait3A_759 = arith.constant 0 : i32
      %dma_wait3A_760 = tpu.memref_slice %arg6[%dma_wait3A_749, %dma_wait3A_758, %dma_wait3A_759] : memref<8x2x64xi32, #tpu.memory_space<vmem>> -> memref<1x2x64xi32, #tpu.memory_space<vmem>>
      %dma_wait3A_761 = tpu.memref_squeeze %dma_wait3A_760 : memref<1x2x64xi32, #tpu.memory_space<vmem>> -> memref<2x64xi32, #tpu.memory_space<vmem>>
      %dma_wait3A_762 = arith.constant 0 : i32
      %dma_wait3A_763 = arith.constant 0 : i32
      %dma_wait3A_764 = tpu.memref_slice %arg3[%add3A, %add3A_748, %dma_wait3A_762, %dma_wait3A_763] : memref<32x160x2x64xi32, #tpu.memory_space<hbm>> -> memref<1x1x2x64xi32, #tpu.memory_space<hbm>>
      %dma_wait3A_765 = tpu.memref_squeeze %dma_wait3A_764 : memref<1x1x2x64xi32, #tpu.memory_space<hbm>> -> memref<2x64xi32, #tpu.memory_space<hbm>>
      tpu.wait_dma2 semaphore(%arg16 : memref<!tpu.dma_semaphore, #tpu.memory_space<semaphore_mem>>) src(%dma_wait3A_765 : memref<2x64xi32, #tpu.memory_space<hbm>>) dst(%dma_wait3A_761 : memref<2x64xi32, #tpu.memory_space<vmem>>)
      %dma_start3A_766 = arith.constant 7 : i32
      %dma_start3A_767 = arith.constant 0 : i32
      %dma_start3A_768 = arith.constant 3 : i32
      %dma_start3A_769 = arith.constant 0 : i32
      %dma_start3A_770 = arith.constant 0 : i32
      %dma_start3A_771 = tpu.memref_slice %arg7[%dma_start3A_768, %dma_start3A_769, %dma_start3A_770] : memref<4x64x128xf32, #tpu.memory_space<vmem>> -> memref<1x64x128xf32, #tpu.memory_space<vmem>>
      %dma_start3A_772 = tpu.memref_squeeze %dma_start3A_771 : memref<1x64x128xf32, #tpu.memory_space<vmem>> -> memref<64x128xf32, #tpu.memory_space<vmem>>
      %dma_start3A_773 = arith.constant 0 : i32
      %dma_start3A_774 = tpu.memref_slice %arg6[%dma_start3A_766, %dma_start3A_767, %dma_start3A_773] : memref<8x2x64xi32, #tpu.memory_space<vmem>> -> memref<1x1x64xi32, #tpu.memory_space<vmem>>
      %dma_start3A_775 = tpu.memref_squeeze %dma_start3A_774 : memref<1x1x64xi32, #tpu.memory_space<vmem>> -> memref<64xi32, #tpu.memory_space<vmem>>
      %dma_start3A_776 = arith.constant 0 : i32
      %dma_start3A_777 = arith.constant 0 : i32
      %dma_start3A_778 = tpu.memref_slice %arg2[%dma_start3A_776, %dma_start3A_777] : memref<10240x128xf32, #tpu.memory_space<hbm>> -> memref<10240x128xf32, #tpu.memory_space<hbm>>
      tpu.enqueue_indirect_dma source(%dma_start3A_778 : memref<10240x128xf32, #tpu.memory_space<hbm>>) target(%dma_start3A_772 : memref<64x128xf32, #tpu.memory_space<vmem>>) offsets(%dma_start3A_775 : memref<64xi32, #tpu.memory_space<vmem>>) semaphore(%arg20 : memref<!tpu.dma_semaphore, #tpu.memory_space<semaphore_mem>>)
      %mul3A_779 = arith.constant 8 : i32
      %mul3A_780 = arith.muli %scan3A_494, %mul3A_779 : i32
      %add3A_781 = arith.constant 4 : i32
      %add3A_782 = arith.addi %mul3A_780, %add3A_781 : i32
      %dma_wait3A_783 = arith.constant 4 : i32
      %dma_wait3A_784 = arith.constant 0 : i32
      %dma_wait3A_785 = arith.constant 0 : i32
      %dma_wait3A_786 = arith.constant 0 : i32
      %dma_wait3A_787 = arith.constant 0 : i32
      %dma_wait3A_788 = tpu.memref_slice %arg7[%dma_wait3A_785, %dma_wait3A_786, %dma_wait3A_787] : memref<4x64x128xf32, #tpu.memory_space<vmem>> -> memref<1x64x128xf32, #tpu.memory_space<vmem>>
      %dma_wait3A_789 = tpu.memref_squeeze %dma_wait3A_788 : memref<1x64x128xf32, #tpu.memory_space<vmem>> -> memref<64x128xf32, #tpu.memory_space<vmem>>
      %dma_wait3A_790 = arith.constant 0 : i32
      %dma_wait3A_791 = tpu.memref_slice %arg6[%dma_wait3A_783, %dma_wait3A_784, %dma_wait3A_790] : memref<8x2x64xi32, #tpu.memory_space<vmem>> -> memref<1x1x64xi32, #tpu.memory_space<vmem>>
      %dma_wait3A_792 = tpu.memref_squeeze %dma_wait3A_791 : memref<1x1x64xi32, #tpu.memory_space<vmem>> -> memref<64xi32, #tpu.memory_space<vmem>>
      %dma_wait3A_793 = arith.constant 0 : i32
      %dma_wait3A_794 = arith.constant 0 : i32
      %dma_wait3A_795 = tpu.memref_slice %arg2[%dma_wait3A_793, %dma_wait3A_794] : memref<10240x128xf32, #tpu.memory_space<hbm>> -> memref<10240x128xf32, #tpu.memory_space<hbm>>
      tpu.wait_indirect_dma semaphore(%arg17 : memref<!tpu.dma_semaphore, #tpu.memory_space<semaphore_mem>>) src(%dma_wait3A_795 : memref<10240x128xf32, #tpu.memory_space<hbm>>) dst(%dma_wait3A_789 : memref<64x128xf32, #tpu.memory_space<vmem>>)
      %run_scoped3A_796 = arith.constant 0 : i32
      %run_scoped3A_797 = arith.constant 4 : i32
      %run_scoped3A_798 = arith.constant 1 : i32
      "tpu.region"() ({
        %run_scoped3A_1063 = tpu.sem_alloc : memref<!tpu.dma_semaphore, #tpu.memory_space<semaphore_mem>>
        %dma_start3A_1064 = arith.constant 0 : i32
        %dma_start3A_1065 = arith.constant 0 : i32
        %dma_start3A_1066 = tpu.memref_slice %arg7[%run_scoped3A_796, %dma_start3A_1064, %dma_start3A_1065] : memref<4x64x128xf32, #tpu.memory_space<vmem>> -> memref<1x64x128xf32, #tpu.memory_space<vmem>>
        %dma_start3A_1067 = tpu.memref_squeeze %dma_start3A_1066 : memref<1x64x128xf32, #tpu.memory_space<vmem>> -> memref<64x128xf32, #tpu.memory_space<vmem>>
        %dma_start3A_1068 = arith.constant 0 : i32
        %dma_start3A_1069 = tpu.memref_slice %arg6[%run_scoped3A_797, %run_scoped3A_798, %dma_start3A_1068] : memref<8x2x64xi32, #tpu.memory_space<vmem>> -> memref<1x1x64xi32, #tpu.memory_space<vmem>>
        %dma_start3A_1070 = tpu.memref_squeeze %dma_start3A_1069 : memref<1x1x64xi32, #tpu.memory_space<vmem>> -> memref<64xi32, #tpu.memory_space<vmem>>
        %dma_start3A_1071 = arith.constant 0 : i32
        %dma_start3A_1072 = arith.constant 0 : i32
        %dma_start3A_1073 = tpu.memref_slice %arg8[%dma_start3A_1071, %dma_start3A_1072] : memref<10240x128xf32, #tpu.memory_space<vmem_shared>> -> memref<10240x128xf32, #tpu.memory_space<vmem_shared>>
        tpu.enqueue_indirect_dma source(%dma_start3A_1067 : memref<64x128xf32, #tpu.memory_space<vmem>>) target(%dma_start3A_1073 : memref<10240x128xf32, #tpu.memory_space<vmem_shared>>) offsets(%dma_start3A_1070 : memref<64xi32, #tpu.memory_space<vmem>>) semaphore(%run_scoped3A_1063 : memref<!tpu.dma_semaphore, #tpu.memory_space<semaphore_mem>>) {add = true}
        %dma_wait3A_1074 = arith.constant 0 : i32
        %dma_wait3A_1075 = arith.constant 0 : i32
        %dma_wait3A_1076 = tpu.memref_slice %arg7[%run_scoped3A_796, %dma_wait3A_1074, %dma_wait3A_1075] : memref<4x64x128xf32, #tpu.memory_space<vmem>> -> memref<1x64x128xf32, #tpu.memory_space<vmem>>
        %dma_wait3A_1077 = tpu.memref_squeeze %dma_wait3A_1076 : memref<1x64x128xf32, #tpu.memory_space<vmem>> -> memref<64x128xf32, #tpu.memory_space<vmem>>
        %dma_wait3A_1078 = arith.constant 0 : i32
        %dma_wait3A_1079 = tpu.memref_slice %arg6[%run_scoped3A_797, %run_scoped3A_798, %dma_wait3A_1078] : memref<8x2x64xi32, #tpu.memory_space<vmem>> -> memref<1x1x64xi32, #tpu.memory_space<vmem>>
        %dma_wait3A_1080 = tpu.memref_squeeze %dma_wait3A_1079 : memref<1x1x64xi32, #tpu.memory_space<vmem>> -> memref<64xi32, #tpu.memory_space<vmem>>
        %dma_wait3A_1081 = arith.constant 0 : i32
        %dma_wait3A_1082 = arith.constant 0 : i32
        %dma_wait3A_1083 = tpu.memref_slice %arg8[%dma_wait3A_1081, %dma_wait3A_1082] : memref<10240x128xf32, #tpu.memory_space<vmem_shared>> -> memref<10240x128xf32, #tpu.memory_space<vmem_shared>>
        tpu.wait_indirect_dma semaphore(%run_scoped3A_1063 : memref<!tpu.dma_semaphore, #tpu.memory_space<semaphore_mem>>) src(%dma_wait3A_1077 : memref<64x128xf32, #tpu.memory_space<vmem>>) dst(%dma_wait3A_1083 : memref<10240x128xf32, #tpu.memory_space<vmem_shared>>)
        tpu.yield
      }) : () -> ()
      %add3A_799 = arith.constant 8 : i32
      %add3A_800 = arith.addi %add3A_782, %add3A_799 : i32
      %dma_start3A_801 = arith.constant 4 : i32
      %dma_start3A_802 = arith.constant 0 : i32
      %dma_start3A_803 = arith.constant 0 : i32
      %dma_start3A_804 = tpu.memref_slice %arg6[%dma_start3A_801, %dma_start3A_802, %dma_start3A_803] : memref<8x2x64xi32, #tpu.memory_space<vmem>> -> memref<1x2x64xi32, #tpu.memory_space<vmem>>
      %dma_start3A_805 = tpu.memref_squeeze %dma_start3A_804 : memref<1x2x64xi32, #tpu.memory_space<vmem>> -> memref<2x64xi32, #tpu.memory_space<vmem>>
      %dma_start3A_806 = arith.constant 0 : i32
      %dma_start3A_807 = arith.constant 0 : i32
      %dma_start3A_808 = tpu.memref_slice %arg3[%add3A, %add3A_800, %dma_start3A_806, %dma_start3A_807] : memref<32x160x2x64xi32, #tpu.memory_space<hbm>> -> memref<1x1x2x64xi32, #tpu.memory_space<hbm>>
      %dma_start3A_809 = tpu.memref_squeeze %dma_start3A_808 : memref<1x1x2x64xi32, #tpu.memory_space<hbm>> -> memref<2x64xi32, #tpu.memory_space<hbm>>
      %dma_start3A_810 = arith.constant 0 : i32
      %dma_start3A_811 = arith.constant 0 : i32
      %dma_start3A_812 = tpu.memref_slice %arg6[%dma_start3A_801, %dma_start3A_810, %dma_start3A_811] : memref<8x2x64xi32, #tpu.memory_space<vmem>> -> memref<1x2x64xi32, #tpu.memory_space<vmem>>
      %dma_start3A_813 = tpu.memref_squeeze %dma_start3A_812 : memref<1x2x64xi32, #tpu.memory_space<vmem>> -> memref<2x64xi32, #tpu.memory_space<vmem>>
      %dma_start3A_814 = arith.constant 0 : i32
      %dma_start3A_815 = arith.constant 0 : i32
      %dma_start3A_816 = tpu.memref_slice %arg3[%add3A, %add3A_800, %dma_start3A_814, %dma_start3A_815] : memref<32x160x2x64xi32, #tpu.memory_space<hbm>> -> memref<1x1x2x64xi32, #tpu.memory_space<hbm>>
      %dma_start3A_817 = tpu.memref_squeeze %dma_start3A_816 : memref<1x1x2x64xi32, #tpu.memory_space<hbm>> -> memref<2x64xi32, #tpu.memory_space<hbm>>
      tpu.enqueue_dma source(%dma_start3A_817 : memref<2x64xi32, #tpu.memory_space<hbm>>) target(%dma_start3A_813 : memref<2x64xi32, #tpu.memory_space<vmem>>) target_semaphore(%arg13 : memref<!tpu.dma_semaphore, #tpu.memory_space<semaphore_mem>>)
      %add3A_818 = arith.constant 4 : i32
      %add3A_819 = arith.addi %add3A_782, %add3A_818 : i32
      %dma_wait3A_820 = arith.constant 0 : i32
      %dma_wait3A_821 = arith.constant 0 : i32
      %dma_wait3A_822 = arith.constant 0 : i32
      %dma_wait3A_823 = tpu.memref_slice %arg6[%dma_wait3A_820, %dma_wait3A_821, %dma_wait3A_822] : memref<8x2x64xi32, #tpu.memory_space<vmem>> -> memref<1x2x64xi32, #tpu.memory_space<vmem>>
      %dma_wait3A_824 = tpu.memref_squeeze %dma_wait3A_823 : memref<1x2x64xi32, #tpu.memory_space<vmem>> -> memref<2x64xi32, #tpu.memory_space<vmem>>
      %dma_wait3A_825 = arith.constant 0 : i32
      %dma_wait3A_826 = arith.constant 0 : i32
      %dma_wait3A_827 = tpu.memref_slice %arg3[%add3A, %add3A_819, %dma_wait3A_825, %dma_wait3A_826] : memref<32x160x2x64xi32, #tpu.memory_space<hbm>> -> memref<1x1x2x64xi32, #tpu.memory_space<hbm>>
      %dma_wait3A_828 = tpu.memref_squeeze %dma_wait3A_827 : memref<1x1x2x64xi32, #tpu.memory_space<hbm>> -> memref<2x64xi32, #tpu.memory_space<hbm>>
      %dma_wait3A_829 = arith.constant 0 : i32
      %dma_wait3A_830 = arith.constant 0 : i32
      %dma_wait3A_831 = tpu.memref_slice %arg6[%dma_wait3A_820, %dma_wait3A_829, %dma_wait3A_830] : memref<8x2x64xi32, #tpu.memory_space<vmem>> -> memref<1x2x64xi32, #tpu.memory_space<vmem>>
      %dma_wait3A_832 = tpu.memref_squeeze %dma_wait3A_831 : memref<1x2x64xi32, #tpu.memory_space<vmem>> -> memref<2x64xi32, #tpu.memory_space<vmem>>
      %dma_wait3A_833 = arith.constant 0 : i32
      %dma_wait3A_834 = arith.constant 0 : i32
      %dma_wait3A_835 = tpu.memref_slice %arg3[%add3A, %add3A_819, %dma_wait3A_833, %dma_wait3A_834] : memref<32x160x2x64xi32, #tpu.memory_space<hbm>> -> memref<1x1x2x64xi32, #tpu.memory_space<hbm>>
      %dma_wait3A_836 = tpu.memref_squeeze %dma_wait3A_835 : memref<1x1x2x64xi32, #tpu.memory_space<hbm>> -> memref<2x64xi32, #tpu.memory_space<hbm>>
      tpu.wait_dma2 semaphore(%arg9 : memref<!tpu.dma_semaphore, #tpu.memory_space<semaphore_mem>>) src(%dma_wait3A_836 : memref<2x64xi32, #tpu.memory_space<hbm>>) dst(%dma_wait3A_832 : memref<2x64xi32, #tpu.memory_space<vmem>>)
      %dma_start3A_837 = arith.constant 0 : i32
      %dma_start3A_838 = arith.constant 0 : i32
      %dma_start3A_839 = arith.constant 0 : i32
      %dma_start3A_840 = arith.constant 0 : i32
      %dma_start3A_841 = arith.constant 0 : i32
      %dma_start3A_842 = tpu.memref_slice %arg7[%dma_start3A_839, %dma_start3A_840, %dma_start3A_841] : memref<4x64x128xf32, #tpu.memory_space<vmem>> -> memref<1x64x128xf32, #tpu.memory_space<vmem>>
      %dma_start3A_843 = tpu.memref_squeeze %dma_start3A_842 : memref<1x64x128xf32, #tpu.memory_space<vmem>> -> memref<64x128xf32, #tpu.memory_space<vmem>>
      %dma_start3A_844 = arith.constant 0 : i32
      %dma_start3A_845 = tpu.memref_slice %arg6[%dma_start3A_837, %dma_start3A_838, %dma_start3A_844] : memref<8x2x64xi32, #tpu.memory_space<vmem>> -> memref<1x1x64xi32, #tpu.memory_space<vmem>>
      %dma_start3A_846 = tpu.memref_squeeze %dma_start3A_845 : memref<1x1x64xi32, #tpu.memory_space<vmem>> -> memref<64xi32, #tpu.memory_space<vmem>>
      %dma_start3A_847 = arith.constant 0 : i32
      %dma_start3A_848 = arith.constant 0 : i32
      %dma_start3A_849 = tpu.memref_slice %arg2[%dma_start3A_847, %dma_start3A_848] : memref<10240x128xf32, #tpu.memory_space<hbm>> -> memref<10240x128xf32, #tpu.memory_space<hbm>>
      tpu.enqueue_indirect_dma source(%dma_start3A_849 : memref<10240x128xf32, #tpu.memory_space<hbm>>) target(%dma_start3A_843 : memref<64x128xf32, #tpu.memory_space<vmem>>) offsets(%dma_start3A_846 : memref<64xi32, #tpu.memory_space<vmem>>) semaphore(%arg17 : memref<!tpu.dma_semaphore, #tpu.memory_space<semaphore_mem>>)
      %mul3A_850 = arith.constant 8 : i32
      %mul3A_851 = arith.muli %scan3A_494, %mul3A_850 : i32
      %add3A_852 = arith.constant 5 : i32
      %add3A_853 = arith.addi %mul3A_851, %add3A_852 : i32
      %dma_wait3A_854 = arith.constant 5 : i32
      %dma_wait3A_855 = arith.constant 0 : i32
      %dma_wait3A_856 = arith.constant 1 : i32
      %dma_wait3A_857 = arith.constant 0 : i32
      %dma_wait3A_858 = arith.constant 0 : i32
      %dma_wait3A_859 = tpu.memref_slice %arg7[%dma_wait3A_856, %dma_wait3A_857, %dma_wait3A_858] : memref<4x64x128xf32, #tpu.memory_space<vmem>> -> memref<1x64x128xf32, #tpu.memory_space<vmem>>
      %dma_wait3A_860 = tpu.memref_squeeze %dma_wait3A_859 : memref<1x64x128xf32, #tpu.memory_space<vmem>> -> memref<64x128xf32, #tpu.memory_space<vmem>>
      %dma_wait3A_861 = arith.constant 0 : i32
      %dma_wait3A_862 = tpu.memref_slice %arg6[%dma_wait3A_854, %dma_wait3A_855, %dma_wait3A_861] : memref<8x2x64xi32, #tpu.memory_space<vmem>> -> memref<1x1x64xi32, #tpu.memory_space<vmem>>
      %dma_wait3A_863 = tpu.memref_squeeze %dma_wait3A_862 : memref<1x1x64xi32, #tpu.memory_space<vmem>> -> memref<64xi32, #tpu.memory_space<vmem>>
      %dma_wait3A_864 = arith.constant 0 : i32
      %dma_wait3A_865 = arith.constant 0 : i32
      %dma_wait3A_866 = tpu.memref_slice %arg2[%dma_wait3A_864, %dma_wait3A_865] : memref<10240x128xf32, #tpu.memory_space<hbm>> -> memref<10240x128xf32, #tpu.memory_space<hbm>>
      tpu.wait_indirect_dma semaphore(%arg18 : memref<!tpu.dma_semaphore, #tpu.memory_space<semaphore_mem>>) src(%dma_wait3A_866 : memref<10240x128xf32, #tpu.memory_space<hbm>>) dst(%dma_wait3A_860 : memref<64x128xf32, #tpu.memory_space<vmem>>)
      %run_scoped3A_867 = arith.constant 1 : i32
      %run_scoped3A_868 = arith.constant 5 : i32
      %run_scoped3A_869 = arith.constant 1 : i32
      "tpu.region"() ({
        %run_scoped3A_1063 = tpu.sem_alloc : memref<!tpu.dma_semaphore, #tpu.memory_space<semaphore_mem>>
        %dma_start3A_1064 = arith.constant 0 : i32
        %dma_start3A_1065 = arith.constant 0 : i32
        %dma_start3A_1066 = tpu.memref_slice %arg7[%run_scoped3A_867, %dma_start3A_1064, %dma_start3A_1065] : memref<4x64x128xf32, #tpu.memory_space<vmem>> -> memref<1x64x128xf32, #tpu.memory_space<vmem>>
        %dma_start3A_1067 = tpu.memref_squeeze %dma_start3A_1066 : memref<1x64x128xf32, #tpu.memory_space<vmem>> -> memref<64x128xf32, #tpu.memory_space<vmem>>
        %dma_start3A_1068 = arith.constant 0 : i32
        %dma_start3A_1069 = tpu.memref_slice %arg6[%run_scoped3A_868, %run_scoped3A_869, %dma_start3A_1068] : memref<8x2x64xi32, #tpu.memory_space<vmem>> -> memref<1x1x64xi32, #tpu.memory_space<vmem>>
        %dma_start3A_1070 = tpu.memref_squeeze %dma_start3A_1069 : memref<1x1x64xi32, #tpu.memory_space<vmem>> -> memref<64xi32, #tpu.memory_space<vmem>>
        %dma_start3A_1071 = arith.constant 0 : i32
        %dma_start3A_1072 = arith.constant 0 : i32
        %dma_start3A_1073 = tpu.memref_slice %arg8[%dma_start3A_1071, %dma_start3A_1072] : memref<10240x128xf32, #tpu.memory_space<vmem_shared>> -> memref<10240x128xf32, #tpu.memory_space<vmem_shared>>
        tpu.enqueue_indirect_dma source(%dma_start3A_1067 : memref<64x128xf32, #tpu.memory_space<vmem>>) target(%dma_start3A_1073 : memref<10240x128xf32, #tpu.memory_space<vmem_shared>>) offsets(%dma_start3A_1070 : memref<64xi32, #tpu.memory_space<vmem>>) semaphore(%run_scoped3A_1063 : memref<!tpu.dma_semaphore, #tpu.memory_space<semaphore_mem>>) {add = true}
        %dma_wait3A_1074 = arith.constant 0 : i32
        %dma_wait3A_1075 = arith.constant 0 : i32
        %dma_wait3A_1076 = tpu.memref_slice %arg7[%run_scoped3A_867, %dma_wait3A_1074, %dma_wait3A_1075] : memref<4x64x128xf32, #tpu.memory_space<vmem>> -> memref<1x64x128xf32, #tpu.memory_space<vmem>>
        %dma_wait3A_1077 = tpu.memref_squeeze %dma_wait3A_1076 : memref<1x64x128xf32, #tpu.memory_space<vmem>> -> memref<64x128xf32, #tpu.memory_space<vmem>>
        %dma_wait3A_1078 = arith.constant 0 : i32
        %dma_wait3A_1079 = tpu.memref_slice %arg6[%run_scoped3A_868, %run_scoped3A_869, %dma_wait3A_1078] : memref<8x2x64xi32, #tpu.memory_space<vmem>> -> memref<1x1x64xi32, #tpu.memory_space<vmem>>
        %dma_wait3A_1080 = tpu.memref_squeeze %dma_wait3A_1079 : memref<1x1x64xi32, #tpu.memory_space<vmem>> -> memref<64xi32, #tpu.memory_space<vmem>>
        %dma_wait3A_1081 = arith.constant 0 : i32
        %dma_wait3A_1082 = arith.constant 0 : i32
        %dma_wait3A_1083 = tpu.memref_slice %arg8[%dma_wait3A_1081, %dma_wait3A_1082] : memref<10240x128xf32, #tpu.memory_space<vmem_shared>> -> memref<10240x128xf32, #tpu.memory_space<vmem_shared>>
        tpu.wait_indirect_dma semaphore(%run_scoped3A_1063 : memref<!tpu.dma_semaphore, #tpu.memory_space<semaphore_mem>>) src(%dma_wait3A_1077 : memref<64x128xf32, #tpu.memory_space<vmem>>) dst(%dma_wait3A_1083 : memref<10240x128xf32, #tpu.memory_space<vmem_shared>>)
        tpu.yield
      }) : () -> ()
      %add3A_870 = arith.constant 8 : i32
      %add3A_871 = arith.addi %add3A_853, %add3A_870 : i32
      %dma_start3A_872 = arith.constant 5 : i32
      %dma_start3A_873 = arith.constant 0 : i32
      %dma_start3A_874 = arith.constant 0 : i32
      %dma_start3A_875 = tpu.memref_slice %arg6[%dma_start3A_872, %dma_start3A_873, %dma_start3A_874] : memref<8x2x64xi32, #tpu.memory_space<vmem>> -> memref<1x2x64xi32, #tpu.memory_space<vmem>>
      %dma_start3A_876 = tpu.memref_squeeze %dma_start3A_875 : memref<1x2x64xi32, #tpu.memory_space<vmem>> -> memref<2x64xi32, #tpu.memory_space<vmem>>
      %dma_start3A_877 = arith.constant 0 : i32
      %dma_start3A_878 = arith.constant 0 : i32
      %dma_start3A_879 = tpu.memref_slice %arg3[%add3A, %add3A_871, %dma_start3A_877, %dma_start3A_878] : memref<32x160x2x64xi32, #tpu.memory_space<hbm>> -> memref<1x1x2x64xi32, #tpu.memory_space<hbm>>
      %dma_start3A_880 = tpu.memref_squeeze %dma_start3A_879 : memref<1x1x2x64xi32, #tpu.memory_space<hbm>> -> memref<2x64xi32, #tpu.memory_space<hbm>>
      %dma_start3A_881 = arith.constant 0 : i32
      %dma_start3A_882 = arith.constant 0 : i32
      %dma_start3A_883 = tpu.memref_slice %arg6[%dma_start3A_872, %dma_start3A_881, %dma_start3A_882] : memref<8x2x64xi32, #tpu.memory_space<vmem>> -> memref<1x2x64xi32, #tpu.memory_space<vmem>>
      %dma_start3A_884 = tpu.memref_squeeze %dma_start3A_883 : memref<1x2x64xi32, #tpu.memory_space<vmem>> -> memref<2x64xi32, #tpu.memory_space<vmem>>
      %dma_start3A_885 = arith.constant 0 : i32
      %dma_start3A_886 = arith.constant 0 : i32
      %dma_start3A_887 = tpu.memref_slice %arg3[%add3A, %add3A_871, %dma_start3A_885, %dma_start3A_886] : memref<32x160x2x64xi32, #tpu.memory_space<hbm>> -> memref<1x1x2x64xi32, #tpu.memory_space<hbm>>
      %dma_start3A_888 = tpu.memref_squeeze %dma_start3A_887 : memref<1x1x2x64xi32, #tpu.memory_space<hbm>> -> memref<2x64xi32, #tpu.memory_space<hbm>>
      tpu.enqueue_dma source(%dma_start3A_888 : memref<2x64xi32, #tpu.memory_space<hbm>>) target(%dma_start3A_884 : memref<2x64xi32, #tpu.memory_space<vmem>>) target_semaphore(%arg14 : memref<!tpu.dma_semaphore, #tpu.memory_space<semaphore_mem>>)
      %add3A_889 = arith.constant 4 : i32
      %add3A_890 = arith.addi %add3A_853, %add3A_889 : i32
      %dma_wait3A_891 = arith.constant 1 : i32
      %dma_wait3A_892 = arith.constant 0 : i32
      %dma_wait3A_893 = arith.constant 0 : i32
      %dma_wait3A_894 = tpu.memref_slice %arg6[%dma_wait3A_891, %dma_wait3A_892, %dma_wait3A_893] : memref<8x2x64xi32, #tpu.memory_space<vmem>> -> memref<1x2x64xi32, #tpu.memory_space<vmem>>
      %dma_wait3A_895 = tpu.memref_squeeze %dma_wait3A_894 : memref<1x2x64xi32, #tpu.memory_space<vmem>> -> memref<2x64xi32, #tpu.memory_space<vmem>>
      %dma_wait3A_896 = arith.constant 0 : i32
      %dma_wait3A_897 = arith.constant 0 : i32
      %dma_wait3A_898 = tpu.memref_slice %arg3[%add3A, %add3A_890, %dma_wait3A_896, %dma_wait3A_897] : memref<32x160x2x64xi32, #tpu.memory_space<hbm>> -> memref<1x1x2x64xi32, #tpu.memory_space<hbm>>
      %dma_wait3A_899 = tpu.memref_squeeze %dma_wait3A_898 : memref<1x1x2x64xi32, #tpu.memory_space<hbm>> -> memref<2x64xi32, #tpu.memory_space<hbm>>
      %dma_wait3A_900 = arith.constant 0 : i32
      %dma_wait3A_901 = arith.constant 0 : i32
      %dma_wait3A_902 = tpu.memref_slice %arg6[%dma_wait3A_891, %dma_wait3A_900, %dma_wait3A_901] : memref<8x2x64xi32, #tpu.memory_space<vmem>> -> memref<1x2x64xi32, #tpu.memory_space<vmem>>
      %dma_wait3A_903 = tpu.memref_squeeze %dma_wait3A_902 : memref<1x2x64xi32, #tpu.memory_space<vmem>> -> memref<2x64xi32, #tpu.memory_space<vmem>>
      %dma_wait3A_904 = arith.constant 0 : i32
      %dma_wait3A_905 = arith.constant 0 : i32
      %dma_wait3A_906 = tpu.memref_slice %arg3[%add3A, %add3A_890, %dma_wait3A_904, %dma_wait3A_905] : memref<32x160x2x64xi32, #tpu.memory_space<hbm>> -> memref<1x1x2x64xi32, #tpu.memory_space<hbm>>
      %dma_wait3A_907 = tpu.memref_squeeze %dma_wait3A_906 : memref<1x1x2x64xi32, #tpu.memory_space<hbm>> -> memref<2x64xi32, #tpu.memory_space<hbm>>
      tpu.wait_dma2 semaphore(%arg10 : memref<!tpu.dma_semaphore, #tpu.memory_space<semaphore_mem>>) src(%dma_wait3A_907 : memref<2x64xi32, #tpu.memory_space<hbm>>) dst(%dma_wait3A_903 : memref<2x64xi32, #tpu.memory_space<vmem>>)
      %dma_start3A_908 = arith.constant 1 : i32
      %dma_start3A_909 = arith.constant 0 : i32
      %dma_start3A_910 = arith.constant 1 : i32
      %dma_start3A_911 = arith.constant 0 : i32
      %dma_start3A_912 = arith.constant 0 : i32
      %dma_start3A_913 = tpu.memref_slice %arg7[%dma_start3A_910, %dma_start3A_911, %dma_start3A_912] : memref<4x64x128xf32, #tpu.memory_space<vmem>> -> memref<1x64x128xf32, #tpu.memory_space<vmem>>
      %dma_start3A_914 = tpu.memref_squeeze %dma_start3A_913 : memref<1x64x128xf32, #tpu.memory_space<vmem>> -> memref<64x128xf32, #tpu.memory_space<vmem>>
      %dma_start3A_915 = arith.constant 0 : i32
      %dma_start3A_916 = tpu.memref_slice %arg6[%dma_start3A_908, %dma_start3A_909, %dma_start3A_915] : memref<8x2x64xi32, #tpu.memory_space<vmem>> -> memref<1x1x64xi32, #tpu.memory_space<vmem>>
      %dma_start3A_917 = tpu.memref_squeeze %dma_start3A_916 : memref<1x1x64xi32, #tpu.memory_space<vmem>> -> memref<64xi32, #tpu.memory_space<vmem>>
      %dma_start3A_918 = arith.constant 0 : i32
      %dma_start3A_919 = arith.constant 0 : i32
      %dma_start3A_920 = tpu.memref_slice %arg2[%dma_start3A_918, %dma_start3A_919] : memref<10240x128xf32, #tpu.memory_space<hbm>> -> memref<10240x128xf32, #tpu.memory_space<hbm>>
      tpu.enqueue_indirect_dma source(%dma_start3A_920 : memref<10240x128xf32, #tpu.memory_space<hbm>>) target(%dma_start3A_914 : memref<64x128xf32, #tpu.memory_space<vmem>>) offsets(%dma_start3A_917 : memref<64xi32, #tpu.memory_space<vmem>>) semaphore(%arg18 : memref<!tpu.dma_semaphore, #tpu.memory_space<semaphore_mem>>)
      %mul3A_921 = arith.constant 8 : i32
      %mul3A_922 = arith.muli %scan3A_494, %mul3A_921 : i32
      %add3A_923 = arith.constant 6 : i32
      %add3A_924 = arith.addi %mul3A_922, %add3A_923 : i32
      %dma_wait3A_925 = arith.constant 6 : i32
      %dma_wait3A_926 = arith.constant 0 : i32
      %dma_wait3A_927 = arith.constant 2 : i32
      %dma_wait3A_928 = arith.constant 0 : i32
      %dma_wait3A_929 = arith.constant 0 : i32
      %dma_wait3A_930 = tpu.memref_slice %arg7[%dma_wait3A_927, %dma_wait3A_928, %dma_wait3A_929] : memref<4x64x128xf32, #tpu.memory_space<vmem>> -> memref<1x64x128xf32, #tpu.memory_space<vmem>>
      %dma_wait3A_931 = tpu.memref_squeeze %dma_wait3A_930 : memref<1x64x128xf32, #tpu.memory_space<vmem>> -> memref<64x128xf32, #tpu.memory_space<vmem>>
      %dma_wait3A_932 = arith.constant 0 : i32
      %dma_wait3A_933 = tpu.memref_slice %arg6[%dma_wait3A_925, %dma_wait3A_926, %dma_wait3A_932] : memref<8x2x64xi32, #tpu.memory_space<vmem>> -> memref<1x1x64xi32, #tpu.memory_space<vmem>>
      %dma_wait3A_934 = tpu.memref_squeeze %dma_wait3A_933 : memref<1x1x64xi32, #tpu.memory_space<vmem>> -> memref<64xi32, #tpu.memory_space<vmem>>
      %dma_wait3A_935 = arith.constant 0 : i32
      %dma_wait3A_936 = arith.constant 0 : i32
      %dma_wait3A_937 = tpu.memref_slice %arg2[%dma_wait3A_935, %dma_wait3A_936] : memref<10240x128xf32, #tpu.memory_space<hbm>> -> memref<10240x128xf32, #tpu.memory_space<hbm>>
      tpu.wait_indirect_dma semaphore(%arg19 : memref<!tpu.dma_semaphore, #tpu.memory_space<semaphore_mem>>) src(%dma_wait3A_937 : memref<10240x128xf32, #tpu.memory_space<hbm>>) dst(%dma_wait3A_931 : memref<64x128xf32, #tpu.memory_space<vmem>>)
      %run_scoped3A_938 = arith.constant 2 : i32
      %run_scoped3A_939 = arith.constant 6 : i32
      %run_scoped3A_940 = arith.constant 1 : i32
      "tpu.region"() ({
        %run_scoped3A_1063 = tpu.sem_alloc : memref<!tpu.dma_semaphore, #tpu.memory_space<semaphore_mem>>
        %dma_start3A_1064 = arith.constant 0 : i32
        %dma_start3A_1065 = arith.constant 0 : i32
        %dma_start3A_1066 = tpu.memref_slice %arg7[%run_scoped3A_938, %dma_start3A_1064, %dma_start3A_1065] : memref<4x64x128xf32, #tpu.memory_space<vmem>> -> memref<1x64x128xf32, #tpu.memory_space<vmem>>
        %dma_start3A_1067 = tpu.memref_squeeze %dma_start3A_1066 : memref<1x64x128xf32, #tpu.memory_space<vmem>> -> memref<64x128xf32, #tpu.memory_space<vmem>>
        %dma_start3A_1068 = arith.constant 0 : i32
        %dma_start3A_1069 = tpu.memref_slice %arg6[%run_scoped3A_939, %run_scoped3A_940, %dma_start3A_1068] : memref<8x2x64xi32, #tpu.memory_space<vmem>> -> memref<1x1x64xi32, #tpu.memory_space<vmem>>
        %dma_start3A_1070 = tpu.memref_squeeze %dma_start3A_1069 : memref<1x1x64xi32, #tpu.memory_space<vmem>> -> memref<64xi32, #tpu.memory_space<vmem>>
        %dma_start3A_1071 = arith.constant 0 : i32
        %dma_start3A_1072 = arith.constant 0 : i32
        %dma_start3A_1073 = tpu.memref_slice %arg8[%dma_start3A_1071, %dma_start3A_1072] : memref<10240x128xf32, #tpu.memory_space<vmem_shared>> -> memref<10240x128xf32, #tpu.memory_space<vmem_shared>>
        tpu.enqueue_indirect_dma source(%dma_start3A_1067 : memref<64x128xf32, #tpu.memory_space<vmem>>) target(%dma_start3A_1073 : memref<10240x128xf32, #tpu.memory_space<vmem_shared>>) offsets(%dma_start3A_1070 : memref<64xi32, #tpu.memory_space<vmem>>) semaphore(%run_scoped3A_1063 : memref<!tpu.dma_semaphore, #tpu.memory_space<semaphore_mem>>) {add = true}
        %dma_wait3A_1074 = arith.constant 0 : i32
        %dma_wait3A_1075 = arith.constant 0 : i32
        %dma_wait3A_1076 = tpu.memref_slice %arg7[%run_scoped3A_938, %dma_wait3A_1074, %dma_wait3A_1075] : memref<4x64x128xf32, #tpu.memory_space<vmem>> -> memref<1x64x128xf32, #tpu.memory_space<vmem>>
        %dma_wait3A_1077 = tpu.memref_squeeze %dma_wait3A_1076 : memref<1x64x128xf32, #tpu.memory_space<vmem>> -> memref<64x128xf32, #tpu.memory_space<vmem>>
        %dma_wait3A_1078 = arith.constant 0 : i32
        %dma_wait3A_1079 = tpu.memref_slice %arg6[%run_scoped3A_939, %run_scoped3A_940, %dma_wait3A_1078] : memref<8x2x64xi32, #tpu.memory_space<vmem>> -> memref<1x1x64xi32, #tpu.memory_space<vmem>>
        %dma_wait3A_1080 = tpu.memref_squeeze %dma_wait3A_1079 : memref<1x1x64xi32, #tpu.memory_space<vmem>> -> memref<64xi32, #tpu.memory_space<vmem>>
        %dma_wait3A_1081 = arith.constant 0 : i32
        %dma_wait3A_1082 = arith.constant 0 : i32
        %dma_wait3A_1083 = tpu.memref_slice %arg8[%dma_wait3A_1081, %dma_wait3A_1082] : memref<10240x128xf32, #tpu.memory_space<vmem_shared>> -> memref<10240x128xf32, #tpu.memory_space<vmem_shared>>
        tpu.wait_indirect_dma semaphore(%run_scoped3A_1063 : memref<!tpu.dma_semaphore, #tpu.memory_space<semaphore_mem>>) src(%dma_wait3A_1077 : memref<64x128xf32, #tpu.memory_space<vmem>>) dst(%dma_wait3A_1083 : memref<10240x128xf32, #tpu.memory_space<vmem_shared>>)
        tpu.yield
      }) : () -> ()
      %add3A_941 = arith.constant 8 : i32
      %add3A_942 = arith.addi %add3A_924, %add3A_941 : i32
      %dma_start3A_943 = arith.constant 6 : i32
      %dma_start3A_944 = arith.constant 0 : i32
      %dma_start3A_945 = arith.constant 0 : i32
      %dma_start3A_946 = tpu.memref_slice %arg6[%dma_start3A_943, %dma_start3A_944, %dma_start3A_945] : memref<8x2x64xi32, #tpu.memory_space<vmem>> -> memref<1x2x64xi32, #tpu.memory_space<vmem>>
      %dma_start3A_947 = tpu.memref_squeeze %dma_start3A_946 : memref<1x2x64xi32, #tpu.memory_space<vmem>> -> memref<2x64xi32, #tpu.memory_space<vmem>>
      %dma_start3A_948 = arith.constant 0 : i32
      %dma_start3A_949 = arith.constant 0 : i32
      %dma_start3A_950 = tpu.memref_slice %arg3[%add3A, %add3A_942, %dma_start3A_948, %dma_start3A_949] : memref<32x160x2x64xi32, #tpu.memory_space<hbm>> -> memref<1x1x2x64xi32, #tpu.memory_space<hbm>>
      %dma_start3A_951 = tpu.memref_squeeze %dma_start3A_950 : memref<1x1x2x64xi32, #tpu.memory_space<hbm>> -> memref<2x64xi32, #tpu.memory_space<hbm>>
      %dma_start3A_952 = arith.constant 0 : i32
      %dma_start3A_953 = arith.constant 0 : i32
      %dma_start3A_954 = tpu.memref_slice %arg6[%dma_start3A_943, %dma_start3A_952, %dma_start3A_953] : memref<8x2x64xi32, #tpu.memory_space<vmem>> -> memref<1x2x64xi32, #tpu.memory_space<vmem>>
      %dma_start3A_955 = tpu.memref_squeeze %dma_start3A_954 : memref<1x2x64xi32, #tpu.memory_space<vmem>> -> memref<2x64xi32, #tpu.memory_space<vmem>>
      %dma_start3A_956 = arith.constant 0 : i32
      %dma_start3A_957 = arith.constant 0 : i32
      %dma_start3A_958 = tpu.memref_slice %arg3[%add3A, %add3A_942, %dma_start3A_956, %dma_start3A_957] : memref<32x160x2x64xi32, #tpu.memory_space<hbm>> -> memref<1x1x2x64xi32, #tpu.memory_space<hbm>>
      %dma_start3A_959 = tpu.memref_squeeze %dma_start3A_958 : memref<1x1x2x64xi32, #tpu.memory_space<hbm>> -> memref<2x64xi32, #tpu.memory_space<hbm>>
      tpu.enqueue_dma source(%dma_start3A_959 : memref<2x64xi32, #tpu.memory_space<hbm>>) target(%dma_start3A_955 : memref<2x64xi32, #tpu.memory_space<vmem>>) target_semaphore(%arg15 : memref<!tpu.dma_semaphore, #tpu.memory_space<semaphore_mem>>)
      %add3A_960 = arith.constant 4 : i32
      %add3A_961 = arith.addi %add3A_924, %add3A_960 : i32
      %dma_wait3A_962 = arith.constant 2 : i32
      %dma_wait3A_963 = arith.constant 0 : i32
      %dma_wait3A_964 = arith.constant 0 : i32
      %dma_wait3A_965 = tpu.memref_slice %arg6[%dma_wait3A_962, %dma_wait3A_963, %dma_wait3A_964] : memref<8x2x64xi32, #tpu.memory_space<vmem>> -> memref<1x2x64xi32, #tpu.memory_space<vmem>>
      %dma_wait3A_966 = tpu.memref_squeeze %dma_wait3A_965 : memref<1x2x64xi32, #tpu.memory_space<vmem>> -> memref<2x64xi32, #tpu.memory_space<vmem>>
      %dma_wait3A_967 = arith.constant 0 : i32
      %dma_wait3A_968 = arith.constant 0 : i32
      %dma_wait3A_969 = tpu.memref_slice %arg3[%add3A, %add3A_961, %dma_wait3A_967, %dma_wait3A_968] : memref<32x160x2x64xi32, #tpu.memory_space<hbm>> -> memref<1x1x2x64xi32, #tpu.memory_space<hbm>>
      %dma_wait3A_970 = tpu.memref_squeeze %dma_wait3A_969 : memref<1x1x2x64xi32, #tpu.memory_space<hbm>> -> memref<2x64xi32, #tpu.memory_space<hbm>>
      %dma_wait3A_971 = arith.constant 0 : i32
      %dma_wait3A_972 = arith.constant 0 : i32
      %dma_wait3A_973 = tpu.memref_slice %arg6[%dma_wait3A_962, %dma_wait3A_971, %dma_wait3A_972] : memref<8x2x64xi32, #tpu.memory_space<vmem>> -> memref<1x2x64xi32, #tpu.memory_space<vmem>>
      %dma_wait3A_974 = tpu.memref_squeeze %dma_wait3A_973 : memref<1x2x64xi32, #tpu.memory_space<vmem>> -> memref<2x64xi32, #tpu.memory_space<vmem>>
      %dma_wait3A_975 = arith.constant 0 : i32
      %dma_wait3A_976 = arith.constant 0 : i32
      %dma_wait3A_977 = tpu.memref_slice %arg3[%add3A, %add3A_961, %dma_wait3A_975, %dma_wait3A_976] : memref<32x160x2x64xi32, #tpu.memory_space<hbm>> -> memref<1x1x2x64xi32, #tpu.memory_space<hbm>>
      %dma_wait3A_978 = tpu.memref_squeeze %dma_wait3A_977 : memref<1x1x2x64xi32, #tpu.memory_space<hbm>> -> memref<2x64xi32, #tpu.memory_space<hbm>>
      tpu.wait_dma2 semaphore(%arg11 : memref<!tpu.dma_semaphore, #tpu.memory_space<semaphore_mem>>) src(%dma_wait3A_978 : memref<2x64xi32, #tpu.memory_space<hbm>>) dst(%dma_wait3A_974 : memref<2x64xi32, #tpu.memory_space<vmem>>)
      %dma_start3A_979 = arith.constant 2 : i32
      %dma_start3A_980 = arith.constant 0 : i32
      %dma_start3A_981 = arith.constant 2 : i32
      %dma_start3A_982 = arith.constant 0 : i32
      %dma_start3A_983 = arith.constant 0 : i32
      %dma_start3A_984 = tpu.memref_slice %arg7[%dma_start3A_981, %dma_start3A_982, %dma_start3A_983] : memref<4x64x128xf32, #tpu.memory_space<vmem>> -> memref<1x64x128xf32, #tpu.memory_space<vmem>>
      %dma_start3A_985 = tpu.memref_squeeze %dma_start3A_984 : memref<1x64x128xf32, #tpu.memory_space<vmem>> -> memref<64x128xf32, #tpu.memory_space<vmem>>
      %dma_start3A_986 = arith.constant 0 : i32
      %dma_start3A_987 = tpu.memref_slice %arg6[%dma_start3A_979, %dma_start3A_980, %dma_start3A_986] : memref<8x2x64xi32, #tpu.memory_space<vmem>> -> memref<1x1x64xi32, #tpu.memory_space<vmem>>
      %dma_start3A_988 = tpu.memref_squeeze %dma_start3A_987 : memref<1x1x64xi32, #tpu.memory_space<vmem>> -> memref<64xi32, #tpu.memory_space<vmem>>
      %dma_start3A_989 = arith.constant 0 : i32
      %dma_start3A_990 = arith.constant 0 : i32
      %dma_start3A_991 = tpu.memref_slice %arg2[%dma_start3A_989, %dma_start3A_990] : memref<10240x128xf32, #tpu.memory_space<hbm>> -> memref<10240x128xf32, #tpu.memory_space<hbm>>
      tpu.enqueue_indirect_dma source(%dma_start3A_991 : memref<10240x128xf32, #tpu.memory_space<hbm>>) target(%dma_start3A_985 : memref<64x128xf32, #tpu.memory_space<vmem>>) offsets(%dma_start3A_988 : memref<64xi32, #tpu.memory_space<vmem>>) semaphore(%arg19 : memref<!tpu.dma_semaphore, #tpu.memory_space<semaphore_mem>>)
      %mul3A_992 = arith.constant 8 : i32
      %mul3A_993 = arith.muli %scan3A_494, %mul3A_992 : i32
      %add3A_994 = arith.constant 7 : i32
      %add3A_995 = arith.addi %mul3A_993, %add3A_994 : i32
      %dma_wait3A_996 = arith.constant 7 : i32
      %dma_wait3A_997 = arith.constant 0 : i32
      %dma_wait3A_998 = arith.constant 3 : i32
      %dma_wait3A_999 = arith.constant 0 : i32
      %dma_wait3A_1000 = arith.constant 0 : i32
      %dma_wait3A_1001 = tpu.memref_slice %arg7[%dma_wait3A_998, %dma_wait3A_999, %dma_wait3A_1000] : memref<4x64x128xf32, #tpu.memory_space<vmem>> -> memref<1x64x128xf32, #tpu.memory_space<vmem>>
      %dma_wait3A_1002 = tpu.memref_squeeze %dma_wait3A_1001 : memref<1x64x128xf32, #tpu.memory_space<vmem>> -> memref<64x128xf32, #tpu.memory_space<vmem>>
      %dma_wait3A_1003 = arith.constant 0 : i32
      %dma_wait3A_1004 = tpu.memref_slice %arg6[%dma_wait3A_996, %dma_wait3A_997, %dma_wait3A_1003] : memref<8x2x64xi32, #tpu.memory_space<vmem>> -> memref<1x1x64xi32, #tpu.memory_space<vmem>>
      %dma_wait3A_1005 = tpu.memref_squeeze %dma_wait3A_1004 : memref<1x1x64xi32, #tpu.memory_space<vmem>> -> memref<64xi32, #tpu.memory_space<vmem>>
      %dma_wait3A_1006 = arith.constant 0 : i32
      %dma_wait3A_1007 = arith.constant 0 : i32
      %dma_wait3A_1008 = tpu.memref_slice %arg2[%dma_wait3A_1006, %dma_wait3A_1007] : memref<10240x128xf32, #tpu.memory_space<hbm>> -> memref<10240x128xf32, #tpu.memory_space<hbm>>
      tpu.wait_indirect_dma semaphore(%arg20 : memref<!tpu.dma_semaphore, #tpu.memory_space<semaphore_mem>>) src(%dma_wait3A_1008 : memref<10240x128xf32, #tpu.memory_space<hbm>>) dst(%dma_wait3A_1002 : memref<64x128xf32, #tpu.memory_space<vmem>>)
      %run_scoped3A_1009 = arith.constant 3 : i32
      %run_scoped3A_1010 = arith.constant 7 : i32
      %run_scoped3A_1011 = arith.constant 1 : i32
      "tpu.region"() ({
        %run_scoped3A_1063 = tpu.sem_alloc : memref<!tpu.dma_semaphore, #tpu.memory_space<semaphore_mem>>
        %dma_start3A_1064 = arith.constant 0 : i32
        %dma_start3A_1065 = arith.constant 0 : i32
        %dma_start3A_1066 = tpu.memref_slice %arg7[%run_scoped3A_1009, %dma_start3A_1064, %dma_start3A_1065] : memref<4x64x128xf32, #tpu.memory_space<vmem>> -> memref<1x64x128xf32, #tpu.memory_space<vmem>>
        %dma_start3A_1067 = tpu.memref_squeeze %dma_start3A_1066 : memref<1x64x128xf32, #tpu.memory_space<vmem>> -> memref<64x128xf32, #tpu.memory_space<vmem>>
        %dma_start3A_1068 = arith.constant 0 : i32
        %dma_start3A_1069 = tpu.memref_slice %arg6[%run_scoped3A_1010, %run_scoped3A_1011, %dma_start3A_1068] : memref<8x2x64xi32, #tpu.memory_space<vmem>> -> memref<1x1x64xi32, #tpu.memory_space<vmem>>
        %dma_start3A_1070 = tpu.memref_squeeze %dma_start3A_1069 : memref<1x1x64xi32, #tpu.memory_space<vmem>> -> memref<64xi32, #tpu.memory_space<vmem>>
        %dma_start3A_1071 = arith.constant 0 : i32
        %dma_start3A_1072 = arith.constant 0 : i32
        %dma_start3A_1073 = tpu.memref_slice %arg8[%dma_start3A_1071, %dma_start3A_1072] : memref<10240x128xf32, #tpu.memory_space<vmem_shared>> -> memref<10240x128xf32, #tpu.memory_space<vmem_shared>>
        tpu.enqueue_indirect_dma source(%dma_start3A_1067 : memref<64x128xf32, #tpu.memory_space<vmem>>) target(%dma_start3A_1073 : memref<10240x128xf32, #tpu.memory_space<vmem_shared>>) offsets(%dma_start3A_1070 : memref<64xi32, #tpu.memory_space<vmem>>) semaphore(%run_scoped3A_1063 : memref<!tpu.dma_semaphore, #tpu.memory_space<semaphore_mem>>) {add = true}
        %dma_wait3A_1074 = arith.constant 0 : i32
        %dma_wait3A_1075 = arith.constant 0 : i32
        %dma_wait3A_1076 = tpu.memref_slice %arg7[%run_scoped3A_1009, %dma_wait3A_1074, %dma_wait3A_1075] : memref<4x64x128xf32, #tpu.memory_space<vmem>> -> memref<1x64x128xf32, #tpu.memory_space<vmem>>
        %dma_wait3A_1077 = tpu.memref_squeeze %dma_wait3A_1076 : memref<1x64x128xf32, #tpu.memory_space<vmem>> -> memref<64x128xf32, #tpu.memory_space<vmem>>
        %dma_wait3A_1078 = arith.constant 0 : i32
        %dma_wait3A_1079 = tpu.memref_slice %arg6[%run_scoped3A_1010, %run_scoped3A_1011, %dma_wait3A_1078] : memref<8x2x64xi32, #tpu.memory_space<vmem>> -> memref<1x1x64xi32, #tpu.memory_space<vmem>>
        %dma_wait3A_1080 = tpu.memref_squeeze %dma_wait3A_1079 : memref<1x1x64xi32, #tpu.memory_space<vmem>> -> memref<64xi32, #tpu.memory_space<vmem>>
        %dma_wait3A_1081 = arith.constant 0 : i32
        %dma_wait3A_1082 = arith.constant 0 : i32
        %dma_wait3A_1083 = tpu.memref_slice %arg8[%dma_wait3A_1081, %dma_wait3A_1082] : memref<10240x128xf32, #tpu.memory_space<vmem_shared>> -> memref<10240x128xf32, #tpu.memory_space<vmem_shared>>
        tpu.wait_indirect_dma semaphore(%run_scoped3A_1063 : memref<!tpu.dma_semaphore, #tpu.memory_space<semaphore_mem>>) src(%dma_wait3A_1077 : memref<64x128xf32, #tpu.memory_space<vmem>>) dst(%dma_wait3A_1083 : memref<10240x128xf32, #tpu.memory_space<vmem_shared>>)
        tpu.yield
      }) : () -> ()
      %add3A_1012 = arith.constant 8 : i32
      %add3A_1013 = arith.addi %add3A_995, %add3A_1012 : i32
      %dma_start3A_1014 = arith.constant 7 : i32
      %dma_start3A_1015 = arith.constant 0 : i32
      %dma_start3A_1016 = arith.constant 0 : i32
      %dma_start3A_1017 = tpu.memref_slice %arg6[%dma_start3A_1014, %dma_start3A_1015, %dma_start3A_1016] : memref<8x2x64xi32, #tpu.memory_space<vmem>> -> memref<1x2x64xi32, #tpu.memory_space<vmem>>
      %dma_start3A_1018 = tpu.memref_squeeze %dma_start3A_1017 : memref<1x2x64xi32, #tpu.memory_space<vmem>> -> memref<2x64xi32, #tpu.memory_space<vmem>>
      %dma_start3A_1019 = arith.constant 0 : i32
      %dma_start3A_1020 = arith.constant 0 : i32
      %dma_start3A_1021 = tpu.memref_slice %arg3[%add3A, %add3A_1013, %dma_start3A_1019, %dma_start3A_1020] : memref<32x160x2x64xi32, #tpu.memory_space<hbm>> -> memref<1x1x2x64xi32, #tpu.memory_space<hbm>>
      %dma_start3A_1022 = tpu.memref_squeeze %dma_start3A_1021 : memref<1x1x2x64xi32, #tpu.memory_space<hbm>> -> memref<2x64xi32, #tpu.memory_space<hbm>>
      %dma_start3A_1023 = arith.constant 0 : i32
      %dma_start3A_1024 = arith.constant 0 : i32
      %dma_start3A_1025 = tpu.memref_slice %arg6[%dma_start3A_1014, %dma_start3A_1023, %dma_start3A_1024] : memref<8x2x64xi32, #tpu.memory_space<vmem>> -> memref<1x2x64xi32, #tpu.memory_space<vmem>>
      %dma_start3A_1026 = tpu.memref_squeeze %dma_start3A_1025 : memref<1x2x64xi32, #tpu.memory_space<vmem>> -> memref<2x64xi32, #tpu.memory_space<vmem>>
      %dma_start3A_1027 = arith.constant 0 : i32
      %dma_start3A_1028 = arith.constant 0 : i32
      %dma_start3A_1029 = tpu.memref_slice %arg3[%add3A, %add3A_1013, %dma_start3A_1027, %dma_start3A_1028] : memref<32x160x2x64xi32, #tpu.memory_space<hbm>> -> memref<1x1x2x64xi32, #tpu.memory_space<hbm>>
      %dma_start3A_1030 = tpu.memref_squeeze %dma_start3A_1029 : memref<1x1x2x64xi32, #tpu.memory_space<hbm>> -> memref<2x64xi32, #tpu.memory_space<hbm>>
      tpu.enqueue_dma source(%dma_start3A_1030 : memref<2x64xi32, #tpu.memory_space<hbm>>) target(%dma_start3A_1026 : memref<2x64xi32, #tpu.memory_space<vmem>>) target_semaphore(%arg16 : memref<!tpu.dma_semaphore, #tpu.memory_space<semaphore_mem>>)
      %add3A_1031 = arith.constant 4 : i32
      %add3A_1032 = arith.addi %add3A_995, %add3A_1031 : i32
      %dma_wait3A_1033 = arith.constant 3 : i32
      %dma_wait3A_1034 = arith.constant 0 : i32
      %dma_wait3A_1035 = arith.constant 0 : i32
      %dma_wait3A_1036 = tpu.memref_slice %arg6[%dma_wait3A_1033, %dma_wait3A_1034, %dma_wait3A_1035] : memref<8x2x64xi32, #tpu.memory_space<vmem>> -> memref<1x2x64xi32, #tpu.memory_space<vmem>>
      %dma_wait3A_1037 = tpu.memref_squeeze %dma_wait3A_1036 : memref<1x2x64xi32, #tpu.memory_space<vmem>> -> memref<2x64xi32, #tpu.memory_space<vmem>>
      %dma_wait3A_1038 = arith.constant 0 : i32
      %dma_wait3A_1039 = arith.constant 0 : i32
      %dma_wait3A_1040 = tpu.memref_slice %arg3[%add3A, %add3A_1032, %dma_wait3A_1038, %dma_wait3A_1039] : memref<32x160x2x64xi32, #tpu.memory_space<hbm>> -> memref<1x1x2x64xi32, #tpu.memory_space<hbm>>
      %dma_wait3A_1041 = tpu.memref_squeeze %dma_wait3A_1040 : memref<1x1x2x64xi32, #tpu.memory_space<hbm>> -> memref<2x64xi32, #tpu.memory_space<hbm>>
      %dma_wait3A_1042 = arith.constant 0 : i32
      %dma_wait3A_1043 = arith.constant 0 : i32
      %dma_wait3A_1044 = tpu.memref_slice %arg6[%dma_wait3A_1033, %dma_wait3A_1042, %dma_wait3A_1043] : memref<8x2x64xi32, #tpu.memory_space<vmem>> -> memref<1x2x64xi32, #tpu.memory_space<vmem>>
      %dma_wait3A_1045 = tpu.memref_squeeze %dma_wait3A_1044 : memref<1x2x64xi32, #tpu.memory_space<vmem>> -> memref<2x64xi32, #tpu.memory_space<vmem>>
      %dma_wait3A_1046 = arith.constant 0 : i32
      %dma_wait3A_1047 = arith.constant 0 : i32
      %dma_wait3A_1048 = tpu.memref_slice %arg3[%add3A, %add3A_1032, %dma_wait3A_1046, %dma_wait3A_1047] : memref<32x160x2x64xi32, #tpu.memory_space<hbm>> -> memref<1x1x2x64xi32, #tpu.memory_space<hbm>>
      %dma_wait3A_1049 = tpu.memref_squeeze %dma_wait3A_1048 : memref<1x1x2x64xi32, #tpu.memory_space<hbm>> -> memref<2x64xi32, #tpu.memory_space<hbm>>
      tpu.wait_dma2 semaphore(%arg12 : memref<!tpu.dma_semaphore, #tpu.memory_space<semaphore_mem>>) src(%dma_wait3A_1049 : memref<2x64xi32, #tpu.memory_space<hbm>>) dst(%dma_wait3A_1045 : memref<2x64xi32, #tpu.memory_space<vmem>>)
      %dma_start3A_1050 = arith.constant 3 : i32
      %dma_start3A_1051 = arith.constant 0 : i32
      %dma_start3A_1052 = arith.constant 3 : i32
      %dma_start3A_1053 = arith.constant 0 : i32
      %dma_start3A_1054 = arith.constant 0 : i32
      %dma_start3A_1055 = tpu.memref_slice %arg7[%dma_start3A_1052, %dma_start3A_1053, %dma_start3A_1054] : memref<4x64x128xf32, #tpu.memory_space<vmem>> -> memref<1x64x128xf32, #tpu.memory_space<vmem>>
      %dma_start3A_1056 = tpu.memref_squeeze %dma_start3A_1055 : memref<1x64x128xf32, #tpu.memory_space<vmem>> -> memref<64x128xf32, #tpu.memory_space<vmem>>
      %dma_start3A_1057 = arith.constant 0 : i32
      %dma_start3A_1058 = tpu.memref_slice %arg6[%dma_start3A_1050, %dma_start3A_1051, %dma_start3A_1057] : memref<8x2x64xi32, #tpu.memory_space<vmem>> -> memref<1x1x64xi32, #tpu.memory_space<vmem>>
      %dma_start3A_1059 = tpu.memref_squeeze %dma_start3A_1058 : memref<1x1x64xi32, #tpu.memory_space<vmem>> -> memref<64xi32, #tpu.memory_space<vmem>>
      %dma_start3A_1060 = arith.constant 0 : i32
      %dma_start3A_1061 = arith.constant 0 : i32
      %dma_start3A_1062 = tpu.memref_slice %arg2[%dma_start3A_1060, %dma_start3A_1061] : memref<10240x128xf32, #tpu.memory_space<hbm>> -> memref<10240x128xf32, #tpu.memory_space<hbm>>
      tpu.enqueue_indirect_dma source(%dma_start3A_1062 : memref<10240x128xf32, #tpu.memory_space<hbm>>) target(%dma_start3A_1056 : memref<64x128xf32, #tpu.memory_space<vmem>>) offsets(%dma_start3A_1059 : memref<64xi32, #tpu.memory_space<vmem>>) semaphore(%arg20 : memref<!tpu.dma_semaphore, #tpu.memory_space<semaphore_mem>>)
    }
    %scan3A_238 = arith.constant 19 : i32
    %dma_wait3A_239 = arith.constant 0 : i32
    %dma_wait3A_240 = arith.constant 0 : i32
    %dma_wait3A_241 = arith.constant 0 : i32
    %dma_wait3A_242 = arith.constant 0 : i32
    %dma_wait3A_243 = arith.constant 0 : i32
    %dma_wait3A_244 = tpu.memref_slice %arg7[%dma_wait3A_241, %dma_wait3A_242, %dma_wait3A_243] : memref<4x64x128xf32, #tpu.memory_space<vmem>> -> memref<1x64x128xf32, #tpu.memory_space<vmem>>
    %dma_wait3A_245 = tpu.memref_squeeze %dma_wait3A_244 : memref<1x64x128xf32, #tpu.memory_space<vmem>> -> memref<64x128xf32, #tpu.memory_space<vmem>>
    %dma_wait3A_246 = arith.constant 0 : i32
    %dma_wait3A_247 = tpu.memref_slice %arg6[%dma_wait3A_239, %dma_wait3A_240, %dma_wait3A_246] : memref<8x2x64xi32, #tpu.memory_space<vmem>> -> memref<1x1x64xi32, #tpu.memory_space<vmem>>
    %dma_wait3A_248 = tpu.memref_squeeze %dma_wait3A_247 : memref<1x1x64xi32, #tpu.memory_space<vmem>> -> memref<64xi32, #tpu.memory_space<vmem>>
    %dma_wait3A_249 = arith.constant 0 : i32
    %dma_wait3A_250 = arith.constant 0 : i32
    %dma_wait3A_251 = tpu.memref_slice %arg2[%dma_wait3A_249, %dma_wait3A_250] : memref<10240x128xf32, #tpu.memory_space<hbm>> -> memref<10240x128xf32, #tpu.memory_space<hbm>>
    tpu.wait_indirect_dma semaphore(%arg17 : memref<!tpu.dma_semaphore, #tpu.memory_space<semaphore_mem>>) src(%dma_wait3A_251 : memref<10240x128xf32, #tpu.memory_space<hbm>>) dst(%dma_wait3A_245 : memref<64x128xf32, #tpu.memory_space<vmem>>)
    %run_scoped3A_252 = arith.constant 0 : i32
    %run_scoped3A_253 = arith.constant 0 : i32
    %run_scoped3A_254 = arith.constant 1 : i32
    "tpu.region"() ({
      %run_scoped3A_494 = tpu.sem_alloc : memref<!tpu.dma_semaphore, #tpu.memory_space<semaphore_mem>>
      %dma_start3A_495 = arith.constant 0 : i32
      %dma_start3A_496 = arith.constant 0 : i32
      %dma_start3A_497 = tpu.memref_slice %arg7[%run_scoped3A_252, %dma_start3A_495, %dma_start3A_496] : memref<4x64x128xf32, #tpu.memory_space<vmem>> -> memref<1x64x128xf32, #tpu.memory_space<vmem>>
      %dma_start3A_498 = tpu.memref_squeeze %dma_start3A_497 : memref<1x64x128xf32, #tpu.memory_space<vmem>> -> memref<64x128xf32, #tpu.memory_space<vmem>>
      %dma_start3A_499 = arith.constant 0 : i32
      %dma_start3A_500 = tpu.memref_slice %arg6[%run_scoped3A_253, %run_scoped3A_254, %dma_start3A_499] : memref<8x2x64xi32, #tpu.memory_space<vmem>> -> memref<1x1x64xi32, #tpu.memory_space<vmem>>
      %dma_start3A_501 = tpu.memref_squeeze %dma_start3A_500 : memref<1x1x64xi32, #tpu.memory_space<vmem>> -> memref<64xi32, #tpu.memory_space<vmem>>
      %dma_start3A_502 = arith.constant 0 : i32
      %dma_start3A_503 = arith.constant 0 : i32
      %dma_start3A_504 = tpu.memref_slice %arg8[%dma_start3A_502, %dma_start3A_503] : memref<10240x128xf32, #tpu.memory_space<vmem_shared>> -> memref<10240x128xf32, #tpu.memory_space<vmem_shared>>
      tpu.enqueue_indirect_dma source(%dma_start3A_498 : memref<64x128xf32, #tpu.memory_space<vmem>>) target(%dma_start3A_504 : memref<10240x128xf32, #tpu.memory_space<vmem_shared>>) offsets(%dma_start3A_501 : memref<64xi32, #tpu.memory_space<vmem>>) semaphore(%run_scoped3A_494 : memref<!tpu.dma_semaphore, #tpu.memory_space<semaphore_mem>>) {add = true}
      %dma_wait3A_505 = arith.constant 0 : i32
      %dma_wait3A_506 = arith.constant 0 : i32
      %dma_wait3A_507 = tpu.memref_slice %arg7[%run_scoped3A_252, %dma_wait3A_505, %dma_wait3A_506] : memref<4x64x128xf32, #tpu.memory_space<vmem>> -> memref<1x64x128xf32, #tpu.memory_space<vmem>>
      %dma_wait3A_508 = tpu.memref_squeeze %dma_wait3A_507 : memref<1x64x128xf32, #tpu.memory_space<vmem>> -> memref<64x128xf32, #tpu.memory_space<vmem>>
      %dma_wait3A_509 = arith.constant 0 : i32
      %dma_wait3A_510 = tpu.memref_slice %arg6[%run_scoped3A_253, %run_scoped3A_254, %dma_wait3A_509] : memref<8x2x64xi32, #tpu.memory_space<vmem>> -> memref<1x1x64xi32, #tpu.memory_space<vmem>>
      %dma_wait3A_511 = tpu.memref_squeeze %dma_wait3A_510 : memref<1x1x64xi32, #tpu.memory_space<vmem>> -> memref<64xi32, #tpu.memory_space<vmem>>
      %dma_wait3A_512 = arith.constant 0 : i32
      %dma_wait3A_513 = arith.constant 0 : i32
      %dma_wait3A_514 = tpu.memref_slice %arg8[%dma_wait3A_512, %dma_wait3A_513] : memref<10240x128xf32, #tpu.memory_space<vmem_shared>> -> memref<10240x128xf32, #tpu.memory_space<vmem_shared>>
      tpu.wait_indirect_dma semaphore(%run_scoped3A_494 : memref<!tpu.dma_semaphore, #tpu.memory_space<semaphore_mem>>) src(%dma_wait3A_508 : memref<64x128xf32, #tpu.memory_space<vmem>>) dst(%dma_wait3A_514 : memref<10240x128xf32, #tpu.memory_space<vmem_shared>>)
      tpu.yield
    }) : () -> ()
    %dma_wait3A_255 = arith.constant 156 : i32
    %dma_wait3A_256 = arith.constant 4 : i32
    %dma_wait3A_257 = arith.constant 0 : i32
    %dma_wait3A_258 = arith.constant 0 : i32
    %dma_wait3A_259 = tpu.memref_slice %arg6[%dma_wait3A_256, %dma_wait3A_257, %dma_wait3A_258] : memref<8x2x64xi32, #tpu.memory_space<vmem>> -> memref<1x2x64xi32, #tpu.memory_space<vmem>>
    %dma_wait3A_260 = tpu.memref_squeeze %dma_wait3A_259 : memref<1x2x64xi32, #tpu.memory_space<vmem>> -> memref<2x64xi32, #tpu.memory_space<vmem>>
    %dma_wait3A_261 = arith.constant 0 : i32
    %dma_wait3A_262 = arith.constant 0 : i32
    %dma_wait3A_263 = tpu.memref_slice %arg3[%add3A, %dma_wait3A_255, %dma_wait3A_261, %dma_wait3A_262] : memref<32x160x2x64xi32, #tpu.memory_space<hbm>> -> memref<1x1x2x64xi32, #tpu.memory_space<hbm>>
    %dma_wait3A_264 = tpu.memref_squeeze %dma_wait3A_263 : memref<1x1x2x64xi32, #tpu.memory_space<hbm>> -> memref<2x64xi32, #tpu.memory_space<hbm>>
    %dma_wait3A_265 = arith.constant 0 : i32
    %dma_wait3A_266 = arith.constant 0 : i32
    %dma_wait3A_267 = tpu.memref_slice %arg6[%dma_wait3A_256, %dma_wait3A_265, %dma_wait3A_266] : memref<8x2x64xi32, #tpu.memory_space<vmem>> -> memref<1x2x64xi32, #tpu.memory_space<vmem>>
    %dma_wait3A_268 = tpu.memref_squeeze %dma_wait3A_267 : memref<1x2x64xi32, #tpu.memory_space<vmem>> -> memref<2x64xi32, #tpu.memory_space<vmem>>
    %dma_wait3A_269 = arith.constant 0 : i32
    %dma_wait3A_270 = arith.constant 0 : i32
    %dma_wait3A_271 = tpu.memref_slice %arg3[%add3A, %dma_wait3A_255, %dma_wait3A_269, %dma_wait3A_270] : memref<32x160x2x64xi32, #tpu.memory_space<hbm>> -> memref<1x1x2x64xi32, #tpu.memory_space<hbm>>
    %dma_wait3A_272 = tpu.memref_squeeze %dma_wait3A_271 : memref<1x1x2x64xi32, #tpu.memory_space<hbm>> -> memref<2x64xi32, #tpu.memory_space<hbm>>
    tpu.wait_dma2 semaphore(%arg13 : memref<!tpu.dma_semaphore, #tpu.memory_space<semaphore_mem>>) src(%dma_wait3A_272 : memref<2x64xi32, #tpu.memory_space<hbm>>) dst(%dma_wait3A_268 : memref<2x64xi32, #tpu.memory_space<vmem>>)
    %dma_start3A_273 = arith.constant 4 : i32
    %dma_start3A_274 = arith.constant 0 : i32
    %dma_start3A_275 = arith.constant 0 : i32
    %dma_start3A_276 = arith.constant 0 : i32
    %dma_start3A_277 = arith.constant 0 : i32
    %dma_start3A_278 = tpu.memref_slice %arg7[%dma_start3A_275, %dma_start3A_276, %dma_start3A_277] : memref<4x64x128xf32, #tpu.memory_space<vmem>> -> memref<1x64x128xf32, #tpu.memory_space<vmem>>
    %dma_start3A_279 = tpu.memref_squeeze %dma_start3A_278 : memref<1x64x128xf32, #tpu.memory_space<vmem>> -> memref<64x128xf32, #tpu.memory_space<vmem>>
    %dma_start3A_280 = arith.constant 0 : i32
    %dma_start3A_281 = tpu.memref_slice %arg6[%dma_start3A_273, %dma_start3A_274, %dma_start3A_280] : memref<8x2x64xi32, #tpu.memory_space<vmem>> -> memref<1x1x64xi32, #tpu.memory_space<vmem>>
    %dma_start3A_282 = tpu.memref_squeeze %dma_start3A_281 : memref<1x1x64xi32, #tpu.memory_space<vmem>> -> memref<64xi32, #tpu.memory_space<vmem>>
    %dma_start3A_283 = arith.constant 0 : i32
    %dma_start3A_284 = arith.constant 0 : i32
    %dma_start3A_285 = tpu.memref_slice %arg2[%dma_start3A_283, %dma_start3A_284] : memref<10240x128xf32, #tpu.memory_space<hbm>> -> memref<10240x128xf32, #tpu.memory_space<hbm>>
    tpu.enqueue_indirect_dma source(%dma_start3A_285 : memref<10240x128xf32, #tpu.memory_space<hbm>>) target(%dma_start3A_279 : memref<64x128xf32, #tpu.memory_space<vmem>>) offsets(%dma_start3A_282 : memref<64xi32, #tpu.memory_space<vmem>>) semaphore(%arg17 : memref<!tpu.dma_semaphore, #tpu.memory_space<semaphore_mem>>)
    %dma_wait3A_286 = arith.constant 1 : i32
    %dma_wait3A_287 = arith.constant 0 : i32
    %dma_wait3A_288 = arith.constant 1 : i32
    %dma_wait3A_289 = arith.constant 0 : i32
    %dma_wait3A_290 = arith.constant 0 : i32
    %dma_wait3A_291 = tpu.memref_slice %arg7[%dma_wait3A_288, %dma_wait3A_289, %dma_wait3A_290] : memref<4x64x128xf32, #tpu.memory_space<vmem>> -> memref<1x64x128xf32, #tpu.memory_space<vmem>>
    %dma_wait3A_292 = tpu.memref_squeeze %dma_wait3A_291 : memref<1x64x128xf32, #tpu.memory_space<vmem>> -> memref<64x128xf32, #tpu.memory_space<vmem>>
    %dma_wait3A_293 = arith.constant 0 : i32
    %dma_wait3A_294 = tpu.memref_slice %arg6[%dma_wait3A_286, %dma_wait3A_287, %dma_wait3A_293] : memref<8x2x64xi32, #tpu.memory_space<vmem>> -> memref<1x1x64xi32, #tpu.memory_space<vmem>>
    %dma_wait3A_295 = tpu.memref_squeeze %dma_wait3A_294 : memref<1x1x64xi32, #tpu.memory_space<vmem>> -> memref<64xi32, #tpu.memory_space<vmem>>
    %dma_wait3A_296 = arith.constant 0 : i32
    %dma_wait3A_297 = arith.constant 0 : i32
    %dma_wait3A_298 = tpu.memref_slice %arg2[%dma_wait3A_296, %dma_wait3A_297] : memref<10240x128xf32, #tpu.memory_space<hbm>> -> memref<10240x128xf32, #tpu.memory_space<hbm>>
    tpu.wait_indirect_dma semaphore(%arg18 : memref<!tpu.dma_semaphore, #tpu.memory_space<semaphore_mem>>) src(%dma_wait3A_298 : memref<10240x128xf32, #tpu.memory_space<hbm>>) dst(%dma_wait3A_292 : memref<64x128xf32, #tpu.memory_space<vmem>>)
    %run_scoped3A_299 = arith.constant 1 : i32
    %run_scoped3A_300 = arith.constant 1 : i32
    %run_scoped3A_301 = arith.constant 1 : i32
    "tpu.region"() ({
      %run_scoped3A_494 = tpu.sem_alloc : memref<!tpu.dma_semaphore, #tpu.memory_space<semaphore_mem>>
      %dma_start3A_495 = arith.constant 0 : i32
      %dma_start3A_496 = arith.constant 0 : i32
      %dma_start3A_497 = tpu.memref_slice %arg7[%run_scoped3A_299, %dma_start3A_495, %dma_start3A_496] : memref<4x64x128xf32, #tpu.memory_space<vmem>> -> memref<1x64x128xf32, #tpu.memory_space<vmem>>
      %dma_start3A_498 = tpu.memref_squeeze %dma_start3A_497 : memref<1x64x128xf32, #tpu.memory_space<vmem>> -> memref<64x128xf32, #tpu.memory_space<vmem>>
      %dma_start3A_499 = arith.constant 0 : i32
      %dma_start3A_500 = tpu.memref_slice %arg6[%run_scoped3A_300, %run_scoped3A_301, %dma_start3A_499] : memref<8x2x64xi32, #tpu.memory_space<vmem>> -> memref<1x1x64xi32, #tpu.memory_space<vmem>>
      %dma_start3A_501 = tpu.memref_squeeze %dma_start3A_500 : memref<1x1x64xi32, #tpu.memory_space<vmem>> -> memref<64xi32, #tpu.memory_space<vmem>>
      %dma_start3A_502 = arith.constant 0 : i32
      %dma_start3A_503 = arith.constant 0 : i32
      %dma_start3A_504 = tpu.memref_slice %arg8[%dma_start3A_502, %dma_start3A_503] : memref<10240x128xf32, #tpu.memory_space<vmem_shared>> -> memref<10240x128xf32, #tpu.memory_space<vmem_shared>>
      tpu.enqueue_indirect_dma source(%dma_start3A_498 : memref<64x128xf32, #tpu.memory_space<vmem>>) target(%dma_start3A_504 : memref<10240x128xf32, #tpu.memory_space<vmem_shared>>) offsets(%dma_start3A_501 : memref<64xi32, #tpu.memory_space<vmem>>) semaphore(%run_scoped3A_494 : memref<!tpu.dma_semaphore, #tpu.memory_space<semaphore_mem>>) {add = true}
      %dma_wait3A_505 = arith.constant 0 : i32
      %dma_wait3A_506 = arith.constant 0 : i32
      %dma_wait3A_507 = tpu.memref_slice %arg7[%run_scoped3A_299, %dma_wait3A_505, %dma_wait3A_506] : memref<4x64x128xf32, #tpu.memory_space<vmem>> -> memref<1x64x128xf32, #tpu.memory_space<vmem>>
      %dma_wait3A_508 = tpu.memref_squeeze %dma_wait3A_507 : memref<1x64x128xf32, #tpu.memory_space<vmem>> -> memref<64x128xf32, #tpu.memory_space<vmem>>
      %dma_wait3A_509 = arith.constant 0 : i32
      %dma_wait3A_510 = tpu.memref_slice %arg6[%run_scoped3A_300, %run_scoped3A_301, %dma_wait3A_509] : memref<8x2x64xi32, #tpu.memory_space<vmem>> -> memref<1x1x64xi32, #tpu.memory_space<vmem>>
      %dma_wait3A_511 = tpu.memref_squeeze %dma_wait3A_510 : memref<1x1x64xi32, #tpu.memory_space<vmem>> -> memref<64xi32, #tpu.memory_space<vmem>>
      %dma_wait3A_512 = arith.constant 0 : i32
      %dma_wait3A_513 = arith.constant 0 : i32
      %dma_wait3A_514 = tpu.memref_slice %arg8[%dma_wait3A_512, %dma_wait3A_513] : memref<10240x128xf32, #tpu.memory_space<vmem_shared>> -> memref<10240x128xf32, #tpu.memory_space<vmem_shared>>
      tpu.wait_indirect_dma semaphore(%run_scoped3A_494 : memref<!tpu.dma_semaphore, #tpu.memory_space<semaphore_mem>>) src(%dma_wait3A_508 : memref<64x128xf32, #tpu.memory_space<vmem>>) dst(%dma_wait3A_514 : memref<10240x128xf32, #tpu.memory_space<vmem_shared>>)
      tpu.yield
    }) : () -> ()
    %dma_wait3A_302 = arith.constant 157 : i32
    %dma_wait3A_303 = arith.constant 5 : i32
    %dma_wait3A_304 = arith.constant 0 : i32
    %dma_wait3A_305 = arith.constant 0 : i32
    %dma_wait3A_306 = tpu.memref_slice %arg6[%dma_wait3A_303, %dma_wait3A_304, %dma_wait3A_305] : memref<8x2x64xi32, #tpu.memory_space<vmem>> -> memref<1x2x64xi32, #tpu.memory_space<vmem>>
    %dma_wait3A_307 = tpu.memref_squeeze %dma_wait3A_306 : memref<1x2x64xi32, #tpu.memory_space<vmem>> -> memref<2x64xi32, #tpu.memory_space<vmem>>
    %dma_wait3A_308 = arith.constant 0 : i32
    %dma_wait3A_309 = arith.constant 0 : i32
    %dma_wait3A_310 = tpu.memref_slice %arg3[%add3A, %dma_wait3A_302, %dma_wait3A_308, %dma_wait3A_309] : memref<32x160x2x64xi32, #tpu.memory_space<hbm>> -> memref<1x1x2x64xi32, #tpu.memory_space<hbm>>
    %dma_wait3A_311 = tpu.memref_squeeze %dma_wait3A_310 : memref<1x1x2x64xi32, #tpu.memory_space<hbm>> -> memref<2x64xi32, #tpu.memory_space<hbm>>
    %dma_wait3A_312 = arith.constant 0 : i32
    %dma_wait3A_313 = arith.constant 0 : i32
    %dma_wait3A_314 = tpu.memref_slice %arg6[%dma_wait3A_303, %dma_wait3A_312, %dma_wait3A_313] : memref<8x2x64xi32, #tpu.memory_space<vmem>> -> memref<1x2x64xi32, #tpu.memory_space<vmem>>
    %dma_wait3A_315 = tpu.memref_squeeze %dma_wait3A_314 : memref<1x2x64xi32, #tpu.memory_space<vmem>> -> memref<2x64xi32, #tpu.memory_space<vmem>>
    %dma_wait3A_316 = arith.constant 0 : i32
    %dma_wait3A_317 = arith.constant 0 : i32
    %dma_wait3A_318 = tpu.memref_slice %arg3[%add3A, %dma_wait3A_302, %dma_wait3A_316, %dma_wait3A_317] : memref<32x160x2x64xi32, #tpu.memory_space<hbm>> -> memref<1x1x2x64xi32, #tpu.memory_space<hbm>>
    %dma_wait3A_319 = tpu.memref_squeeze %dma_wait3A_318 : memref<1x1x2x64xi32, #tpu.memory_space<hbm>> -> memref<2x64xi32, #tpu.memory_space<hbm>>
    tpu.wait_dma2 semaphore(%arg14 : memref<!tpu.dma_semaphore, #tpu.memory_space<semaphore_mem>>) src(%dma_wait3A_319 : memref<2x64xi32, #tpu.memory_space<hbm>>) dst(%dma_wait3A_315 : memref<2x64xi32, #tpu.memory_space<vmem>>)
    %dma_start3A_320 = arith.constant 5 : i32
    %dma_start3A_321 = arith.constant 0 : i32
    %dma_start3A_322 = arith.constant 1 : i32
    %dma_start3A_323 = arith.constant 0 : i32
    %dma_start3A_324 = arith.constant 0 : i32
    %dma_start3A_325 = tpu.memref_slice %arg7[%dma_start3A_322, %dma_start3A_323, %dma_start3A_324] : memref<4x64x128xf32, #tpu.memory_space<vmem>> -> memref<1x64x128xf32, #tpu.memory_space<vmem>>
    %dma_start3A_326 = tpu.memref_squeeze %dma_start3A_325 : memref<1x64x128xf32, #tpu.memory_space<vmem>> -> memref<64x128xf32, #tpu.memory_space<vmem>>
    %dma_start3A_327 = arith.constant 0 : i32
    %dma_start3A_328 = tpu.memref_slice %arg6[%dma_start3A_320, %dma_start3A_321, %dma_start3A_327] : memref<8x2x64xi32, #tpu.memory_space<vmem>> -> memref<1x1x64xi32, #tpu.memory_space<vmem>>
    %dma_start3A_329 = tpu.memref_squeeze %dma_start3A_328 : memref<1x1x64xi32, #tpu.memory_space<vmem>> -> memref<64xi32, #tpu.memory_space<vmem>>
    %dma_start3A_330 = arith.constant 0 : i32
    %dma_start3A_331 = arith.constant 0 : i32
    %dma_start3A_332 = tpu.memref_slice %arg2[%dma_start3A_330, %dma_start3A_331] : memref<10240x128xf32, #tpu.memory_space<hbm>> -> memref<10240x128xf32, #tpu.memory_space<hbm>>
    tpu.enqueue_indirect_dma source(%dma_start3A_332 : memref<10240x128xf32, #tpu.memory_space<hbm>>) target(%dma_start3A_326 : memref<64x128xf32, #tpu.memory_space<vmem>>) offsets(%dma_start3A_329 : memref<64xi32, #tpu.memory_space<vmem>>) semaphore(%arg18 : memref<!tpu.dma_semaphore, #tpu.memory_space<semaphore_mem>>)
    %dma_wait3A_333 = arith.constant 2 : i32
    %dma_wait3A_334 = arith.constant 0 : i32
    %dma_wait3A_335 = arith.constant 2 : i32
    %dma_wait3A_336 = arith.constant 0 : i32
    %dma_wait3A_337 = arith.constant 0 : i32
    %dma_wait3A_338 = tpu.memref_slice %arg7[%dma_wait3A_335, %dma_wait3A_336, %dma_wait3A_337] : memref<4x64x128xf32, #tpu.memory_space<vmem>> -> memref<1x64x128xf32, #tpu.memory_space<vmem>>
    %dma_wait3A_339 = tpu.memref_squeeze %dma_wait3A_338 : memref<1x64x128xf32, #tpu.memory_space<vmem>> -> memref<64x128xf32, #tpu.memory_space<vmem>>
    %dma_wait3A_340 = arith.constant 0 : i32
    %dma_wait3A_341 = tpu.memref_slice %arg6[%dma_wait3A_333, %dma_wait3A_334, %dma_wait3A_340] : memref<8x2x64xi32, #tpu.memory_space<vmem>> -> memref<1x1x64xi32, #tpu.memory_space<vmem>>
    %dma_wait3A_342 = tpu.memref_squeeze %dma_wait3A_341 : memref<1x1x64xi32, #tpu.memory_space<vmem>> -> memref<64xi32, #tpu.memory_space<vmem>>
    %dma_wait3A_343 = arith.constant 0 : i32
    %dma_wait3A_344 = arith.constant 0 : i32
    %dma_wait3A_345 = tpu.memref_slice %arg2[%dma_wait3A_343, %dma_wait3A_344] : memref<10240x128xf32, #tpu.memory_space<hbm>> -> memref<10240x128xf32, #tpu.memory_space<hbm>>
    tpu.wait_indirect_dma semaphore(%arg19 : memref<!tpu.dma_semaphore, #tpu.memory_space<semaphore_mem>>) src(%dma_wait3A_345 : memref<10240x128xf32, #tpu.memory_space<hbm>>) dst(%dma_wait3A_339 : memref<64x128xf32, #tpu.memory_space<vmem>>)
    %run_scoped3A_346 = arith.constant 2 : i32
    %run_scoped3A_347 = arith.constant 2 : i32
    %run_scoped3A_348 = arith.constant 1 : i32
    "tpu.region"() ({
      %run_scoped3A_494 = tpu.sem_alloc : memref<!tpu.dma_semaphore, #tpu.memory_space<semaphore_mem>>
      %dma_start3A_495 = arith.constant 0 : i32
      %dma_start3A_496 = arith.constant 0 : i32
      %dma_start3A_497 = tpu.memref_slice %arg7[%run_scoped3A_346, %dma_start3A_495, %dma_start3A_496] : memref<4x64x128xf32, #tpu.memory_space<vmem>> -> memref<1x64x128xf32, #tpu.memory_space<vmem>>
      %dma_start3A_498 = tpu.memref_squeeze %dma_start3A_497 : memref<1x64x128xf32, #tpu.memory_space<vmem>> -> memref<64x128xf32, #tpu.memory_space<vmem>>
      %dma_start3A_499 = arith.constant 0 : i32
      %dma_start3A_500 = tpu.memref_slice %arg6[%run_scoped3A_347, %run_scoped3A_348, %dma_start3A_499] : memref<8x2x64xi32, #tpu.memory_space<vmem>> -> memref<1x1x64xi32, #tpu.memory_space<vmem>>
      %dma_start3A_501 = tpu.memref_squeeze %dma_start3A_500 : memref<1x1x64xi32, #tpu.memory_space<vmem>> -> memref<64xi32, #tpu.memory_space<vmem>>
      %dma_start3A_502 = arith.constant 0 : i32
      %dma_start3A_503 = arith.constant 0 : i32
      %dma_start3A_504 = tpu.memref_slice %arg8[%dma_start3A_502, %dma_start3A_503] : memref<10240x128xf32, #tpu.memory_space<vmem_shared>> -> memref<10240x128xf32, #tpu.memory_space<vmem_shared>>
      tpu.enqueue_indirect_dma source(%dma_start3A_498 : memref<64x128xf32, #tpu.memory_space<vmem>>) target(%dma_start3A_504 : memref<10240x128xf32, #tpu.memory_space<vmem_shared>>) offsets(%dma_start3A_501 : memref<64xi32, #tpu.memory_space<vmem>>) semaphore(%run_scoped3A_494 : memref<!tpu.dma_semaphore, #tpu.memory_space<semaphore_mem>>) {add = true}
      %dma_wait3A_505 = arith.constant 0 : i32
      %dma_wait3A_506 = arith.constant 0 : i32
      %dma_wait3A_507 = tpu.memref_slice %arg7[%run_scoped3A_346, %dma_wait3A_505, %dma_wait3A_506] : memref<4x64x128xf32, #tpu.memory_space<vmem>> -> memref<1x64x128xf32, #tpu.memory_space<vmem>>
      %dma_wait3A_508 = tpu.memref_squeeze %dma_wait3A_507 : memref<1x64x128xf32, #tpu.memory_space<vmem>> -> memref<64x128xf32, #tpu.memory_space<vmem>>
      %dma_wait3A_509 = arith.constant 0 : i32
      %dma_wait3A_510 = tpu.memref_slice %arg6[%run_scoped3A_347, %run_scoped3A_348, %dma_wait3A_509] : memref<8x2x64xi32, #tpu.memory_space<vmem>> -> memref<1x1x64xi32, #tpu.memory_space<vmem>>
      %dma_wait3A_511 = tpu.memref_squeeze %dma_wait3A_510 : memref<1x1x64xi32, #tpu.memory_space<vmem>> -> memref<64xi32, #tpu.memory_space<vmem>>
      %dma_wait3A_512 = arith.constant 0 : i32
      %dma_wait3A_513 = arith.constant 0 : i32
      %dma_wait3A_514 = tpu.memref_slice %arg8[%dma_wait3A_512, %dma_wait3A_513] : memref<10240x128xf32, #tpu.memory_space<vmem_shared>> -> memref<10240x128xf32, #tpu.memory_space<vmem_shared>>
      tpu.wait_indirect_dma semaphore(%run_scoped3A_494 : memref<!tpu.dma_semaphore, #tpu.memory_space<semaphore_mem>>) src(%dma_wait3A_508 : memref<64x128xf32, #tpu.memory_space<vmem>>) dst(%dma_wait3A_514 : memref<10240x128xf32, #tpu.memory_space<vmem_shared>>)
      tpu.yield
    }) : () -> ()
    %dma_wait3A_349 = arith.constant 158 : i32
    %dma_wait3A_350 = arith.constant 6 : i32
    %dma_wait3A_351 = arith.constant 0 : i32
    %dma_wait3A_352 = arith.constant 0 : i32
    %dma_wait3A_353 = tpu.memref_slice %arg6[%dma_wait3A_350, %dma_wait3A_351, %dma_wait3A_352] : memref<8x2x64xi32, #tpu.memory_space<vmem>> -> memref<1x2x64xi32, #tpu.memory_space<vmem>>
    %dma_wait3A_354 = tpu.memref_squeeze %dma_wait3A_353 : memref<1x2x64xi32, #tpu.memory_space<vmem>> -> memref<2x64xi32, #tpu.memory_space<vmem>>
    %dma_wait3A_355 = arith.constant 0 : i32
    %dma_wait3A_356 = arith.constant 0 : i32
    %dma_wait3A_357 = tpu.memref_slice %arg3[%add3A, %dma_wait3A_349, %dma_wait3A_355, %dma_wait3A_356] : memref<32x160x2x64xi32, #tpu.memory_space<hbm>> -> memref<1x1x2x64xi32, #tpu.memory_space<hbm>>
    %dma_wait3A_358 = tpu.memref_squeeze %dma_wait3A_357 : memref<1x1x2x64xi32, #tpu.memory_space<hbm>> -> memref<2x64xi32, #tpu.memory_space<hbm>>
    %dma_wait3A_359 = arith.constant 0 : i32
    %dma_wait3A_360 = arith.constant 0 : i32
    %dma_wait3A_361 = tpu.memref_slice %arg6[%dma_wait3A_350, %dma_wait3A_359, %dma_wait3A_360] : memref<8x2x64xi32, #tpu.memory_space<vmem>> -> memref<1x2x64xi32, #tpu.memory_space<vmem>>
    %dma_wait3A_362 = tpu.memref_squeeze %dma_wait3A_361 : memref<1x2x64xi32, #tpu.memory_space<vmem>> -> memref<2x64xi32, #tpu.memory_space<vmem>>
    %dma_wait3A_363 = arith.constant 0 : i32
    %dma_wait3A_364 = arith.constant 0 : i32
    %dma_wait3A_365 = tpu.memref_slice %arg3[%add3A, %dma_wait3A_349, %dma_wait3A_363, %dma_wait3A_364] : memref<32x160x2x64xi32, #tpu.memory_space<hbm>> -> memref<1x1x2x64xi32, #tpu.memory_space<hbm>>
    %dma_wait3A_366 = tpu.memref_squeeze %dma_wait3A_365 : memref<1x1x2x64xi32, #tpu.memory_space<hbm>> -> memref<2x64xi32, #tpu.memory_space<hbm>>
    tpu.wait_dma2 semaphore(%arg15 : memref<!tpu.dma_semaphore, #tpu.memory_space<semaphore_mem>>) src(%dma_wait3A_366 : memref<2x64xi32, #tpu.memory_space<hbm>>) dst(%dma_wait3A_362 : memref<2x64xi32, #tpu.memory_space<vmem>>)
    %dma_start3A_367 = arith.constant 6 : i32
    %dma_start3A_368 = arith.constant 0 : i32
    %dma_start3A_369 = arith.constant 2 : i32
    %dma_start3A_370 = arith.constant 0 : i32
    %dma_start3A_371 = arith.constant 0 : i32
    %dma_start3A_372 = tpu.memref_slice %arg7[%dma_start3A_369, %dma_start3A_370, %dma_start3A_371] : memref<4x64x128xf32, #tpu.memory_space<vmem>> -> memref<1x64x128xf32, #tpu.memory_space<vmem>>
    %dma_start3A_373 = tpu.memref_squeeze %dma_start3A_372 : memref<1x64x128xf32, #tpu.memory_space<vmem>> -> memref<64x128xf32, #tpu.memory_space<vmem>>
    %dma_start3A_374 = arith.constant 0 : i32
    %dma_start3A_375 = tpu.memref_slice %arg6[%dma_start3A_367, %dma_start3A_368, %dma_start3A_374] : memref<8x2x64xi32, #tpu.memory_space<vmem>> -> memref<1x1x64xi32, #tpu.memory_space<vmem>>
    %dma_start3A_376 = tpu.memref_squeeze %dma_start3A_375 : memref<1x1x64xi32, #tpu.memory_space<vmem>> -> memref<64xi32, #tpu.memory_space<vmem>>
    %dma_start3A_377 = arith.constant 0 : i32
    %dma_start3A_378 = arith.constant 0 : i32
    %dma_start3A_379 = tpu.memref_slice %arg2[%dma_start3A_377, %dma_start3A_378] : memref<10240x128xf32, #tpu.memory_space<hbm>> -> memref<10240x128xf32, #tpu.memory_space<hbm>>
    tpu.enqueue_indirect_dma source(%dma_start3A_379 : memref<10240x128xf32, #tpu.memory_space<hbm>>) target(%dma_start3A_373 : memref<64x128xf32, #tpu.memory_space<vmem>>) offsets(%dma_start3A_376 : memref<64xi32, #tpu.memory_space<vmem>>) semaphore(%arg19 : memref<!tpu.dma_semaphore, #tpu.memory_space<semaphore_mem>>)
    %dma_wait3A_380 = arith.constant 3 : i32
    %dma_wait3A_381 = arith.constant 0 : i32
    %dma_wait3A_382 = arith.constant 3 : i32
    %dma_wait3A_383 = arith.constant 0 : i32
    %dma_wait3A_384 = arith.constant 0 : i32
    %dma_wait3A_385 = tpu.memref_slice %arg7[%dma_wait3A_382, %dma_wait3A_383, %dma_wait3A_384] : memref<4x64x128xf32, #tpu.memory_space<vmem>> -> memref<1x64x128xf32, #tpu.memory_space<vmem>>
    %dma_wait3A_386 = tpu.memref_squeeze %dma_wait3A_385 : memref<1x64x128xf32, #tpu.memory_space<vmem>> -> memref<64x128xf32, #tpu.memory_space<vmem>>
    %dma_wait3A_387 = arith.constant 0 : i32
    %dma_wait3A_388 = tpu.memref_slice %arg6[%dma_wait3A_380, %dma_wait3A_381, %dma_wait3A_387] : memref<8x2x64xi32, #tpu.memory_space<vmem>> -> memref<1x1x64xi32, #tpu.memory_space<vmem>>
    %dma_wait3A_389 = tpu.memref_squeeze %dma_wait3A_388 : memref<1x1x64xi32, #tpu.memory_space<vmem>> -> memref<64xi32, #tpu.memory_space<vmem>>
    %dma_wait3A_390 = arith.constant 0 : i32
    %dma_wait3A_391 = arith.constant 0 : i32
    %dma_wait3A_392 = tpu.memref_slice %arg2[%dma_wait3A_390, %dma_wait3A_391] : memref<10240x128xf32, #tpu.memory_space<hbm>> -> memref<10240x128xf32, #tpu.memory_space<hbm>>
    tpu.wait_indirect_dma semaphore(%arg20 : memref<!tpu.dma_semaphore, #tpu.memory_space<semaphore_mem>>) src(%dma_wait3A_392 : memref<10240x128xf32, #tpu.memory_space<hbm>>) dst(%dma_wait3A_386 : memref<64x128xf32, #tpu.memory_space<vmem>>)
    %run_scoped3A_393 = arith.constant 3 : i32
    %run_scoped3A_394 = arith.constant 3 : i32
    %run_scoped3A_395 = arith.constant 1 : i32
    "tpu.region"() ({
      %run_scoped3A_494 = tpu.sem_alloc : memref<!tpu.dma_semaphore, #tpu.memory_space<semaphore_mem>>
      %dma_start3A_495 = arith.constant 0 : i32
      %dma_start3A_496 = arith.constant 0 : i32
      %dma_start3A_497 = tpu.memref_slice %arg7[%run_scoped3A_393, %dma_start3A_495, %dma_start3A_496] : memref<4x64x128xf32, #tpu.memory_space<vmem>> -> memref<1x64x128xf32, #tpu.memory_space<vmem>>
      %dma_start3A_498 = tpu.memref_squeeze %dma_start3A_497 : memref<1x64x128xf32, #tpu.memory_space<vmem>> -> memref<64x128xf32, #tpu.memory_space<vmem>>
      %dma_start3A_499 = arith.constant 0 : i32
      %dma_start3A_500 = tpu.memref_slice %arg6[%run_scoped3A_394, %run_scoped3A_395, %dma_start3A_499] : memref<8x2x64xi32, #tpu.memory_space<vmem>> -> memref<1x1x64xi32, #tpu.memory_space<vmem>>
      %dma_start3A_501 = tpu.memref_squeeze %dma_start3A_500 : memref<1x1x64xi32, #tpu.memory_space<vmem>> -> memref<64xi32, #tpu.memory_space<vmem>>
      %dma_start3A_502 = arith.constant 0 : i32
      %dma_start3A_503 = arith.constant 0 : i32
      %dma_start3A_504 = tpu.memref_slice %arg8[%dma_start3A_502, %dma_start3A_503] : memref<10240x128xf32, #tpu.memory_space<vmem_shared>> -> memref<10240x128xf32, #tpu.memory_space<vmem_shared>>
      tpu.enqueue_indirect_dma source(%dma_start3A_498 : memref<64x128xf32, #tpu.memory_space<vmem>>) target(%dma_start3A_504 : memref<10240x128xf32, #tpu.memory_space<vmem_shared>>) offsets(%dma_start3A_501 : memref<64xi32, #tpu.memory_space<vmem>>) semaphore(%run_scoped3A_494 : memref<!tpu.dma_semaphore, #tpu.memory_space<semaphore_mem>>) {add = true}
      %dma_wait3A_505 = arith.constant 0 : i32
      %dma_wait3A_506 = arith.constant 0 : i32
      %dma_wait3A_507 = tpu.memref_slice %arg7[%run_scoped3A_393, %dma_wait3A_505, %dma_wait3A_506] : memref<4x64x128xf32, #tpu.memory_space<vmem>> -> memref<1x64x128xf32, #tpu.memory_space<vmem>>
      %dma_wait3A_508 = tpu.memref_squeeze %dma_wait3A_507 : memref<1x64x128xf32, #tpu.memory_space<vmem>> -> memref<64x128xf32, #tpu.memory_space<vmem>>
      %dma_wait3A_509 = arith.constant 0 : i32
      %dma_wait3A_510 = tpu.memref_slice %arg6[%run_scoped3A_394, %run_scoped3A_395, %dma_wait3A_509] : memref<8x2x64xi32, #tpu.memory_space<vmem>> -> memref<1x1x64xi32, #tpu.memory_space<vmem>>
      %dma_wait3A_511 = tpu.memref_squeeze %dma_wait3A_510 : memref<1x1x64xi32, #tpu.memory_space<vmem>> -> memref<64xi32, #tpu.memory_space<vmem>>
      %dma_wait3A_512 = arith.constant 0 : i32
      %dma_wait3A_513 = arith.constant 0 : i32
      %dma_wait3A_514 = tpu.memref_slice %arg8[%dma_wait3A_512, %dma_wait3A_513] : memref<10240x128xf32, #tpu.memory_space<vmem_shared>> -> memref<10240x128xf32, #tpu.memory_space<vmem_shared>>
      tpu.wait_indirect_dma semaphore(%run_scoped3A_494 : memref<!tpu.dma_semaphore, #tpu.memory_space<semaphore_mem>>) src(%dma_wait3A_508 : memref<64x128xf32, #tpu.memory_space<vmem>>) dst(%dma_wait3A_514 : memref<10240x128xf32, #tpu.memory_space<vmem_shared>>)
      tpu.yield
    }) : () -> ()
    %dma_wait3A_396 = arith.constant 159 : i32
    %dma_wait3A_397 = arith.constant 7 : i32
    %dma_wait3A_398 = arith.constant 0 : i32
    %dma_wait3A_399 = arith.constant 0 : i32
    %dma_wait3A_400 = tpu.memref_slice %arg6[%dma_wait3A_397, %dma_wait3A_398, %dma_wait3A_399] : memref<8x2x64xi32, #tpu.memory_space<vmem>> -> memref<1x2x64xi32, #tpu.memory_space<vmem>>
    %dma_wait3A_401 = tpu.memref_squeeze %dma_wait3A_400 : memref<1x2x64xi32, #tpu.memory_space<vmem>> -> memref<2x64xi32, #tpu.memory_space<vmem>>
    %dma_wait3A_402 = arith.constant 0 : i32
    %dma_wait3A_403 = arith.constant 0 : i32
    %dma_wait3A_404 = tpu.memref_slice %arg3[%add3A, %dma_wait3A_396, %dma_wait3A_402, %dma_wait3A_403] : memref<32x160x2x64xi32, #tpu.memory_space<hbm>> -> memref<1x1x2x64xi32, #tpu.memory_space<hbm>>
    %dma_wait3A_405 = tpu.memref_squeeze %dma_wait3A_404 : memref<1x1x2x64xi32, #tpu.memory_space<hbm>> -> memref<2x64xi32, #tpu.memory_space<hbm>>
    %dma_wait3A_406 = arith.constant 0 : i32
    %dma_wait3A_407 = arith.constant 0 : i32
    %dma_wait3A_408 = tpu.memref_slice %arg6[%dma_wait3A_397, %dma_wait3A_406, %dma_wait3A_407] : memref<8x2x64xi32, #tpu.memory_space<vmem>> -> memref<1x2x64xi32, #tpu.memory_space<vmem>>
    %dma_wait3A_409 = tpu.memref_squeeze %dma_wait3A_408 : memref<1x2x64xi32, #tpu.memory_space<vmem>> -> memref<2x64xi32, #tpu.memory_space<vmem>>
    %dma_wait3A_410 = arith.constant 0 : i32
    %dma_wait3A_411 = arith.constant 0 : i32
    %dma_wait3A_412 = tpu.memref_slice %arg3[%add3A, %dma_wait3A_396, %dma_wait3A_410, %dma_wait3A_411] : memref<32x160x2x64xi32, #tpu.memory_space<hbm>> -> memref<1x1x2x64xi32, #tpu.memory_space<hbm>>
    %dma_wait3A_413 = tpu.memref_squeeze %dma_wait3A_412 : memref<1x1x2x64xi32, #tpu.memory_space<hbm>> -> memref<2x64xi32, #tpu.memory_space<hbm>>
    tpu.wait_dma2 semaphore(%arg16 : memref<!tpu.dma_semaphore, #tpu.memory_space<semaphore_mem>>) src(%dma_wait3A_413 : memref<2x64xi32, #tpu.memory_space<hbm>>) dst(%dma_wait3A_409 : memref<2x64xi32, #tpu.memory_space<vmem>>)
    %dma_start3A_414 = arith.constant 7 : i32
    %dma_start3A_415 = arith.constant 0 : i32
    %dma_start3A_416 = arith.constant 3 : i32
    %dma_start3A_417 = arith.constant 0 : i32
    %dma_start3A_418 = arith.constant 0 : i32
    %dma_start3A_419 = tpu.memref_slice %arg7[%dma_start3A_416, %dma_start3A_417, %dma_start3A_418] : memref<4x64x128xf32, #tpu.memory_space<vmem>> -> memref<1x64x128xf32, #tpu.memory_space<vmem>>
    %dma_start3A_420 = tpu.memref_squeeze %dma_start3A_419 : memref<1x64x128xf32, #tpu.memory_space<vmem>> -> memref<64x128xf32, #tpu.memory_space<vmem>>
    %dma_start3A_421 = arith.constant 0 : i32
    %dma_start3A_422 = tpu.memref_slice %arg6[%dma_start3A_414, %dma_start3A_415, %dma_start3A_421] : memref<8x2x64xi32, #tpu.memory_space<vmem>> -> memref<1x1x64xi32, #tpu.memory_space<vmem>>
    %dma_start3A_423 = tpu.memref_squeeze %dma_start3A_422 : memref<1x1x64xi32, #tpu.memory_space<vmem>> -> memref<64xi32, #tpu.memory_space<vmem>>
    %dma_start3A_424 = arith.constant 0 : i32
    %dma_start3A_425 = arith.constant 0 : i32
    %dma_start3A_426 = tpu.memref_slice %arg2[%dma_start3A_424, %dma_start3A_425] : memref<10240x128xf32, #tpu.memory_space<hbm>> -> memref<10240x128xf32, #tpu.memory_space<hbm>>
    tpu.enqueue_indirect_dma source(%dma_start3A_426 : memref<10240x128xf32, #tpu.memory_space<hbm>>) target(%dma_start3A_420 : memref<64x128xf32, #tpu.memory_space<vmem>>) offsets(%dma_start3A_423 : memref<64xi32, #tpu.memory_space<vmem>>) semaphore(%arg20 : memref<!tpu.dma_semaphore, #tpu.memory_space<semaphore_mem>>)
    %dma_wait3A_427 = arith.constant 4 : i32
    %dma_wait3A_428 = arith.constant 0 : i32
    %dma_wait3A_429 = arith.constant 0 : i32
    %dma_wait3A_430 = arith.constant 0 : i32
    %dma_wait3A_431 = arith.constant 0 : i32
    %dma_wait3A_432 = tpu.memref_slice %arg7[%dma_wait3A_429, %dma_wait3A_430, %dma_wait3A_431] : memref<4x64x128xf32, #tpu.memory_space<vmem>> -> memref<1x64x128xf32, #tpu.memory_space<vmem>>
    %dma_wait3A_433 = tpu.memref_squeeze %dma_wait3A_432 : memref<1x64x128xf32, #tpu.memory_space<vmem>> -> memref<64x128xf32, #tpu.memory_space<vmem>>
    %dma_wait3A_434 = arith.constant 0 : i32
    %dma_wait3A_435 = tpu.memref_slice %arg6[%dma_wait3A_427, %dma_wait3A_428, %dma_wait3A_434] : memref<8x2x64xi32, #tpu.memory_space<vmem>> -> memref<1x1x64xi32, #tpu.memory_space<vmem>>
    %dma_wait3A_436 = tpu.memref_squeeze %dma_wait3A_435 : memref<1x1x64xi32, #tpu.memory_space<vmem>> -> memref<64xi32, #tpu.memory_space<vmem>>
    %dma_wait3A_437 = arith.constant 0 : i32
    %dma_wait3A_438 = arith.constant 0 : i32
    %dma_wait3A_439 = tpu.memref_slice %arg2[%dma_wait3A_437, %dma_wait3A_438] : memref<10240x128xf32, #tpu.memory_space<hbm>> -> memref<10240x128xf32, #tpu.memory_space<hbm>>
    tpu.wait_indirect_dma semaphore(%arg17 : memref<!tpu.dma_semaphore, #tpu.memory_space<semaphore_mem>>) src(%dma_wait3A_439 : memref<10240x128xf32, #tpu.memory_space<hbm>>) dst(%dma_wait3A_433 : memref<64x128xf32, #tpu.memory_space<vmem>>)
    %run_scoped3A_440 = arith.constant 0 : i32
    %run_scoped3A_441 = arith.constant 4 : i32
    %run_scoped3A_442 = arith.constant 1 : i32
    "tpu.region"() ({
      %run_scoped3A_494 = tpu.sem_alloc : memref<!tpu.dma_semaphore, #tpu.memory_space<semaphore_mem>>
      %dma_start3A_495 = arith.constant 0 : i32
      %dma_start3A_496 = arith.constant 0 : i32
      %dma_start3A_497 = tpu.memref_slice %arg7[%run_scoped3A_440, %dma_start3A_495, %dma_start3A_496] : memref<4x64x128xf32, #tpu.memory_space<vmem>> -> memref<1x64x128xf32, #tpu.memory_space<vmem>>
      %dma_start3A_498 = tpu.memref_squeeze %dma_start3A_497 : memref<1x64x128xf32, #tpu.memory_space<vmem>> -> memref<64x128xf32, #tpu.memory_space<vmem>>
      %dma_start3A_499 = arith.constant 0 : i32
      %dma_start3A_500 = tpu.memref_slice %arg6[%run_scoped3A_441, %run_scoped3A_442, %dma_start3A_499] : memref<8x2x64xi32, #tpu.memory_space<vmem>> -> memref<1x1x64xi32, #tpu.memory_space<vmem>>
      %dma_start3A_501 = tpu.memref_squeeze %dma_start3A_500 : memref<1x1x64xi32, #tpu.memory_space<vmem>> -> memref<64xi32, #tpu.memory_space<vmem>>
      %dma_start3A_502 = arith.constant 0 : i32
      %dma_start3A_503 = arith.constant 0 : i32
      %dma_start3A_504 = tpu.memref_slice %arg8[%dma_start3A_502, %dma_start3A_503] : memref<10240x128xf32, #tpu.memory_space<vmem_shared>> -> memref<10240x128xf32, #tpu.memory_space<vmem_shared>>
      tpu.enqueue_indirect_dma source(%dma_start3A_498 : memref<64x128xf32, #tpu.memory_space<vmem>>) target(%dma_start3A_504 : memref<10240x128xf32, #tpu.memory_space<vmem_shared>>) offsets(%dma_start3A_501 : memref<64xi32, #tpu.memory_space<vmem>>) semaphore(%run_scoped3A_494 : memref<!tpu.dma_semaphore, #tpu.memory_space<semaphore_mem>>) {add = true}
      %dma_wait3A_505 = arith.constant 0 : i32
      %dma_wait3A_506 = arith.constant 0 : i32
      %dma_wait3A_507 = tpu.memref_slice %arg7[%run_scoped3A_440, %dma_wait3A_505, %dma_wait3A_506] : memref<4x64x128xf32, #tpu.memory_space<vmem>> -> memref<1x64x128xf32, #tpu.memory_space<vmem>>
      %dma_wait3A_508 = tpu.memref_squeeze %dma_wait3A_507 : memref<1x64x128xf32, #tpu.memory_space<vmem>> -> memref<64x128xf32, #tpu.memory_space<vmem>>
      %dma_wait3A_509 = arith.constant 0 : i32
      %dma_wait3A_510 = tpu.memref_slice %arg6[%run_scoped3A_441, %run_scoped3A_442, %dma_wait3A_509] : memref<8x2x64xi32, #tpu.memory_space<vmem>> -> memref<1x1x64xi32, #tpu.memory_space<vmem>>
      %dma_wait3A_511 = tpu.memref_squeeze %dma_wait3A_510 : memref<1x1x64xi32, #tpu.memory_space<vmem>> -> memref<64xi32, #tpu.memory_space<vmem>>
      %dma_wait3A_512 = arith.constant 0 : i32
      %dma_wait3A_513 = arith.constant 0 : i32
      %dma_wait3A_514 = tpu.memref_slice %arg8[%dma_wait3A_512, %dma_wait3A_513] : memref<10240x128xf32, #tpu.memory_space<vmem_shared>> -> memref<10240x128xf32, #tpu.memory_space<vmem_shared>>
      tpu.wait_indirect_dma semaphore(%run_scoped3A_494 : memref<!tpu.dma_semaphore, #tpu.memory_space<semaphore_mem>>) src(%dma_wait3A_508 : memref<64x128xf32, #tpu.memory_space<vmem>>) dst(%dma_wait3A_514 : memref<10240x128xf32, #tpu.memory_space<vmem_shared>>)
      tpu.yield
    }) : () -> ()
    %dma_wait3A_443 = arith.constant 5 : i32
    %dma_wait3A_444 = arith.constant 0 : i32
    %dma_wait3A_445 = arith.constant 1 : i32
    %dma_wait3A_446 = arith.constant 0 : i32
    %dma_wait3A_447 = arith.constant 0 : i32
    %dma_wait3A_448 = tpu.memref_slice %arg7[%dma_wait3A_445, %dma_wait3A_446, %dma_wait3A_447] : memref<4x64x128xf32, #tpu.memory_space<vmem>> -> memref<1x64x128xf32, #tpu.memory_space<vmem>>
    %dma_wait3A_449 = tpu.memref_squeeze %dma_wait3A_448 : memref<1x64x128xf32, #tpu.memory_space<vmem>> -> memref<64x128xf32, #tpu.memory_space<vmem>>
    %dma_wait3A_450 = arith.constant 0 : i32
    %dma_wait3A_451 = tpu.memref_slice %arg6[%dma_wait3A_443, %dma_wait3A_444, %dma_wait3A_450] : memref<8x2x64xi32, #tpu.memory_space<vmem>> -> memref<1x1x64xi32, #tpu.memory_space<vmem>>
    %dma_wait3A_452 = tpu.memref_squeeze %dma_wait3A_451 : memref<1x1x64xi32, #tpu.memory_space<vmem>> -> memref<64xi32, #tpu.memory_space<vmem>>
    %dma_wait3A_453 = arith.constant 0 : i32
    %dma_wait3A_454 = arith.constant 0 : i32
    %dma_wait3A_455 = tpu.memref_slice %arg2[%dma_wait3A_453, %dma_wait3A_454] : memref<10240x128xf32, #tpu.memory_space<hbm>> -> memref<10240x128xf32, #tpu.memory_space<hbm>>
    tpu.wait_indirect_dma semaphore(%arg18 : memref<!tpu.dma_semaphore, #tpu.memory_space<semaphore_mem>>) src(%dma_wait3A_455 : memref<10240x128xf32, #tpu.memory_space<hbm>>) dst(%dma_wait3A_449 : memref<64x128xf32, #tpu.memory_space<vmem>>)
    %run_scoped3A_456 = arith.constant 1 : i32
    %run_scoped3A_457 = arith.constant 5 : i32
    %run_scoped3A_458 = arith.constant 1 : i32
    "tpu.region"() ({
      %run_scoped3A_494 = tpu.sem_alloc : memref<!tpu.dma_semaphore, #tpu.memory_space<semaphore_mem>>
      %dma_start3A_495 = arith.constant 0 : i32
      %dma_start3A_496 = arith.constant 0 : i32
      %dma_start3A_497 = tpu.memref_slice %arg7[%run_scoped3A_456, %dma_start3A_495, %dma_start3A_496] : memref<4x64x128xf32, #tpu.memory_space<vmem>> -> memref<1x64x128xf32, #tpu.memory_space<vmem>>
      %dma_start3A_498 = tpu.memref_squeeze %dma_start3A_497 : memref<1x64x128xf32, #tpu.memory_space<vmem>> -> memref<64x128xf32, #tpu.memory_space<vmem>>
      %dma_start3A_499 = arith.constant 0 : i32
      %dma_start3A_500 = tpu.memref_slice %arg6[%run_scoped3A_457, %run_scoped3A_458, %dma_start3A_499] : memref<8x2x64xi32, #tpu.memory_space<vmem>> -> memref<1x1x64xi32, #tpu.memory_space<vmem>>
      %dma_start3A_501 = tpu.memref_squeeze %dma_start3A_500 : memref<1x1x64xi32, #tpu.memory_space<vmem>> -> memref<64xi32, #tpu.memory_space<vmem>>
      %dma_start3A_502 = arith.constant 0 : i32
      %dma_start3A_503 = arith.constant 0 : i32
      %dma_start3A_504 = tpu.memref_slice %arg8[%dma_start3A_502, %dma_start3A_503] : memref<10240x128xf32, #tpu.memory_space<vmem_shared>> -> memref<10240x128xf32, #tpu.memory_space<vmem_shared>>
      tpu.enqueue_indirect_dma source(%dma_start3A_498 : memref<64x128xf32, #tpu.memory_space<vmem>>) target(%dma_start3A_504 : memref<10240x128xf32, #tpu.memory_space<vmem_shared>>) offsets(%dma_start3A_501 : memref<64xi32, #tpu.memory_space<vmem>>) semaphore(%run_scoped3A_494 : memref<!tpu.dma_semaphore, #tpu.memory_space<semaphore_mem>>) {add = true}
      %dma_wait3A_505 = arith.constant 0 : i32
      %dma_wait3A_506 = arith.constant 0 : i32
      %dma_wait3A_507 = tpu.memref_slice %arg7[%run_scoped3A_456, %dma_wait3A_505, %dma_wait3A_506] : memref<4x64x128xf32, #tpu.memory_space<vmem>> -> memref<1x64x128xf32, #tpu.memory_space<vmem>>
      %dma_wait3A_508 = tpu.memref_squeeze %dma_wait3A_507 : memref<1x64x128xf32, #tpu.memory_space<vmem>> -> memref<64x128xf32, #tpu.memory_space<vmem>>
      %dma_wait3A_509 = arith.constant 0 : i32
      %dma_wait3A_510 = tpu.memref_slice %arg6[%run_scoped3A_457, %run_scoped3A_458, %dma_wait3A_509] : memref<8x2x64xi32, #tpu.memory_space<vmem>> -> memref<1x1x64xi32, #tpu.memory_space<vmem>>
      %dma_wait3A_511 = tpu.memref_squeeze %dma_wait3A_510 : memref<1x1x64xi32, #tpu.memory_space<vmem>> -> memref<64xi32, #tpu.memory_space<vmem>>
      %dma_wait3A_512 = arith.constant 0 : i32
      %dma_wait3A_513 = arith.constant 0 : i32
      %dma_wait3A_514 = tpu.memref_slice %arg8[%dma_wait3A_512, %dma_wait3A_513] : memref<10240x128xf32, #tpu.memory_space<vmem_shared>> -> memref<10240x128xf32, #tpu.memory_space<vmem_shared>>
      tpu.wait_indirect_dma semaphore(%run_scoped3A_494 : memref<!tpu.dma_semaphore, #tpu.memory_space<semaphore_mem>>) src(%dma_wait3A_508 : memref<64x128xf32, #tpu.memory_space<vmem>>) dst(%dma_wait3A_514 : memref<10240x128xf32, #tpu.memory_space<vmem_shared>>)
      tpu.yield
    }) : () -> ()
    %dma_wait3A_459 = arith.constant 6 : i32
    %dma_wait3A_460 = arith.constant 0 : i32
    %dma_wait3A_461 = arith.constant 2 : i32
    %dma_wait3A_462 = arith.constant 0 : i32
    %dma_wait3A_463 = arith.constant 0 : i32
    %dma_wait3A_464 = tpu.memref_slice %arg7[%dma_wait3A_461, %dma_wait3A_462, %dma_wait3A_463] : memref<4x64x128xf32, #tpu.memory_space<vmem>> -> memref<1x64x128xf32, #tpu.memory_space<vmem>>
    %dma_wait3A_465 = tpu.memref_squeeze %dma_wait3A_464 : memref<1x64x128xf32, #tpu.memory_space<vmem>> -> memref<64x128xf32, #tpu.memory_space<vmem>>
    %dma_wait3A_466 = arith.constant 0 : i32
    %dma_wait3A_467 = tpu.memref_slice %arg6[%dma_wait3A_459, %dma_wait3A_460, %dma_wait3A_466] : memref<8x2x64xi32, #tpu.memory_space<vmem>> -> memref<1x1x64xi32, #tpu.memory_space<vmem>>
    %dma_wait3A_468 = tpu.memref_squeeze %dma_wait3A_467 : memref<1x1x64xi32, #tpu.memory_space<vmem>> -> memref<64xi32, #tpu.memory_space<vmem>>
    %dma_wait3A_469 = arith.constant 0 : i32
    %dma_wait3A_470 = arith.constant 0 : i32
    %dma_wait3A_471 = tpu.memref_slice %arg2[%dma_wait3A_469, %dma_wait3A_470] : memref<10240x128xf32, #tpu.memory_space<hbm>> -> memref<10240x128xf32, #tpu.memory_space<hbm>>
    tpu.wait_indirect_dma semaphore(%arg19 : memref<!tpu.dma_semaphore, #tpu.memory_space<semaphore_mem>>) src(%dma_wait3A_471 : memref<10240x128xf32, #tpu.memory_space<hbm>>) dst(%dma_wait3A_465 : memref<64x128xf32, #tpu.memory_space<vmem>>)
    %run_scoped3A_472 = arith.constant 2 : i32
    %run_scoped3A_473 = arith.constant 6 : i32
    %run_scoped3A_474 = arith.constant 1 : i32
    "tpu.region"() ({
      %run_scoped3A_494 = tpu.sem_alloc : memref<!tpu.dma_semaphore, #tpu.memory_space<semaphore_mem>>
      %dma_start3A_495 = arith.constant 0 : i32
      %dma_start3A_496 = arith.constant 0 : i32
      %dma_start3A_497 = tpu.memref_slice %arg7[%run_scoped3A_472, %dma_start3A_495, %dma_start3A_496] : memref<4x64x128xf32, #tpu.memory_space<vmem>> -> memref<1x64x128xf32, #tpu.memory_space<vmem>>
      %dma_start3A_498 = tpu.memref_squeeze %dma_start3A_497 : memref<1x64x128xf32, #tpu.memory_space<vmem>> -> memref<64x128xf32, #tpu.memory_space<vmem>>
      %dma_start3A_499 = arith.constant 0 : i32
      %dma_start3A_500 = tpu.memref_slice %arg6[%run_scoped3A_473, %run_scoped3A_474, %dma_start3A_499] : memref<8x2x64xi32, #tpu.memory_space<vmem>> -> memref<1x1x64xi32, #tpu.memory_space<vmem>>
      %dma_start3A_501 = tpu.memref_squeeze %dma_start3A_500 : memref<1x1x64xi32, #tpu.memory_space<vmem>> -> memref<64xi32, #tpu.memory_space<vmem>>
      %dma_start3A_502 = arith.constant 0 : i32
      %dma_start3A_503 = arith.constant 0 : i32
      %dma_start3A_504 = tpu.memref_slice %arg8[%dma_start3A_502, %dma_start3A_503] : memref<10240x128xf32, #tpu.memory_space<vmem_shared>> -> memref<10240x128xf32, #tpu.memory_space<vmem_shared>>
      tpu.enqueue_indirect_dma source(%dma_start3A_498 : memref<64x128xf32, #tpu.memory_space<vmem>>) target(%dma_start3A_504 : memref<10240x128xf32, #tpu.memory_space<vmem_shared>>) offsets(%dma_start3A_501 : memref<64xi32, #tpu.memory_space<vmem>>) semaphore(%run_scoped3A_494 : memref<!tpu.dma_semaphore, #tpu.memory_space<semaphore_mem>>) {add = true}
      %dma_wait3A_505 = arith.constant 0 : i32
      %dma_wait3A_506 = arith.constant 0 : i32
      %dma_wait3A_507 = tpu.memref_slice %arg7[%run_scoped3A_472, %dma_wait3A_505, %dma_wait3A_506] : memref<4x64x128xf32, #tpu.memory_space<vmem>> -> memref<1x64x128xf32, #tpu.memory_space<vmem>>
      %dma_wait3A_508 = tpu.memref_squeeze %dma_wait3A_507 : memref<1x64x128xf32, #tpu.memory_space<vmem>> -> memref<64x128xf32, #tpu.memory_space<vmem>>
      %dma_wait3A_509 = arith.constant 0 : i32
      %dma_wait3A_510 = tpu.memref_slice %arg6[%run_scoped3A_473, %run_scoped3A_474, %dma_wait3A_509] : memref<8x2x64xi32, #tpu.memory_space<vmem>> -> memref<1x1x64xi32, #tpu.memory_space<vmem>>
      %dma_wait3A_511 = tpu.memref_squeeze %dma_wait3A_510 : memref<1x1x64xi32, #tpu.memory_space<vmem>> -> memref<64xi32, #tpu.memory_space<vmem>>
      %dma_wait3A_512 = arith.constant 0 : i32
      %dma_wait3A_513 = arith.constant 0 : i32
      %dma_wait3A_514 = tpu.memref_slice %arg8[%dma_wait3A_512, %dma_wait3A_513] : memref<10240x128xf32, #tpu.memory_space<vmem_shared>> -> memref<10240x128xf32, #tpu.memory_space<vmem_shared>>
      tpu.wait_indirect_dma semaphore(%run_scoped3A_494 : memref<!tpu.dma_semaphore, #tpu.memory_space<semaphore_mem>>) src(%dma_wait3A_508 : memref<64x128xf32, #tpu.memory_space<vmem>>) dst(%dma_wait3A_514 : memref<10240x128xf32, #tpu.memory_space<vmem_shared>>)
      tpu.yield
    }) : () -> ()
    %dma_wait3A_475 = arith.constant 7 : i32
    %dma_wait3A_476 = arith.constant 0 : i32
    %dma_wait3A_477 = arith.constant 3 : i32
    %dma_wait3A_478 = arith.constant 0 : i32
    %dma_wait3A_479 = arith.constant 0 : i32
    %dma_wait3A_480 = tpu.memref_slice %arg7[%dma_wait3A_477, %dma_wait3A_478, %dma_wait3A_479] : memref<4x64x128xf32, #tpu.memory_space<vmem>> -> memref<1x64x128xf32, #tpu.memory_space<vmem>>
    %dma_wait3A_481 = tpu.memref_squeeze %dma_wait3A_480 : memref<1x64x128xf32, #tpu.memory_space<vmem>> -> memref<64x128xf32, #tpu.memory_space<vmem>>
    %dma_wait3A_482 = arith.constant 0 : i32
    %dma_wait3A_483 = tpu.memref_slice %arg6[%dma_wait3A_475, %dma_wait3A_476, %dma_wait3A_482] : memref<8x2x64xi32, #tpu.memory_space<vmem>> -> memref<1x1x64xi32, #tpu.memory_space<vmem>>
    %dma_wait3A_484 = tpu.memref_squeeze %dma_wait3A_483 : memref<1x1x64xi32, #tpu.memory_space<vmem>> -> memref<64xi32, #tpu.memory_space<vmem>>
    %dma_wait3A_485 = arith.constant 0 : i32
    %dma_wait3A_486 = arith.constant 0 : i32
    %dma_wait3A_487 = tpu.memref_slice %arg2[%dma_wait3A_485, %dma_wait3A_486] : memref<10240x128xf32, #tpu.memory_space<hbm>> -> memref<10240x128xf32, #tpu.memory_space<hbm>>
    tpu.wait_indirect_dma semaphore(%arg20 : memref<!tpu.dma_semaphore, #tpu.memory_space<semaphore_mem>>) src(%dma_wait3A_487 : memref<10240x128xf32, #tpu.memory_space<hbm>>) dst(%dma_wait3A_481 : memref<64x128xf32, #tpu.memory_space<vmem>>)
    %run_scoped3A_488 = arith.constant 3 : i32
    %run_scoped3A_489 = arith.constant 7 : i32
    %run_scoped3A_490 = arith.constant 1 : i32
    "tpu.region"() ({
      %run_scoped3A_494 = tpu.sem_alloc : memref<!tpu.dma_semaphore, #tpu.memory_space<semaphore_mem>>
      %dma_start3A_495 = arith.constant 0 : i32
      %dma_start3A_496 = arith.constant 0 : i32
      %dma_start3A_497 = tpu.memref_slice %arg7[%run_scoped3A_488, %dma_start3A_495, %dma_start3A_496] : memref<4x64x128xf32, #tpu.memory_space<vmem>> -> memref<1x64x128xf32, #tpu.memory_space<vmem>>
      %dma_start3A_498 = tpu.memref_squeeze %dma_start3A_497 : memref<1x64x128xf32, #tpu.memory_space<vmem>> -> memref<64x128xf32, #tpu.memory_space<vmem>>
      %dma_start3A_499 = arith.constant 0 : i32
      %dma_start3A_500 = tpu.memref_slice %arg6[%run_scoped3A_489, %run_scoped3A_490, %dma_start3A_499] : memref<8x2x64xi32, #tpu.memory_space<vmem>> -> memref<1x1x64xi32, #tpu.memory_space<vmem>>
      %dma_start3A_501 = tpu.memref_squeeze %dma_start3A_500 : memref<1x1x64xi32, #tpu.memory_space<vmem>> -> memref<64xi32, #tpu.memory_space<vmem>>
      %dma_start3A_502 = arith.constant 0 : i32
      %dma_start3A_503 = arith.constant 0 : i32
      %dma_start3A_504 = tpu.memref_slice %arg8[%dma_start3A_502, %dma_start3A_503] : memref<10240x128xf32, #tpu.memory_space<vmem_shared>> -> memref<10240x128xf32, #tpu.memory_space<vmem_shared>>
      tpu.enqueue_indirect_dma source(%dma_start3A_498 : memref<64x128xf32, #tpu.memory_space<vmem>>) target(%dma_start3A_504 : memref<10240x128xf32, #tpu.memory_space<vmem_shared>>) offsets(%dma_start3A_501 : memref<64xi32, #tpu.memory_space<vmem>>) semaphore(%run_scoped3A_494 : memref<!tpu.dma_semaphore, #tpu.memory_space<semaphore_mem>>) {add = true}
      %dma_wait3A_505 = arith.constant 0 : i32
      %dma_wait3A_506 = arith.constant 0 : i32
      %dma_wait3A_507 = tpu.memref_slice %arg7[%run_scoped3A_488, %dma_wait3A_505, %dma_wait3A_506] : memref<4x64x128xf32, #tpu.memory_space<vmem>> -> memref<1x64x128xf32, #tpu.memory_space<vmem>>
      %dma_wait3A_508 = tpu.memref_squeeze %dma_wait3A_507 : memref<1x64x128xf32, #tpu.memory_space<vmem>> -> memref<64x128xf32, #tpu.memory_space<vmem>>
      %dma_wait3A_509 = arith.constant 0 : i32
      %dma_wait3A_510 = tpu.memref_slice %arg6[%run_scoped3A_489, %run_scoped3A_490, %dma_wait3A_509] : memref<8x2x64xi32, #tpu.memory_space<vmem>> -> memref<1x1x64xi32, #tpu.memory_space<vmem>>
      %dma_wait3A_511 = tpu.memref_squeeze %dma_wait3A_510 : memref<1x1x64xi32, #tpu.memory_space<vmem>> -> memref<64xi32, #tpu.memory_space<vmem>>
      %dma_wait3A_512 = arith.constant 0 : i32
      %dma_wait3A_513 = arith.constant 0 : i32
      %dma_wait3A_514 = tpu.memref_slice %arg8[%dma_wait3A_512, %dma_wait3A_513] : memref<10240x128xf32, #tpu.memory_space<vmem_shared>> -> memref<10240x128xf32, #tpu.memory_space<vmem_shared>>
      tpu.wait_indirect_dma semaphore(%run_scoped3A_494 : memref<!tpu.dma_semaphore, #tpu.memory_space<semaphore_mem>>) src(%dma_wait3A_508 : memref<64x128xf32, #tpu.memory_space<vmem>>) dst(%dma_wait3A_514 : memref<10240x128xf32, #tpu.memory_space<vmem_shared>>)
      tpu.yield
    }) : () -> ()
    %barrier3A_491 = arith.constant 0 : index
    tpu.barrier barrier_id(%barrier3A_491)
    %mul3A_492 = arith.constant 640 : i32
    %mul3A_493 = arith.muli %arg1, %mul3A_492 : i32
    "tpu.region"() ({
      %run_scoped3A_494 = tpu.sem_alloc : memref<!tpu.dma_semaphore, #tpu.memory_space<semaphore_mem>>
      %dma_start3A_495 = arith.constant 0 : i32
      %dma_start3A_496 = tpu.memref_slice %arg5[%arg0, %mul3A_493, %dma_start3A_495] : memref<2x10240x128xf32, #tpu.memory_space<hbm>> -> memref<1x640x128xf32, #tpu.memory_space<hbm>>
      %dma_start3A_497 = tpu.memref_squeeze %dma_start3A_496 : memref<1x640x128xf32, #tpu.memory_space<hbm>> -> memref<640x128xf32, #tpu.memory_space<hbm>>
      %dma_start3A_498 = arith.constant 0 : i32
      %dma_start3A_499 = tpu.memref_slice %arg8[%mul3A_493, %dma_start3A_498] : memref<10240x128xf32, #tpu.memory_space<vmem_shared>> -> memref<640x128xf32, #tpu.memory_space<vmem_shared>>
      tpu.enqueue_dma source(%dma_start3A_499 : memref<640x128xf32, #tpu.memory_space<vmem_shared>>) target(%dma_start3A_497 : memref<640x128xf32, #tpu.memory_space<hbm>>) target_semaphore(%run_scoped3A_494 : memref<!tpu.dma_semaphore, #tpu.memory_space<semaphore_mem>>)
      %dma_wait3A_500 = arith.constant 0 : i32
      %dma_wait3A_501 = tpu.memref_slice %arg5[%arg0, %mul3A_493, %dma_wait3A_500] : memref<2x10240x128xf32, #tpu.memory_space<hbm>> -> memref<1x640x128xf32, #tpu.memory_space<hbm>>
      %dma_wait3A_502 = tpu.memref_squeeze %dma_wait3A_501 : memref<1x640x128xf32, #tpu.memory_space<hbm>> -> memref<640x128xf32, #tpu.memory_space<hbm>>
      %dma_wait3A_503 = arith.constant 0 : i32
      %dma_wait3A_504 = tpu.memref_slice %arg8[%mul3A_493, %dma_wait3A_503] : memref<10240x128xf32, #tpu.memory_space<vmem_shared>> -> memref<640x128xf32, #tpu.memory_space<vmem_shared>>
      tpu.wait_dma2 semaphore(%run_scoped3A_494 : memref<!tpu.dma_semaphore, #tpu.memory_space<semaphore_mem>>) src(%dma_wait3A_504 : memref<640x128xf32, #tpu.memory_space<vmem_shared>>) dst(%dma_wait3A_502 : memref<640x128xf32, #tpu.memory_space<hbm>>)
      tpu.yield
    }) : () -> ()
    return
  }
}

#map = affine_map<(d0, d1) -> (0, 0)>
#map1 = affine_map<(d0, d1) -> (0, 0, 0, 0)>
#map2 = affine_map<(d0, d1) -> (0, 0, 0)>
module attributes {stable_mosaic.version = 14 : i64} {
  func.func @_sc_gs_body(%arg0: i32, %arg1: i32, %arg2: memref<10240x128xf32, #tpu.memory_space<hbm>>, %arg3: memref<32x160x2x64xi32, #tpu.memory_space<hbm>>, %arg4: memref<640x128xf32, #tpu.memory_space<hbm>>, %arg5: memref<2x10240x128xf32, #tpu.memory_space<hbm>>, %arg6: memref<8x2x64xi32, #tpu.memory_space<vmem>>, %arg7: memref<4x64x128xf32, #tpu.memory_space<vmem>>, %arg8: memref<10240x128xf32, #tpu.memory_space<vmem_shared>>, %arg9: memref<!tpu.dma_semaphore, #tpu.memory_space<semaphore_mem>>, %arg10: memref<!tpu.dma_semaphore, #tpu.memory_space<semaphore_mem>>, %arg11: memref<!tpu.dma_semaphore, #tpu.memory_space<semaphore_mem>>, %arg12: memref<!tpu.dma_semaphore, #tpu.memory_space<semaphore_mem>>, %arg13: memref<!tpu.dma_semaphore, #tpu.memory_space<semaphore_mem>>, %arg14: memref<!tpu.dma_semaphore, #tpu.memory_space<semaphore_mem>>, %arg15: memref<!tpu.dma_semaphore, #tpu.memory_space<semaphore_mem>>, %arg16: memref<!tpu.dma_semaphore, #tpu.memory_space<semaphore_mem>>, %arg17: memref<!tpu.dma_semaphore, #tpu.memory_space<semaphore_mem>>, %arg18: memref<!tpu.dma_semaphore, #tpu.memory_space<semaphore_mem>>, %arg19: memref<!tpu.dma_semaphore, #tpu.memory_space<semaphore_mem>>, %arg20: memref<!tpu.dma_semaphore, #tpu.memory_space<semaphore_mem>>) attributes {dimension_semantics = [#tpu.dimension_semantics<core_parallel>, #tpu.dimension_semantics<subcore_parallel>], iteration_bounds = array<i64: 2, 16>, scalar_prefetch = 0 : i64, scratch_operands = 15 : i64, tpu.core_type = #tpu.core_type<sc_vector_subcore>, window_params = [{transform_indices = #map}, {transform_indices = #map1}, {transform_indices = #map}, {transform_indices = #map2}]} {
    %mul3A = arith.constant 16 : i32
    %mul3A_0 = arith.muli %arg0, %mul3A : i32
    %add3A = arith.addi %mul3A_0, %arg1 : i32
    %mul3A_1 = arith.constant 640 : i32
    %mul3A_2 = arith.muli %arg1, %mul3A_1 : i32
    "tpu.region"() ({
      %run_scoped3A_494 = tpu.sem_alloc : memref<!tpu.dma_semaphore, #tpu.memory_space<semaphore_mem>>
      %dma_start3A_495 = arith.constant 0 : i32
      %dma_start3A_496 = tpu.memref_slice %arg8[%mul3A_2, %dma_start3A_495] : memref<10240x128xf32, #tpu.memory_space<vmem_shared>> -> memref<640x128xf32, #tpu.memory_space<vmem_shared>>
      tpu.enqueue_dma source(%arg4 : memref<640x128xf32, #tpu.memory_space<hbm>>) target(%dma_start3A_496 : memref<640x128xf32, #tpu.memory_space<vmem_shared>>) target_semaphore(%run_scoped3A_494 : memref<!tpu.dma_semaphore, #tpu.memory_space<semaphore_mem>>)
      %dma_wait3A_497 = arith.constant 0 : i32
      %dma_wait3A_498 = tpu.memref_slice %arg8[%mul3A_2, %dma_wait3A_497] : memref<10240x128xf32, #tpu.memory_space<vmem_shared>> -> memref<640x128xf32, #tpu.memory_space<vmem_shared>>
      tpu.wait_dma2 semaphore(%run_scoped3A_494 : memref<!tpu.dma_semaphore, #tpu.memory_space<semaphore_mem>>) src(%arg4 : memref<640x128xf32, #tpu.memory_space<hbm>>) dst(%dma_wait3A_498 : memref<640x128xf32, #tpu.memory_space<vmem_shared>>)
      tpu.yield
    }) : () -> ()
    %run_scoped3A = arith.constant 0 : i32
    %run_scoped3A_3 = arith.constant 0 : i32
    "tpu.region"() ({
      %run_scoped3A_494 = tpu.sem_alloc : memref<!tpu.dma_semaphore, #tpu.memory_space<semaphore_mem>>
      %dma_start3A_495 = arith.constant 0 : i32
      %dma_start3A_496 = arith.constant 0 : i32
      %dma_start3A_497 = tpu.memref_slice %arg6[%run_scoped3A_3, %dma_start3A_495, %dma_start3A_496] : memref<8x2x64xi32, #tpu.memory_space<vmem>> -> memref<1x2x64xi32, #tpu.memory_space<vmem>>
      %dma_start3A_498 = tpu.memref_squeeze %dma_start3A_497 : memref<1x2x64xi32, #tpu.memory_space<vmem>> -> memref<2x64xi32, #tpu.memory_space<vmem>>
      %dma_start3A_499 = arith.constant 0 : i32
      %dma_start3A_500 = arith.constant 0 : i32
      %dma_start3A_501 = tpu.memref_slice %arg3[%add3A, %run_scoped3A, %dma_start3A_499, %dma_start3A_500] : memref<32x160x2x64xi32, #tpu.memory_space<hbm>> -> memref<1x1x2x64xi32, #tpu.memory_space<hbm>>
      %dma_start3A_502 = tpu.memref_squeeze %dma_start3A_501 : memref<1x1x2x64xi32, #tpu.memory_space<hbm>> -> memref<2x64xi32, #tpu.memory_space<hbm>>
      %dma_start3A_503 = arith.constant 0 : i32
      %dma_start3A_504 = arith.constant 0 : i32
      %dma_start3A_505 = tpu.memref_slice %arg6[%run_scoped3A_3, %dma_start3A_503, %dma_start3A_504] : memref<8x2x64xi32, #tpu.memory_space<vmem>> -> memref<1x2x64xi32, #tpu.memory_space<vmem>>
      %dma_start3A_506 = tpu.memref_squeeze %dma_start3A_505 : memref<1x2x64xi32, #tpu.memory_space<vmem>> -> memref<2x64xi32, #tpu.memory_space<vmem>>
      %dma_start3A_507 = arith.constant 0 : i32
      %dma_start3A_508 = arith.constant 0 : i32
      %dma_start3A_509 = tpu.memref_slice %arg3[%add3A, %run_scoped3A, %dma_start3A_507, %dma_start3A_508] : memref<32x160x2x64xi32, #tpu.memory_space<hbm>> -> memref<1x1x2x64xi32, #tpu.memory_space<hbm>>
      %dma_start3A_510 = tpu.memref_squeeze %dma_start3A_509 : memref<1x1x2x64xi32, #tpu.memory_space<hbm>> -> memref<2x64xi32, #tpu.memory_space<hbm>>
      tpu.enqueue_dma source(%dma_start3A_510 : memref<2x64xi32, #tpu.memory_space<hbm>>) target(%dma_start3A_506 : memref<2x64xi32, #tpu.memory_space<vmem>>) target_semaphore(%run_scoped3A_494 : memref<!tpu.dma_semaphore, #tpu.memory_space<semaphore_mem>>)
      %dma_wait3A_511 = arith.constant 0 : i32
      %dma_wait3A_512 = arith.constant 0 : i32
      %dma_wait3A_513 = tpu.memref_slice %arg6[%run_scoped3A_3, %dma_wait3A_511, %dma_wait3A_512] : memref<8x2x64xi32, #tpu.memory_space<vmem>> -> memref<1x2x64xi32, #tpu.memory_space<vmem>>
      %dma_wait3A_514 = tpu.memref_squeeze %dma_wait3A_513 : memref<1x2x64xi32, #tpu.memory_space<vmem>> -> memref<2x64xi32, #tpu.memory_space<vmem>>
      %dma_wait3A_515 = arith.constant 0 : i32
      %dma_wait3A_516 = arith.constant 0 : i32
      %dma_wait3A_517 = tpu.memref_slice %arg3[%add3A, %run_scoped3A, %dma_wait3A_515, %dma_wait3A_516] : memref<32x160x2x64xi32, #tpu.memory_space<hbm>> -> memref<1x1x2x64xi32, #tpu.memory_space<hbm>>
      %dma_wait3A_518 = tpu.memref_squeeze %dma_wait3A_517 : memref<1x1x2x64xi32, #tpu.memory_space<hbm>> -> memref<2x64xi32, #tpu.memory_space<hbm>>
      %dma_wait3A_519 = arith.constant 0 : i32
      %dma_wait3A_520 = arith.constant 0 : i32
      %dma_wait3A_521 = tpu.memref_slice %arg6[%run_scoped3A_3, %dma_wait3A_519, %dma_wait3A_520] : memref<8x2x64xi32, #tpu.memory_space<vmem>> -> memref<1x2x64xi32, #tpu.memory_space<vmem>>
      %dma_wait3A_522 = tpu.memref_squeeze %dma_wait3A_521 : memref<1x2x64xi32, #tpu.memory_space<vmem>> -> memref<2x64xi32, #tpu.memory_space<vmem>>
      %dma_wait3A_523 = arith.constant 0 : i32
      %dma_wait3A_524 = arith.constant 0 : i32
      %dma_wait3A_525 = tpu.memref_slice %arg3[%add3A, %run_scoped3A, %dma_wait3A_523, %dma_wait3A_524] : memref<32x160x2x64xi32, #tpu.memory_space<hbm>> -> memref<1x1x2x64xi32, #tpu.memory_space<hbm>>
      %dma_wait3A_526 = tpu.memref_squeeze %dma_wait3A_525 : memref<1x1x2x64xi32, #tpu.memory_space<hbm>> -> memref<2x64xi32, #tpu.memory_space<hbm>>
      tpu.wait_dma2 semaphore(%run_scoped3A_494 : memref<!tpu.dma_semaphore, #tpu.memory_space<semaphore_mem>>) src(%dma_wait3A_526 : memref<2x64xi32, #tpu.memory_space<hbm>>) dst(%dma_wait3A_522 : memref<2x64xi32, #tpu.memory_space<vmem>>)
      tpu.yield
    }) : () -> ()
    %dma_start3A = arith.constant 1 : i32
    %dma_start3A_4 = arith.constant 1 : i32
    %dma_start3A_5 = arith.constant 0 : i32
    %dma_start3A_6 = arith.constant 0 : i32
    %dma_start3A_7 = tpu.memref_slice %arg6[%dma_start3A_4, %dma_start3A_5, %dma_start3A_6] : memref<8x2x64xi32, #tpu.memory_space<vmem>> -> memref<1x2x64xi32, #tpu.memory_space<vmem>>
    %dma_start3A_8 = tpu.memref_squeeze %dma_start3A_7 : memref<1x2x64xi32, #tpu.memory_space<vmem>> -> memref<2x64xi32, #tpu.memory_space<vmem>>
    %dma_start3A_9 = arith.constant 0 : i32
    %dma_start3A_10 = arith.constant 0 : i32
    %dma_start3A_11 = tpu.memref_slice %arg3[%add3A, %dma_start3A, %dma_start3A_9, %dma_start3A_10] : memref<32x160x2x64xi32, #tpu.memory_space<hbm>> -> memref<1x1x2x64xi32, #tpu.memory_space<hbm>>
    %dma_start3A_12 = tpu.memref_squeeze %dma_start3A_11 : memref<1x1x2x64xi32, #tpu.memory_space<hbm>> -> memref<2x64xi32, #tpu.memory_space<hbm>>
    %dma_start3A_13 = arith.constant 0 : i32
    %dma_start3A_14 = arith.constant 0 : i32
    %dma_start3A_15 = tpu.memref_slice %arg6[%dma_start3A_4, %dma_start3A_13, %dma_start3A_14] : memref<8x2x64xi32, #tpu.memory_space<vmem>> -> memref<1x2x64xi32, #tpu.memory_space<vmem>>
    %dma_start3A_16 = tpu.memref_squeeze %dma_start3A_15 : memref<1x2x64xi32, #tpu.memory_space<vmem>> -> memref<2x64xi32, #tpu.memory_space<vmem>>
    %dma_start3A_17 = arith.constant 0 : i32
    %dma_start3A_18 = arith.constant 0 : i32
    %dma_start3A_19 = tpu.memref_slice %arg3[%add3A, %dma_start3A, %dma_start3A_17, %dma_start3A_18] : memref<32x160x2x64xi32, #tpu.memory_space<hbm>> -> memref<1x1x2x64xi32, #tpu.memory_space<hbm>>
    %dma_start3A_20 = tpu.memref_squeeze %dma_start3A_19 : memref<1x1x2x64xi32, #tpu.memory_space<hbm>> -> memref<2x64xi32, #tpu.memory_space<hbm>>
    tpu.enqueue_dma source(%dma_start3A_20 : memref<2x64xi32, #tpu.memory_space<hbm>>) target(%dma_start3A_16 : memref<2x64xi32, #tpu.memory_space<vmem>>) target_semaphore(%arg10 : memref<!tpu.dma_semaphore, #tpu.memory_space<semaphore_mem>>)
    %dma_start3A_21 = arith.constant 2 : i32
    %dma_start3A_22 = arith.constant 2 : i32
    %dma_start3A_23 = arith.constant 0 : i32
    %dma_start3A_24 = arith.constant 0 : i32
    %dma_start3A_25 = tpu.memref_slice %arg6[%dma_start3A_22, %dma_start3A_23, %dma_start3A_24] : memref<8x2x64xi32, #tpu.memory_space<vmem>> -> memref<1x2x64xi32, #tpu.memory_space<vmem>>
    %dma_start3A_26 = tpu.memref_squeeze %dma_start3A_25 : memref<1x2x64xi32, #tpu.memory_space<vmem>> -> memref<2x64xi32, #tpu.memory_space<vmem>>
    %dma_start3A_27 = arith.constant 0 : i32
    %dma_start3A_28 = arith.constant 0 : i32
    %dma_start3A_29 = tpu.memref_slice %arg3[%add3A, %dma_start3A_21, %dma_start3A_27, %dma_start3A_28] : memref<32x160x2x64xi32, #tpu.memory_space<hbm>> -> memref<1x1x2x64xi32, #tpu.memory_space<hbm>>
    %dma_start3A_30 = tpu.memref_squeeze %dma_start3A_29 : memref<1x1x2x64xi32, #tpu.memory_space<hbm>> -> memref<2x64xi32, #tpu.memory_space<hbm>>
    %dma_start3A_31 = arith.constant 0 : i32
    %dma_start3A_32 = arith.constant 0 : i32
    %dma_start3A_33 = tpu.memref_slice %arg6[%dma_start3A_22, %dma_start3A_31, %dma_start3A_32] : memref<8x2x64xi32, #tpu.memory_space<vmem>> -> memref<1x2x64xi32, #tpu.memory_space<vmem>>
    %dma_start3A_34 = tpu.memref_squeeze %dma_start3A_33 : memref<1x2x64xi32, #tpu.memory_space<vmem>> -> memref<2x64xi32, #tpu.memory_space<vmem>>
    %dma_start3A_35 = arith.constant 0 : i32
    %dma_start3A_36 = arith.constant 0 : i32
    %dma_start3A_37 = tpu.memref_slice %arg3[%add3A, %dma_start3A_21, %dma_start3A_35, %dma_start3A_36] : memref<32x160x2x64xi32, #tpu.memory_space<hbm>> -> memref<1x1x2x64xi32, #tpu.memory_space<hbm>>
    %dma_start3A_38 = tpu.memref_squeeze %dma_start3A_37 : memref<1x1x2x64xi32, #tpu.memory_space<hbm>> -> memref<2x64xi32, #tpu.memory_space<hbm>>
    tpu.enqueue_dma source(%dma_start3A_38 : memref<2x64xi32, #tpu.memory_space<hbm>>) target(%dma_start3A_34 : memref<2x64xi32, #tpu.memory_space<vmem>>) target_semaphore(%arg11 : memref<!tpu.dma_semaphore, #tpu.memory_space<semaphore_mem>>)
    %dma_start3A_39 = arith.constant 3 : i32
    %dma_start3A_40 = arith.constant 3 : i32
    %dma_start3A_41 = arith.constant 0 : i32
    %dma_start3A_42 = arith.constant 0 : i32
    %dma_start3A_43 = tpu.memref_slice %arg6[%dma_start3A_40, %dma_start3A_41, %dma_start3A_42] : memref<8x2x64xi32, #tpu.memory_space<vmem>> -> memref<1x2x64xi32, #tpu.memory_space<vmem>>
    %dma_start3A_44 = tpu.memref_squeeze %dma_start3A_43 : memref<1x2x64xi32, #tpu.memory_space<vmem>> -> memref<2x64xi32, #tpu.memory_space<vmem>>
    %dma_start3A_45 = arith.constant 0 : i32
    %dma_start3A_46 = arith.constant 0 : i32
    %dma_start3A_47 = tpu.memref_slice %arg3[%add3A, %dma_start3A_39, %dma_start3A_45, %dma_start3A_46] : memref<32x160x2x64xi32, #tpu.memory_space<hbm>> -> memref<1x1x2x64xi32, #tpu.memory_space<hbm>>
    %dma_start3A_48 = tpu.memref_squeeze %dma_start3A_47 : memref<1x1x2x64xi32, #tpu.memory_space<hbm>> -> memref<2x64xi32, #tpu.memory_space<hbm>>
    %dma_start3A_49 = arith.constant 0 : i32
    %dma_start3A_50 = arith.constant 0 : i32
    %dma_start3A_51 = tpu.memref_slice %arg6[%dma_start3A_40, %dma_start3A_49, %dma_start3A_50] : memref<8x2x64xi32, #tpu.memory_space<vmem>> -> memref<1x2x64xi32, #tpu.memory_space<vmem>>
    %dma_start3A_52 = tpu.memref_squeeze %dma_start3A_51 : memref<1x2x64xi32, #tpu.memory_space<vmem>> -> memref<2x64xi32, #tpu.memory_space<vmem>>
    %dma_start3A_53 = arith.constant 0 : i32
    %dma_start3A_54 = arith.constant 0 : i32
    %dma_start3A_55 = tpu.memref_slice %arg3[%add3A, %dma_start3A_39, %dma_start3A_53, %dma_start3A_54] : memref<32x160x2x64xi32, #tpu.memory_space<hbm>> -> memref<1x1x2x64xi32, #tpu.memory_space<hbm>>
    %dma_start3A_56 = tpu.memref_squeeze %dma_start3A_55 : memref<1x1x2x64xi32, #tpu.memory_space<hbm>> -> memref<2x64xi32, #tpu.memory_space<hbm>>
    tpu.enqueue_dma source(%dma_start3A_56 : memref<2x64xi32, #tpu.memory_space<hbm>>) target(%dma_start3A_52 : memref<2x64xi32, #tpu.memory_space<vmem>>) target_semaphore(%arg12 : memref<!tpu.dma_semaphore, #tpu.memory_space<semaphore_mem>>)
    %dma_start3A_57 = arith.constant 4 : i32
    %dma_start3A_58 = arith.constant 4 : i32
    %dma_start3A_59 = arith.constant 0 : i32
    %dma_start3A_60 = arith.constant 0 : i32
    %dma_start3A_61 = tpu.memref_slice %arg6[%dma_start3A_58, %dma_start3A_59, %dma_start3A_60] : memref<8x2x64xi32, #tpu.memory_space<vmem>> -> memref<1x2x64xi32, #tpu.memory_space<vmem>>
    %dma_start3A_62 = tpu.memref_squeeze %dma_start3A_61 : memref<1x2x64xi32, #tpu.memory_space<vmem>> -> memref<2x64xi32, #tpu.memory_space<vmem>>
    %dma_start3A_63 = arith.constant 0 : i32
    %dma_start3A_64 = arith.constant 0 : i32
    %dma_start3A_65 = tpu.memref_slice %arg3[%add3A, %dma_start3A_57, %dma_start3A_63, %dma_start3A_64] : memref<32x160x2x64xi32, #tpu.memory_space<hbm>> -> memref<1x1x2x64xi32, #tpu.memory_space<hbm>>
    %dma_start3A_66 = tpu.memref_squeeze %dma_start3A_65 : memref<1x1x2x64xi32, #tpu.memory_space<hbm>> -> memref<2x64xi32, #tpu.memory_space<hbm>>
    %dma_start3A_67 = arith.constant 0 : i32
    %dma_start3A_68 = arith.constant 0 : i32
    %dma_start3A_69 = tpu.memref_slice %arg6[%dma_start3A_58, %dma_start3A_67, %dma_start3A_68] : memref<8x2x64xi32, #tpu.memory_space<vmem>> -> memref<1x2x64xi32, #tpu.memory_space<vmem>>
    %dma_start3A_70 = tpu.memref_squeeze %dma_start3A_69 : memref<1x2x64xi32, #tpu.memory_space<vmem>> -> memref<2x64xi32, #tpu.memory_space<vmem>>
    %dma_start3A_71 = arith.constant 0 : i32
    %dma_start3A_72 = arith.constant 0 : i32
    %dma_start3A_73 = tpu.memref_slice %arg3[%add3A, %dma_start3A_57, %dma_start3A_71, %dma_start3A_72] : memref<32x160x2x64xi32, #tpu.memory_space<hbm>> -> memref<1x1x2x64xi32, #tpu.memory_space<hbm>>
    %dma_start3A_74 = tpu.memref_squeeze %dma_start3A_73 : memref<1x1x2x64xi32, #tpu.memory_space<hbm>> -> memref<2x64xi32, #tpu.memory_space<hbm>>
    tpu.enqueue_dma source(%dma_start3A_74 : memref<2x64xi32, #tpu.memory_space<hbm>>) target(%dma_start3A_70 : memref<2x64xi32, #tpu.memory_space<vmem>>) target_semaphore(%arg13 : memref<!tpu.dma_semaphore, #tpu.memory_space<semaphore_mem>>)
    %dma_start3A_75 = arith.constant 5 : i32
    %dma_start3A_76 = arith.constant 5 : i32
    %dma_start3A_77 = arith.constant 0 : i32
    %dma_start3A_78 = arith.constant 0 : i32
    %dma_start3A_79 = tpu.memref_slice %arg6[%dma_start3A_76, %dma_start3A_77, %dma_start3A_78] : memref<8x2x64xi32, #tpu.memory_space<vmem>> -> memref<1x2x64xi32, #tpu.memory_space<vmem>>
    %dma_start3A_80 = tpu.memref_squeeze %dma_start3A_79 : memref<1x2x64xi32, #tpu.memory_space<vmem>> -> memref<2x64xi32, #tpu.memory_space<vmem>>
    %dma_start3A_81 = arith.constant 0 : i32
    %dma_start3A_82 = arith.constant 0 : i32
    %dma_start3A_83 = tpu.memref_slice %arg3[%add3A, %dma_start3A_75, %dma_start3A_81, %dma_start3A_82] : memref<32x160x2x64xi32, #tpu.memory_space<hbm>> -> memref<1x1x2x64xi32, #tpu.memory_space<hbm>>
    %dma_start3A_84 = tpu.memref_squeeze %dma_start3A_83 : memref<1x1x2x64xi32, #tpu.memory_space<hbm>> -> memref<2x64xi32, #tpu.memory_space<hbm>>
    %dma_start3A_85 = arith.constant 0 : i32
    %dma_start3A_86 = arith.constant 0 : i32
    %dma_start3A_87 = tpu.memref_slice %arg6[%dma_start3A_76, %dma_start3A_85, %dma_start3A_86] : memref<8x2x64xi32, #tpu.memory_space<vmem>> -> memref<1x2x64xi32, #tpu.memory_space<vmem>>
    %dma_start3A_88 = tpu.memref_squeeze %dma_start3A_87 : memref<1x2x64xi32, #tpu.memory_space<vmem>> -> memref<2x64xi32, #tpu.memory_space<vmem>>
    %dma_start3A_89 = arith.constant 0 : i32
    %dma_start3A_90 = arith.constant 0 : i32
    %dma_start3A_91 = tpu.memref_slice %arg3[%add3A, %dma_start3A_75, %dma_start3A_89, %dma_start3A_90] : memref<32x160x2x64xi32, #tpu.memory_space<hbm>> -> memref<1x1x2x64xi32, #tpu.memory_space<hbm>>
    %dma_start3A_92 = tpu.memref_squeeze %dma_start3A_91 : memref<1x1x2x64xi32, #tpu.memory_space<hbm>> -> memref<2x64xi32, #tpu.memory_space<hbm>>
    tpu.enqueue_dma source(%dma_start3A_92 : memref<2x64xi32, #tpu.memory_space<hbm>>) target(%dma_start3A_88 : memref<2x64xi32, #tpu.memory_space<vmem>>) target_semaphore(%arg14 : memref<!tpu.dma_semaphore, #tpu.memory_space<semaphore_mem>>)
    %dma_start3A_93 = arith.constant 6 : i32
    %dma_start3A_94 = arith.constant 6 : i32
    %dma_start3A_95 = arith.constant 0 : i32
    %dma_start3A_96 = arith.constant 0 : i32
    %dma_start3A_97 = tpu.memref_slice %arg6[%dma_start3A_94, %dma_start3A_95, %dma_start3A_96] : memref<8x2x64xi32, #tpu.memory_space<vmem>> -> memref<1x2x64xi32, #tpu.memory_space<vmem>>
    %dma_start3A_98 = tpu.memref_squeeze %dma_start3A_97 : memref<1x2x64xi32, #tpu.memory_space<vmem>> -> memref<2x64xi32, #tpu.memory_space<vmem>>
    %dma_start3A_99 = arith.constant 0 : i32
    %dma_start3A_100 = arith.constant 0 : i32
    %dma_start3A_101 = tpu.memref_slice %arg3[%add3A, %dma_start3A_93, %dma_start3A_99, %dma_start3A_100] : memref<32x160x2x64xi32, #tpu.memory_space<hbm>> -> memref<1x1x2x64xi32, #tpu.memory_space<hbm>>
    %dma_start3A_102 = tpu.memref_squeeze %dma_start3A_101 : memref<1x1x2x64xi32, #tpu.memory_space<hbm>> -> memref<2x64xi32, #tpu.memory_space<hbm>>
    %dma_start3A_103 = arith.constant 0 : i32
    %dma_start3A_104 = arith.constant 0 : i32
    %dma_start3A_105 = tpu.memref_slice %arg6[%dma_start3A_94, %dma_start3A_103, %dma_start3A_104] : memref<8x2x64xi32, #tpu.memory_space<vmem>> -> memref<1x2x64xi32, #tpu.memory_space<vmem>>
    %dma_start3A_106 = tpu.memref_squeeze %dma_start3A_105 : memref<1x2x64xi32, #tpu.memory_space<vmem>> -> memref<2x64xi32, #tpu.memory_space<vmem>>
    %dma_start3A_107 = arith.constant 0 : i32
    %dma_start3A_108 = arith.constant 0 : i32
    %dma_start3A_109 = tpu.memref_slice %arg3[%add3A, %dma_start3A_93, %dma_start3A_107, %dma_start3A_108] : memref<32x160x2x64xi32, #tpu.memory_space<hbm>> -> memref<1x1x2x64xi32, #tpu.memory_space<hbm>>
    %dma_start3A_110 = tpu.memref_squeeze %dma_start3A_109 : memref<1x1x2x64xi32, #tpu.memory_space<hbm>> -> memref<2x64xi32, #tpu.memory_space<hbm>>
    tpu.enqueue_dma source(%dma_start3A_110 : memref<2x64xi32, #tpu.memory_space<hbm>>) target(%dma_start3A_106 : memref<2x64xi32, #tpu.memory_space<vmem>>) target_semaphore(%arg15 : memref<!tpu.dma_semaphore, #tpu.memory_space<semaphore_mem>>)
    %dma_start3A_111 = arith.constant 7 : i32
    %dma_start3A_112 = arith.constant 7 : i32
    %dma_start3A_113 = arith.constant 0 : i32
    %dma_start3A_114 = arith.constant 0 : i32
    %dma_start3A_115 = tpu.memref_slice %arg6[%dma_start3A_112, %dma_start3A_113, %dma_start3A_114] : memref<8x2x64xi32, #tpu.memory_space<vmem>> -> memref<1x2x64xi32, #tpu.memory_space<vmem>>
    %dma_start3A_116 = tpu.memref_squeeze %dma_start3A_115 : memref<1x2x64xi32, #tpu.memory_space<vmem>> -> memref<2x64xi32, #tpu.memory_space<vmem>>
    %dma_start3A_117 = arith.constant 0 : i32
    %dma_start3A_118 = arith.constant 0 : i32
    %dma_start3A_119 = tpu.memref_slice %arg3[%add3A, %dma_start3A_111, %dma_start3A_117, %dma_start3A_118] : memref<32x160x2x64xi32, #tpu.memory_space<hbm>> -> memref<1x1x2x64xi32, #tpu.memory_space<hbm>>
    %dma_start3A_120 = tpu.memref_squeeze %dma_start3A_119 : memref<1x1x2x64xi32, #tpu.memory_space<hbm>> -> memref<2x64xi32, #tpu.memory_space<hbm>>
    %dma_start3A_121 = arith.constant 0 : i32
    %dma_start3A_122 = arith.constant 0 : i32
    %dma_start3A_123 = tpu.memref_slice %arg6[%dma_start3A_112, %dma_start3A_121, %dma_start3A_122] : memref<8x2x64xi32, #tpu.memory_space<vmem>> -> memref<1x2x64xi32, #tpu.memory_space<vmem>>
    %dma_start3A_124 = tpu.memref_squeeze %dma_start3A_123 : memref<1x2x64xi32, #tpu.memory_space<vmem>> -> memref<2x64xi32, #tpu.memory_space<vmem>>
    %dma_start3A_125 = arith.constant 0 : i32
    %dma_start3A_126 = arith.constant 0 : i32
    %dma_start3A_127 = tpu.memref_slice %arg3[%add3A, %dma_start3A_111, %dma_start3A_125, %dma_start3A_126] : memref<32x160x2x64xi32, #tpu.memory_space<hbm>> -> memref<1x1x2x64xi32, #tpu.memory_space<hbm>>
    %dma_start3A_128 = tpu.memref_squeeze %dma_start3A_127 : memref<1x1x2x64xi32, #tpu.memory_space<hbm>> -> memref<2x64xi32, #tpu.memory_space<hbm>>
    tpu.enqueue_dma source(%dma_start3A_128 : memref<2x64xi32, #tpu.memory_space<hbm>>) target(%dma_start3A_124 : memref<2x64xi32, #tpu.memory_space<vmem>>) target_semaphore(%arg16 : memref<!tpu.dma_semaphore, #tpu.memory_space<semaphore_mem>>)
    %barrier3A = arith.constant 0 : index
    tpu.barrier barrier_id(%barrier3A)
    %dma_start3A_129 = arith.constant 0 : i32
    %dma_start3A_130 = arith.constant 0 : i32
    %dma_start3A_131 = arith.constant 0 : i32
    %dma_start3A_132 = arith.constant 0 : i32
    %dma_start3A_133 = arith.constant 0 : i32
    %dma_start3A_134 = tpu.memref_slice %arg7[%dma_start3A_131, %dma_start3A_132, %dma_start3A_133] : memref<4x64x128xf32, #tpu.memory_space<vmem>> -> memref<1x64x128xf32, #tpu.memory_space<vmem>>
    %dma_start3A_135 = tpu.memref_squeeze %dma_start3A_134 : memref<1x64x128xf32, #tpu.memory_space<vmem>> -> memref<64x128xf32, #tpu.memory_space<vmem>>
    %dma_start3A_136 = arith.constant 0 : i32
    %dma_start3A_137 = tpu.memref_slice %arg6[%dma_start3A_129, %dma_start3A_130, %dma_start3A_136] : memref<8x2x64xi32, #tpu.memory_space<vmem>> -> memref<1x1x64xi32, #tpu.memory_space<vmem>>
    %dma_start3A_138 = tpu.memref_squeeze %dma_start3A_137 : memref<1x1x64xi32, #tpu.memory_space<vmem>> -> memref<64xi32, #tpu.memory_space<vmem>>
    %dma_start3A_139 = arith.constant 0 : i32
    %dma_start3A_140 = arith.constant 0 : i32
    %dma_start3A_141 = tpu.memref_slice %arg2[%dma_start3A_139, %dma_start3A_140] : memref<10240x128xf32, #tpu.memory_space<hbm>> -> memref<10240x128xf32, #tpu.memory_space<hbm>>
    tpu.enqueue_indirect_dma source(%dma_start3A_141 : memref<10240x128xf32, #tpu.memory_space<hbm>>) target(%dma_start3A_135 : memref<64x128xf32, #tpu.memory_space<vmem>>) offsets(%dma_start3A_138 : memref<64xi32, #tpu.memory_space<vmem>>) semaphore(%arg17 : memref<!tpu.dma_semaphore, #tpu.memory_space<semaphore_mem>>)
    %dma_wait3A = arith.constant 1 : i32
    %dma_wait3A_142 = arith.constant 1 : i32
    %dma_wait3A_143 = arith.constant 0 : i32
    %dma_wait3A_144 = arith.constant 0 : i32
    %dma_wait3A_145 = tpu.memref_slice %arg6[%dma_wait3A_142, %dma_wait3A_143, %dma_wait3A_144] : memref<8x2x64xi32, #tpu.memory_space<vmem>> -> memref<1x2x64xi32, #tpu.memory_space<vmem>>
    %dma_wait3A_146 = tpu.memref_squeeze %dma_wait3A_145 : memref<1x2x64xi32, #tpu.memory_space<vmem>> -> memref<2x64xi32, #tpu.memory_space<vmem>>
    %dma_wait3A_147 = arith.constant 0 : i32
    %dma_wait3A_148 = arith.constant 0 : i32
    %dma_wait3A_149 = tpu.memref_slice %arg3[%add3A, %dma_wait3A, %dma_wait3A_147, %dma_wait3A_148] : memref<32x160x2x64xi32, #tpu.memory_space<hbm>> -> memref<1x1x2x64xi32, #tpu.memory_space<hbm>>
    %dma_wait3A_150 = tpu.memref_squeeze %dma_wait3A_149 : memref<1x1x2x64xi32, #tpu.memory_space<hbm>> -> memref<2x64xi32, #tpu.memory_space<hbm>>
    %dma_wait3A_151 = arith.constant 0 : i32
    %dma_wait3A_152 = arith.constant 0 : i32
    %dma_wait3A_153 = tpu.memref_slice %arg6[%dma_wait3A_142, %dma_wait3A_151, %dma_wait3A_152] : memref<8x2x64xi32, #tpu.memory_space<vmem>> -> memref<1x2x64xi32, #tpu.memory_space<vmem>>
    %dma_wait3A_154 = tpu.memref_squeeze %dma_wait3A_153 : memref<1x2x64xi32, #tpu.memory_space<vmem>> -> memref<2x64xi32, #tpu.memory_space<vmem>>
    %dma_wait3A_155 = arith.constant 0 : i32
    %dma_wait3A_156 = arith.constant 0 : i32
    %dma_wait3A_157 = tpu.memref_slice %arg3[%add3A, %dma_wait3A, %dma_wait3A_155, %dma_wait3A_156] : memref<32x160x2x64xi32, #tpu.memory_space<hbm>> -> memref<1x1x2x64xi32, #tpu.memory_space<hbm>>
    %dma_wait3A_158 = tpu.memref_squeeze %dma_wait3A_157 : memref<1x1x2x64xi32, #tpu.memory_space<hbm>> -> memref<2x64xi32, #tpu.memory_space<hbm>>
    tpu.wait_dma2 semaphore(%arg10 : memref<!tpu.dma_semaphore, #tpu.memory_space<semaphore_mem>>) src(%dma_wait3A_158 : memref<2x64xi32, #tpu.memory_space<hbm>>) dst(%dma_wait3A_154 : memref<2x64xi32, #tpu.memory_space<vmem>>)
    %dma_start3A_159 = arith.constant 1 : i32
    %dma_start3A_160 = arith.constant 0 : i32
    %dma_start3A_161 = arith.constant 1 : i32
    %dma_start3A_162 = arith.constant 0 : i32
    %dma_start3A_163 = arith.constant 0 : i32
    %dma_start3A_164 = tpu.memref_slice %arg7[%dma_start3A_161, %dma_start3A_162, %dma_start3A_163] : memref<4x64x128xf32, #tpu.memory_space<vmem>> -> memref<1x64x128xf32, #tpu.memory_space<vmem>>
    %dma_start3A_165 = tpu.memref_squeeze %dma_start3A_164 : memref<1x64x128xf32, #tpu.memory_space<vmem>> -> memref<64x128xf32, #tpu.memory_space<vmem>>
    %dma_start3A_166 = arith.constant 0 : i32
    %dma_start3A_167 = tpu.memref_slice %arg6[%dma_start3A_159, %dma_start3A_160, %dma_start3A_166] : memref<8x2x64xi32, #tpu.memory_space<vmem>> -> memref<1x1x64xi32, #tpu.memory_space<vmem>>
    %dma_start3A_168 = tpu.memref_squeeze %dma_start3A_167 : memref<1x1x64xi32, #tpu.memory_space<vmem>> -> memref<64xi32, #tpu.memory_space<vmem>>
    %dma_start3A_169 = arith.constant 0 : i32
    %dma_start3A_170 = arith.constant 0 : i32
    %dma_start3A_171 = tpu.memref_slice %arg2[%dma_start3A_169, %dma_start3A_170] : memref<10240x128xf32, #tpu.memory_space<hbm>> -> memref<10240x128xf32, #tpu.memory_space<hbm>>
    tpu.enqueue_indirect_dma source(%dma_start3A_171 : memref<10240x128xf32, #tpu.memory_space<hbm>>) target(%dma_start3A_165 : memref<64x128xf32, #tpu.memory_space<vmem>>) offsets(%dma_start3A_168 : memref<64xi32, #tpu.memory_space<vmem>>) semaphore(%arg18 : memref<!tpu.dma_semaphore, #tpu.memory_space<semaphore_mem>>)
    %dma_wait3A_172 = arith.constant 2 : i32
    %dma_wait3A_173 = arith.constant 2 : i32
    %dma_wait3A_174 = arith.constant 0 : i32
    %dma_wait3A_175 = arith.constant 0 : i32
    %dma_wait3A_176 = tpu.memref_slice %arg6[%dma_wait3A_173, %dma_wait3A_174, %dma_wait3A_175] : memref<8x2x64xi32, #tpu.memory_space<vmem>> -> memref<1x2x64xi32, #tpu.memory_space<vmem>>
    %dma_wait3A_177 = tpu.memref_squeeze %dma_wait3A_176 : memref<1x2x64xi32, #tpu.memory_space<vmem>> -> memref<2x64xi32, #tpu.memory_space<vmem>>
    %dma_wait3A_178 = arith.constant 0 : i32
    %dma_wait3A_179 = arith.constant 0 : i32
    %dma_wait3A_180 = tpu.memref_slice %arg3[%add3A, %dma_wait3A_172, %dma_wait3A_178, %dma_wait3A_179] : memref<32x160x2x64xi32, #tpu.memory_space<hbm>> -> memref<1x1x2x64xi32, #tpu.memory_space<hbm>>
    %dma_wait3A_181 = tpu.memref_squeeze %dma_wait3A_180 : memref<1x1x2x64xi32, #tpu.memory_space<hbm>> -> memref<2x64xi32, #tpu.memory_space<hbm>>
    %dma_wait3A_182 = arith.constant 0 : i32
    %dma_wait3A_183 = arith.constant 0 : i32
    %dma_wait3A_184 = tpu.memref_slice %arg6[%dma_wait3A_173, %dma_wait3A_182, %dma_wait3A_183] : memref<8x2x64xi32, #tpu.memory_space<vmem>> -> memref<1x2x64xi32, #tpu.memory_space<vmem>>
    %dma_wait3A_185 = tpu.memref_squeeze %dma_wait3A_184 : memref<1x2x64xi32, #tpu.memory_space<vmem>> -> memref<2x64xi32, #tpu.memory_space<vmem>>
    %dma_wait3A_186 = arith.constant 0 : i32
    %dma_wait3A_187 = arith.constant 0 : i32
    %dma_wait3A_188 = tpu.memref_slice %arg3[%add3A, %dma_wait3A_172, %dma_wait3A_186, %dma_wait3A_187] : memref<32x160x2x64xi32, #tpu.memory_space<hbm>> -> memref<1x1x2x64xi32, #tpu.memory_space<hbm>>
    %dma_wait3A_189 = tpu.memref_squeeze %dma_wait3A_188 : memref<1x1x2x64xi32, #tpu.memory_space<hbm>> -> memref<2x64xi32, #tpu.memory_space<hbm>>
    tpu.wait_dma2 semaphore(%arg11 : memref<!tpu.dma_semaphore, #tpu.memory_space<semaphore_mem>>) src(%dma_wait3A_189 : memref<2x64xi32, #tpu.memory_space<hbm>>) dst(%dma_wait3A_185 : memref<2x64xi32, #tpu.memory_space<vmem>>)
    %dma_start3A_190 = arith.constant 2 : i32
    %dma_start3A_191 = arith.constant 0 : i32
    %dma_start3A_192 = arith.constant 2 : i32
    %dma_start3A_193 = arith.constant 0 : i32
    %dma_start3A_194 = arith.constant 0 : i32
    %dma_start3A_195 = tpu.memref_slice %arg7[%dma_start3A_192, %dma_start3A_193, %dma_start3A_194] : memref<4x64x128xf32, #tpu.memory_space<vmem>> -> memref<1x64x128xf32, #tpu.memory_space<vmem>>
    %dma_start3A_196 = tpu.memref_squeeze %dma_start3A_195 : memref<1x64x128xf32, #tpu.memory_space<vmem>> -> memref<64x128xf32, #tpu.memory_space<vmem>>
    %dma_start3A_197 = arith.constant 0 : i32
    %dma_start3A_198 = tpu.memref_slice %arg6[%dma_start3A_190, %dma_start3A_191, %dma_start3A_197] : memref<8x2x64xi32, #tpu.memory_space<vmem>> -> memref<1x1x64xi32, #tpu.memory_space<vmem>>
    %dma_start3A_199 = tpu.memref_squeeze %dma_start3A_198 : memref<1x1x64xi32, #tpu.memory_space<vmem>> -> memref<64xi32, #tpu.memory_space<vmem>>
    %dma_start3A_200 = arith.constant 0 : i32
    %dma_start3A_201 = arith.constant 0 : i32
    %dma_start3A_202 = tpu.memref_slice %arg2[%dma_start3A_200, %dma_start3A_201] : memref<10240x128xf32, #tpu.memory_space<hbm>> -> memref<10240x128xf32, #tpu.memory_space<hbm>>
    tpu.enqueue_indirect_dma source(%dma_start3A_202 : memref<10240x128xf32, #tpu.memory_space<hbm>>) target(%dma_start3A_196 : memref<64x128xf32, #tpu.memory_space<vmem>>) offsets(%dma_start3A_199 : memref<64xi32, #tpu.memory_space<vmem>>) semaphore(%arg19 : memref<!tpu.dma_semaphore, #tpu.memory_space<semaphore_mem>>)
    %dma_wait3A_203 = arith.constant 3 : i32
    %dma_wait3A_204 = arith.constant 3 : i32
    %dma_wait3A_205 = arith.constant 0 : i32
    %dma_wait3A_206 = arith.constant 0 : i32
    %dma_wait3A_207 = tpu.memref_slice %arg6[%dma_wait3A_204, %dma_wait3A_205, %dma_wait3A_206] : memref<8x2x64xi32, #tpu.memory_space<vmem>> -> memref<1x2x64xi32, #tpu.memory_space<vmem>>
    %dma_wait3A_208 = tpu.memref_squeeze %dma_wait3A_207 : memref<1x2x64xi32, #tpu.memory_space<vmem>> -> memref<2x64xi32, #tpu.memory_space<vmem>>
    %dma_wait3A_209 = arith.constant 0 : i32
    %dma_wait3A_210 = arith.constant 0 : i32
    %dma_wait3A_211 = tpu.memref_slice %arg3[%add3A, %dma_wait3A_203, %dma_wait3A_209, %dma_wait3A_210] : memref<32x160x2x64xi32, #tpu.memory_space<hbm>> -> memref<1x1x2x64xi32, #tpu.memory_space<hbm>>
    %dma_wait3A_212 = tpu.memref_squeeze %dma_wait3A_211 : memref<1x1x2x64xi32, #tpu.memory_space<hbm>> -> memref<2x64xi32, #tpu.memory_space<hbm>>
    %dma_wait3A_213 = arith.constant 0 : i32
    %dma_wait3A_214 = arith.constant 0 : i32
    %dma_wait3A_215 = tpu.memref_slice %arg6[%dma_wait3A_204, %dma_wait3A_213, %dma_wait3A_214] : memref<8x2x64xi32, #tpu.memory_space<vmem>> -> memref<1x2x64xi32, #tpu.memory_space<vmem>>
    %dma_wait3A_216 = tpu.memref_squeeze %dma_wait3A_215 : memref<1x2x64xi32, #tpu.memory_space<vmem>> -> memref<2x64xi32, #tpu.memory_space<vmem>>
    %dma_wait3A_217 = arith.constant 0 : i32
    %dma_wait3A_218 = arith.constant 0 : i32
    %dma_wait3A_219 = tpu.memref_slice %arg3[%add3A, %dma_wait3A_203, %dma_wait3A_217, %dma_wait3A_218] : memref<32x160x2x64xi32, #tpu.memory_space<hbm>> -> memref<1x1x2x64xi32, #tpu.memory_space<hbm>>
    %dma_wait3A_220 = tpu.memref_squeeze %dma_wait3A_219 : memref<1x1x2x64xi32, #tpu.memory_space<hbm>> -> memref<2x64xi32, #tpu.memory_space<hbm>>
    tpu.wait_dma2 semaphore(%arg12 : memref<!tpu.dma_semaphore, #tpu.memory_space<semaphore_mem>>) src(%dma_wait3A_220 : memref<2x64xi32, #tpu.memory_space<hbm>>) dst(%dma_wait3A_216 : memref<2x64xi32, #tpu.memory_space<vmem>>)
    %dma_start3A_221 = arith.constant 3 : i32
    %dma_start3A_222 = arith.constant 0 : i32
    %dma_start3A_223 = arith.constant 3 : i32
    %dma_start3A_224 = arith.constant 0 : i32
    %dma_start3A_225 = arith.constant 0 : i32
    %dma_start3A_226 = tpu.memref_slice %arg7[%dma_start3A_223, %dma_start3A_224, %dma_start3A_225] : memref<4x64x128xf32, #tpu.memory_space<vmem>> -> memref<1x64x128xf32, #tpu.memory_space<vmem>>
    %dma_start3A_227 = tpu.memref_squeeze %dma_start3A_226 : memref<1x64x128xf32, #tpu.memory_space<vmem>> -> memref<64x128xf32, #tpu.memory_space<vmem>>
    %dma_start3A_228 = arith.constant 0 : i32
    %dma_start3A_229 = tpu.memref_slice %arg6[%dma_start3A_221, %dma_start3A_222, %dma_start3A_228] : memref<8x2x64xi32, #tpu.memory_space<vmem>> -> memref<1x1x64xi32, #tpu.memory_space<vmem>>
    %dma_start3A_230 = tpu.memref_squeeze %dma_start3A_229 : memref<1x1x64xi32, #tpu.memory_space<vmem>> -> memref<64xi32, #tpu.memory_space<vmem>>
    %dma_start3A_231 = arith.constant 0 : i32
    %dma_start3A_232 = arith.constant 0 : i32
    %dma_start3A_233 = tpu.memref_slice %arg2[%dma_start3A_231, %dma_start3A_232] : memref<10240x128xf32, #tpu.memory_space<hbm>> -> memref<10240x128xf32, #tpu.memory_space<hbm>>
    tpu.enqueue_indirect_dma source(%dma_start3A_233 : memref<10240x128xf32, #tpu.memory_space<hbm>>) target(%dma_start3A_227 : memref<64x128xf32, #tpu.memory_space<vmem>>) offsets(%dma_start3A_230 : memref<64xi32, #tpu.memory_space<vmem>>) semaphore(%arg20 : memref<!tpu.dma_semaphore, #tpu.memory_space<semaphore_mem>>)
    %scan3A = arith.constant 0 : i32
    %scan3A_234 = arith.constant 0 : i32
    %scan3A_235 = arith.constant 19 : i32
    %scan3A_236 = arith.addi %scan3A_234, %scan3A_235 : i32
    %scan3A_237 = arith.constant 1 : i32
    scf.for %scan3A_494 = %scan3A_234 to %scan3A_236 step %scan3A_237  : i32 {
      %mul3A_495 = arith.constant 8 : i32
      %mul3A_496 = arith.muli %scan3A_494, %mul3A_495 : i32
      %add3A_497 = arith.constant 0 : i32
      %add3A_498 = arith.addi %mul3A_496, %add3A_497 : i32
      %dma_wait3A_499 = arith.constant 0 : i32
      %dma_wait3A_500 = arith.constant 0 : i32
      %dma_wait3A_501 = arith.constant 0 : i32
      %dma_wait3A_502 = arith.constant 0 : i32
      %dma_wait3A_503 = arith.constant 0 : i32
      %dma_wait3A_504 = tpu.memref_slice %arg7[%dma_wait3A_501, %dma_wait3A_502, %dma_wait3A_503] : memref<4x64x128xf32, #tpu.memory_space<vmem>> -> memref<1x64x128xf32, #tpu.memory_space<vmem>>
      %dma_wait3A_505 = tpu.memref_squeeze %dma_wait3A_504 : memref<1x64x128xf32, #tpu.memory_space<vmem>> -> memref<64x128xf32, #tpu.memory_space<vmem>>
      %dma_wait3A_506 = arith.constant 0 : i32
      %dma_wait3A_507 = tpu.memref_slice %arg6[%dma_wait3A_499, %dma_wait3A_500, %dma_wait3A_506] : memref<8x2x64xi32, #tpu.memory_space<vmem>> -> memref<1x1x64xi32, #tpu.memory_space<vmem>>
      %dma_wait3A_508 = tpu.memref_squeeze %dma_wait3A_507 : memref<1x1x64xi32, #tpu.memory_space<vmem>> -> memref<64xi32, #tpu.memory_space<vmem>>
      %dma_wait3A_509 = arith.constant 0 : i32
      %dma_wait3A_510 = arith.constant 0 : i32
      %dma_wait3A_511 = tpu.memref_slice %arg2[%dma_wait3A_509, %dma_wait3A_510] : memref<10240x128xf32, #tpu.memory_space<hbm>> -> memref<10240x128xf32, #tpu.memory_space<hbm>>
      tpu.wait_indirect_dma semaphore(%arg17 : memref<!tpu.dma_semaphore, #tpu.memory_space<semaphore_mem>>) src(%dma_wait3A_511 : memref<10240x128xf32, #tpu.memory_space<hbm>>) dst(%dma_wait3A_505 : memref<64x128xf32, #tpu.memory_space<vmem>>)
      %run_scoped3A_512 = arith.constant 0 : i32
      %run_scoped3A_513 = arith.constant 0 : i32
      %run_scoped3A_514 = arith.constant 1 : i32
      "tpu.region"() ({
        %run_scoped3A_1063 = tpu.sem_alloc : memref<!tpu.dma_semaphore, #tpu.memory_space<semaphore_mem>>
        %dma_start3A_1064 = arith.constant 0 : i32
        %dma_start3A_1065 = arith.constant 0 : i32
        %dma_start3A_1066 = tpu.memref_slice %arg7[%run_scoped3A_512, %dma_start3A_1064, %dma_start3A_1065] : memref<4x64x128xf32, #tpu.memory_space<vmem>> -> memref<1x64x128xf32, #tpu.memory_space<vmem>>
        %dma_start3A_1067 = tpu.memref_squeeze %dma_start3A_1066 : memref<1x64x128xf32, #tpu.memory_space<vmem>> -> memref<64x128xf32, #tpu.memory_space<vmem>>
        %dma_start3A_1068 = arith.constant 0 : i32
        %dma_start3A_1069 = tpu.memref_slice %arg6[%run_scoped3A_513, %run_scoped3A_514, %dma_start3A_1068] : memref<8x2x64xi32, #tpu.memory_space<vmem>> -> memref<1x1x64xi32, #tpu.memory_space<vmem>>
        %dma_start3A_1070 = tpu.memref_squeeze %dma_start3A_1069 : memref<1x1x64xi32, #tpu.memory_space<vmem>> -> memref<64xi32, #tpu.memory_space<vmem>>
        %dma_start3A_1071 = arith.constant 0 : i32
        %dma_start3A_1072 = arith.constant 0 : i32
        %dma_start3A_1073 = tpu.memref_slice %arg8[%dma_start3A_1071, %dma_start3A_1072] : memref<10240x128xf32, #tpu.memory_space<vmem_shared>> -> memref<10240x128xf32, #tpu.memory_space<vmem_shared>>
        tpu.enqueue_indirect_dma source(%dma_start3A_1067 : memref<64x128xf32, #tpu.memory_space<vmem>>) target(%dma_start3A_1073 : memref<10240x128xf32, #tpu.memory_space<vmem_shared>>) offsets(%dma_start3A_1070 : memref<64xi32, #tpu.memory_space<vmem>>) semaphore(%run_scoped3A_1063 : memref<!tpu.dma_semaphore, #tpu.memory_space<semaphore_mem>>) {add = true}
        %dma_wait3A_1074 = arith.constant 0 : i32
        %dma_wait3A_1075 = arith.constant 0 : i32
        %dma_wait3A_1076 = tpu.memref_slice %arg7[%run_scoped3A_512, %dma_wait3A_1074, %dma_wait3A_1075] : memref<4x64x128xf32, #tpu.memory_space<vmem>> -> memref<1x64x128xf32, #tpu.memory_space<vmem>>
        %dma_wait3A_1077 = tpu.memref_squeeze %dma_wait3A_1076 : memref<1x64x128xf32, #tpu.memory_space<vmem>> -> memref<64x128xf32, #tpu.memory_space<vmem>>
        %dma_wait3A_1078 = arith.constant 0 : i32
        %dma_wait3A_1079 = tpu.memref_slice %arg6[%run_scoped3A_513, %run_scoped3A_514, %dma_wait3A_1078] : memref<8x2x64xi32, #tpu.memory_space<vmem>> -> memref<1x1x64xi32, #tpu.memory_space<vmem>>
        %dma_wait3A_1080 = tpu.memref_squeeze %dma_wait3A_1079 : memref<1x1x64xi32, #tpu.memory_space<vmem>> -> memref<64xi32, #tpu.memory_space<vmem>>
        %dma_wait3A_1081 = arith.constant 0 : i32
        %dma_wait3A_1082 = arith.constant 0 : i32
        %dma_wait3A_1083 = tpu.memref_slice %arg8[%dma_wait3A_1081, %dma_wait3A_1082] : memref<10240x128xf32, #tpu.memory_space<vmem_shared>> -> memref<10240x128xf32, #tpu.memory_space<vmem_shared>>
        tpu.wait_indirect_dma semaphore(%run_scoped3A_1063 : memref<!tpu.dma_semaphore, #tpu.memory_space<semaphore_mem>>) src(%dma_wait3A_1077 : memref<64x128xf32, #tpu.memory_space<vmem>>) dst(%dma_wait3A_1083 : memref<10240x128xf32, #tpu.memory_space<vmem_shared>>)
        tpu.yield
      }) : () -> ()
      %add3A_515 = arith.constant 8 : i32
      %add3A_516 = arith.addi %add3A_498, %add3A_515 : i32
      %dma_start3A_517 = arith.constant 0 : i32
      %dma_start3A_518 = arith.constant 0 : i32
      %dma_start3A_519 = arith.constant 0 : i32
      %dma_start3A_520 = tpu.memref_slice %arg6[%dma_start3A_517, %dma_start3A_518, %dma_start3A_519] : memref<8x2x64xi32, #tpu.memory_space<vmem>> -> memref<1x2x64xi32, #tpu.memory_space<vmem>>
      %dma_start3A_521 = tpu.memref_squeeze %dma_start3A_520 : memref<1x2x64xi32, #tpu.memory_space<vmem>> -> memref<2x64xi32, #tpu.memory_space<vmem>>
      %dma_start3A_522 = arith.constant 0 : i32
      %dma_start3A_523 = arith.constant 0 : i32
      %dma_start3A_524 = tpu.memref_slice %arg3[%add3A, %add3A_516, %dma_start3A_522, %dma_start3A_523] : memref<32x160x2x64xi32, #tpu.memory_space<hbm>> -> memref<1x1x2x64xi32, #tpu.memory_space<hbm>>
      %dma_start3A_525 = tpu.memref_squeeze %dma_start3A_524 : memref<1x1x2x64xi32, #tpu.memory_space<hbm>> -> memref<2x64xi32, #tpu.memory_space<hbm>>
      %dma_start3A_526 = arith.constant 0 : i32
      %dma_start3A_527 = arith.constant 0 : i32
      %dma_start3A_528 = tpu.memref_slice %arg6[%dma_start3A_517, %dma_start3A_526, %dma_start3A_527] : memref<8x2x64xi32, #tpu.memory_space<vmem>> -> memref<1x2x64xi32, #tpu.memory_space<vmem>>
      %dma_start3A_529 = tpu.memref_squeeze %dma_start3A_528 : memref<1x2x64xi32, #tpu.memory_space<vmem>> -> memref<2x64xi32, #tpu.memory_space<vmem>>
      %dma_start3A_530 = arith.constant 0 : i32
      %dma_start3A_531 = arith.constant 0 : i32
      %dma_start3A_532 = tpu.memref_slice %arg3[%add3A, %add3A_516, %dma_start3A_530, %dma_start3A_531] : memref<32x160x2x64xi32, #tpu.memory_space<hbm>> -> memref<1x1x2x64xi32, #tpu.memory_space<hbm>>
      %dma_start3A_533 = tpu.memref_squeeze %dma_start3A_532 : memref<1x1x2x64xi32, #tpu.memory_space<hbm>> -> memref<2x64xi32, #tpu.memory_space<hbm>>
      tpu.enqueue_dma source(%dma_start3A_533 : memref<2x64xi32, #tpu.memory_space<hbm>>) target(%dma_start3A_529 : memref<2x64xi32, #tpu.memory_space<vmem>>) target_semaphore(%arg9 : memref<!tpu.dma_semaphore, #tpu.memory_space<semaphore_mem>>)
      %add3A_534 = arith.constant 4 : i32
      %add3A_535 = arith.addi %add3A_498, %add3A_534 : i32
      %dma_wait3A_536 = arith.constant 4 : i32
      %dma_wait3A_537 = arith.constant 0 : i32
      %dma_wait3A_538 = arith.constant 0 : i32
      %dma_wait3A_539 = tpu.memref_slice %arg6[%dma_wait3A_536, %dma_wait3A_537, %dma_wait3A_538] : memref<8x2x64xi32, #tpu.memory_space<vmem>> -> memref<1x2x64xi32, #tpu.memory_space<vmem>>
      %dma_wait3A_540 = tpu.memref_squeeze %dma_wait3A_539 : memref<1x2x64xi32, #tpu.memory_space<vmem>> -> memref<2x64xi32, #tpu.memory_space<vmem>>
      %dma_wait3A_541 = arith.constant 0 : i32
      %dma_wait3A_542 = arith.constant 0 : i32
      %dma_wait3A_543 = tpu.memref_slice %arg3[%add3A, %add3A_535, %dma_wait3A_541, %dma_wait3A_542] : memref<32x160x2x64xi32, #tpu.memory_space<hbm>> -> memref<1x1x2x64xi32, #tpu.memory_space<hbm>>
      %dma_wait3A_544 = tpu.memref_squeeze %dma_wait3A_543 : memref<1x1x2x64xi32, #tpu.memory_space<hbm>> -> memref<2x64xi32, #tpu.memory_space<hbm>>
      %dma_wait3A_545 = arith.constant 0 : i32
      %dma_wait3A_546 = arith.constant 0 : i32
      %dma_wait3A_547 = tpu.memref_slice %arg6[%dma_wait3A_536, %dma_wait3A_545, %dma_wait3A_546] : memref<8x2x64xi32, #tpu.memory_space<vmem>> -> memref<1x2x64xi32, #tpu.memory_space<vmem>>
      %dma_wait3A_548 = tpu.memref_squeeze %dma_wait3A_547 : memref<1x2x64xi32, #tpu.memory_space<vmem>> -> memref<2x64xi32, #tpu.memory_space<vmem>>
      %dma_wait3A_549 = arith.constant 0 : i32
      %dma_wait3A_550 = arith.constant 0 : i32
      %dma_wait3A_551 = tpu.memref_slice %arg3[%add3A, %add3A_535, %dma_wait3A_549, %dma_wait3A_550] : memref<32x160x2x64xi32, #tpu.memory_space<hbm>> -> memref<1x1x2x64xi32, #tpu.memory_space<hbm>>
      %dma_wait3A_552 = tpu.memref_squeeze %dma_wait3A_551 : memref<1x1x2x64xi32, #tpu.memory_space<hbm>> -> memref<2x64xi32, #tpu.memory_space<hbm>>
      tpu.wait_dma2 semaphore(%arg13 : memref<!tpu.dma_semaphore, #tpu.memory_space<semaphore_mem>>) src(%dma_wait3A_552 : memref<2x64xi32, #tpu.memory_space<hbm>>) dst(%dma_wait3A_548 : memref<2x64xi32, #tpu.memory_space<vmem>>)
      %dma_start3A_553 = arith.constant 4 : i32
      %dma_start3A_554 = arith.constant 0 : i32
      %dma_start3A_555 = arith.constant 0 : i32
      %dma_start3A_556 = arith.constant 0 : i32
      %dma_start3A_557 = arith.constant 0 : i32
      %dma_start3A_558 = tpu.memref_slice %arg7[%dma_start3A_555, %dma_start3A_556, %dma_start3A_557] : memref<4x64x128xf32, #tpu.memory_space<vmem>> -> memref<1x64x128xf32, #tpu.memory_space<vmem>>
      %dma_start3A_559 = tpu.memref_squeeze %dma_start3A_558 : memref<1x64x128xf32, #tpu.memory_space<vmem>> -> memref<64x128xf32, #tpu.memory_space<vmem>>
      %dma_start3A_560 = arith.constant 0 : i32
      %dma_start3A_561 = tpu.memref_slice %arg6[%dma_start3A_553, %dma_start3A_554, %dma_start3A_560] : memref<8x2x64xi32, #tpu.memory_space<vmem>> -> memref<1x1x64xi32, #tpu.memory_space<vmem>>
      %dma_start3A_562 = tpu.memref_squeeze %dma_start3A_561 : memref<1x1x64xi32, #tpu.memory_space<vmem>> -> memref<64xi32, #tpu.memory_space<vmem>>
      %dma_start3A_563 = arith.constant 0 : i32
      %dma_start3A_564 = arith.constant 0 : i32
      %dma_start3A_565 = tpu.memref_slice %arg2[%dma_start3A_563, %dma_start3A_564] : memref<10240x128xf32, #tpu.memory_space<hbm>> -> memref<10240x128xf32, #tpu.memory_space<hbm>>
      tpu.enqueue_indirect_dma source(%dma_start3A_565 : memref<10240x128xf32, #tpu.memory_space<hbm>>) target(%dma_start3A_559 : memref<64x128xf32, #tpu.memory_space<vmem>>) offsets(%dma_start3A_562 : memref<64xi32, #tpu.memory_space<vmem>>) semaphore(%arg17 : memref<!tpu.dma_semaphore, #tpu.memory_space<semaphore_mem>>)
      %mul3A_566 = arith.constant 8 : i32
      %mul3A_567 = arith.muli %scan3A_494, %mul3A_566 : i32
      %add3A_568 = arith.constant 1 : i32
      %add3A_569 = arith.addi %mul3A_567, %add3A_568 : i32
      %dma_wait3A_570 = arith.constant 1 : i32
      %dma_wait3A_571 = arith.constant 0 : i32
      %dma_wait3A_572 = arith.constant 1 : i32
      %dma_wait3A_573 = arith.constant 0 : i32
      %dma_wait3A_574 = arith.constant 0 : i32
      %dma_wait3A_575 = tpu.memref_slice %arg7[%dma_wait3A_572, %dma_wait3A_573, %dma_wait3A_574] : memref<4x64x128xf32, #tpu.memory_space<vmem>> -> memref<1x64x128xf32, #tpu.memory_space<vmem>>
      %dma_wait3A_576 = tpu.memref_squeeze %dma_wait3A_575 : memref<1x64x128xf32, #tpu.memory_space<vmem>> -> memref<64x128xf32, #tpu.memory_space<vmem>>
      %dma_wait3A_577 = arith.constant 0 : i32
      %dma_wait3A_578 = tpu.memref_slice %arg6[%dma_wait3A_570, %dma_wait3A_571, %dma_wait3A_577] : memref<8x2x64xi32, #tpu.memory_space<vmem>> -> memref<1x1x64xi32, #tpu.memory_space<vmem>>
      %dma_wait3A_579 = tpu.memref_squeeze %dma_wait3A_578 : memref<1x1x64xi32, #tpu.memory_space<vmem>> -> memref<64xi32, #tpu.memory_space<vmem>>
      %dma_wait3A_580 = arith.constant 0 : i32
      %dma_wait3A_581 = arith.constant 0 : i32
      %dma_wait3A_582 = tpu.memref_slice %arg2[%dma_wait3A_580, %dma_wait3A_581] : memref<10240x128xf32, #tpu.memory_space<hbm>> -> memref<10240x128xf32, #tpu.memory_space<hbm>>
      tpu.wait_indirect_dma semaphore(%arg18 : memref<!tpu.dma_semaphore, #tpu.memory_space<semaphore_mem>>) src(%dma_wait3A_582 : memref<10240x128xf32, #tpu.memory_space<hbm>>) dst(%dma_wait3A_576 : memref<64x128xf32, #tpu.memory_space<vmem>>)
      %run_scoped3A_583 = arith.constant 1 : i32
      %run_scoped3A_584 = arith.constant 1 : i32
      %run_scoped3A_585 = arith.constant 1 : i32
      "tpu.region"() ({
        %run_scoped3A_1063 = tpu.sem_alloc : memref<!tpu.dma_semaphore, #tpu.memory_space<semaphore_mem>>
        %dma_start3A_1064 = arith.constant 0 : i32
        %dma_start3A_1065 = arith.constant 0 : i32
        %dma_start3A_1066 = tpu.memref_slice %arg7[%run_scoped3A_583, %dma_start3A_1064, %dma_start3A_1065] : memref<4x64x128xf32, #tpu.memory_space<vmem>> -> memref<1x64x128xf32, #tpu.memory_space<vmem>>
        %dma_start3A_1067 = tpu.memref_squeeze %dma_start3A_1066 : memref<1x64x128xf32, #tpu.memory_space<vmem>> -> memref<64x128xf32, #tpu.memory_space<vmem>>
        %dma_start3A_1068 = arith.constant 0 : i32
        %dma_start3A_1069 = tpu.memref_slice %arg6[%run_scoped3A_584, %run_scoped3A_585, %dma_start3A_1068] : memref<8x2x64xi32, #tpu.memory_space<vmem>> -> memref<1x1x64xi32, #tpu.memory_space<vmem>>
        %dma_start3A_1070 = tpu.memref_squeeze %dma_start3A_1069 : memref<1x1x64xi32, #tpu.memory_space<vmem>> -> memref<64xi32, #tpu.memory_space<vmem>>
        %dma_start3A_1071 = arith.constant 0 : i32
        %dma_start3A_1072 = arith.constant 0 : i32
        %dma_start3A_1073 = tpu.memref_slice %arg8[%dma_start3A_1071, %dma_start3A_1072] : memref<10240x128xf32, #tpu.memory_space<vmem_shared>> -> memref<10240x128xf32, #tpu.memory_space<vmem_shared>>
        tpu.enqueue_indirect_dma source(%dma_start3A_1067 : memref<64x128xf32, #tpu.memory_space<vmem>>) target(%dma_start3A_1073 : memref<10240x128xf32, #tpu.memory_space<vmem_shared>>) offsets(%dma_start3A_1070 : memref<64xi32, #tpu.memory_space<vmem>>) semaphore(%run_scoped3A_1063 : memref<!tpu.dma_semaphore, #tpu.memory_space<semaphore_mem>>) {add = true}
        %dma_wait3A_1074 = arith.constant 0 : i32
        %dma_wait3A_1075 = arith.constant 0 : i32
        %dma_wait3A_1076 = tpu.memref_slice %arg7[%run_scoped3A_583, %dma_wait3A_1074, %dma_wait3A_1075] : memref<4x64x128xf32, #tpu.memory_space<vmem>> -> memref<1x64x128xf32, #tpu.memory_space<vmem>>
        %dma_wait3A_1077 = tpu.memref_squeeze %dma_wait3A_1076 : memref<1x64x128xf32, #tpu.memory_space<vmem>> -> memref<64x128xf32, #tpu.memory_space<vmem>>
        %dma_wait3A_1078 = arith.constant 0 : i32
        %dma_wait3A_1079 = tpu.memref_slice %arg6[%run_scoped3A_584, %run_scoped3A_585, %dma_wait3A_1078] : memref<8x2x64xi32, #tpu.memory_space<vmem>> -> memref<1x1x64xi32, #tpu.memory_space<vmem>>
        %dma_wait3A_1080 = tpu.memref_squeeze %dma_wait3A_1079 : memref<1x1x64xi32, #tpu.memory_space<vmem>> -> memref<64xi32, #tpu.memory_space<vmem>>
        %dma_wait3A_1081 = arith.constant 0 : i32
        %dma_wait3A_1082 = arith.constant 0 : i32
        %dma_wait3A_1083 = tpu.memref_slice %arg8[%dma_wait3A_1081, %dma_wait3A_1082] : memref<10240x128xf32, #tpu.memory_space<vmem_shared>> -> memref<10240x128xf32, #tpu.memory_space<vmem_shared>>
        tpu.wait_indirect_dma semaphore(%run_scoped3A_1063 : memref<!tpu.dma_semaphore, #tpu.memory_space<semaphore_mem>>) src(%dma_wait3A_1077 : memref<64x128xf32, #tpu.memory_space<vmem>>) dst(%dma_wait3A_1083 : memref<10240x128xf32, #tpu.memory_space<vmem_shared>>)
        tpu.yield
      }) : () -> ()
      %add3A_586 = arith.constant 8 : i32
      %add3A_587 = arith.addi %add3A_569, %add3A_586 : i32
      %dma_start3A_588 = arith.constant 1 : i32
      %dma_start3A_589 = arith.constant 0 : i32
      %dma_start3A_590 = arith.constant 0 : i32
      %dma_start3A_591 = tpu.memref_slice %arg6[%dma_start3A_588, %dma_start3A_589, %dma_start3A_590] : memref<8x2x64xi32, #tpu.memory_space<vmem>> -> memref<1x2x64xi32, #tpu.memory_space<vmem>>
      %dma_start3A_592 = tpu.memref_squeeze %dma_start3A_591 : memref<1x2x64xi32, #tpu.memory_space<vmem>> -> memref<2x64xi32, #tpu.memory_space<vmem>>
      %dma_start3A_593 = arith.constant 0 : i32
      %dma_start3A_594 = arith.constant 0 : i32
      %dma_start3A_595 = tpu.memref_slice %arg3[%add3A, %add3A_587, %dma_start3A_593, %dma_start3A_594] : memref<32x160x2x64xi32, #tpu.memory_space<hbm>> -> memref<1x1x2x64xi32, #tpu.memory_space<hbm>>
      %dma_start3A_596 = tpu.memref_squeeze %dma_start3A_595 : memref<1x1x2x64xi32, #tpu.memory_space<hbm>> -> memref<2x64xi32, #tpu.memory_space<hbm>>
      %dma_start3A_597 = arith.constant 0 : i32
      %dma_start3A_598 = arith.constant 0 : i32
      %dma_start3A_599 = tpu.memref_slice %arg6[%dma_start3A_588, %dma_start3A_597, %dma_start3A_598] : memref<8x2x64xi32, #tpu.memory_space<vmem>> -> memref<1x2x64xi32, #tpu.memory_space<vmem>>
      %dma_start3A_600 = tpu.memref_squeeze %dma_start3A_599 : memref<1x2x64xi32, #tpu.memory_space<vmem>> -> memref<2x64xi32, #tpu.memory_space<vmem>>
      %dma_start3A_601 = arith.constant 0 : i32
      %dma_start3A_602 = arith.constant 0 : i32
      %dma_start3A_603 = tpu.memref_slice %arg3[%add3A, %add3A_587, %dma_start3A_601, %dma_start3A_602] : memref<32x160x2x64xi32, #tpu.memory_space<hbm>> -> memref<1x1x2x64xi32, #tpu.memory_space<hbm>>
      %dma_start3A_604 = tpu.memref_squeeze %dma_start3A_603 : memref<1x1x2x64xi32, #tpu.memory_space<hbm>> -> memref<2x64xi32, #tpu.memory_space<hbm>>
      tpu.enqueue_dma source(%dma_start3A_604 : memref<2x64xi32, #tpu.memory_space<hbm>>) target(%dma_start3A_600 : memref<2x64xi32, #tpu.memory_space<vmem>>) target_semaphore(%arg10 : memref<!tpu.dma_semaphore, #tpu.memory_space<semaphore_mem>>)
      %add3A_605 = arith.constant 4 : i32
      %add3A_606 = arith.addi %add3A_569, %add3A_605 : i32
      %dma_wait3A_607 = arith.constant 5 : i32
      %dma_wait3A_608 = arith.constant 0 : i32
      %dma_wait3A_609 = arith.constant 0 : i32
      %dma_wait3A_610 = tpu.memref_slice %arg6[%dma_wait3A_607, %dma_wait3A_608, %dma_wait3A_609] : memref<8x2x64xi32, #tpu.memory_space<vmem>> -> memref<1x2x64xi32, #tpu.memory_space<vmem>>
      %dma_wait3A_611 = tpu.memref_squeeze %dma_wait3A_610 : memref<1x2x64xi32, #tpu.memory_space<vmem>> -> memref<2x64xi32, #tpu.memory_space<vmem>>
      %dma_wait3A_612 = arith.constant 0 : i32
      %dma_wait3A_613 = arith.constant 0 : i32
      %dma_wait3A_614 = tpu.memref_slice %arg3[%add3A, %add3A_606, %dma_wait3A_612, %dma_wait3A_613] : memref<32x160x2x64xi32, #tpu.memory_space<hbm>> -> memref<1x1x2x64xi32, #tpu.memory_space<hbm>>
      %dma_wait3A_615 = tpu.memref_squeeze %dma_wait3A_614 : memref<1x1x2x64xi32, #tpu.memory_space<hbm>> -> memref<2x64xi32, #tpu.memory_space<hbm>>
      %dma_wait3A_616 = arith.constant 0 : i32
      %dma_wait3A_617 = arith.constant 0 : i32
      %dma_wait3A_618 = tpu.memref_slice %arg6[%dma_wait3A_607, %dma_wait3A_616, %dma_wait3A_617] : memref<8x2x64xi32, #tpu.memory_space<vmem>> -> memref<1x2x64xi32, #tpu.memory_space<vmem>>
      %dma_wait3A_619 = tpu.memref_squeeze %dma_wait3A_618 : memref<1x2x64xi32, #tpu.memory_space<vmem>> -> memref<2x64xi32, #tpu.memory_space<vmem>>
      %dma_wait3A_620 = arith.constant 0 : i32
      %dma_wait3A_621 = arith.constant 0 : i32
      %dma_wait3A_622 = tpu.memref_slice %arg3[%add3A, %add3A_606, %dma_wait3A_620, %dma_wait3A_621] : memref<32x160x2x64xi32, #tpu.memory_space<hbm>> -> memref<1x1x2x64xi32, #tpu.memory_space<hbm>>
      %dma_wait3A_623 = tpu.memref_squeeze %dma_wait3A_622 : memref<1x1x2x64xi32, #tpu.memory_space<hbm>> -> memref<2x64xi32, #tpu.memory_space<hbm>>
      tpu.wait_dma2 semaphore(%arg14 : memref<!tpu.dma_semaphore, #tpu.memory_space<semaphore_mem>>) src(%dma_wait3A_623 : memref<2x64xi32, #tpu.memory_space<hbm>>) dst(%dma_wait3A_619 : memref<2x64xi32, #tpu.memory_space<vmem>>)
      %dma_start3A_624 = arith.constant 5 : i32
      %dma_start3A_625 = arith.constant 0 : i32
      %dma_start3A_626 = arith.constant 1 : i32
      %dma_start3A_627 = arith.constant 0 : i32
      %dma_start3A_628 = arith.constant 0 : i32
      %dma_start3A_629 = tpu.memref_slice %arg7[%dma_start3A_626, %dma_start3A_627, %dma_start3A_628] : memref<4x64x128xf32, #tpu.memory_space<vmem>> -> memref<1x64x128xf32, #tpu.memory_space<vmem>>
      %dma_start3A_630 = tpu.memref_squeeze %dma_start3A_629 : memref<1x64x128xf32, #tpu.memory_space<vmem>> -> memref<64x128xf32, #tpu.memory_space<vmem>>
      %dma_start3A_631 = arith.constant 0 : i32
      %dma_start3A_632 = tpu.memref_slice %arg6[%dma_start3A_624, %dma_start3A_625, %dma_start3A_631] : memref<8x2x64xi32, #tpu.memory_space<vmem>> -> memref<1x1x64xi32, #tpu.memory_space<vmem>>
      %dma_start3A_633 = tpu.memref_squeeze %dma_start3A_632 : memref<1x1x64xi32, #tpu.memory_space<vmem>> -> memref<64xi32, #tpu.memory_space<vmem>>
      %dma_start3A_634 = arith.constant 0 : i32
      %dma_start3A_635 = arith.constant 0 : i32
      %dma_start3A_636 = tpu.memref_slice %arg2[%dma_start3A_634, %dma_start3A_635] : memref<10240x128xf32, #tpu.memory_space<hbm>> -> memref<10240x128xf32, #tpu.memory_space<hbm>>
      tpu.enqueue_indirect_dma source(%dma_start3A_636 : memref<10240x128xf32, #tpu.memory_space<hbm>>) target(%dma_start3A_630 : memref<64x128xf32, #tpu.memory_space<vmem>>) offsets(%dma_start3A_633 : memref<64xi32, #tpu.memory_space<vmem>>) semaphore(%arg18 : memref<!tpu.dma_semaphore, #tpu.memory_space<semaphore_mem>>)
      %mul3A_637 = arith.constant 8 : i32
      %mul3A_638 = arith.muli %scan3A_494, %mul3A_637 : i32
      %add3A_639 = arith.constant 2 : i32
      %add3A_640 = arith.addi %mul3A_638, %add3A_639 : i32
      %dma_wait3A_641 = arith.constant 2 : i32
      %dma_wait3A_642 = arith.constant 0 : i32
      %dma_wait3A_643 = arith.constant 2 : i32
      %dma_wait3A_644 = arith.constant 0 : i32
      %dma_wait3A_645 = arith.constant 0 : i32
      %dma_wait3A_646 = tpu.memref_slice %arg7[%dma_wait3A_643, %dma_wait3A_644, %dma_wait3A_645] : memref<4x64x128xf32, #tpu.memory_space<vmem>> -> memref<1x64x128xf32, #tpu.memory_space<vmem>>
      %dma_wait3A_647 = tpu.memref_squeeze %dma_wait3A_646 : memref<1x64x128xf32, #tpu.memory_space<vmem>> -> memref<64x128xf32, #tpu.memory_space<vmem>>
      %dma_wait3A_648 = arith.constant 0 : i32
      %dma_wait3A_649 = tpu.memref_slice %arg6[%dma_wait3A_641, %dma_wait3A_642, %dma_wait3A_648] : memref<8x2x64xi32, #tpu.memory_space<vmem>> -> memref<1x1x64xi32, #tpu.memory_space<vmem>>
      %dma_wait3A_650 = tpu.memref_squeeze %dma_wait3A_649 : memref<1x1x64xi32, #tpu.memory_space<vmem>> -> memref<64xi32, #tpu.memory_space<vmem>>
      %dma_wait3A_651 = arith.constant 0 : i32
      %dma_wait3A_652 = arith.constant 0 : i32
      %dma_wait3A_653 = tpu.memref_slice %arg2[%dma_wait3A_651, %dma_wait3A_652] : memref<10240x128xf32, #tpu.memory_space<hbm>> -> memref<10240x128xf32, #tpu.memory_space<hbm>>
      tpu.wait_indirect_dma semaphore(%arg19 : memref<!tpu.dma_semaphore, #tpu.memory_space<semaphore_mem>>) src(%dma_wait3A_653 : memref<10240x128xf32, #tpu.memory_space<hbm>>) dst(%dma_wait3A_647 : memref<64x128xf32, #tpu.memory_space<vmem>>)
      %run_scoped3A_654 = arith.constant 2 : i32
      %run_scoped3A_655 = arith.constant 2 : i32
      %run_scoped3A_656 = arith.constant 1 : i32
      "tpu.region"() ({
        %run_scoped3A_1063 = tpu.sem_alloc : memref<!tpu.dma_semaphore, #tpu.memory_space<semaphore_mem>>
        %dma_start3A_1064 = arith.constant 0 : i32
        %dma_start3A_1065 = arith.constant 0 : i32
        %dma_start3A_1066 = tpu.memref_slice %arg7[%run_scoped3A_654, %dma_start3A_1064, %dma_start3A_1065] : memref<4x64x128xf32, #tpu.memory_space<vmem>> -> memref<1x64x128xf32, #tpu.memory_space<vmem>>
        %dma_start3A_1067 = tpu.memref_squeeze %dma_start3A_1066 : memref<1x64x128xf32, #tpu.memory_space<vmem>> -> memref<64x128xf32, #tpu.memory_space<vmem>>
        %dma_start3A_1068 = arith.constant 0 : i32
        %dma_start3A_1069 = tpu.memref_slice %arg6[%run_scoped3A_655, %run_scoped3A_656, %dma_start3A_1068] : memref<8x2x64xi32, #tpu.memory_space<vmem>> -> memref<1x1x64xi32, #tpu.memory_space<vmem>>
        %dma_start3A_1070 = tpu.memref_squeeze %dma_start3A_1069 : memref<1x1x64xi32, #tpu.memory_space<vmem>> -> memref<64xi32, #tpu.memory_space<vmem>>
        %dma_start3A_1071 = arith.constant 0 : i32
        %dma_start3A_1072 = arith.constant 0 : i32
        %dma_start3A_1073 = tpu.memref_slice %arg8[%dma_start3A_1071, %dma_start3A_1072] : memref<10240x128xf32, #tpu.memory_space<vmem_shared>> -> memref<10240x128xf32, #tpu.memory_space<vmem_shared>>
        tpu.enqueue_indirect_dma source(%dma_start3A_1067 : memref<64x128xf32, #tpu.memory_space<vmem>>) target(%dma_start3A_1073 : memref<10240x128xf32, #tpu.memory_space<vmem_shared>>) offsets(%dma_start3A_1070 : memref<64xi32, #tpu.memory_space<vmem>>) semaphore(%run_scoped3A_1063 : memref<!tpu.dma_semaphore, #tpu.memory_space<semaphore_mem>>) {add = true}
        %dma_wait3A_1074 = arith.constant 0 : i32
        %dma_wait3A_1075 = arith.constant 0 : i32
        %dma_wait3A_1076 = tpu.memref_slice %arg7[%run_scoped3A_654, %dma_wait3A_1074, %dma_wait3A_1075] : memref<4x64x128xf32, #tpu.memory_space<vmem>> -> memref<1x64x128xf32, #tpu.memory_space<vmem>>
        %dma_wait3A_1077 = tpu.memref_squeeze %dma_wait3A_1076 : memref<1x64x128xf32, #tpu.memory_space<vmem>> -> memref<64x128xf32, #tpu.memory_space<vmem>>
        %dma_wait3A_1078 = arith.constant 0 : i32
        %dma_wait3A_1079 = tpu.memref_slice %arg6[%run_scoped3A_655, %run_scoped3A_656, %dma_wait3A_1078] : memref<8x2x64xi32, #tpu.memory_space<vmem>> -> memref<1x1x64xi32, #tpu.memory_space<vmem>>
        %dma_wait3A_1080 = tpu.memref_squeeze %dma_wait3A_1079 : memref<1x1x64xi32, #tpu.memory_space<vmem>> -> memref<64xi32, #tpu.memory_space<vmem>>
        %dma_wait3A_1081 = arith.constant 0 : i32
        %dma_wait3A_1082 = arith.constant 0 : i32
        %dma_wait3A_1083 = tpu.memref_slice %arg8[%dma_wait3A_1081, %dma_wait3A_1082] : memref<10240x128xf32, #tpu.memory_space<vmem_shared>> -> memref<10240x128xf32, #tpu.memory_space<vmem_shared>>
        tpu.wait_indirect_dma semaphore(%run_scoped3A_1063 : memref<!tpu.dma_semaphore, #tpu.memory_space<semaphore_mem>>) src(%dma_wait3A_1077 : memref<64x128xf32, #tpu.memory_space<vmem>>) dst(%dma_wait3A_1083 : memref<10240x128xf32, #tpu.memory_space<vmem_shared>>)
        tpu.yield
      }) : () -> ()
      %add3A_657 = arith.constant 8 : i32
      %add3A_658 = arith.addi %add3A_640, %add3A_657 : i32
      %dma_start3A_659 = arith.constant 2 : i32
      %dma_start3A_660 = arith.constant 0 : i32
      %dma_start3A_661 = arith.constant 0 : i32
      %dma_start3A_662 = tpu.memref_slice %arg6[%dma_start3A_659, %dma_start3A_660, %dma_start3A_661] : memref<8x2x64xi32, #tpu.memory_space<vmem>> -> memref<1x2x64xi32, #tpu.memory_space<vmem>>
      %dma_start3A_663 = tpu.memref_squeeze %dma_start3A_662 : memref<1x2x64xi32, #tpu.memory_space<vmem>> -> memref<2x64xi32, #tpu.memory_space<vmem>>
      %dma_start3A_664 = arith.constant 0 : i32
      %dma_start3A_665 = arith.constant 0 : i32
      %dma_start3A_666 = tpu.memref_slice %arg3[%add3A, %add3A_658, %dma_start3A_664, %dma_start3A_665] : memref<32x160x2x64xi32, #tpu.memory_space<hbm>> -> memref<1x1x2x64xi32, #tpu.memory_space<hbm>>
      %dma_start3A_667 = tpu.memref_squeeze %dma_start3A_666 : memref<1x1x2x64xi32, #tpu.memory_space<hbm>> -> memref<2x64xi32, #tpu.memory_space<hbm>>
      %dma_start3A_668 = arith.constant 0 : i32
      %dma_start3A_669 = arith.constant 0 : i32
      %dma_start3A_670 = tpu.memref_slice %arg6[%dma_start3A_659, %dma_start3A_668, %dma_start3A_669] : memref<8x2x64xi32, #tpu.memory_space<vmem>> -> memref<1x2x64xi32, #tpu.memory_space<vmem>>
      %dma_start3A_671 = tpu.memref_squeeze %dma_start3A_670 : memref<1x2x64xi32, #tpu.memory_space<vmem>> -> memref<2x64xi32, #tpu.memory_space<vmem>>
      %dma_start3A_672 = arith.constant 0 : i32
      %dma_start3A_673 = arith.constant 0 : i32
      %dma_start3A_674 = tpu.memref_slice %arg3[%add3A, %add3A_658, %dma_start3A_672, %dma_start3A_673] : memref<32x160x2x64xi32, #tpu.memory_space<hbm>> -> memref<1x1x2x64xi32, #tpu.memory_space<hbm>>
      %dma_start3A_675 = tpu.memref_squeeze %dma_start3A_674 : memref<1x1x2x64xi32, #tpu.memory_space<hbm>> -> memref<2x64xi32, #tpu.memory_space<hbm>>
      tpu.enqueue_dma source(%dma_start3A_675 : memref<2x64xi32, #tpu.memory_space<hbm>>) target(%dma_start3A_671 : memref<2x64xi32, #tpu.memory_space<vmem>>) target_semaphore(%arg11 : memref<!tpu.dma_semaphore, #tpu.memory_space<semaphore_mem>>)
      %add3A_676 = arith.constant 4 : i32
      %add3A_677 = arith.addi %add3A_640, %add3A_676 : i32
      %dma_wait3A_678 = arith.constant 6 : i32
      %dma_wait3A_679 = arith.constant 0 : i32
      %dma_wait3A_680 = arith.constant 0 : i32
      %dma_wait3A_681 = tpu.memref_slice %arg6[%dma_wait3A_678, %dma_wait3A_679, %dma_wait3A_680] : memref<8x2x64xi32, #tpu.memory_space<vmem>> -> memref<1x2x64xi32, #tpu.memory_space<vmem>>
      %dma_wait3A_682 = tpu.memref_squeeze %dma_wait3A_681 : memref<1x2x64xi32, #tpu.memory_space<vmem>> -> memref<2x64xi32, #tpu.memory_space<vmem>>
      %dma_wait3A_683 = arith.constant 0 : i32
      %dma_wait3A_684 = arith.constant 0 : i32
      %dma_wait3A_685 = tpu.memref_slice %arg3[%add3A, %add3A_677, %dma_wait3A_683, %dma_wait3A_684] : memref<32x160x2x64xi32, #tpu.memory_space<hbm>> -> memref<1x1x2x64xi32, #tpu.memory_space<hbm>>
      %dma_wait3A_686 = tpu.memref_squeeze %dma_wait3A_685 : memref<1x1x2x64xi32, #tpu.memory_space<hbm>> -> memref<2x64xi32, #tpu.memory_space<hbm>>
      %dma_wait3A_687 = arith.constant 0 : i32
      %dma_wait3A_688 = arith.constant 0 : i32
      %dma_wait3A_689 = tpu.memref_slice %arg6[%dma_wait3A_678, %dma_wait3A_687, %dma_wait3A_688] : memref<8x2x64xi32, #tpu.memory_space<vmem>> -> memref<1x2x64xi32, #tpu.memory_space<vmem>>
      %dma_wait3A_690 = tpu.memref_squeeze %dma_wait3A_689 : memref<1x2x64xi32, #tpu.memory_space<vmem>> -> memref<2x64xi32, #tpu.memory_space<vmem>>
      %dma_wait3A_691 = arith.constant 0 : i32
      %dma_wait3A_692 = arith.constant 0 : i32
      %dma_wait3A_693 = tpu.memref_slice %arg3[%add3A, %add3A_677, %dma_wait3A_691, %dma_wait3A_692] : memref<32x160x2x64xi32, #tpu.memory_space<hbm>> -> memref<1x1x2x64xi32, #tpu.memory_space<hbm>>
      %dma_wait3A_694 = tpu.memref_squeeze %dma_wait3A_693 : memref<1x1x2x64xi32, #tpu.memory_space<hbm>> -> memref<2x64xi32, #tpu.memory_space<hbm>>
      tpu.wait_dma2 semaphore(%arg15 : memref<!tpu.dma_semaphore, #tpu.memory_space<semaphore_mem>>) src(%dma_wait3A_694 : memref<2x64xi32, #tpu.memory_space<hbm>>) dst(%dma_wait3A_690 : memref<2x64xi32, #tpu.memory_space<vmem>>)
      %dma_start3A_695 = arith.constant 6 : i32
      %dma_start3A_696 = arith.constant 0 : i32
      %dma_start3A_697 = arith.constant 2 : i32
      %dma_start3A_698 = arith.constant 0 : i32
      %dma_start3A_699 = arith.constant 0 : i32
      %dma_start3A_700 = tpu.memref_slice %arg7[%dma_start3A_697, %dma_start3A_698, %dma_start3A_699] : memref<4x64x128xf32, #tpu.memory_space<vmem>> -> memref<1x64x128xf32, #tpu.memory_space<vmem>>
      %dma_start3A_701 = tpu.memref_squeeze %dma_start3A_700 : memref<1x64x128xf32, #tpu.memory_space<vmem>> -> memref<64x128xf32, #tpu.memory_space<vmem>>
      %dma_start3A_702 = arith.constant 0 : i32
      %dma_start3A_703 = tpu.memref_slice %arg6[%dma_start3A_695, %dma_start3A_696, %dma_start3A_702] : memref<8x2x64xi32, #tpu.memory_space<vmem>> -> memref<1x1x64xi32, #tpu.memory_space<vmem>>
      %dma_start3A_704 = tpu.memref_squeeze %dma_start3A_703 : memref<1x1x64xi32, #tpu.memory_space<vmem>> -> memref<64xi32, #tpu.memory_space<vmem>>
      %dma_start3A_705 = arith.constant 0 : i32
      %dma_start3A_706 = arith.constant 0 : i32
      %dma_start3A_707 = tpu.memref_slice %arg2[%dma_start3A_705, %dma_start3A_706] : memref<10240x128xf32, #tpu.memory_space<hbm>> -> memref<10240x128xf32, #tpu.memory_space<hbm>>
      tpu.enqueue_indirect_dma source(%dma_start3A_707 : memref<10240x128xf32, #tpu.memory_space<hbm>>) target(%dma_start3A_701 : memref<64x128xf32, #tpu.memory_space<vmem>>) offsets(%dma_start3A_704 : memref<64xi32, #tpu.memory_space<vmem>>) semaphore(%arg19 : memref<!tpu.dma_semaphore, #tpu.memory_space<semaphore_mem>>)
      %mul3A_708 = arith.constant 8 : i32
      %mul3A_709 = arith.muli %scan3A_494, %mul3A_708 : i32
      %add3A_710 = arith.constant 3 : i32
      %add3A_711 = arith.addi %mul3A_709, %add3A_710 : i32
      %dma_wait3A_712 = arith.constant 3 : i32
      %dma_wait3A_713 = arith.constant 0 : i32
      %dma_wait3A_714 = arith.constant 3 : i32
      %dma_wait3A_715 = arith.constant 0 : i32
      %dma_wait3A_716 = arith.constant 0 : i32
      %dma_wait3A_717 = tpu.memref_slice %arg7[%dma_wait3A_714, %dma_wait3A_715, %dma_wait3A_716] : memref<4x64x128xf32, #tpu.memory_space<vmem>> -> memref<1x64x128xf32, #tpu.memory_space<vmem>>
      %dma_wait3A_718 = tpu.memref_squeeze %dma_wait3A_717 : memref<1x64x128xf32, #tpu.memory_space<vmem>> -> memref<64x128xf32, #tpu.memory_space<vmem>>
      %dma_wait3A_719 = arith.constant 0 : i32
      %dma_wait3A_720 = tpu.memref_slice %arg6[%dma_wait3A_712, %dma_wait3A_713, %dma_wait3A_719] : memref<8x2x64xi32, #tpu.memory_space<vmem>> -> memref<1x1x64xi32, #tpu.memory_space<vmem>>
      %dma_wait3A_721 = tpu.memref_squeeze %dma_wait3A_720 : memref<1x1x64xi32, #tpu.memory_space<vmem>> -> memref<64xi32, #tpu.memory_space<vmem>>
      %dma_wait3A_722 = arith.constant 0 : i32
      %dma_wait3A_723 = arith.constant 0 : i32
      %dma_wait3A_724 = tpu.memref_slice %arg2[%dma_wait3A_722, %dma_wait3A_723] : memref<10240x128xf32, #tpu.memory_space<hbm>> -> memref<10240x128xf32, #tpu.memory_space<hbm>>
      tpu.wait_indirect_dma semaphore(%arg20 : memref<!tpu.dma_semaphore, #tpu.memory_space<semaphore_mem>>) src(%dma_wait3A_724 : memref<10240x128xf32, #tpu.memory_space<hbm>>) dst(%dma_wait3A_718 : memref<64x128xf32, #tpu.memory_space<vmem>>)
      %run_scoped3A_725 = arith.constant 3 : i32
      %run_scoped3A_726 = arith.constant 3 : i32
      %run_scoped3A_727 = arith.constant 1 : i32
      "tpu.region"() ({
        %run_scoped3A_1063 = tpu.sem_alloc : memref<!tpu.dma_semaphore, #tpu.memory_space<semaphore_mem>>
        %dma_start3A_1064 = arith.constant 0 : i32
        %dma_start3A_1065 = arith.constant 0 : i32
        %dma_start3A_1066 = tpu.memref_slice %arg7[%run_scoped3A_725, %dma_start3A_1064, %dma_start3A_1065] : memref<4x64x128xf32, #tpu.memory_space<vmem>> -> memref<1x64x128xf32, #tpu.memory_space<vmem>>
        %dma_start3A_1067 = tpu.memref_squeeze %dma_start3A_1066 : memref<1x64x128xf32, #tpu.memory_space<vmem>> -> memref<64x128xf32, #tpu.memory_space<vmem>>
        %dma_start3A_1068 = arith.constant 0 : i32
        %dma_start3A_1069 = tpu.memref_slice %arg6[%run_scoped3A_726, %run_scoped3A_727, %dma_start3A_1068] : memref<8x2x64xi32, #tpu.memory_space<vmem>> -> memref<1x1x64xi32, #tpu.memory_space<vmem>>
        %dma_start3A_1070 = tpu.memref_squeeze %dma_start3A_1069 : memref<1x1x64xi32, #tpu.memory_space<vmem>> -> memref<64xi32, #tpu.memory_space<vmem>>
        %dma_start3A_1071 = arith.constant 0 : i32
        %dma_start3A_1072 = arith.constant 0 : i32
        %dma_start3A_1073 = tpu.memref_slice %arg8[%dma_start3A_1071, %dma_start3A_1072] : memref<10240x128xf32, #tpu.memory_space<vmem_shared>> -> memref<10240x128xf32, #tpu.memory_space<vmem_shared>>
        tpu.enqueue_indirect_dma source(%dma_start3A_1067 : memref<64x128xf32, #tpu.memory_space<vmem>>) target(%dma_start3A_1073 : memref<10240x128xf32, #tpu.memory_space<vmem_shared>>) offsets(%dma_start3A_1070 : memref<64xi32, #tpu.memory_space<vmem>>) semaphore(%run_scoped3A_1063 : memref<!tpu.dma_semaphore, #tpu.memory_space<semaphore_mem>>) {add = true}
        %dma_wait3A_1074 = arith.constant 0 : i32
        %dma_wait3A_1075 = arith.constant 0 : i32
        %dma_wait3A_1076 = tpu.memref_slice %arg7[%run_scoped3A_725, %dma_wait3A_1074, %dma_wait3A_1075] : memref<4x64x128xf32, #tpu.memory_space<vmem>> -> memref<1x64x128xf32, #tpu.memory_space<vmem>>
        %dma_wait3A_1077 = tpu.memref_squeeze %dma_wait3A_1076 : memref<1x64x128xf32, #tpu.memory_space<vmem>> -> memref<64x128xf32, #tpu.memory_space<vmem>>
        %dma_wait3A_1078 = arith.constant 0 : i32
        %dma_wait3A_1079 = tpu.memref_slice %arg6[%run_scoped3A_726, %run_scoped3A_727, %dma_wait3A_1078] : memref<8x2x64xi32, #tpu.memory_space<vmem>> -> memref<1x1x64xi32, #tpu.memory_space<vmem>>
        %dma_wait3A_1080 = tpu.memref_squeeze %dma_wait3A_1079 : memref<1x1x64xi32, #tpu.memory_space<vmem>> -> memref<64xi32, #tpu.memory_space<vmem>>
        %dma_wait3A_1081 = arith.constant 0 : i32
        %dma_wait3A_1082 = arith.constant 0 : i32
        %dma_wait3A_1083 = tpu.memref_slice %arg8[%dma_wait3A_1081, %dma_wait3A_1082] : memref<10240x128xf32, #tpu.memory_space<vmem_shared>> -> memref<10240x128xf32, #tpu.memory_space<vmem_shared>>
        tpu.wait_indirect_dma semaphore(%run_scoped3A_1063 : memref<!tpu.dma_semaphore, #tpu.memory_space<semaphore_mem>>) src(%dma_wait3A_1077 : memref<64x128xf32, #tpu.memory_space<vmem>>) dst(%dma_wait3A_1083 : memref<10240x128xf32, #tpu.memory_space<vmem_shared>>)
        tpu.yield
      }) : () -> ()
      %add3A_728 = arith.constant 8 : i32
      %add3A_729 = arith.addi %add3A_711, %add3A_728 : i32
      %dma_start3A_730 = arith.constant 3 : i32
      %dma_start3A_731 = arith.constant 0 : i32
      %dma_start3A_732 = arith.constant 0 : i32
      %dma_start3A_733 = tpu.memref_slice %arg6[%dma_start3A_730, %dma_start3A_731, %dma_start3A_732] : memref<8x2x64xi32, #tpu.memory_space<vmem>> -> memref<1x2x64xi32, #tpu.memory_space<vmem>>
      %dma_start3A_734 = tpu.memref_squeeze %dma_start3A_733 : memref<1x2x64xi32, #tpu.memory_space<vmem>> -> memref<2x64xi32, #tpu.memory_space<vmem>>
      %dma_start3A_735 = arith.constant 0 : i32
      %dma_start3A_736 = arith.constant 0 : i32
      %dma_start3A_737 = tpu.memref_slice %arg3[%add3A, %add3A_729, %dma_start3A_735, %dma_start3A_736] : memref<32x160x2x64xi32, #tpu.memory_space<hbm>> -> memref<1x1x2x64xi32, #tpu.memory_space<hbm>>
      %dma_start3A_738 = tpu.memref_squeeze %dma_start3A_737 : memref<1x1x2x64xi32, #tpu.memory_space<hbm>> -> memref<2x64xi32, #tpu.memory_space<hbm>>
      %dma_start3A_739 = arith.constant 0 : i32
      %dma_start3A_740 = arith.constant 0 : i32
      %dma_start3A_741 = tpu.memref_slice %arg6[%dma_start3A_730, %dma_start3A_739, %dma_start3A_740] : memref<8x2x64xi32, #tpu.memory_space<vmem>> -> memref<1x2x64xi32, #tpu.memory_space<vmem>>
      %dma_start3A_742 = tpu.memref_squeeze %dma_start3A_741 : memref<1x2x64xi32, #tpu.memory_space<vmem>> -> memref<2x64xi32, #tpu.memory_space<vmem>>
      %dma_start3A_743 = arith.constant 0 : i32
      %dma_start3A_744 = arith.constant 0 : i32
      %dma_start3A_745 = tpu.memref_slice %arg3[%add3A, %add3A_729, %dma_start3A_743, %dma_start3A_744] : memref<32x160x2x64xi32, #tpu.memory_space<hbm>> -> memref<1x1x2x64xi32, #tpu.memory_space<hbm>>
      %dma_start3A_746 = tpu.memref_squeeze %dma_start3A_745 : memref<1x1x2x64xi32, #tpu.memory_space<hbm>> -> memref<2x64xi32, #tpu.memory_space<hbm>>
      tpu.enqueue_dma source(%dma_start3A_746 : memref<2x64xi32, #tpu.memory_space<hbm>>) target(%dma_start3A_742 : memref<2x64xi32, #tpu.memory_space<vmem>>) target_semaphore(%arg12 : memref<!tpu.dma_semaphore, #tpu.memory_space<semaphore_mem>>)
      %add3A_747 = arith.constant 4 : i32
      %add3A_748 = arith.addi %add3A_711, %add3A_747 : i32
      %dma_wait3A_749 = arith.constant 7 : i32
      %dma_wait3A_750 = arith.constant 0 : i32
      %dma_wait3A_751 = arith.constant 0 : i32
      %dma_wait3A_752 = tpu.memref_slice %arg6[%dma_wait3A_749, %dma_wait3A_750, %dma_wait3A_751] : memref<8x2x64xi32, #tpu.memory_space<vmem>> -> memref<1x2x64xi32, #tpu.memory_space<vmem>>
      %dma_wait3A_753 = tpu.memref_squeeze %dma_wait3A_752 : memref<1x2x64xi32, #tpu.memory_space<vmem>> -> memref<2x64xi32, #tpu.memory_space<vmem>>
      %dma_wait3A_754 = arith.constant 0 : i32
      %dma_wait3A_755 = arith.constant 0 : i32
      %dma_wait3A_756 = tpu.memref_slice %arg3[%add3A, %add3A_748, %dma_wait3A_754, %dma_wait3A_755] : memref<32x160x2x64xi32, #tpu.memory_space<hbm>> -> memref<1x1x2x64xi32, #tpu.memory_space<hbm>>
      %dma_wait3A_757 = tpu.memref_squeeze %dma_wait3A_756 : memref<1x1x2x64xi32, #tpu.memory_space<hbm>> -> memref<2x64xi32, #tpu.memory_space<hbm>>
      %dma_wait3A_758 = arith.constant 0 : i32
      %dma_wait3A_759 = arith.constant 0 : i32
      %dma_wait3A_760 = tpu.memref_slice %arg6[%dma_wait3A_749, %dma_wait3A_758, %dma_wait3A_759] : memref<8x2x64xi32, #tpu.memory_space<vmem>> -> memref<1x2x64xi32, #tpu.memory_space<vmem>>
      %dma_wait3A_761 = tpu.memref_squeeze %dma_wait3A_760 : memref<1x2x64xi32, #tpu.memory_space<vmem>> -> memref<2x64xi32, #tpu.memory_space<vmem>>
      %dma_wait3A_762 = arith.constant 0 : i32
      %dma_wait3A_763 = arith.constant 0 : i32
      %dma_wait3A_764 = tpu.memref_slice %arg3[%add3A, %add3A_748, %dma_wait3A_762, %dma_wait3A_763] : memref<32x160x2x64xi32, #tpu.memory_space<hbm>> -> memref<1x1x2x64xi32, #tpu.memory_space<hbm>>
      %dma_wait3A_765 = tpu.memref_squeeze %dma_wait3A_764 : memref<1x1x2x64xi32, #tpu.memory_space<hbm>> -> memref<2x64xi32, #tpu.memory_space<hbm>>
      tpu.wait_dma2 semaphore(%arg16 : memref<!tpu.dma_semaphore, #tpu.memory_space<semaphore_mem>>) src(%dma_wait3A_765 : memref<2x64xi32, #tpu.memory_space<hbm>>) dst(%dma_wait3A_761 : memref<2x64xi32, #tpu.memory_space<vmem>>)
      %dma_start3A_766 = arith.constant 7 : i32
      %dma_start3A_767 = arith.constant 0 : i32
      %dma_start3A_768 = arith.constant 3 : i32
      %dma_start3A_769 = arith.constant 0 : i32
      %dma_start3A_770 = arith.constant 0 : i32
      %dma_start3A_771 = tpu.memref_slice %arg7[%dma_start3A_768, %dma_start3A_769, %dma_start3A_770] : memref<4x64x128xf32, #tpu.memory_space<vmem>> -> memref<1x64x128xf32, #tpu.memory_space<vmem>>
      %dma_start3A_772 = tpu.memref_squeeze %dma_start3A_771 : memref<1x64x128xf32, #tpu.memory_space<vmem>> -> memref<64x128xf32, #tpu.memory_space<vmem>>
      %dma_start3A_773 = arith.constant 0 : i32
      %dma_start3A_774 = tpu.memref_slice %arg6[%dma_start3A_766, %dma_start3A_767, %dma_start3A_773] : memref<8x2x64xi32, #tpu.memory_space<vmem>> -> memref<1x1x64xi32, #tpu.memory_space<vmem>>
      %dma_start3A_775 = tpu.memref_squeeze %dma_start3A_774 : memref<1x1x64xi32, #tpu.memory_space<vmem>> -> memref<64xi32, #tpu.memory_space<vmem>>
      %dma_start3A_776 = arith.constant 0 : i32
      %dma_start3A_777 = arith.constant 0 : i32
      %dma_start3A_778 = tpu.memref_slice %arg2[%dma_start3A_776, %dma_start3A_777] : memref<10240x128xf32, #tpu.memory_space<hbm>> -> memref<10240x128xf32, #tpu.memory_space<hbm>>
      tpu.enqueue_indirect_dma source(%dma_start3A_778 : memref<10240x128xf32, #tpu.memory_space<hbm>>) target(%dma_start3A_772 : memref<64x128xf32, #tpu.memory_space<vmem>>) offsets(%dma_start3A_775 : memref<64xi32, #tpu.memory_space<vmem>>) semaphore(%arg20 : memref<!tpu.dma_semaphore, #tpu.memory_space<semaphore_mem>>)
      %mul3A_779 = arith.constant 8 : i32
      %mul3A_780 = arith.muli %scan3A_494, %mul3A_779 : i32
      %add3A_781 = arith.constant 4 : i32
      %add3A_782 = arith.addi %mul3A_780, %add3A_781 : i32
      %dma_wait3A_783 = arith.constant 4 : i32
      %dma_wait3A_784 = arith.constant 0 : i32
      %dma_wait3A_785 = arith.constant 0 : i32
      %dma_wait3A_786 = arith.constant 0 : i32
      %dma_wait3A_787 = arith.constant 0 : i32
      %dma_wait3A_788 = tpu.memref_slice %arg7[%dma_wait3A_785, %dma_wait3A_786, %dma_wait3A_787] : memref<4x64x128xf32, #tpu.memory_space<vmem>> -> memref<1x64x128xf32, #tpu.memory_space<vmem>>
      %dma_wait3A_789 = tpu.memref_squeeze %dma_wait3A_788 : memref<1x64x128xf32, #tpu.memory_space<vmem>> -> memref<64x128xf32, #tpu.memory_space<vmem>>
      %dma_wait3A_790 = arith.constant 0 : i32
      %dma_wait3A_791 = tpu.memref_slice %arg6[%dma_wait3A_783, %dma_wait3A_784, %dma_wait3A_790] : memref<8x2x64xi32, #tpu.memory_space<vmem>> -> memref<1x1x64xi32, #tpu.memory_space<vmem>>
      %dma_wait3A_792 = tpu.memref_squeeze %dma_wait3A_791 : memref<1x1x64xi32, #tpu.memory_space<vmem>> -> memref<64xi32, #tpu.memory_space<vmem>>
      %dma_wait3A_793 = arith.constant 0 : i32
      %dma_wait3A_794 = arith.constant 0 : i32
      %dma_wait3A_795 = tpu.memref_slice %arg2[%dma_wait3A_793, %dma_wait3A_794] : memref<10240x128xf32, #tpu.memory_space<hbm>> -> memref<10240x128xf32, #tpu.memory_space<hbm>>
      tpu.wait_indirect_dma semaphore(%arg17 : memref<!tpu.dma_semaphore, #tpu.memory_space<semaphore_mem>>) src(%dma_wait3A_795 : memref<10240x128xf32, #tpu.memory_space<hbm>>) dst(%dma_wait3A_789 : memref<64x128xf32, #tpu.memory_space<vmem>>)
      %run_scoped3A_796 = arith.constant 0 : i32
      %run_scoped3A_797 = arith.constant 4 : i32
      %run_scoped3A_798 = arith.constant 1 : i32
      "tpu.region"() ({
        %run_scoped3A_1063 = tpu.sem_alloc : memref<!tpu.dma_semaphore, #tpu.memory_space<semaphore_mem>>
        %dma_start3A_1064 = arith.constant 0 : i32
        %dma_start3A_1065 = arith.constant 0 : i32
        %dma_start3A_1066 = tpu.memref_slice %arg7[%run_scoped3A_796, %dma_start3A_1064, %dma_start3A_1065] : memref<4x64x128xf32, #tpu.memory_space<vmem>> -> memref<1x64x128xf32, #tpu.memory_space<vmem>>
        %dma_start3A_1067 = tpu.memref_squeeze %dma_start3A_1066 : memref<1x64x128xf32, #tpu.memory_space<vmem>> -> memref<64x128xf32, #tpu.memory_space<vmem>>
        %dma_start3A_1068 = arith.constant 0 : i32
        %dma_start3A_1069 = tpu.memref_slice %arg6[%run_scoped3A_797, %run_scoped3A_798, %dma_start3A_1068] : memref<8x2x64xi32, #tpu.memory_space<vmem>> -> memref<1x1x64xi32, #tpu.memory_space<vmem>>
        %dma_start3A_1070 = tpu.memref_squeeze %dma_start3A_1069 : memref<1x1x64xi32, #tpu.memory_space<vmem>> -> memref<64xi32, #tpu.memory_space<vmem>>
        %dma_start3A_1071 = arith.constant 0 : i32
        %dma_start3A_1072 = arith.constant 0 : i32
        %dma_start3A_1073 = tpu.memref_slice %arg8[%dma_start3A_1071, %dma_start3A_1072] : memref<10240x128xf32, #tpu.memory_space<vmem_shared>> -> memref<10240x128xf32, #tpu.memory_space<vmem_shared>>
        tpu.enqueue_indirect_dma source(%dma_start3A_1067 : memref<64x128xf32, #tpu.memory_space<vmem>>) target(%dma_start3A_1073 : memref<10240x128xf32, #tpu.memory_space<vmem_shared>>) offsets(%dma_start3A_1070 : memref<64xi32, #tpu.memory_space<vmem>>) semaphore(%run_scoped3A_1063 : memref<!tpu.dma_semaphore, #tpu.memory_space<semaphore_mem>>) {add = true}
        %dma_wait3A_1074 = arith.constant 0 : i32
        %dma_wait3A_1075 = arith.constant 0 : i32
        %dma_wait3A_1076 = tpu.memref_slice %arg7[%run_scoped3A_796, %dma_wait3A_1074, %dma_wait3A_1075] : memref<4x64x128xf32, #tpu.memory_space<vmem>> -> memref<1x64x128xf32, #tpu.memory_space<vmem>>
        %dma_wait3A_1077 = tpu.memref_squeeze %dma_wait3A_1076 : memref<1x64x128xf32, #tpu.memory_space<vmem>> -> memref<64x128xf32, #tpu.memory_space<vmem>>
        %dma_wait3A_1078 = arith.constant 0 : i32
        %dma_wait3A_1079 = tpu.memref_slice %arg6[%run_scoped3A_797, %run_scoped3A_798, %dma_wait3A_1078] : memref<8x2x64xi32, #tpu.memory_space<vmem>> -> memref<1x1x64xi32, #tpu.memory_space<vmem>>
        %dma_wait3A_1080 = tpu.memref_squeeze %dma_wait3A_1079 : memref<1x1x64xi32, #tpu.memory_space<vmem>> -> memref<64xi32, #tpu.memory_space<vmem>>
        %dma_wait3A_1081 = arith.constant 0 : i32
        %dma_wait3A_1082 = arith.constant 0 : i32
        %dma_wait3A_1083 = tpu.memref_slice %arg8[%dma_wait3A_1081, %dma_wait3A_1082] : memref<10240x128xf32, #tpu.memory_space<vmem_shared>> -> memref<10240x128xf32, #tpu.memory_space<vmem_shared>>
        tpu.wait_indirect_dma semaphore(%run_scoped3A_1063 : memref<!tpu.dma_semaphore, #tpu.memory_space<semaphore_mem>>) src(%dma_wait3A_1077 : memref<64x128xf32, #tpu.memory_space<vmem>>) dst(%dma_wait3A_1083 : memref<10240x128xf32, #tpu.memory_space<vmem_shared>>)
        tpu.yield
      }) : () -> ()
      %add3A_799 = arith.constant 8 : i32
      %add3A_800 = arith.addi %add3A_782, %add3A_799 : i32
      %dma_start3A_801 = arith.constant 4 : i32
      %dma_start3A_802 = arith.constant 0 : i32
      %dma_start3A_803 = arith.constant 0 : i32
      %dma_start3A_804 = tpu.memref_slice %arg6[%dma_start3A_801, %dma_start3A_802, %dma_start3A_803] : memref<8x2x64xi32, #tpu.memory_space<vmem>> -> memref<1x2x64xi32, #tpu.memory_space<vmem>>
      %dma_start3A_805 = tpu.memref_squeeze %dma_start3A_804 : memref<1x2x64xi32, #tpu.memory_space<vmem>> -> memref<2x64xi32, #tpu.memory_space<vmem>>
      %dma_start3A_806 = arith.constant 0 : i32
      %dma_start3A_807 = arith.constant 0 : i32
      %dma_start3A_808 = tpu.memref_slice %arg3[%add3A, %add3A_800, %dma_start3A_806, %dma_start3A_807] : memref<32x160x2x64xi32, #tpu.memory_space<hbm>> -> memref<1x1x2x64xi32, #tpu.memory_space<hbm>>
      %dma_start3A_809 = tpu.memref_squeeze %dma_start3A_808 : memref<1x1x2x64xi32, #tpu.memory_space<hbm>> -> memref<2x64xi32, #tpu.memory_space<hbm>>
      %dma_start3A_810 = arith.constant 0 : i32
      %dma_start3A_811 = arith.constant 0 : i32
      %dma_start3A_812 = tpu.memref_slice %arg6[%dma_start3A_801, %dma_start3A_810, %dma_start3A_811] : memref<8x2x64xi32, #tpu.memory_space<vmem>> -> memref<1x2x64xi32, #tpu.memory_space<vmem>>
      %dma_start3A_813 = tpu.memref_squeeze %dma_start3A_812 : memref<1x2x64xi32, #tpu.memory_space<vmem>> -> memref<2x64xi32, #tpu.memory_space<vmem>>
      %dma_start3A_814 = arith.constant 0 : i32
      %dma_start3A_815 = arith.constant 0 : i32
      %dma_start3A_816 = tpu.memref_slice %arg3[%add3A, %add3A_800, %dma_start3A_814, %dma_start3A_815] : memref<32x160x2x64xi32, #tpu.memory_space<hbm>> -> memref<1x1x2x64xi32, #tpu.memory_space<hbm>>
      %dma_start3A_817 = tpu.memref_squeeze %dma_start3A_816 : memref<1x1x2x64xi32, #tpu.memory_space<hbm>> -> memref<2x64xi32, #tpu.memory_space<hbm>>
      tpu.enqueue_dma source(%dma_start3A_817 : memref<2x64xi32, #tpu.memory_space<hbm>>) target(%dma_start3A_813 : memref<2x64xi32, #tpu.memory_space<vmem>>) target_semaphore(%arg13 : memref<!tpu.dma_semaphore, #tpu.memory_space<semaphore_mem>>)
      %add3A_818 = arith.constant 4 : i32
      %add3A_819 = arith.addi %add3A_782, %add3A_818 : i32
      %dma_wait3A_820 = arith.constant 0 : i32
      %dma_wait3A_821 = arith.constant 0 : i32
      %dma_wait3A_822 = arith.constant 0 : i32
      %dma_wait3A_823 = tpu.memref_slice %arg6[%dma_wait3A_820, %dma_wait3A_821, %dma_wait3A_822] : memref<8x2x64xi32, #tpu.memory_space<vmem>> -> memref<1x2x64xi32, #tpu.memory_space<vmem>>
      %dma_wait3A_824 = tpu.memref_squeeze %dma_wait3A_823 : memref<1x2x64xi32, #tpu.memory_space<vmem>> -> memref<2x64xi32, #tpu.memory_space<vmem>>
      %dma_wait3A_825 = arith.constant 0 : i32
      %dma_wait3A_826 = arith.constant 0 : i32
      %dma_wait3A_827 = tpu.memref_slice %arg3[%add3A, %add3A_819, %dma_wait3A_825, %dma_wait3A_826] : memref<32x160x2x64xi32, #tpu.memory_space<hbm>> -> memref<1x1x2x64xi32, #tpu.memory_space<hbm>>
      %dma_wait3A_828 = tpu.memref_squeeze %dma_wait3A_827 : memref<1x1x2x64xi32, #tpu.memory_space<hbm>> -> memref<2x64xi32, #tpu.memory_space<hbm>>
      %dma_wait3A_829 = arith.constant 0 : i32
      %dma_wait3A_830 = arith.constant 0 : i32
      %dma_wait3A_831 = tpu.memref_slice %arg6[%dma_wait3A_820, %dma_wait3A_829, %dma_wait3A_830] : memref<8x2x64xi32, #tpu.memory_space<vmem>> -> memref<1x2x64xi32, #tpu.memory_space<vmem>>
      %dma_wait3A_832 = tpu.memref_squeeze %dma_wait3A_831 : memref<1x2x64xi32, #tpu.memory_space<vmem>> -> memref<2x64xi32, #tpu.memory_space<vmem>>
      %dma_wait3A_833 = arith.constant 0 : i32
      %dma_wait3A_834 = arith.constant 0 : i32
      %dma_wait3A_835 = tpu.memref_slice %arg3[%add3A, %add3A_819, %dma_wait3A_833, %dma_wait3A_834] : memref<32x160x2x64xi32, #tpu.memory_space<hbm>> -> memref<1x1x2x64xi32, #tpu.memory_space<hbm>>
      %dma_wait3A_836 = tpu.memref_squeeze %dma_wait3A_835 : memref<1x1x2x64xi32, #tpu.memory_space<hbm>> -> memref<2x64xi32, #tpu.memory_space<hbm>>
      tpu.wait_dma2 semaphore(%arg9 : memref<!tpu.dma_semaphore, #tpu.memory_space<semaphore_mem>>) src(%dma_wait3A_836 : memref<2x64xi32, #tpu.memory_space<hbm>>) dst(%dma_wait3A_832 : memref<2x64xi32, #tpu.memory_space<vmem>>)
      %dma_start3A_837 = arith.constant 0 : i32
      %dma_start3A_838 = arith.constant 0 : i32
      %dma_start3A_839 = arith.constant 0 : i32
      %dma_start3A_840 = arith.constant 0 : i32
      %dma_start3A_841 = arith.constant 0 : i32
      %dma_start3A_842 = tpu.memref_slice %arg7[%dma_start3A_839, %dma_start3A_840, %dma_start3A_841] : memref<4x64x128xf32, #tpu.memory_space<vmem>> -> memref<1x64x128xf32, #tpu.memory_space<vmem>>
      %dma_start3A_843 = tpu.memref_squeeze %dma_start3A_842 : memref<1x64x128xf32, #tpu.memory_space<vmem>> -> memref<64x128xf32, #tpu.memory_space<vmem>>
      %dma_start3A_844 = arith.constant 0 : i32
      %dma_start3A_845 = tpu.memref_slice %arg6[%dma_start3A_837, %dma_start3A_838, %dma_start3A_844] : memref<8x2x64xi32, #tpu.memory_space<vmem>> -> memref<1x1x64xi32, #tpu.memory_space<vmem>>
      %dma_start3A_846 = tpu.memref_squeeze %dma_start3A_845 : memref<1x1x64xi32, #tpu.memory_space<vmem>> -> memref<64xi32, #tpu.memory_space<vmem>>
      %dma_start3A_847 = arith.constant 0 : i32
      %dma_start3A_848 = arith.constant 0 : i32
      %dma_start3A_849 = tpu.memref_slice %arg2[%dma_start3A_847, %dma_start3A_848] : memref<10240x128xf32, #tpu.memory_space<hbm>> -> memref<10240x128xf32, #tpu.memory_space<hbm>>
      tpu.enqueue_indirect_dma source(%dma_start3A_849 : memref<10240x128xf32, #tpu.memory_space<hbm>>) target(%dma_start3A_843 : memref<64x128xf32, #tpu.memory_space<vmem>>) offsets(%dma_start3A_846 : memref<64xi32, #tpu.memory_space<vmem>>) semaphore(%arg17 : memref<!tpu.dma_semaphore, #tpu.memory_space<semaphore_mem>>)
      %mul3A_850 = arith.constant 8 : i32
      %mul3A_851 = arith.muli %scan3A_494, %mul3A_850 : i32
      %add3A_852 = arith.constant 5 : i32
      %add3A_853 = arith.addi %mul3A_851, %add3A_852 : i32
      %dma_wait3A_854 = arith.constant 5 : i32
      %dma_wait3A_855 = arith.constant 0 : i32
      %dma_wait3A_856 = arith.constant 1 : i32
      %dma_wait3A_857 = arith.constant 0 : i32
      %dma_wait3A_858 = arith.constant 0 : i32
      %dma_wait3A_859 = tpu.memref_slice %arg7[%dma_wait3A_856, %dma_wait3A_857, %dma_wait3A_858] : memref<4x64x128xf32, #tpu.memory_space<vmem>> -> memref<1x64x128xf32, #tpu.memory_space<vmem>>
      %dma_wait3A_860 = tpu.memref_squeeze %dma_wait3A_859 : memref<1x64x128xf32, #tpu.memory_space<vmem>> -> memref<64x128xf32, #tpu.memory_space<vmem>>
      %dma_wait3A_861 = arith.constant 0 : i32
      %dma_wait3A_862 = tpu.memref_slice %arg6[%dma_wait3A_854, %dma_wait3A_855, %dma_wait3A_861] : memref<8x2x64xi32, #tpu.memory_space<vmem>> -> memref<1x1x64xi32, #tpu.memory_space<vmem>>
      %dma_wait3A_863 = tpu.memref_squeeze %dma_wait3A_862 : memref<1x1x64xi32, #tpu.memory_space<vmem>> -> memref<64xi32, #tpu.memory_space<vmem>>
      %dma_wait3A_864 = arith.constant 0 : i32
      %dma_wait3A_865 = arith.constant 0 : i32
      %dma_wait3A_866 = tpu.memref_slice %arg2[%dma_wait3A_864, %dma_wait3A_865] : memref<10240x128xf32, #tpu.memory_space<hbm>> -> memref<10240x128xf32, #tpu.memory_space<hbm>>
      tpu.wait_indirect_dma semaphore(%arg18 : memref<!tpu.dma_semaphore, #tpu.memory_space<semaphore_mem>>) src(%dma_wait3A_866 : memref<10240x128xf32, #tpu.memory_space<hbm>>) dst(%dma_wait3A_860 : memref<64x128xf32, #tpu.memory_space<vmem>>)
      %run_scoped3A_867 = arith.constant 1 : i32
      %run_scoped3A_868 = arith.constant 5 : i32
      %run_scoped3A_869 = arith.constant 1 : i32
      "tpu.region"() ({
        %run_scoped3A_1063 = tpu.sem_alloc : memref<!tpu.dma_semaphore, #tpu.memory_space<semaphore_mem>>
        %dma_start3A_1064 = arith.constant 0 : i32
        %dma_start3A_1065 = arith.constant 0 : i32
        %dma_start3A_1066 = tpu.memref_slice %arg7[%run_scoped3A_867, %dma_start3A_1064, %dma_start3A_1065] : memref<4x64x128xf32, #tpu.memory_space<vmem>> -> memref<1x64x128xf32, #tpu.memory_space<vmem>>
        %dma_start3A_1067 = tpu.memref_squeeze %dma_start3A_1066 : memref<1x64x128xf32, #tpu.memory_space<vmem>> -> memref<64x128xf32, #tpu.memory_space<vmem>>
        %dma_start3A_1068 = arith.constant 0 : i32
        %dma_start3A_1069 = tpu.memref_slice %arg6[%run_scoped3A_868, %run_scoped3A_869, %dma_start3A_1068] : memref<8x2x64xi32, #tpu.memory_space<vmem>> -> memref<1x1x64xi32, #tpu.memory_space<vmem>>
        %dma_start3A_1070 = tpu.memref_squeeze %dma_start3A_1069 : memref<1x1x64xi32, #tpu.memory_space<vmem>> -> memref<64xi32, #tpu.memory_space<vmem>>
        %dma_start3A_1071 = arith.constant 0 : i32
        %dma_start3A_1072 = arith.constant 0 : i32
        %dma_start3A_1073 = tpu.memref_slice %arg8[%dma_start3A_1071, %dma_start3A_1072] : memref<10240x128xf32, #tpu.memory_space<vmem_shared>> -> memref<10240x128xf32, #tpu.memory_space<vmem_shared>>
        tpu.enqueue_indirect_dma source(%dma_start3A_1067 : memref<64x128xf32, #tpu.memory_space<vmem>>) target(%dma_start3A_1073 : memref<10240x128xf32, #tpu.memory_space<vmem_shared>>) offsets(%dma_start3A_1070 : memref<64xi32, #tpu.memory_space<vmem>>) semaphore(%run_scoped3A_1063 : memref<!tpu.dma_semaphore, #tpu.memory_space<semaphore_mem>>) {add = true}
        %dma_wait3A_1074 = arith.constant 0 : i32
        %dma_wait3A_1075 = arith.constant 0 : i32
        %dma_wait3A_1076 = tpu.memref_slice %arg7[%run_scoped3A_867, %dma_wait3A_1074, %dma_wait3A_1075] : memref<4x64x128xf32, #tpu.memory_space<vmem>> -> memref<1x64x128xf32, #tpu.memory_space<vmem>>
        %dma_wait3A_1077 = tpu.memref_squeeze %dma_wait3A_1076 : memref<1x64x128xf32, #tpu.memory_space<vmem>> -> memref<64x128xf32, #tpu.memory_space<vmem>>
        %dma_wait3A_1078 = arith.constant 0 : i32
        %dma_wait3A_1079 = tpu.memref_slice %arg6[%run_scoped3A_868, %run_scoped3A_869, %dma_wait3A_1078] : memref<8x2x64xi32, #tpu.memory_space<vmem>> -> memref<1x1x64xi32, #tpu.memory_space<vmem>>
        %dma_wait3A_1080 = tpu.memref_squeeze %dma_wait3A_1079 : memref<1x1x64xi32, #tpu.memory_space<vmem>> -> memref<64xi32, #tpu.memory_space<vmem>>
        %dma_wait3A_1081 = arith.constant 0 : i32
        %dma_wait3A_1082 = arith.constant 0 : i32
        %dma_wait3A_1083 = tpu.memref_slice %arg8[%dma_wait3A_1081, %dma_wait3A_1082] : memref<10240x128xf32, #tpu.memory_space<vmem_shared>> -> memref<10240x128xf32, #tpu.memory_space<vmem_shared>>
        tpu.wait_indirect_dma semaphore(%run_scoped3A_1063 : memref<!tpu.dma_semaphore, #tpu.memory_space<semaphore_mem>>) src(%dma_wait3A_1077 : memref<64x128xf32, #tpu.memory_space<vmem>>) dst(%dma_wait3A_1083 : memref<10240x128xf32, #tpu.memory_space<vmem_shared>>)
        tpu.yield
      }) : () -> ()
      %add3A_870 = arith.constant 8 : i32
      %add3A_871 = arith.addi %add3A_853, %add3A_870 : i32
      %dma_start3A_872 = arith.constant 5 : i32
      %dma_start3A_873 = arith.constant 0 : i32
      %dma_start3A_874 = arith.constant 0 : i32
      %dma_start3A_875 = tpu.memref_slice %arg6[%dma_start3A_872, %dma_start3A_873, %dma_start3A_874] : memref<8x2x64xi32, #tpu.memory_space<vmem>> -> memref<1x2x64xi32, #tpu.memory_space<vmem>>
      %dma_start3A_876 = tpu.memref_squeeze %dma_start3A_875 : memref<1x2x64xi32, #tpu.memory_space<vmem>> -> memref<2x64xi32, #tpu.memory_space<vmem>>
      %dma_start3A_877 = arith.constant 0 : i32
      %dma_start3A_878 = arith.constant 0 : i32
      %dma_start3A_879 = tpu.memref_slice %arg3[%add3A, %add3A_871, %dma_start3A_877, %dma_start3A_878] : memref<32x160x2x64xi32, #tpu.memory_space<hbm>> -> memref<1x1x2x64xi32, #tpu.memory_space<hbm>>
      %dma_start3A_880 = tpu.memref_squeeze %dma_start3A_879 : memref<1x1x2x64xi32, #tpu.memory_space<hbm>> -> memref<2x64xi32, #tpu.memory_space<hbm>>
      %dma_start3A_881 = arith.constant 0 : i32
      %dma_start3A_882 = arith.constant 0 : i32
      %dma_start3A_883 = tpu.memref_slice %arg6[%dma_start3A_872, %dma_start3A_881, %dma_start3A_882] : memref<8x2x64xi32, #tpu.memory_space<vmem>> -> memref<1x2x64xi32, #tpu.memory_space<vmem>>
      %dma_start3A_884 = tpu.memref_squeeze %dma_start3A_883 : memref<1x2x64xi32, #tpu.memory_space<vmem>> -> memref<2x64xi32, #tpu.memory_space<vmem>>
      %dma_start3A_885 = arith.constant 0 : i32
      %dma_start3A_886 = arith.constant 0 : i32
      %dma_start3A_887 = tpu.memref_slice %arg3[%add3A, %add3A_871, %dma_start3A_885, %dma_start3A_886] : memref<32x160x2x64xi32, #tpu.memory_space<hbm>> -> memref<1x1x2x64xi32, #tpu.memory_space<hbm>>
      %dma_start3A_888 = tpu.memref_squeeze %dma_start3A_887 : memref<1x1x2x64xi32, #tpu.memory_space<hbm>> -> memref<2x64xi32, #tpu.memory_space<hbm>>
      tpu.enqueue_dma source(%dma_start3A_888 : memref<2x64xi32, #tpu.memory_space<hbm>>) target(%dma_start3A_884 : memref<2x64xi32, #tpu.memory_space<vmem>>) target_semaphore(%arg14 : memref<!tpu.dma_semaphore, #tpu.memory_space<semaphore_mem>>)
      %add3A_889 = arith.constant 4 : i32
      %add3A_890 = arith.addi %add3A_853, %add3A_889 : i32
      %dma_wait3A_891 = arith.constant 1 : i32
      %dma_wait3A_892 = arith.constant 0 : i32
      %dma_wait3A_893 = arith.constant 0 : i32
      %dma_wait3A_894 = tpu.memref_slice %arg6[%dma_wait3A_891, %dma_wait3A_892, %dma_wait3A_893] : memref<8x2x64xi32, #tpu.memory_space<vmem>> -> memref<1x2x64xi32, #tpu.memory_space<vmem>>
      %dma_wait3A_895 = tpu.memref_squeeze %dma_wait3A_894 : memref<1x2x64xi32, #tpu.memory_space<vmem>> -> memref<2x64xi32, #tpu.memory_space<vmem>>
      %dma_wait3A_896 = arith.constant 0 : i32
      %dma_wait3A_897 = arith.constant 0 : i32
      %dma_wait3A_898 = tpu.memref_slice %arg3[%add3A, %add3A_890, %dma_wait3A_896, %dma_wait3A_897] : memref<32x160x2x64xi32, #tpu.memory_space<hbm>> -> memref<1x1x2x64xi32, #tpu.memory_space<hbm>>
      %dma_wait3A_899 = tpu.memref_squeeze %dma_wait3A_898 : memref<1x1x2x64xi32, #tpu.memory_space<hbm>> -> memref<2x64xi32, #tpu.memory_space<hbm>>
      %dma_wait3A_900 = arith.constant 0 : i32
      %dma_wait3A_901 = arith.constant 0 : i32
      %dma_wait3A_902 = tpu.memref_slice %arg6[%dma_wait3A_891, %dma_wait3A_900, %dma_wait3A_901] : memref<8x2x64xi32, #tpu.memory_space<vmem>> -> memref<1x2x64xi32, #tpu.memory_space<vmem>>
      %dma_wait3A_903 = tpu.memref_squeeze %dma_wait3A_902 : memref<1x2x64xi32, #tpu.memory_space<vmem>> -> memref<2x64xi32, #tpu.memory_space<vmem>>
      %dma_wait3A_904 = arith.constant 0 : i32
      %dma_wait3A_905 = arith.constant 0 : i32
      %dma_wait3A_906 = tpu.memref_slice %arg3[%add3A, %add3A_890, %dma_wait3A_904, %dma_wait3A_905] : memref<32x160x2x64xi32, #tpu.memory_space<hbm>> -> memref<1x1x2x64xi32, #tpu.memory_space<hbm>>
      %dma_wait3A_907 = tpu.memref_squeeze %dma_wait3A_906 : memref<1x1x2x64xi32, #tpu.memory_space<hbm>> -> memref<2x64xi32, #tpu.memory_space<hbm>>
      tpu.wait_dma2 semaphore(%arg10 : memref<!tpu.dma_semaphore, #tpu.memory_space<semaphore_mem>>) src(%dma_wait3A_907 : memref<2x64xi32, #tpu.memory_space<hbm>>) dst(%dma_wait3A_903 : memref<2x64xi32, #tpu.memory_space<vmem>>)
      %dma_start3A_908 = arith.constant 1 : i32
      %dma_start3A_909 = arith.constant 0 : i32
      %dma_start3A_910 = arith.constant 1 : i32
      %dma_start3A_911 = arith.constant 0 : i32
      %dma_start3A_912 = arith.constant 0 : i32
      %dma_start3A_913 = tpu.memref_slice %arg7[%dma_start3A_910, %dma_start3A_911, %dma_start3A_912] : memref<4x64x128xf32, #tpu.memory_space<vmem>> -> memref<1x64x128xf32, #tpu.memory_space<vmem>>
      %dma_start3A_914 = tpu.memref_squeeze %dma_start3A_913 : memref<1x64x128xf32, #tpu.memory_space<vmem>> -> memref<64x128xf32, #tpu.memory_space<vmem>>
      %dma_start3A_915 = arith.constant 0 : i32
      %dma_start3A_916 = tpu.memref_slice %arg6[%dma_start3A_908, %dma_start3A_909, %dma_start3A_915] : memref<8x2x64xi32, #tpu.memory_space<vmem>> -> memref<1x1x64xi32, #tpu.memory_space<vmem>>
      %dma_start3A_917 = tpu.memref_squeeze %dma_start3A_916 : memref<1x1x64xi32, #tpu.memory_space<vmem>> -> memref<64xi32, #tpu.memory_space<vmem>>
      %dma_start3A_918 = arith.constant 0 : i32
      %dma_start3A_919 = arith.constant 0 : i32
      %dma_start3A_920 = tpu.memref_slice %arg2[%dma_start3A_918, %dma_start3A_919] : memref<10240x128xf32, #tpu.memory_space<hbm>> -> memref<10240x128xf32, #tpu.memory_space<hbm>>
      tpu.enqueue_indirect_dma source(%dma_start3A_920 : memref<10240x128xf32, #tpu.memory_space<hbm>>) target(%dma_start3A_914 : memref<64x128xf32, #tpu.memory_space<vmem>>) offsets(%dma_start3A_917 : memref<64xi32, #tpu.memory_space<vmem>>) semaphore(%arg18 : memref<!tpu.dma_semaphore, #tpu.memory_space<semaphore_mem>>)
      %mul3A_921 = arith.constant 8 : i32
      %mul3A_922 = arith.muli %scan3A_494, %mul3A_921 : i32
      %add3A_923 = arith.constant 6 : i32
      %add3A_924 = arith.addi %mul3A_922, %add3A_923 : i32
      %dma_wait3A_925 = arith.constant 6 : i32
      %dma_wait3A_926 = arith.constant 0 : i32
      %dma_wait3A_927 = arith.constant 2 : i32
      %dma_wait3A_928 = arith.constant 0 : i32
      %dma_wait3A_929 = arith.constant 0 : i32
      %dma_wait3A_930 = tpu.memref_slice %arg7[%dma_wait3A_927, %dma_wait3A_928, %dma_wait3A_929] : memref<4x64x128xf32, #tpu.memory_space<vmem>> -> memref<1x64x128xf32, #tpu.memory_space<vmem>>
      %dma_wait3A_931 = tpu.memref_squeeze %dma_wait3A_930 : memref<1x64x128xf32, #tpu.memory_space<vmem>> -> memref<64x128xf32, #tpu.memory_space<vmem>>
      %dma_wait3A_932 = arith.constant 0 : i32
      %dma_wait3A_933 = tpu.memref_slice %arg6[%dma_wait3A_925, %dma_wait3A_926, %dma_wait3A_932] : memref<8x2x64xi32, #tpu.memory_space<vmem>> -> memref<1x1x64xi32, #tpu.memory_space<vmem>>
      %dma_wait3A_934 = tpu.memref_squeeze %dma_wait3A_933 : memref<1x1x64xi32, #tpu.memory_space<vmem>> -> memref<64xi32, #tpu.memory_space<vmem>>
      %dma_wait3A_935 = arith.constant 0 : i32
      %dma_wait3A_936 = arith.constant 0 : i32
      %dma_wait3A_937 = tpu.memref_slice %arg2[%dma_wait3A_935, %dma_wait3A_936] : memref<10240x128xf32, #tpu.memory_space<hbm>> -> memref<10240x128xf32, #tpu.memory_space<hbm>>
      tpu.wait_indirect_dma semaphore(%arg19 : memref<!tpu.dma_semaphore, #tpu.memory_space<semaphore_mem>>) src(%dma_wait3A_937 : memref<10240x128xf32, #tpu.memory_space<hbm>>) dst(%dma_wait3A_931 : memref<64x128xf32, #tpu.memory_space<vmem>>)
      %run_scoped3A_938 = arith.constant 2 : i32
      %run_scoped3A_939 = arith.constant 6 : i32
      %run_scoped3A_940 = arith.constant 1 : i32
      "tpu.region"() ({
        %run_scoped3A_1063 = tpu.sem_alloc : memref<!tpu.dma_semaphore, #tpu.memory_space<semaphore_mem>>
        %dma_start3A_1064 = arith.constant 0 : i32
        %dma_start3A_1065 = arith.constant 0 : i32
        %dma_start3A_1066 = tpu.memref_slice %arg7[%run_scoped3A_938, %dma_start3A_1064, %dma_start3A_1065] : memref<4x64x128xf32, #tpu.memory_space<vmem>> -> memref<1x64x128xf32, #tpu.memory_space<vmem>>
        %dma_start3A_1067 = tpu.memref_squeeze %dma_start3A_1066 : memref<1x64x128xf32, #tpu.memory_space<vmem>> -> memref<64x128xf32, #tpu.memory_space<vmem>>
        %dma_start3A_1068 = arith.constant 0 : i32
        %dma_start3A_1069 = tpu.memref_slice %arg6[%run_scoped3A_939, %run_scoped3A_940, %dma_start3A_1068] : memref<8x2x64xi32, #tpu.memory_space<vmem>> -> memref<1x1x64xi32, #tpu.memory_space<vmem>>
        %dma_start3A_1070 = tpu.memref_squeeze %dma_start3A_1069 : memref<1x1x64xi32, #tpu.memory_space<vmem>> -> memref<64xi32, #tpu.memory_space<vmem>>
        %dma_start3A_1071 = arith.constant 0 : i32
        %dma_start3A_1072 = arith.constant 0 : i32
        %dma_start3A_1073 = tpu.memref_slice %arg8[%dma_start3A_1071, %dma_start3A_1072] : memref<10240x128xf32, #tpu.memory_space<vmem_shared>> -> memref<10240x128xf32, #tpu.memory_space<vmem_shared>>
        tpu.enqueue_indirect_dma source(%dma_start3A_1067 : memref<64x128xf32, #tpu.memory_space<vmem>>) target(%dma_start3A_1073 : memref<10240x128xf32, #tpu.memory_space<vmem_shared>>) offsets(%dma_start3A_1070 : memref<64xi32, #tpu.memory_space<vmem>>) semaphore(%run_scoped3A_1063 : memref<!tpu.dma_semaphore, #tpu.memory_space<semaphore_mem>>) {add = true}
        %dma_wait3A_1074 = arith.constant 0 : i32
        %dma_wait3A_1075 = arith.constant 0 : i32
        %dma_wait3A_1076 = tpu.memref_slice %arg7[%run_scoped3A_938, %dma_wait3A_1074, %dma_wait3A_1075] : memref<4x64x128xf32, #tpu.memory_space<vmem>> -> memref<1x64x128xf32, #tpu.memory_space<vmem>>
        %dma_wait3A_1077 = tpu.memref_squeeze %dma_wait3A_1076 : memref<1x64x128xf32, #tpu.memory_space<vmem>> -> memref<64x128xf32, #tpu.memory_space<vmem>>
        %dma_wait3A_1078 = arith.constant 0 : i32
        %dma_wait3A_1079 = tpu.memref_slice %arg6[%run_scoped3A_939, %run_scoped3A_940, %dma_wait3A_1078] : memref<8x2x64xi32, #tpu.memory_space<vmem>> -> memref<1x1x64xi32, #tpu.memory_space<vmem>>
        %dma_wait3A_1080 = tpu.memref_squeeze %dma_wait3A_1079 : memref<1x1x64xi32, #tpu.memory_space<vmem>> -> memref<64xi32, #tpu.memory_space<vmem>>
        %dma_wait3A_1081 = arith.constant 0 : i32
        %dma_wait3A_1082 = arith.constant 0 : i32
        %dma_wait3A_1083 = tpu.memref_slice %arg8[%dma_wait3A_1081, %dma_wait3A_1082] : memref<10240x128xf32, #tpu.memory_space<vmem_shared>> -> memref<10240x128xf32, #tpu.memory_space<vmem_shared>>
        tpu.wait_indirect_dma semaphore(%run_scoped3A_1063 : memref<!tpu.dma_semaphore, #tpu.memory_space<semaphore_mem>>) src(%dma_wait3A_1077 : memref<64x128xf32, #tpu.memory_space<vmem>>) dst(%dma_wait3A_1083 : memref<10240x128xf32, #tpu.memory_space<vmem_shared>>)
        tpu.yield
      }) : () -> ()
      %add3A_941 = arith.constant 8 : i32
      %add3A_942 = arith.addi %add3A_924, %add3A_941 : i32
      %dma_start3A_943 = arith.constant 6 : i32
      %dma_start3A_944 = arith.constant 0 : i32
      %dma_start3A_945 = arith.constant 0 : i32
      %dma_start3A_946 = tpu.memref_slice %arg6[%dma_start3A_943, %dma_start3A_944, %dma_start3A_945] : memref<8x2x64xi32, #tpu.memory_space<vmem>> -> memref<1x2x64xi32, #tpu.memory_space<vmem>>
      %dma_start3A_947 = tpu.memref_squeeze %dma_start3A_946 : memref<1x2x64xi32, #tpu.memory_space<vmem>> -> memref<2x64xi32, #tpu.memory_space<vmem>>
      %dma_start3A_948 = arith.constant 0 : i32
      %dma_start3A_949 = arith.constant 0 : i32
      %dma_start3A_950 = tpu.memref_slice %arg3[%add3A, %add3A_942, %dma_start3A_948, %dma_start3A_949] : memref<32x160x2x64xi32, #tpu.memory_space<hbm>> -> memref<1x1x2x64xi32, #tpu.memory_space<hbm>>
      %dma_start3A_951 = tpu.memref_squeeze %dma_start3A_950 : memref<1x1x2x64xi32, #tpu.memory_space<hbm>> -> memref<2x64xi32, #tpu.memory_space<hbm>>
      %dma_start3A_952 = arith.constant 0 : i32
      %dma_start3A_953 = arith.constant 0 : i32
      %dma_start3A_954 = tpu.memref_slice %arg6[%dma_start3A_943, %dma_start3A_952, %dma_start3A_953] : memref<8x2x64xi32, #tpu.memory_space<vmem>> -> memref<1x2x64xi32, #tpu.memory_space<vmem>>
      %dma_start3A_955 = tpu.memref_squeeze %dma_start3A_954 : memref<1x2x64xi32, #tpu.memory_space<vmem>> -> memref<2x64xi32, #tpu.memory_space<vmem>>
      %dma_start3A_956 = arith.constant 0 : i32
      %dma_start3A_957 = arith.constant 0 : i32
      %dma_start3A_958 = tpu.memref_slice %arg3[%add3A, %add3A_942, %dma_start3A_956, %dma_start3A_957] : memref<32x160x2x64xi32, #tpu.memory_space<hbm>> -> memref<1x1x2x64xi32, #tpu.memory_space<hbm>>
      %dma_start3A_959 = tpu.memref_squeeze %dma_start3A_958 : memref<1x1x2x64xi32, #tpu.memory_space<hbm>> -> memref<2x64xi32, #tpu.memory_space<hbm>>
      tpu.enqueue_dma source(%dma_start3A_959 : memref<2x64xi32, #tpu.memory_space<hbm>>) target(%dma_start3A_955 : memref<2x64xi32, #tpu.memory_space<vmem>>) target_semaphore(%arg15 : memref<!tpu.dma_semaphore, #tpu.memory_space<semaphore_mem>>)
      %add3A_960 = arith.constant 4 : i32
      %add3A_961 = arith.addi %add3A_924, %add3A_960 : i32
      %dma_wait3A_962 = arith.constant 2 : i32
      %dma_wait3A_963 = arith.constant 0 : i32
      %dma_wait3A_964 = arith.constant 0 : i32
      %dma_wait3A_965 = tpu.memref_slice %arg6[%dma_wait3A_962, %dma_wait3A_963, %dma_wait3A_964] : memref<8x2x64xi32, #tpu.memory_space<vmem>> -> memref<1x2x64xi32, #tpu.memory_space<vmem>>
      %dma_wait3A_966 = tpu.memref_squeeze %dma_wait3A_965 : memref<1x2x64xi32, #tpu.memory_space<vmem>> -> memref<2x64xi32, #tpu.memory_space<vmem>>
      %dma_wait3A_967 = arith.constant 0 : i32
      %dma_wait3A_968 = arith.constant 0 : i32
      %dma_wait3A_969 = tpu.memref_slice %arg3[%add3A, %add3A_961, %dma_wait3A_967, %dma_wait3A_968] : memref<32x160x2x64xi32, #tpu.memory_space<hbm>> -> memref<1x1x2x64xi32, #tpu.memory_space<hbm>>
      %dma_wait3A_970 = tpu.memref_squeeze %dma_wait3A_969 : memref<1x1x2x64xi32, #tpu.memory_space<hbm>> -> memref<2x64xi32, #tpu.memory_space<hbm>>
      %dma_wait3A_971 = arith.constant 0 : i32
      %dma_wait3A_972 = arith.constant 0 : i32
      %dma_wait3A_973 = tpu.memref_slice %arg6[%dma_wait3A_962, %dma_wait3A_971, %dma_wait3A_972] : memref<8x2x64xi32, #tpu.memory_space<vmem>> -> memref<1x2x64xi32, #tpu.memory_space<vmem>>
      %dma_wait3A_974 = tpu.memref_squeeze %dma_wait3A_973 : memref<1x2x64xi32, #tpu.memory_space<vmem>> -> memref<2x64xi32, #tpu.memory_space<vmem>>
      %dma_wait3A_975 = arith.constant 0 : i32
      %dma_wait3A_976 = arith.constant 0 : i32
      %dma_wait3A_977 = tpu.memref_slice %arg3[%add3A, %add3A_961, %dma_wait3A_975, %dma_wait3A_976] : memref<32x160x2x64xi32, #tpu.memory_space<hbm>> -> memref<1x1x2x64xi32, #tpu.memory_space<hbm>>
      %dma_wait3A_978 = tpu.memref_squeeze %dma_wait3A_977 : memref<1x1x2x64xi32, #tpu.memory_space<hbm>> -> memref<2x64xi32, #tpu.memory_space<hbm>>
      tpu.wait_dma2 semaphore(%arg11 : memref<!tpu.dma_semaphore, #tpu.memory_space<semaphore_mem>>) src(%dma_wait3A_978 : memref<2x64xi32, #tpu.memory_space<hbm>>) dst(%dma_wait3A_974 : memref<2x64xi32, #tpu.memory_space<vmem>>)
      %dma_start3A_979 = arith.constant 2 : i32
      %dma_start3A_980 = arith.constant 0 : i32
      %dma_start3A_981 = arith.constant 2 : i32
      %dma_start3A_982 = arith.constant 0 : i32
      %dma_start3A_983 = arith.constant 0 : i32
      %dma_start3A_984 = tpu.memref_slice %arg7[%dma_start3A_981, %dma_start3A_982, %dma_start3A_983] : memref<4x64x128xf32, #tpu.memory_space<vmem>> -> memref<1x64x128xf32, #tpu.memory_space<vmem>>
      %dma_start3A_985 = tpu.memref_squeeze %dma_start3A_984 : memref<1x64x128xf32, #tpu.memory_space<vmem>> -> memref<64x128xf32, #tpu.memory_space<vmem>>
      %dma_start3A_986 = arith.constant 0 : i32
      %dma_start3A_987 = tpu.memref_slice %arg6[%dma_start3A_979, %dma_start3A_980, %dma_start3A_986] : memref<8x2x64xi32, #tpu.memory_space<vmem>> -> memref<1x1x64xi32, #tpu.memory_space<vmem>>
      %dma_start3A_988 = tpu.memref_squeeze %dma_start3A_987 : memref<1x1x64xi32, #tpu.memory_space<vmem>> -> memref<64xi32, #tpu.memory_space<vmem>>
      %dma_start3A_989 = arith.constant 0 : i32
      %dma_start3A_990 = arith.constant 0 : i32
      %dma_start3A_991 = tpu.memref_slice %arg2[%dma_start3A_989, %dma_start3A_990] : memref<10240x128xf32, #tpu.memory_space<hbm>> -> memref<10240x128xf32, #tpu.memory_space<hbm>>
      tpu.enqueue_indirect_dma source(%dma_start3A_991 : memref<10240x128xf32, #tpu.memory_space<hbm>>) target(%dma_start3A_985 : memref<64x128xf32, #tpu.memory_space<vmem>>) offsets(%dma_start3A_988 : memref<64xi32, #tpu.memory_space<vmem>>) semaphore(%arg19 : memref<!tpu.dma_semaphore, #tpu.memory_space<semaphore_mem>>)
      %mul3A_992 = arith.constant 8 : i32
      %mul3A_993 = arith.muli %scan3A_494, %mul3A_992 : i32
      %add3A_994 = arith.constant 7 : i32
      %add3A_995 = arith.addi %mul3A_993, %add3A_994 : i32
      %dma_wait3A_996 = arith.constant 7 : i32
      %dma_wait3A_997 = arith.constant 0 : i32
      %dma_wait3A_998 = arith.constant 3 : i32
      %dma_wait3A_999 = arith.constant 0 : i32
      %dma_wait3A_1000 = arith.constant 0 : i32
      %dma_wait3A_1001 = tpu.memref_slice %arg7[%dma_wait3A_998, %dma_wait3A_999, %dma_wait3A_1000] : memref<4x64x128xf32, #tpu.memory_space<vmem>> -> memref<1x64x128xf32, #tpu.memory_space<vmem>>
      %dma_wait3A_1002 = tpu.memref_squeeze %dma_wait3A_1001 : memref<1x64x128xf32, #tpu.memory_space<vmem>> -> memref<64x128xf32, #tpu.memory_space<vmem>>
      %dma_wait3A_1003 = arith.constant 0 : i32
      %dma_wait3A_1004 = tpu.memref_slice %arg6[%dma_wait3A_996, %dma_wait3A_997, %dma_wait3A_1003] : memref<8x2x64xi32, #tpu.memory_space<vmem>> -> memref<1x1x64xi32, #tpu.memory_space<vmem>>
      %dma_wait3A_1005 = tpu.memref_squeeze %dma_wait3A_1004 : memref<1x1x64xi32, #tpu.memory_space<vmem>> -> memref<64xi32, #tpu.memory_space<vmem>>
      %dma_wait3A_1006 = arith.constant 0 : i32
      %dma_wait3A_1007 = arith.constant 0 : i32
      %dma_wait3A_1008 = tpu.memref_slice %arg2[%dma_wait3A_1006, %dma_wait3A_1007] : memref<10240x128xf32, #tpu.memory_space<hbm>> -> memref<10240x128xf32, #tpu.memory_space<hbm>>
      tpu.wait_indirect_dma semaphore(%arg20 : memref<!tpu.dma_semaphore, #tpu.memory_space<semaphore_mem>>) src(%dma_wait3A_1008 : memref<10240x128xf32, #tpu.memory_space<hbm>>) dst(%dma_wait3A_1002 : memref<64x128xf32, #tpu.memory_space<vmem>>)
      %run_scoped3A_1009 = arith.constant 3 : i32
      %run_scoped3A_1010 = arith.constant 7 : i32
      %run_scoped3A_1011 = arith.constant 1 : i32
      "tpu.region"() ({
        %run_scoped3A_1063 = tpu.sem_alloc : memref<!tpu.dma_semaphore, #tpu.memory_space<semaphore_mem>>
        %dma_start3A_1064 = arith.constant 0 : i32
        %dma_start3A_1065 = arith.constant 0 : i32
        %dma_start3A_1066 = tpu.memref_slice %arg7[%run_scoped3A_1009, %dma_start3A_1064, %dma_start3A_1065] : memref<4x64x128xf32, #tpu.memory_space<vmem>> -> memref<1x64x128xf32, #tpu.memory_space<vmem>>
        %dma_start3A_1067 = tpu.memref_squeeze %dma_start3A_1066 : memref<1x64x128xf32, #tpu.memory_space<vmem>> -> memref<64x128xf32, #tpu.memory_space<vmem>>
        %dma_start3A_1068 = arith.constant 0 : i32
        %dma_start3A_1069 = tpu.memref_slice %arg6[%run_scoped3A_1010, %run_scoped3A_1011, %dma_start3A_1068] : memref<8x2x64xi32, #tpu.memory_space<vmem>> -> memref<1x1x64xi32, #tpu.memory_space<vmem>>
        %dma_start3A_1070 = tpu.memref_squeeze %dma_start3A_1069 : memref<1x1x64xi32, #tpu.memory_space<vmem>> -> memref<64xi32, #tpu.memory_space<vmem>>
        %dma_start3A_1071 = arith.constant 0 : i32
        %dma_start3A_1072 = arith.constant 0 : i32
        %dma_start3A_1073 = tpu.memref_slice %arg8[%dma_start3A_1071, %dma_start3A_1072] : memref<10240x128xf32, #tpu.memory_space<vmem_shared>> -> memref<10240x128xf32, #tpu.memory_space<vmem_shared>>
        tpu.enqueue_indirect_dma source(%dma_start3A_1067 : memref<64x128xf32, #tpu.memory_space<vmem>>) target(%dma_start3A_1073 : memref<10240x128xf32, #tpu.memory_space<vmem_shared>>) offsets(%dma_start3A_1070 : memref<64xi32, #tpu.memory_space<vmem>>) semaphore(%run_scoped3A_1063 : memref<!tpu.dma_semaphore, #tpu.memory_space<semaphore_mem>>) {add = true}
        %dma_wait3A_1074 = arith.constant 0 : i32
        %dma_wait3A_1075 = arith.constant 0 : i32
        %dma_wait3A_1076 = tpu.memref_slice %arg7[%run_scoped3A_1009, %dma_wait3A_1074, %dma_wait3A_1075] : memref<4x64x128xf32, #tpu.memory_space<vmem>> -> memref<1x64x128xf32, #tpu.memory_space<vmem>>
        %dma_wait3A_1077 = tpu.memref_squeeze %dma_wait3A_1076 : memref<1x64x128xf32, #tpu.memory_space<vmem>> -> memref<64x128xf32, #tpu.memory_space<vmem>>
        %dma_wait3A_1078 = arith.constant 0 : i32
        %dma_wait3A_1079 = tpu.memref_slice %arg6[%run_scoped3A_1010, %run_scoped3A_1011, %dma_wait3A_1078] : memref<8x2x64xi32, #tpu.memory_space<vmem>> -> memref<1x1x64xi32, #tpu.memory_space<vmem>>
        %dma_wait3A_1080 = tpu.memref_squeeze %dma_wait3A_1079 : memref<1x1x64xi32, #tpu.memory_space<vmem>> -> memref<64xi32, #tpu.memory_space<vmem>>
        %dma_wait3A_1081 = arith.constant 0 : i32
        %dma_wait3A_1082 = arith.constant 0 : i32
        %dma_wait3A_1083 = tpu.memref_slice %arg8[%dma_wait3A_1081, %dma_wait3A_1082] : memref<10240x128xf32, #tpu.memory_space<vmem_shared>> -> memref<10240x128xf32, #tpu.memory_space<vmem_shared>>
        tpu.wait_indirect_dma semaphore(%run_scoped3A_1063 : memref<!tpu.dma_semaphore, #tpu.memory_space<semaphore_mem>>) src(%dma_wait3A_1077 : memref<64x128xf32, #tpu.memory_space<vmem>>) dst(%dma_wait3A_1083 : memref<10240x128xf32, #tpu.memory_space<vmem_shared>>)
        tpu.yield
      }) : () -> ()
      %add3A_1012 = arith.constant 8 : i32
      %add3A_1013 = arith.addi %add3A_995, %add3A_1012 : i32
      %dma_start3A_1014 = arith.constant 7 : i32
      %dma_start3A_1015 = arith.constant 0 : i32
      %dma_start3A_1016 = arith.constant 0 : i32
      %dma_start3A_1017 = tpu.memref_slice %arg6[%dma_start3A_1014, %dma_start3A_1015, %dma_start3A_1016] : memref<8x2x64xi32, #tpu.memory_space<vmem>> -> memref<1x2x64xi32, #tpu.memory_space<vmem>>
      %dma_start3A_1018 = tpu.memref_squeeze %dma_start3A_1017 : memref<1x2x64xi32, #tpu.memory_space<vmem>> -> memref<2x64xi32, #tpu.memory_space<vmem>>
      %dma_start3A_1019 = arith.constant 0 : i32
      %dma_start3A_1020 = arith.constant 0 : i32
      %dma_start3A_1021 = tpu.memref_slice %arg3[%add3A, %add3A_1013, %dma_start3A_1019, %dma_start3A_1020] : memref<32x160x2x64xi32, #tpu.memory_space<hbm>> -> memref<1x1x2x64xi32, #tpu.memory_space<hbm>>
      %dma_start3A_1022 = tpu.memref_squeeze %dma_start3A_1021 : memref<1x1x2x64xi32, #tpu.memory_space<hbm>> -> memref<2x64xi32, #tpu.memory_space<hbm>>
      %dma_start3A_1023 = arith.constant 0 : i32
      %dma_start3A_1024 = arith.constant 0 : i32
      %dma_start3A_1025 = tpu.memref_slice %arg6[%dma_start3A_1014, %dma_start3A_1023, %dma_start3A_1024] : memref<8x2x64xi32, #tpu.memory_space<vmem>> -> memref<1x2x64xi32, #tpu.memory_space<vmem>>
      %dma_start3A_1026 = tpu.memref_squeeze %dma_start3A_1025 : memref<1x2x64xi32, #tpu.memory_space<vmem>> -> memref<2x64xi32, #tpu.memory_space<vmem>>
      %dma_start3A_1027 = arith.constant 0 : i32
      %dma_start3A_1028 = arith.constant 0 : i32
      %dma_start3A_1029 = tpu.memref_slice %arg3[%add3A, %add3A_1013, %dma_start3A_1027, %dma_start3A_1028] : memref<32x160x2x64xi32, #tpu.memory_space<hbm>> -> memref<1x1x2x64xi32, #tpu.memory_space<hbm>>
      %dma_start3A_1030 = tpu.memref_squeeze %dma_start3A_1029 : memref<1x1x2x64xi32, #tpu.memory_space<hbm>> -> memref<2x64xi32, #tpu.memory_space<hbm>>
      tpu.enqueue_dma source(%dma_start3A_1030 : memref<2x64xi32, #tpu.memory_space<hbm>>) target(%dma_start3A_1026 : memref<2x64xi32, #tpu.memory_space<vmem>>) target_semaphore(%arg16 : memref<!tpu.dma_semaphore, #tpu.memory_space<semaphore_mem>>)
      %add3A_1031 = arith.constant 4 : i32
      %add3A_1032 = arith.addi %add3A_995, %add3A_1031 : i32
      %dma_wait3A_1033 = arith.constant 3 : i32
      %dma_wait3A_1034 = arith.constant 0 : i32
      %dma_wait3A_1035 = arith.constant 0 : i32
      %dma_wait3A_1036 = tpu.memref_slice %arg6[%dma_wait3A_1033, %dma_wait3A_1034, %dma_wait3A_1035] : memref<8x2x64xi32, #tpu.memory_space<vmem>> -> memref<1x2x64xi32, #tpu.memory_space<vmem>>
      %dma_wait3A_1037 = tpu.memref_squeeze %dma_wait3A_1036 : memref<1x2x64xi32, #tpu.memory_space<vmem>> -> memref<2x64xi32, #tpu.memory_space<vmem>>
      %dma_wait3A_1038 = arith.constant 0 : i32
      %dma_wait3A_1039 = arith.constant 0 : i32
      %dma_wait3A_1040 = tpu.memref_slice %arg3[%add3A, %add3A_1032, %dma_wait3A_1038, %dma_wait3A_1039] : memref<32x160x2x64xi32, #tpu.memory_space<hbm>> -> memref<1x1x2x64xi32, #tpu.memory_space<hbm>>
      %dma_wait3A_1041 = tpu.memref_squeeze %dma_wait3A_1040 : memref<1x1x2x64xi32, #tpu.memory_space<hbm>> -> memref<2x64xi32, #tpu.memory_space<hbm>>
      %dma_wait3A_1042 = arith.constant 0 : i32
      %dma_wait3A_1043 = arith.constant 0 : i32
      %dma_wait3A_1044 = tpu.memref_slice %arg6[%dma_wait3A_1033, %dma_wait3A_1042, %dma_wait3A_1043] : memref<8x2x64xi32, #tpu.memory_space<vmem>> -> memref<1x2x64xi32, #tpu.memory_space<vmem>>
      %dma_wait3A_1045 = tpu.memref_squeeze %dma_wait3A_1044 : memref<1x2x64xi32, #tpu.memory_space<vmem>> -> memref<2x64xi32, #tpu.memory_space<vmem>>
      %dma_wait3A_1046 = arith.constant 0 : i32
      %dma_wait3A_1047 = arith.constant 0 : i32
      %dma_wait3A_1048 = tpu.memref_slice %arg3[%add3A, %add3A_1032, %dma_wait3A_1046, %dma_wait3A_1047] : memref<32x160x2x64xi32, #tpu.memory_space<hbm>> -> memref<1x1x2x64xi32, #tpu.memory_space<hbm>>
      %dma_wait3A_1049 = tpu.memref_squeeze %dma_wait3A_1048 : memref<1x1x2x64xi32, #tpu.memory_space<hbm>> -> memref<2x64xi32, #tpu.memory_space<hbm>>
      tpu.wait_dma2 semaphore(%arg12 : memref<!tpu.dma_semaphore, #tpu.memory_space<semaphore_mem>>) src(%dma_wait3A_1049 : memref<2x64xi32, #tpu.memory_space<hbm>>) dst(%dma_wait3A_1045 : memref<2x64xi32, #tpu.memory_space<vmem>>)
      %dma_start3A_1050 = arith.constant 3 : i32
      %dma_start3A_1051 = arith.constant 0 : i32
      %dma_start3A_1052 = arith.constant 3 : i32
      %dma_start3A_1053 = arith.constant 0 : i32
      %dma_start3A_1054 = arith.constant 0 : i32
      %dma_start3A_1055 = tpu.memref_slice %arg7[%dma_start3A_1052, %dma_start3A_1053, %dma_start3A_1054] : memref<4x64x128xf32, #tpu.memory_space<vmem>> -> memref<1x64x128xf32, #tpu.memory_space<vmem>>
      %dma_start3A_1056 = tpu.memref_squeeze %dma_start3A_1055 : memref<1x64x128xf32, #tpu.memory_space<vmem>> -> memref<64x128xf32, #tpu.memory_space<vmem>>
      %dma_start3A_1057 = arith.constant 0 : i32
      %dma_start3A_1058 = tpu.memref_slice %arg6[%dma_start3A_1050, %dma_start3A_1051, %dma_start3A_1057] : memref<8x2x64xi32, #tpu.memory_space<vmem>> -> memref<1x1x64xi32, #tpu.memory_space<vmem>>
      %dma_start3A_1059 = tpu.memref_squeeze %dma_start3A_1058 : memref<1x1x64xi32, #tpu.memory_space<vmem>> -> memref<64xi32, #tpu.memory_space<vmem>>
      %dma_start3A_1060 = arith.constant 0 : i32
      %dma_start3A_1061 = arith.constant 0 : i32
      %dma_start3A_1062 = tpu.memref_slice %arg2[%dma_start3A_1060, %dma_start3A_1061] : memref<10240x128xf32, #tpu.memory_space<hbm>> -> memref<10240x128xf32, #tpu.memory_space<hbm>>
      tpu.enqueue_indirect_dma source(%dma_start3A_1062 : memref<10240x128xf32, #tpu.memory_space<hbm>>) target(%dma_start3A_1056 : memref<64x128xf32, #tpu.memory_space<vmem>>) offsets(%dma_start3A_1059 : memref<64xi32, #tpu.memory_space<vmem>>) semaphore(%arg20 : memref<!tpu.dma_semaphore, #tpu.memory_space<semaphore_mem>>)
    }
    %scan3A_238 = arith.constant 19 : i32
    %dma_wait3A_239 = arith.constant 0 : i32
    %dma_wait3A_240 = arith.constant 0 : i32
    %dma_wait3A_241 = arith.constant 0 : i32
    %dma_wait3A_242 = arith.constant 0 : i32
    %dma_wait3A_243 = arith.constant 0 : i32
    %dma_wait3A_244 = tpu.memref_slice %arg7[%dma_wait3A_241, %dma_wait3A_242, %dma_wait3A_243] : memref<4x64x128xf32, #tpu.memory_space<vmem>> -> memref<1x64x128xf32, #tpu.memory_space<vmem>>
    %dma_wait3A_245 = tpu.memref_squeeze %dma_wait3A_244 : memref<1x64x128xf32, #tpu.memory_space<vmem>> -> memref<64x128xf32, #tpu.memory_space<vmem>>
    %dma_wait3A_246 = arith.constant 0 : i32
    %dma_wait3A_247 = tpu.memref_slice %arg6[%dma_wait3A_239, %dma_wait3A_240, %dma_wait3A_246] : memref<8x2x64xi32, #tpu.memory_space<vmem>> -> memref<1x1x64xi32, #tpu.memory_space<vmem>>
    %dma_wait3A_248 = tpu.memref_squeeze %dma_wait3A_247 : memref<1x1x64xi32, #tpu.memory_space<vmem>> -> memref<64xi32, #tpu.memory_space<vmem>>
    %dma_wait3A_249 = arith.constant 0 : i32
    %dma_wait3A_250 = arith.constant 0 : i32
    %dma_wait3A_251 = tpu.memref_slice %arg2[%dma_wait3A_249, %dma_wait3A_250] : memref<10240x128xf32, #tpu.memory_space<hbm>> -> memref<10240x128xf32, #tpu.memory_space<hbm>>
    tpu.wait_indirect_dma semaphore(%arg17 : memref<!tpu.dma_semaphore, #tpu.memory_space<semaphore_mem>>) src(%dma_wait3A_251 : memref<10240x128xf32, #tpu.memory_space<hbm>>) dst(%dma_wait3A_245 : memref<64x128xf32, #tpu.memory_space<vmem>>)
    %run_scoped3A_252 = arith.constant 0 : i32
    %run_scoped3A_253 = arith.constant 0 : i32
    %run_scoped3A_254 = arith.constant 1 : i32
    "tpu.region"() ({
      %run_scoped3A_494 = tpu.sem_alloc : memref<!tpu.dma_semaphore, #tpu.memory_space<semaphore_mem>>
      %dma_start3A_495 = arith.constant 0 : i32
      %dma_start3A_496 = arith.constant 0 : i32
      %dma_start3A_497 = tpu.memref_slice %arg7[%run_scoped3A_252, %dma_start3A_495, %dma_start3A_496] : memref<4x64x128xf32, #tpu.memory_space<vmem>> -> memref<1x64x128xf32, #tpu.memory_space<vmem>>
      %dma_start3A_498 = tpu.memref_squeeze %dma_start3A_497 : memref<1x64x128xf32, #tpu.memory_space<vmem>> -> memref<64x128xf32, #tpu.memory_space<vmem>>
      %dma_start3A_499 = arith.constant 0 : i32
      %dma_start3A_500 = tpu.memref_slice %arg6[%run_scoped3A_253, %run_scoped3A_254, %dma_start3A_499] : memref<8x2x64xi32, #tpu.memory_space<vmem>> -> memref<1x1x64xi32, #tpu.memory_space<vmem>>
      %dma_start3A_501 = tpu.memref_squeeze %dma_start3A_500 : memref<1x1x64xi32, #tpu.memory_space<vmem>> -> memref<64xi32, #tpu.memory_space<vmem>>
      %dma_start3A_502 = arith.constant 0 : i32
      %dma_start3A_503 = arith.constant 0 : i32
      %dma_start3A_504 = tpu.memref_slice %arg8[%dma_start3A_502, %dma_start3A_503] : memref<10240x128xf32, #tpu.memory_space<vmem_shared>> -> memref<10240x128xf32, #tpu.memory_space<vmem_shared>>
      tpu.enqueue_indirect_dma source(%dma_start3A_498 : memref<64x128xf32, #tpu.memory_space<vmem>>) target(%dma_start3A_504 : memref<10240x128xf32, #tpu.memory_space<vmem_shared>>) offsets(%dma_start3A_501 : memref<64xi32, #tpu.memory_space<vmem>>) semaphore(%run_scoped3A_494 : memref<!tpu.dma_semaphore, #tpu.memory_space<semaphore_mem>>) {add = true}
      %dma_wait3A_505 = arith.constant 0 : i32
      %dma_wait3A_506 = arith.constant 0 : i32
      %dma_wait3A_507 = tpu.memref_slice %arg7[%run_scoped3A_252, %dma_wait3A_505, %dma_wait3A_506] : memref<4x64x128xf32, #tpu.memory_space<vmem>> -> memref<1x64x128xf32, #tpu.memory_space<vmem>>
      %dma_wait3A_508 = tpu.memref_squeeze %dma_wait3A_507 : memref<1x64x128xf32, #tpu.memory_space<vmem>> -> memref<64x128xf32, #tpu.memory_space<vmem>>
      %dma_wait3A_509 = arith.constant 0 : i32
      %dma_wait3A_510 = tpu.memref_slice %arg6[%run_scoped3A_253, %run_scoped3A_254, %dma_wait3A_509] : memref<8x2x64xi32, #tpu.memory_space<vmem>> -> memref<1x1x64xi32, #tpu.memory_space<vmem>>
      %dma_wait3A_511 = tpu.memref_squeeze %dma_wait3A_510 : memref<1x1x64xi32, #tpu.memory_space<vmem>> -> memref<64xi32, #tpu.memory_space<vmem>>
      %dma_wait3A_512 = arith.constant 0 : i32
      %dma_wait3A_513 = arith.constant 0 : i32
      %dma_wait3A_514 = tpu.memref_slice %arg8[%dma_wait3A_512, %dma_wait3A_513] : memref<10240x128xf32, #tpu.memory_space<vmem_shared>> -> memref<10240x128xf32, #tpu.memory_space<vmem_shared>>
      tpu.wait_indirect_dma semaphore(%run_scoped3A_494 : memref<!tpu.dma_semaphore, #tpu.memory_space<semaphore_mem>>) src(%dma_wait3A_508 : memref<64x128xf32, #tpu.memory_space<vmem>>) dst(%dma_wait3A_514 : memref<10240x128xf32, #tpu.memory_space<vmem_shared>>)
      tpu.yield
    }) : () -> ()
    %dma_wait3A_255 = arith.constant 156 : i32
    %dma_wait3A_256 = arith.constant 4 : i32
    %dma_wait3A_257 = arith.constant 0 : i32
    %dma_wait3A_258 = arith.constant 0 : i32
    %dma_wait3A_259 = tpu.memref_slice %arg6[%dma_wait3A_256, %dma_wait3A_257, %dma_wait3A_258] : memref<8x2x64xi32, #tpu.memory_space<vmem>> -> memref<1x2x64xi32, #tpu.memory_space<vmem>>
    %dma_wait3A_260 = tpu.memref_squeeze %dma_wait3A_259 : memref<1x2x64xi32, #tpu.memory_space<vmem>> -> memref<2x64xi32, #tpu.memory_space<vmem>>
    %dma_wait3A_261 = arith.constant 0 : i32
    %dma_wait3A_262 = arith.constant 0 : i32
    %dma_wait3A_263 = tpu.memref_slice %arg3[%add3A, %dma_wait3A_255, %dma_wait3A_261, %dma_wait3A_262] : memref<32x160x2x64xi32, #tpu.memory_space<hbm>> -> memref<1x1x2x64xi32, #tpu.memory_space<hbm>>
    %dma_wait3A_264 = tpu.memref_squeeze %dma_wait3A_263 : memref<1x1x2x64xi32, #tpu.memory_space<hbm>> -> memref<2x64xi32, #tpu.memory_space<hbm>>
    %dma_wait3A_265 = arith.constant 0 : i32
    %dma_wait3A_266 = arith.constant 0 : i32
    %dma_wait3A_267 = tpu.memref_slice %arg6[%dma_wait3A_256, %dma_wait3A_265, %dma_wait3A_266] : memref<8x2x64xi32, #tpu.memory_space<vmem>> -> memref<1x2x64xi32, #tpu.memory_space<vmem>>
    %dma_wait3A_268 = tpu.memref_squeeze %dma_wait3A_267 : memref<1x2x64xi32, #tpu.memory_space<vmem>> -> memref<2x64xi32, #tpu.memory_space<vmem>>
    %dma_wait3A_269 = arith.constant 0 : i32
    %dma_wait3A_270 = arith.constant 0 : i32
    %dma_wait3A_271 = tpu.memref_slice %arg3[%add3A, %dma_wait3A_255, %dma_wait3A_269, %dma_wait3A_270] : memref<32x160x2x64xi32, #tpu.memory_space<hbm>> -> memref<1x1x2x64xi32, #tpu.memory_space<hbm>>
    %dma_wait3A_272 = tpu.memref_squeeze %dma_wait3A_271 : memref<1x1x2x64xi32, #tpu.memory_space<hbm>> -> memref<2x64xi32, #tpu.memory_space<hbm>>
    tpu.wait_dma2 semaphore(%arg13 : memref<!tpu.dma_semaphore, #tpu.memory_space<semaphore_mem>>) src(%dma_wait3A_272 : memref<2x64xi32, #tpu.memory_space<hbm>>) dst(%dma_wait3A_268 : memref<2x64xi32, #tpu.memory_space<vmem>>)
    %dma_start3A_273 = arith.constant 4 : i32
    %dma_start3A_274 = arith.constant 0 : i32
    %dma_start3A_275 = arith.constant 0 : i32
    %dma_start3A_276 = arith.constant 0 : i32
    %dma_start3A_277 = arith.constant 0 : i32
    %dma_start3A_278 = tpu.memref_slice %arg7[%dma_start3A_275, %dma_start3A_276, %dma_start3A_277] : memref<4x64x128xf32, #tpu.memory_space<vmem>> -> memref<1x64x128xf32, #tpu.memory_space<vmem>>
    %dma_start3A_279 = tpu.memref_squeeze %dma_start3A_278 : memref<1x64x128xf32, #tpu.memory_space<vmem>> -> memref<64x128xf32, #tpu.memory_space<vmem>>
    %dma_start3A_280 = arith.constant 0 : i32
    %dma_start3A_281 = tpu.memref_slice %arg6[%dma_start3A_273, %dma_start3A_274, %dma_start3A_280] : memref<8x2x64xi32, #tpu.memory_space<vmem>> -> memref<1x1x64xi32, #tpu.memory_space<vmem>>
    %dma_start3A_282 = tpu.memref_squeeze %dma_start3A_281 : memref<1x1x64xi32, #tpu.memory_space<vmem>> -> memref<64xi32, #tpu.memory_space<vmem>>
    %dma_start3A_283 = arith.constant 0 : i32
    %dma_start3A_284 = arith.constant 0 : i32
    %dma_start3A_285 = tpu.memref_slice %arg2[%dma_start3A_283, %dma_start3A_284] : memref<10240x128xf32, #tpu.memory_space<hbm>> -> memref<10240x128xf32, #tpu.memory_space<hbm>>
    tpu.enqueue_indirect_dma source(%dma_start3A_285 : memref<10240x128xf32, #tpu.memory_space<hbm>>) target(%dma_start3A_279 : memref<64x128xf32, #tpu.memory_space<vmem>>) offsets(%dma_start3A_282 : memref<64xi32, #tpu.memory_space<vmem>>) semaphore(%arg17 : memref<!tpu.dma_semaphore, #tpu.memory_space<semaphore_mem>>)
    %dma_wait3A_286 = arith.constant 1 : i32
    %dma_wait3A_287 = arith.constant 0 : i32
    %dma_wait3A_288 = arith.constant 1 : i32
    %dma_wait3A_289 = arith.constant 0 : i32
    %dma_wait3A_290 = arith.constant 0 : i32
    %dma_wait3A_291 = tpu.memref_slice %arg7[%dma_wait3A_288, %dma_wait3A_289, %dma_wait3A_290] : memref<4x64x128xf32, #tpu.memory_space<vmem>> -> memref<1x64x128xf32, #tpu.memory_space<vmem>>
    %dma_wait3A_292 = tpu.memref_squeeze %dma_wait3A_291 : memref<1x64x128xf32, #tpu.memory_space<vmem>> -> memref<64x128xf32, #tpu.memory_space<vmem>>
    %dma_wait3A_293 = arith.constant 0 : i32
    %dma_wait3A_294 = tpu.memref_slice %arg6[%dma_wait3A_286, %dma_wait3A_287, %dma_wait3A_293] : memref<8x2x64xi32, #tpu.memory_space<vmem>> -> memref<1x1x64xi32, #tpu.memory_space<vmem>>
    %dma_wait3A_295 = tpu.memref_squeeze %dma_wait3A_294 : memref<1x1x64xi32, #tpu.memory_space<vmem>> -> memref<64xi32, #tpu.memory_space<vmem>>
    %dma_wait3A_296 = arith.constant 0 : i32
    %dma_wait3A_297 = arith.constant 0 : i32
    %dma_wait3A_298 = tpu.memref_slice %arg2[%dma_wait3A_296, %dma_wait3A_297] : memref<10240x128xf32, #tpu.memory_space<hbm>> -> memref<10240x128xf32, #tpu.memory_space<hbm>>
    tpu.wait_indirect_dma semaphore(%arg18 : memref<!tpu.dma_semaphore, #tpu.memory_space<semaphore_mem>>) src(%dma_wait3A_298 : memref<10240x128xf32, #tpu.memory_space<hbm>>) dst(%dma_wait3A_292 : memref<64x128xf32, #tpu.memory_space<vmem>>)
    %run_scoped3A_299 = arith.constant 1 : i32
    %run_scoped3A_300 = arith.constant 1 : i32
    %run_scoped3A_301 = arith.constant 1 : i32
    "tpu.region"() ({
      %run_scoped3A_494 = tpu.sem_alloc : memref<!tpu.dma_semaphore, #tpu.memory_space<semaphore_mem>>
      %dma_start3A_495 = arith.constant 0 : i32
      %dma_start3A_496 = arith.constant 0 : i32
      %dma_start3A_497 = tpu.memref_slice %arg7[%run_scoped3A_299, %dma_start3A_495, %dma_start3A_496] : memref<4x64x128xf32, #tpu.memory_space<vmem>> -> memref<1x64x128xf32, #tpu.memory_space<vmem>>
      %dma_start3A_498 = tpu.memref_squeeze %dma_start3A_497 : memref<1x64x128xf32, #tpu.memory_space<vmem>> -> memref<64x128xf32, #tpu.memory_space<vmem>>
      %dma_start3A_499 = arith.constant 0 : i32
      %dma_start3A_500 = tpu.memref_slice %arg6[%run_scoped3A_300, %run_scoped3A_301, %dma_start3A_499] : memref<8x2x64xi32, #tpu.memory_space<vmem>> -> memref<1x1x64xi32, #tpu.memory_space<vmem>>
      %dma_start3A_501 = tpu.memref_squeeze %dma_start3A_500 : memref<1x1x64xi32, #tpu.memory_space<vmem>> -> memref<64xi32, #tpu.memory_space<vmem>>
      %dma_start3A_502 = arith.constant 0 : i32
      %dma_start3A_503 = arith.constant 0 : i32
      %dma_start3A_504 = tpu.memref_slice %arg8[%dma_start3A_502, %dma_start3A_503] : memref<10240x128xf32, #tpu.memory_space<vmem_shared>> -> memref<10240x128xf32, #tpu.memory_space<vmem_shared>>
      tpu.enqueue_indirect_dma source(%dma_start3A_498 : memref<64x128xf32, #tpu.memory_space<vmem>>) target(%dma_start3A_504 : memref<10240x128xf32, #tpu.memory_space<vmem_shared>>) offsets(%dma_start3A_501 : memref<64xi32, #tpu.memory_space<vmem>>) semaphore(%run_scoped3A_494 : memref<!tpu.dma_semaphore, #tpu.memory_space<semaphore_mem>>) {add = true}
      %dma_wait3A_505 = arith.constant 0 : i32
      %dma_wait3A_506 = arith.constant 0 : i32
      %dma_wait3A_507 = tpu.memref_slice %arg7[%run_scoped3A_299, %dma_wait3A_505, %dma_wait3A_506] : memref<4x64x128xf32, #tpu.memory_space<vmem>> -> memref<1x64x128xf32, #tpu.memory_space<vmem>>
      %dma_wait3A_508 = tpu.memref_squeeze %dma_wait3A_507 : memref<1x64x128xf32, #tpu.memory_space<vmem>> -> memref<64x128xf32, #tpu.memory_space<vmem>>
      %dma_wait3A_509 = arith.constant 0 : i32
      %dma_wait3A_510 = tpu.memref_slice %arg6[%run_scoped3A_300, %run_scoped3A_301, %dma_wait3A_509] : memref<8x2x64xi32, #tpu.memory_space<vmem>> -> memref<1x1x64xi32, #tpu.memory_space<vmem>>
      %dma_wait3A_511 = tpu.memref_squeeze %dma_wait3A_510 : memref<1x1x64xi32, #tpu.memory_space<vmem>> -> memref<64xi32, #tpu.memory_space<vmem>>
      %dma_wait3A_512 = arith.constant 0 : i32
      %dma_wait3A_513 = arith.constant 0 : i32
      %dma_wait3A_514 = tpu.memref_slice %arg8[%dma_wait3A_512, %dma_wait3A_513] : memref<10240x128xf32, #tpu.memory_space<vmem_shared>> -> memref<10240x128xf32, #tpu.memory_space<vmem_shared>>
      tpu.wait_indirect_dma semaphore(%run_scoped3A_494 : memref<!tpu.dma_semaphore, #tpu.memory_space<semaphore_mem>>) src(%dma_wait3A_508 : memref<64x128xf32, #tpu.memory_space<vmem>>) dst(%dma_wait3A_514 : memref<10240x128xf32, #tpu.memory_space<vmem_shared>>)
      tpu.yield
    }) : () -> ()
    %dma_wait3A_302 = arith.constant 157 : i32
    %dma_wait3A_303 = arith.constant 5 : i32
    %dma_wait3A_304 = arith.constant 0 : i32
    %dma_wait3A_305 = arith.constant 0 : i32
    %dma_wait3A_306 = tpu.memref_slice %arg6[%dma_wait3A_303, %dma_wait3A_304, %dma_wait3A_305] : memref<8x2x64xi32, #tpu.memory_space<vmem>> -> memref<1x2x64xi32, #tpu.memory_space<vmem>>
    %dma_wait3A_307 = tpu.memref_squeeze %dma_wait3A_306 : memref<1x2x64xi32, #tpu.memory_space<vmem>> -> memref<2x64xi32, #tpu.memory_space<vmem>>
    %dma_wait3A_308 = arith.constant 0 : i32
    %dma_wait3A_309 = arith.constant 0 : i32
    %dma_wait3A_310 = tpu.memref_slice %arg3[%add3A, %dma_wait3A_302, %dma_wait3A_308, %dma_wait3A_309] : memref<32x160x2x64xi32, #tpu.memory_space<hbm>> -> memref<1x1x2x64xi32, #tpu.memory_space<hbm>>
    %dma_wait3A_311 = tpu.memref_squeeze %dma_wait3A_310 : memref<1x1x2x64xi32, #tpu.memory_space<hbm>> -> memref<2x64xi32, #tpu.memory_space<hbm>>
    %dma_wait3A_312 = arith.constant 0 : i32
    %dma_wait3A_313 = arith.constant 0 : i32
    %dma_wait3A_314 = tpu.memref_slice %arg6[%dma_wait3A_303, %dma_wait3A_312, %dma_wait3A_313] : memref<8x2x64xi32, #tpu.memory_space<vmem>> -> memref<1x2x64xi32, #tpu.memory_space<vmem>>
    %dma_wait3A_315 = tpu.memref_squeeze %dma_wait3A_314 : memref<1x2x64xi32, #tpu.memory_space<vmem>> -> memref<2x64xi32, #tpu.memory_space<vmem>>
    %dma_wait3A_316 = arith.constant 0 : i32
    %dma_wait3A_317 = arith.constant 0 : i32
    %dma_wait3A_318 = tpu.memref_slice %arg3[%add3A, %dma_wait3A_302, %dma_wait3A_316, %dma_wait3A_317] : memref<32x160x2x64xi32, #tpu.memory_space<hbm>> -> memref<1x1x2x64xi32, #tpu.memory_space<hbm>>
    %dma_wait3A_319 = tpu.memref_squeeze %dma_wait3A_318 : memref<1x1x2x64xi32, #tpu.memory_space<hbm>> -> memref<2x64xi32, #tpu.memory_space<hbm>>
    tpu.wait_dma2 semaphore(%arg14 : memref<!tpu.dma_semaphore, #tpu.memory_space<semaphore_mem>>) src(%dma_wait3A_319 : memref<2x64xi32, #tpu.memory_space<hbm>>) dst(%dma_wait3A_315 : memref<2x64xi32, #tpu.memory_space<vmem>>)
    %dma_start3A_320 = arith.constant 5 : i32
    %dma_start3A_321 = arith.constant 0 : i32
    %dma_start3A_322 = arith.constant 1 : i32
    %dma_start3A_323 = arith.constant 0 : i32
    %dma_start3A_324 = arith.constant 0 : i32
    %dma_start3A_325 = tpu.memref_slice %arg7[%dma_start3A_322, %dma_start3A_323, %dma_start3A_324] : memref<4x64x128xf32, #tpu.memory_space<vmem>> -> memref<1x64x128xf32, #tpu.memory_space<vmem>>
    %dma_start3A_326 = tpu.memref_squeeze %dma_start3A_325 : memref<1x64x128xf32, #tpu.memory_space<vmem>> -> memref<64x128xf32, #tpu.memory_space<vmem>>
    %dma_start3A_327 = arith.constant 0 : i32
    %dma_start3A_328 = tpu.memref_slice %arg6[%dma_start3A_320, %dma_start3A_321, %dma_start3A_327] : memref<8x2x64xi32, #tpu.memory_space<vmem>> -> memref<1x1x64xi32, #tpu.memory_space<vmem>>
    %dma_start3A_329 = tpu.memref_squeeze %dma_start3A_328 : memref<1x1x64xi32, #tpu.memory_space<vmem>> -> memref<64xi32, #tpu.memory_space<vmem>>
    %dma_start3A_330 = arith.constant 0 : i32
    %dma_start3A_331 = arith.constant 0 : i32
    %dma_start3A_332 = tpu.memref_slice %arg2[%dma_start3A_330, %dma_start3A_331] : memref<10240x128xf32, #tpu.memory_space<hbm>> -> memref<10240x128xf32, #tpu.memory_space<hbm>>
    tpu.enqueue_indirect_dma source(%dma_start3A_332 : memref<10240x128xf32, #tpu.memory_space<hbm>>) target(%dma_start3A_326 : memref<64x128xf32, #tpu.memory_space<vmem>>) offsets(%dma_start3A_329 : memref<64xi32, #tpu.memory_space<vmem>>) semaphore(%arg18 : memref<!tpu.dma_semaphore, #tpu.memory_space<semaphore_mem>>)
    %dma_wait3A_333 = arith.constant 2 : i32
    %dma_wait3A_334 = arith.constant 0 : i32
    %dma_wait3A_335 = arith.constant 2 : i32
    %dma_wait3A_336 = arith.constant 0 : i32
    %dma_wait3A_337 = arith.constant 0 : i32
    %dma_wait3A_338 = tpu.memref_slice %arg7[%dma_wait3A_335, %dma_wait3A_336, %dma_wait3A_337] : memref<4x64x128xf32, #tpu.memory_space<vmem>> -> memref<1x64x128xf32, #tpu.memory_space<vmem>>
    %dma_wait3A_339 = tpu.memref_squeeze %dma_wait3A_338 : memref<1x64x128xf32, #tpu.memory_space<vmem>> -> memref<64x128xf32, #tpu.memory_space<vmem>>
    %dma_wait3A_340 = arith.constant 0 : i32
    %dma_wait3A_341 = tpu.memref_slice %arg6[%dma_wait3A_333, %dma_wait3A_334, %dma_wait3A_340] : memref<8x2x64xi32, #tpu.memory_space<vmem>> -> memref<1x1x64xi32, #tpu.memory_space<vmem>>
    %dma_wait3A_342 = tpu.memref_squeeze %dma_wait3A_341 : memref<1x1x64xi32, #tpu.memory_space<vmem>> -> memref<64xi32, #tpu.memory_space<vmem>>
    %dma_wait3A_343 = arith.constant 0 : i32
    %dma_wait3A_344 = arith.constant 0 : i32
    %dma_wait3A_345 = tpu.memref_slice %arg2[%dma_wait3A_343, %dma_wait3A_344] : memref<10240x128xf32, #tpu.memory_space<hbm>> -> memref<10240x128xf32, #tpu.memory_space<hbm>>
    tpu.wait_indirect_dma semaphore(%arg19 : memref<!tpu.dma_semaphore, #tpu.memory_space<semaphore_mem>>) src(%dma_wait3A_345 : memref<10240x128xf32, #tpu.memory_space<hbm>>) dst(%dma_wait3A_339 : memref<64x128xf32, #tpu.memory_space<vmem>>)
    %run_scoped3A_346 = arith.constant 2 : i32
    %run_scoped3A_347 = arith.constant 2 : i32
    %run_scoped3A_348 = arith.constant 1 : i32
    "tpu.region"() ({
      %run_scoped3A_494 = tpu.sem_alloc : memref<!tpu.dma_semaphore, #tpu.memory_space<semaphore_mem>>
      %dma_start3A_495 = arith.constant 0 : i32
      %dma_start3A_496 = arith.constant 0 : i32
      %dma_start3A_497 = tpu.memref_slice %arg7[%run_scoped3A_346, %dma_start3A_495, %dma_start3A_496] : memref<4x64x128xf32, #tpu.memory_space<vmem>> -> memref<1x64x128xf32, #tpu.memory_space<vmem>>
      %dma_start3A_498 = tpu.memref_squeeze %dma_start3A_497 : memref<1x64x128xf32, #tpu.memory_space<vmem>> -> memref<64x128xf32, #tpu.memory_space<vmem>>
      %dma_start3A_499 = arith.constant 0 : i32
      %dma_start3A_500 = tpu.memref_slice %arg6[%run_scoped3A_347, %run_scoped3A_348, %dma_start3A_499] : memref<8x2x64xi32, #tpu.memory_space<vmem>> -> memref<1x1x64xi32, #tpu.memory_space<vmem>>
      %dma_start3A_501 = tpu.memref_squeeze %dma_start3A_500 : memref<1x1x64xi32, #tpu.memory_space<vmem>> -> memref<64xi32, #tpu.memory_space<vmem>>
      %dma_start3A_502 = arith.constant 0 : i32
      %dma_start3A_503 = arith.constant 0 : i32
      %dma_start3A_504 = tpu.memref_slice %arg8[%dma_start3A_502, %dma_start3A_503] : memref<10240x128xf32, #tpu.memory_space<vmem_shared>> -> memref<10240x128xf32, #tpu.memory_space<vmem_shared>>
      tpu.enqueue_indirect_dma source(%dma_start3A_498 : memref<64x128xf32, #tpu.memory_space<vmem>>) target(%dma_start3A_504 : memref<10240x128xf32, #tpu.memory_space<vmem_shared>>) offsets(%dma_start3A_501 : memref<64xi32, #tpu.memory_space<vmem>>) semaphore(%run_scoped3A_494 : memref<!tpu.dma_semaphore, #tpu.memory_space<semaphore_mem>>) {add = true}
      %dma_wait3A_505 = arith.constant 0 : i32
      %dma_wait3A_506 = arith.constant 0 : i32
      %dma_wait3A_507 = tpu.memref_slice %arg7[%run_scoped3A_346, %dma_wait3A_505, %dma_wait3A_506] : memref<4x64x128xf32, #tpu.memory_space<vmem>> -> memref<1x64x128xf32, #tpu.memory_space<vmem>>
      %dma_wait3A_508 = tpu.memref_squeeze %dma_wait3A_507 : memref<1x64x128xf32, #tpu.memory_space<vmem>> -> memref<64x128xf32, #tpu.memory_space<vmem>>
      %dma_wait3A_509 = arith.constant 0 : i32
      %dma_wait3A_510 = tpu.memref_slice %arg6[%run_scoped3A_347, %run_scoped3A_348, %dma_wait3A_509] : memref<8x2x64xi32, #tpu.memory_space<vmem>> -> memref<1x1x64xi32, #tpu.memory_space<vmem>>
      %dma_wait3A_511 = tpu.memref_squeeze %dma_wait3A_510 : memref<1x1x64xi32, #tpu.memory_space<vmem>> -> memref<64xi32, #tpu.memory_space<vmem>>
      %dma_wait3A_512 = arith.constant 0 : i32
      %dma_wait3A_513 = arith.constant 0 : i32
      %dma_wait3A_514 = tpu.memref_slice %arg8[%dma_wait3A_512, %dma_wait3A_513] : memref<10240x128xf32, #tpu.memory_space<vmem_shared>> -> memref<10240x128xf32, #tpu.memory_space<vmem_shared>>
      tpu.wait_indirect_dma semaphore(%run_scoped3A_494 : memref<!tpu.dma_semaphore, #tpu.memory_space<semaphore_mem>>) src(%dma_wait3A_508 : memref<64x128xf32, #tpu.memory_space<vmem>>) dst(%dma_wait3A_514 : memref<10240x128xf32, #tpu.memory_space<vmem_shared>>)
      tpu.yield
    }) : () -> ()
    %dma_wait3A_349 = arith.constant 158 : i32
    %dma_wait3A_350 = arith.constant 6 : i32
    %dma_wait3A_351 = arith.constant 0 : i32
    %dma_wait3A_352 = arith.constant 0 : i32
    %dma_wait3A_353 = tpu.memref_slice %arg6[%dma_wait3A_350, %dma_wait3A_351, %dma_wait3A_352] : memref<8x2x64xi32, #tpu.memory_space<vmem>> -> memref<1x2x64xi32, #tpu.memory_space<vmem>>
    %dma_wait3A_354 = tpu.memref_squeeze %dma_wait3A_353 : memref<1x2x64xi32, #tpu.memory_space<vmem>> -> memref<2x64xi32, #tpu.memory_space<vmem>>
    %dma_wait3A_355 = arith.constant 0 : i32
    %dma_wait3A_356 = arith.constant 0 : i32
    %dma_wait3A_357 = tpu.memref_slice %arg3[%add3A, %dma_wait3A_349, %dma_wait3A_355, %dma_wait3A_356] : memref<32x160x2x64xi32, #tpu.memory_space<hbm>> -> memref<1x1x2x64xi32, #tpu.memory_space<hbm>>
    %dma_wait3A_358 = tpu.memref_squeeze %dma_wait3A_357 : memref<1x1x2x64xi32, #tpu.memory_space<hbm>> -> memref<2x64xi32, #tpu.memory_space<hbm>>
    %dma_wait3A_359 = arith.constant 0 : i32
    %dma_wait3A_360 = arith.constant 0 : i32
    %dma_wait3A_361 = tpu.memref_slice %arg6[%dma_wait3A_350, %dma_wait3A_359, %dma_wait3A_360] : memref<8x2x64xi32, #tpu.memory_space<vmem>> -> memref<1x2x64xi32, #tpu.memory_space<vmem>>
    %dma_wait3A_362 = tpu.memref_squeeze %dma_wait3A_361 : memref<1x2x64xi32, #tpu.memory_space<vmem>> -> memref<2x64xi32, #tpu.memory_space<vmem>>
    %dma_wait3A_363 = arith.constant 0 : i32
    %dma_wait3A_364 = arith.constant 0 : i32
    %dma_wait3A_365 = tpu.memref_slice %arg3[%add3A, %dma_wait3A_349, %dma_wait3A_363, %dma_wait3A_364] : memref<32x160x2x64xi32, #tpu.memory_space<hbm>> -> memref<1x1x2x64xi32, #tpu.memory_space<hbm>>
    %dma_wait3A_366 = tpu.memref_squeeze %dma_wait3A_365 : memref<1x1x2x64xi32, #tpu.memory_space<hbm>> -> memref<2x64xi32, #tpu.memory_space<hbm>>
    tpu.wait_dma2 semaphore(%arg15 : memref<!tpu.dma_semaphore, #tpu.memory_space<semaphore_mem>>) src(%dma_wait3A_366 : memref<2x64xi32, #tpu.memory_space<hbm>>) dst(%dma_wait3A_362 : memref<2x64xi32, #tpu.memory_space<vmem>>)
    %dma_start3A_367 = arith.constant 6 : i32
    %dma_start3A_368 = arith.constant 0 : i32
    %dma_start3A_369 = arith.constant 2 : i32
    %dma_start3A_370 = arith.constant 0 : i32
    %dma_start3A_371 = arith.constant 0 : i32
    %dma_start3A_372 = tpu.memref_slice %arg7[%dma_start3A_369, %dma_start3A_370, %dma_start3A_371] : memref<4x64x128xf32, #tpu.memory_space<vmem>> -> memref<1x64x128xf32, #tpu.memory_space<vmem>>
    %dma_start3A_373 = tpu.memref_squeeze %dma_start3A_372 : memref<1x64x128xf32, #tpu.memory_space<vmem>> -> memref<64x128xf32, #tpu.memory_space<vmem>>
    %dma_start3A_374 = arith.constant 0 : i32
    %dma_start3A_375 = tpu.memref_slice %arg6[%dma_start3A_367, %dma_start3A_368, %dma_start3A_374] : memref<8x2x64xi32, #tpu.memory_space<vmem>> -> memref<1x1x64xi32, #tpu.memory_space<vmem>>
    %dma_start3A_376 = tpu.memref_squeeze %dma_start3A_375 : memref<1x1x64xi32, #tpu.memory_space<vmem>> -> memref<64xi32, #tpu.memory_space<vmem>>
    %dma_start3A_377 = arith.constant 0 : i32
    %dma_start3A_378 = arith.constant 0 : i32
    %dma_start3A_379 = tpu.memref_slice %arg2[%dma_start3A_377, %dma_start3A_378] : memref<10240x128xf32, #tpu.memory_space<hbm>> -> memref<10240x128xf32, #tpu.memory_space<hbm>>
    tpu.enqueue_indirect_dma source(%dma_start3A_379 : memref<10240x128xf32, #tpu.memory_space<hbm>>) target(%dma_start3A_373 : memref<64x128xf32, #tpu.memory_space<vmem>>) offsets(%dma_start3A_376 : memref<64xi32, #tpu.memory_space<vmem>>) semaphore(%arg19 : memref<!tpu.dma_semaphore, #tpu.memory_space<semaphore_mem>>)
    %dma_wait3A_380 = arith.constant 3 : i32
    %dma_wait3A_381 = arith.constant 0 : i32
    %dma_wait3A_382 = arith.constant 3 : i32
    %dma_wait3A_383 = arith.constant 0 : i32
    %dma_wait3A_384 = arith.constant 0 : i32
    %dma_wait3A_385 = tpu.memref_slice %arg7[%dma_wait3A_382, %dma_wait3A_383, %dma_wait3A_384] : memref<4x64x128xf32, #tpu.memory_space<vmem>> -> memref<1x64x128xf32, #tpu.memory_space<vmem>>
    %dma_wait3A_386 = tpu.memref_squeeze %dma_wait3A_385 : memref<1x64x128xf32, #tpu.memory_space<vmem>> -> memref<64x128xf32, #tpu.memory_space<vmem>>
    %dma_wait3A_387 = arith.constant 0 : i32
    %dma_wait3A_388 = tpu.memref_slice %arg6[%dma_wait3A_380, %dma_wait3A_381, %dma_wait3A_387] : memref<8x2x64xi32, #tpu.memory_space<vmem>> -> memref<1x1x64xi32, #tpu.memory_space<vmem>>
    %dma_wait3A_389 = tpu.memref_squeeze %dma_wait3A_388 : memref<1x1x64xi32, #tpu.memory_space<vmem>> -> memref<64xi32, #tpu.memory_space<vmem>>
    %dma_wait3A_390 = arith.constant 0 : i32
    %dma_wait3A_391 = arith.constant 0 : i32
    %dma_wait3A_392 = tpu.memref_slice %arg2[%dma_wait3A_390, %dma_wait3A_391] : memref<10240x128xf32, #tpu.memory_space<hbm>> -> memref<10240x128xf32, #tpu.memory_space<hbm>>
    tpu.wait_indirect_dma semaphore(%arg20 : memref<!tpu.dma_semaphore, #tpu.memory_space<semaphore_mem>>) src(%dma_wait3A_392 : memref<10240x128xf32, #tpu.memory_space<hbm>>) dst(%dma_wait3A_386 : memref<64x128xf32, #tpu.memory_space<vmem>>)
    %run_scoped3A_393 = arith.constant 3 : i32
    %run_scoped3A_394 = arith.constant 3 : i32
    %run_scoped3A_395 = arith.constant 1 : i32
    "tpu.region"() ({
      %run_scoped3A_494 = tpu.sem_alloc : memref<!tpu.dma_semaphore, #tpu.memory_space<semaphore_mem>>
      %dma_start3A_495 = arith.constant 0 : i32
      %dma_start3A_496 = arith.constant 0 : i32
      %dma_start3A_497 = tpu.memref_slice %arg7[%run_scoped3A_393, %dma_start3A_495, %dma_start3A_496] : memref<4x64x128xf32, #tpu.memory_space<vmem>> -> memref<1x64x128xf32, #tpu.memory_space<vmem>>
      %dma_start3A_498 = tpu.memref_squeeze %dma_start3A_497 : memref<1x64x128xf32, #tpu.memory_space<vmem>> -> memref<64x128xf32, #tpu.memory_space<vmem>>
      %dma_start3A_499 = arith.constant 0 : i32
      %dma_start3A_500 = tpu.memref_slice %arg6[%run_scoped3A_394, %run_scoped3A_395, %dma_start3A_499] : memref<8x2x64xi32, #tpu.memory_space<vmem>> -> memref<1x1x64xi32, #tpu.memory_space<vmem>>
      %dma_start3A_501 = tpu.memref_squeeze %dma_start3A_500 : memref<1x1x64xi32, #tpu.memory_space<vmem>> -> memref<64xi32, #tpu.memory_space<vmem>>
      %dma_start3A_502 = arith.constant 0 : i32
      %dma_start3A_503 = arith.constant 0 : i32
      %dma_start3A_504 = tpu.memref_slice %arg8[%dma_start3A_502, %dma_start3A_503] : memref<10240x128xf32, #tpu.memory_space<vmem_shared>> -> memref<10240x128xf32, #tpu.memory_space<vmem_shared>>
      tpu.enqueue_indirect_dma source(%dma_start3A_498 : memref<64x128xf32, #tpu.memory_space<vmem>>) target(%dma_start3A_504 : memref<10240x128xf32, #tpu.memory_space<vmem_shared>>) offsets(%dma_start3A_501 : memref<64xi32, #tpu.memory_space<vmem>>) semaphore(%run_scoped3A_494 : memref<!tpu.dma_semaphore, #tpu.memory_space<semaphore_mem>>) {add = true}
      %dma_wait3A_505 = arith.constant 0 : i32
      %dma_wait3A_506 = arith.constant 0 : i32
      %dma_wait3A_507 = tpu.memref_slice %arg7[%run_scoped3A_393, %dma_wait3A_505, %dma_wait3A_506] : memref<4x64x128xf32, #tpu.memory_space<vmem>> -> memref<1x64x128xf32, #tpu.memory_space<vmem>>
      %dma_wait3A_508 = tpu.memref_squeeze %dma_wait3A_507 : memref<1x64x128xf32, #tpu.memory_space<vmem>> -> memref<64x128xf32, #tpu.memory_space<vmem>>
      %dma_wait3A_509 = arith.constant 0 : i32
      %dma_wait3A_510 = tpu.memref_slice %arg6[%run_scoped3A_394, %run_scoped3A_395, %dma_wait3A_509] : memref<8x2x64xi32, #tpu.memory_space<vmem>> -> memref<1x1x64xi32, #tpu.memory_space<vmem>>
      %dma_wait3A_511 = tpu.memref_squeeze %dma_wait3A_510 : memref<1x1x64xi32, #tpu.memory_space<vmem>> -> memref<64xi32, #tpu.memory_space<vmem>>
      %dma_wait3A_512 = arith.constant 0 : i32
      %dma_wait3A_513 = arith.constant 0 : i32
      %dma_wait3A_514 = tpu.memref_slice %arg8[%dma_wait3A_512, %dma_wait3A_513] : memref<10240x128xf32, #tpu.memory_space<vmem_shared>> -> memref<10240x128xf32, #tpu.memory_space<vmem_shared>>
      tpu.wait_indirect_dma semaphore(%run_scoped3A_494 : memref<!tpu.dma_semaphore, #tpu.memory_space<semaphore_mem>>) src(%dma_wait3A_508 : memref<64x128xf32, #tpu.memory_space<vmem>>) dst(%dma_wait3A_514 : memref<10240x128xf32, #tpu.memory_space<vmem_shared>>)
      tpu.yield
    }) : () -> ()
    %dma_wait3A_396 = arith.constant 159 : i32
    %dma_wait3A_397 = arith.constant 7 : i32
    %dma_wait3A_398 = arith.constant 0 : i32
    %dma_wait3A_399 = arith.constant 0 : i32
    %dma_wait3A_400 = tpu.memref_slice %arg6[%dma_wait3A_397, %dma_wait3A_398, %dma_wait3A_399] : memref<8x2x64xi32, #tpu.memory_space<vmem>> -> memref<1x2x64xi32, #tpu.memory_space<vmem>>
    %dma_wait3A_401 = tpu.memref_squeeze %dma_wait3A_400 : memref<1x2x64xi32, #tpu.memory_space<vmem>> -> memref<2x64xi32, #tpu.memory_space<vmem>>
    %dma_wait3A_402 = arith.constant 0 : i32
    %dma_wait3A_403 = arith.constant 0 : i32
    %dma_wait3A_404 = tpu.memref_slice %arg3[%add3A, %dma_wait3A_396, %dma_wait3A_402, %dma_wait3A_403] : memref<32x160x2x64xi32, #tpu.memory_space<hbm>> -> memref<1x1x2x64xi32, #tpu.memory_space<hbm>>
    %dma_wait3A_405 = tpu.memref_squeeze %dma_wait3A_404 : memref<1x1x2x64xi32, #tpu.memory_space<hbm>> -> memref<2x64xi32, #tpu.memory_space<hbm>>
    %dma_wait3A_406 = arith.constant 0 : i32
    %dma_wait3A_407 = arith.constant 0 : i32
    %dma_wait3A_408 = tpu.memref_slice %arg6[%dma_wait3A_397, %dma_wait3A_406, %dma_wait3A_407] : memref<8x2x64xi32, #tpu.memory_space<vmem>> -> memref<1x2x64xi32, #tpu.memory_space<vmem>>
    %dma_wait3A_409 = tpu.memref_squeeze %dma_wait3A_408 : memref<1x2x64xi32, #tpu.memory_space<vmem>> -> memref<2x64xi32, #tpu.memory_space<vmem>>
    %dma_wait3A_410 = arith.constant 0 : i32
    %dma_wait3A_411 = arith.constant 0 : i32
    %dma_wait3A_412 = tpu.memref_slice %arg3[%add3A, %dma_wait3A_396, %dma_wait3A_410, %dma_wait3A_411] : memref<32x160x2x64xi32, #tpu.memory_space<hbm>> -> memref<1x1x2x64xi32, #tpu.memory_space<hbm>>
    %dma_wait3A_413 = tpu.memref_squeeze %dma_wait3A_412 : memref<1x1x2x64xi32, #tpu.memory_space<hbm>> -> memref<2x64xi32, #tpu.memory_space<hbm>>
    tpu.wait_dma2 semaphore(%arg16 : memref<!tpu.dma_semaphore, #tpu.memory_space<semaphore_mem>>) src(%dma_wait3A_413 : memref<2x64xi32, #tpu.memory_space<hbm>>) dst(%dma_wait3A_409 : memref<2x64xi32, #tpu.memory_space<vmem>>)
    %dma_start3A_414 = arith.constant 7 : i32
    %dma_start3A_415 = arith.constant 0 : i32
    %dma_start3A_416 = arith.constant 3 : i32
    %dma_start3A_417 = arith.constant 0 : i32
    %dma_start3A_418 = arith.constant 0 : i32
    %dma_start3A_419 = tpu.memref_slice %arg7[%dma_start3A_416, %dma_start3A_417, %dma_start3A_418] : memref<4x64x128xf32, #tpu.memory_space<vmem>> -> memref<1x64x128xf32, #tpu.memory_space<vmem>>
    %dma_start3A_420 = tpu.memref_squeeze %dma_start3A_419 : memref<1x64x128xf32, #tpu.memory_space<vmem>> -> memref<64x128xf32, #tpu.memory_space<vmem>>
    %dma_start3A_421 = arith.constant 0 : i32
    %dma_start3A_422 = tpu.memref_slice %arg6[%dma_start3A_414, %dma_start3A_415, %dma_start3A_421] : memref<8x2x64xi32, #tpu.memory_space<vmem>> -> memref<1x1x64xi32, #tpu.memory_space<vmem>>
    %dma_start3A_423 = tpu.memref_squeeze %dma_start3A_422 : memref<1x1x64xi32, #tpu.memory_space<vmem>> -> memref<64xi32, #tpu.memory_space<vmem>>
    %dma_start3A_424 = arith.constant 0 : i32
    %dma_start3A_425 = arith.constant 0 : i32
    %dma_start3A_426 = tpu.memref_slice %arg2[%dma_start3A_424, %dma_start3A_425] : memref<10240x128xf32, #tpu.memory_space<hbm>> -> memref<10240x128xf32, #tpu.memory_space<hbm>>
    tpu.enqueue_indirect_dma source(%dma_start3A_426 : memref<10240x128xf32, #tpu.memory_space<hbm>>) target(%dma_start3A_420 : memref<64x128xf32, #tpu.memory_space<vmem>>) offsets(%dma_start3A_423 : memref<64xi32, #tpu.memory_space<vmem>>) semaphore(%arg20 : memref<!tpu.dma_semaphore, #tpu.memory_space<semaphore_mem>>)
    %dma_wait3A_427 = arith.constant 4 : i32
    %dma_wait3A_428 = arith.constant 0 : i32
    %dma_wait3A_429 = arith.constant 0 : i32
    %dma_wait3A_430 = arith.constant 0 : i32
    %dma_wait3A_431 = arith.constant 0 : i32
    %dma_wait3A_432 = tpu.memref_slice %arg7[%dma_wait3A_429, %dma_wait3A_430, %dma_wait3A_431] : memref<4x64x128xf32, #tpu.memory_space<vmem>> -> memref<1x64x128xf32, #tpu.memory_space<vmem>>
    %dma_wait3A_433 = tpu.memref_squeeze %dma_wait3A_432 : memref<1x64x128xf32, #tpu.memory_space<vmem>> -> memref<64x128xf32, #tpu.memory_space<vmem>>
    %dma_wait3A_434 = arith.constant 0 : i32
    %dma_wait3A_435 = tpu.memref_slice %arg6[%dma_wait3A_427, %dma_wait3A_428, %dma_wait3A_434] : memref<8x2x64xi32, #tpu.memory_space<vmem>> -> memref<1x1x64xi32, #tpu.memory_space<vmem>>
    %dma_wait3A_436 = tpu.memref_squeeze %dma_wait3A_435 : memref<1x1x64xi32, #tpu.memory_space<vmem>> -> memref<64xi32, #tpu.memory_space<vmem>>
    %dma_wait3A_437 = arith.constant 0 : i32
    %dma_wait3A_438 = arith.constant 0 : i32
    %dma_wait3A_439 = tpu.memref_slice %arg2[%dma_wait3A_437, %dma_wait3A_438] : memref<10240x128xf32, #tpu.memory_space<hbm>> -> memref<10240x128xf32, #tpu.memory_space<hbm>>
    tpu.wait_indirect_dma semaphore(%arg17 : memref<!tpu.dma_semaphore, #tpu.memory_space<semaphore_mem>>) src(%dma_wait3A_439 : memref<10240x128xf32, #tpu.memory_space<hbm>>) dst(%dma_wait3A_433 : memref<64x128xf32, #tpu.memory_space<vmem>>)
    %run_scoped3A_440 = arith.constant 0 : i32
    %run_scoped3A_441 = arith.constant 4 : i32
    %run_scoped3A_442 = arith.constant 1 : i32
    "tpu.region"() ({
      %run_scoped3A_494 = tpu.sem_alloc : memref<!tpu.dma_semaphore, #tpu.memory_space<semaphore_mem>>
      %dma_start3A_495 = arith.constant 0 : i32
      %dma_start3A_496 = arith.constant 0 : i32
      %dma_start3A_497 = tpu.memref_slice %arg7[%run_scoped3A_440, %dma_start3A_495, %dma_start3A_496] : memref<4x64x128xf32, #tpu.memory_space<vmem>> -> memref<1x64x128xf32, #tpu.memory_space<vmem>>
      %dma_start3A_498 = tpu.memref_squeeze %dma_start3A_497 : memref<1x64x128xf32, #tpu.memory_space<vmem>> -> memref<64x128xf32, #tpu.memory_space<vmem>>
      %dma_start3A_499 = arith.constant 0 : i32
      %dma_start3A_500 = tpu.memref_slice %arg6[%run_scoped3A_441, %run_scoped3A_442, %dma_start3A_499] : memref<8x2x64xi32, #tpu.memory_space<vmem>> -> memref<1x1x64xi32, #tpu.memory_space<vmem>>
      %dma_start3A_501 = tpu.memref_squeeze %dma_start3A_500 : memref<1x1x64xi32, #tpu.memory_space<vmem>> -> memref<64xi32, #tpu.memory_space<vmem>>
      %dma_start3A_502 = arith.constant 0 : i32
      %dma_start3A_503 = arith.constant 0 : i32
      %dma_start3A_504 = tpu.memref_slice %arg8[%dma_start3A_502, %dma_start3A_503] : memref<10240x128xf32, #tpu.memory_space<vmem_shared>> -> memref<10240x128xf32, #tpu.memory_space<vmem_shared>>
      tpu.enqueue_indirect_dma source(%dma_start3A_498 : memref<64x128xf32, #tpu.memory_space<vmem>>) target(%dma_start3A_504 : memref<10240x128xf32, #tpu.memory_space<vmem_shared>>) offsets(%dma_start3A_501 : memref<64xi32, #tpu.memory_space<vmem>>) semaphore(%run_scoped3A_494 : memref<!tpu.dma_semaphore, #tpu.memory_space<semaphore_mem>>) {add = true}
      %dma_wait3A_505 = arith.constant 0 : i32
      %dma_wait3A_506 = arith.constant 0 : i32
      %dma_wait3A_507 = tpu.memref_slice %arg7[%run_scoped3A_440, %dma_wait3A_505, %dma_wait3A_506] : memref<4x64x128xf32, #tpu.memory_space<vmem>> -> memref<1x64x128xf32, #tpu.memory_space<vmem>>
      %dma_wait3A_508 = tpu.memref_squeeze %dma_wait3A_507 : memref<1x64x128xf32, #tpu.memory_space<vmem>> -> memref<64x128xf32, #tpu.memory_space<vmem>>
      %dma_wait3A_509 = arith.constant 0 : i32
      %dma_wait3A_510 = tpu.memref_slice %arg6[%run_scoped3A_441, %run_scoped3A_442, %dma_wait3A_509] : memref<8x2x64xi32, #tpu.memory_space<vmem>> -> memref<1x1x64xi32, #tpu.memory_space<vmem>>
      %dma_wait3A_511 = tpu.memref_squeeze %dma_wait3A_510 : memref<1x1x64xi32, #tpu.memory_space<vmem>> -> memref<64xi32, #tpu.memory_space<vmem>>
      %dma_wait3A_512 = arith.constant 0 : i32
      %dma_wait3A_513 = arith.constant 0 : i32
      %dma_wait3A_514 = tpu.memref_slice %arg8[%dma_wait3A_512, %dma_wait3A_513] : memref<10240x128xf32, #tpu.memory_space<vmem_shared>> -> memref<10240x128xf32, #tpu.memory_space<vmem_shared>>
      tpu.wait_indirect_dma semaphore(%run_scoped3A_494 : memref<!tpu.dma_semaphore, #tpu.memory_space<semaphore_mem>>) src(%dma_wait3A_508 : memref<64x128xf32, #tpu.memory_space<vmem>>) dst(%dma_wait3A_514 : memref<10240x128xf32, #tpu.memory_space<vmem_shared>>)
      tpu.yield
    }) : () -> ()
    %dma_wait3A_443 = arith.constant 5 : i32
    %dma_wait3A_444 = arith.constant 0 : i32
    %dma_wait3A_445 = arith.constant 1 : i32
    %dma_wait3A_446 = arith.constant 0 : i32
    %dma_wait3A_447 = arith.constant 0 : i32
    %dma_wait3A_448 = tpu.memref_slice %arg7[%dma_wait3A_445, %dma_wait3A_446, %dma_wait3A_447] : memref<4x64x128xf32, #tpu.memory_space<vmem>> -> memref<1x64x128xf32, #tpu.memory_space<vmem>>
    %dma_wait3A_449 = tpu.memref_squeeze %dma_wait3A_448 : memref<1x64x128xf32, #tpu.memory_space<vmem>> -> memref<64x128xf32, #tpu.memory_space<vmem>>
    %dma_wait3A_450 = arith.constant 0 : i32
    %dma_wait3A_451 = tpu.memref_slice %arg6[%dma_wait3A_443, %dma_wait3A_444, %dma_wait3A_450] : memref<8x2x64xi32, #tpu.memory_space<vmem>> -> memref<1x1x64xi32, #tpu.memory_space<vmem>>
    %dma_wait3A_452 = tpu.memref_squeeze %dma_wait3A_451 : memref<1x1x64xi32, #tpu.memory_space<vmem>> -> memref<64xi32, #tpu.memory_space<vmem>>
    %dma_wait3A_453 = arith.constant 0 : i32
    %dma_wait3A_454 = arith.constant 0 : i32
    %dma_wait3A_455 = tpu.memref_slice %arg2[%dma_wait3A_453, %dma_wait3A_454] : memref<10240x128xf32, #tpu.memory_space<hbm>> -> memref<10240x128xf32, #tpu.memory_space<hbm>>
    tpu.wait_indirect_dma semaphore(%arg18 : memref<!tpu.dma_semaphore, #tpu.memory_space<semaphore_mem>>) src(%dma_wait3A_455 : memref<10240x128xf32, #tpu.memory_space<hbm>>) dst(%dma_wait3A_449 : memref<64x128xf32, #tpu.memory_space<vmem>>)
    %run_scoped3A_456 = arith.constant 1 : i32
    %run_scoped3A_457 = arith.constant 5 : i32
    %run_scoped3A_458 = arith.constant 1 : i32
    "tpu.region"() ({
      %run_scoped3A_494 = tpu.sem_alloc : memref<!tpu.dma_semaphore, #tpu.memory_space<semaphore_mem>>
      %dma_start3A_495 = arith.constant 0 : i32
      %dma_start3A_496 = arith.constant 0 : i32
      %dma_start3A_497 = tpu.memref_slice %arg7[%run_scoped3A_456, %dma_start3A_495, %dma_start3A_496] : memref<4x64x128xf32, #tpu.memory_space<vmem>> -> memref<1x64x128xf32, #tpu.memory_space<vmem>>
      %dma_start3A_498 = tpu.memref_squeeze %dma_start3A_497 : memref<1x64x128xf32, #tpu.memory_space<vmem>> -> memref<64x128xf32, #tpu.memory_space<vmem>>
      %dma_start3A_499 = arith.constant 0 : i32
      %dma_start3A_500 = tpu.memref_slice %arg6[%run_scoped3A_457, %run_scoped3A_458, %dma_start3A_499] : memref<8x2x64xi32, #tpu.memory_space<vmem>> -> memref<1x1x64xi32, #tpu.memory_space<vmem>>
      %dma_start3A_501 = tpu.memref_squeeze %dma_start3A_500 : memref<1x1x64xi32, #tpu.memory_space<vmem>> -> memref<64xi32, #tpu.memory_space<vmem>>
      %dma_start3A_502 = arith.constant 0 : i32
      %dma_start3A_503 = arith.constant 0 : i32
      %dma_start3A_504 = tpu.memref_slice %arg8[%dma_start3A_502, %dma_start3A_503] : memref<10240x128xf32, #tpu.memory_space<vmem_shared>> -> memref<10240x128xf32, #tpu.memory_space<vmem_shared>>
      tpu.enqueue_indirect_dma source(%dma_start3A_498 : memref<64x128xf32, #tpu.memory_space<vmem>>) target(%dma_start3A_504 : memref<10240x128xf32, #tpu.memory_space<vmem_shared>>) offsets(%dma_start3A_501 : memref<64xi32, #tpu.memory_space<vmem>>) semaphore(%run_scoped3A_494 : memref<!tpu.dma_semaphore, #tpu.memory_space<semaphore_mem>>) {add = true}
      %dma_wait3A_505 = arith.constant 0 : i32
      %dma_wait3A_506 = arith.constant 0 : i32
      %dma_wait3A_507 = tpu.memref_slice %arg7[%run_scoped3A_456, %dma_wait3A_505, %dma_wait3A_506] : memref<4x64x128xf32, #tpu.memory_space<vmem>> -> memref<1x64x128xf32, #tpu.memory_space<vmem>>
      %dma_wait3A_508 = tpu.memref_squeeze %dma_wait3A_507 : memref<1x64x128xf32, #tpu.memory_space<vmem>> -> memref<64x128xf32, #tpu.memory_space<vmem>>
      %dma_wait3A_509 = arith.constant 0 : i32
      %dma_wait3A_510 = tpu.memref_slice %arg6[%run_scoped3A_457, %run_scoped3A_458, %dma_wait3A_509] : memref<8x2x64xi32, #tpu.memory_space<vmem>> -> memref<1x1x64xi32, #tpu.memory_space<vmem>>
      %dma_wait3A_511 = tpu.memref_squeeze %dma_wait3A_510 : memref<1x1x64xi32, #tpu.memory_space<vmem>> -> memref<64xi32, #tpu.memory_space<vmem>>
      %dma_wait3A_512 = arith.constant 0 : i32
      %dma_wait3A_513 = arith.constant 0 : i32
      %dma_wait3A_514 = tpu.memref_slice %arg8[%dma_wait3A_512, %dma_wait3A_513] : memref<10240x128xf32, #tpu.memory_space<vmem_shared>> -> memref<10240x128xf32, #tpu.memory_space<vmem_shared>>
      tpu.wait_indirect_dma semaphore(%run_scoped3A_494 : memref<!tpu.dma_semaphore, #tpu.memory_space<semaphore_mem>>) src(%dma_wait3A_508 : memref<64x128xf32, #tpu.memory_space<vmem>>) dst(%dma_wait3A_514 : memref<10240x128xf32, #tpu.memory_space<vmem_shared>>)
      tpu.yield
    }) : () -> ()
    %dma_wait3A_459 = arith.constant 6 : i32
    %dma_wait3A_460 = arith.constant 0 : i32
    %dma_wait3A_461 = arith.constant 2 : i32
    %dma_wait3A_462 = arith.constant 0 : i32
    %dma_wait3A_463 = arith.constant 0 : i32
    %dma_wait3A_464 = tpu.memref_slice %arg7[%dma_wait3A_461, %dma_wait3A_462, %dma_wait3A_463] : memref<4x64x128xf32, #tpu.memory_space<vmem>> -> memref<1x64x128xf32, #tpu.memory_space<vmem>>
    %dma_wait3A_465 = tpu.memref_squeeze %dma_wait3A_464 : memref<1x64x128xf32, #tpu.memory_space<vmem>> -> memref<64x128xf32, #tpu.memory_space<vmem>>
    %dma_wait3A_466 = arith.constant 0 : i32
    %dma_wait3A_467 = tpu.memref_slice %arg6[%dma_wait3A_459, %dma_wait3A_460, %dma_wait3A_466] : memref<8x2x64xi32, #tpu.memory_space<vmem>> -> memref<1x1x64xi32, #tpu.memory_space<vmem>>
    %dma_wait3A_468 = tpu.memref_squeeze %dma_wait3A_467 : memref<1x1x64xi32, #tpu.memory_space<vmem>> -> memref<64xi32, #tpu.memory_space<vmem>>
    %dma_wait3A_469 = arith.constant 0 : i32
    %dma_wait3A_470 = arith.constant 0 : i32
    %dma_wait3A_471 = tpu.memref_slice %arg2[%dma_wait3A_469, %dma_wait3A_470] : memref<10240x128xf32, #tpu.memory_space<hbm>> -> memref<10240x128xf32, #tpu.memory_space<hbm>>
    tpu.wait_indirect_dma semaphore(%arg19 : memref<!tpu.dma_semaphore, #tpu.memory_space<semaphore_mem>>) src(%dma_wait3A_471 : memref<10240x128xf32, #tpu.memory_space<hbm>>) dst(%dma_wait3A_465 : memref<64x128xf32, #tpu.memory_space<vmem>>)
    %run_scoped3A_472 = arith.constant 2 : i32
    %run_scoped3A_473 = arith.constant 6 : i32
    %run_scoped3A_474 = arith.constant 1 : i32
    "tpu.region"() ({
      %run_scoped3A_494 = tpu.sem_alloc : memref<!tpu.dma_semaphore, #tpu.memory_space<semaphore_mem>>
      %dma_start3A_495 = arith.constant 0 : i32
      %dma_start3A_496 = arith.constant 0 : i32
      %dma_start3A_497 = tpu.memref_slice %arg7[%run_scoped3A_472, %dma_start3A_495, %dma_start3A_496] : memref<4x64x128xf32, #tpu.memory_space<vmem>> -> memref<1x64x128xf32, #tpu.memory_space<vmem>>
      %dma_start3A_498 = tpu.memref_squeeze %dma_start3A_497 : memref<1x64x128xf32, #tpu.memory_space<vmem>> -> memref<64x128xf32, #tpu.memory_space<vmem>>
      %dma_start3A_499 = arith.constant 0 : i32
      %dma_start3A_500 = tpu.memref_slice %arg6[%run_scoped3A_473, %run_scoped3A_474, %dma_start3A_499] : memref<8x2x64xi32, #tpu.memory_space<vmem>> -> memref<1x1x64xi32, #tpu.memory_space<vmem>>
      %dma_start3A_501 = tpu.memref_squeeze %dma_start3A_500 : memref<1x1x64xi32, #tpu.memory_space<vmem>> -> memref<64xi32, #tpu.memory_space<vmem>>
      %dma_start3A_502 = arith.constant 0 : i32
      %dma_start3A_503 = arith.constant 0 : i32
      %dma_start3A_504 = tpu.memref_slice %arg8[%dma_start3A_502, %dma_start3A_503] : memref<10240x128xf32, #tpu.memory_space<vmem_shared>> -> memref<10240x128xf32, #tpu.memory_space<vmem_shared>>
      tpu.enqueue_indirect_dma source(%dma_start3A_498 : memref<64x128xf32, #tpu.memory_space<vmem>>) target(%dma_start3A_504 : memref<10240x128xf32, #tpu.memory_space<vmem_shared>>) offsets(%dma_start3A_501 : memref<64xi32, #tpu.memory_space<vmem>>) semaphore(%run_scoped3A_494 : memref<!tpu.dma_semaphore, #tpu.memory_space<semaphore_mem>>) {add = true}
      %dma_wait3A_505 = arith.constant 0 : i32
      %dma_wait3A_506 = arith.constant 0 : i32
      %dma_wait3A_507 = tpu.memref_slice %arg7[%run_scoped3A_472, %dma_wait3A_505, %dma_wait3A_506] : memref<4x64x128xf32, #tpu.memory_space<vmem>> -> memref<1x64x128xf32, #tpu.memory_space<vmem>>
      %dma_wait3A_508 = tpu.memref_squeeze %dma_wait3A_507 : memref<1x64x128xf32, #tpu.memory_space<vmem>> -> memref<64x128xf32, #tpu.memory_space<vmem>>
      %dma_wait3A_509 = arith.constant 0 : i32
      %dma_wait3A_510 = tpu.memref_slice %arg6[%run_scoped3A_473, %run_scoped3A_474, %dma_wait3A_509] : memref<8x2x64xi32, #tpu.memory_space<vmem>> -> memref<1x1x64xi32, #tpu.memory_space<vmem>>
      %dma_wait3A_511 = tpu.memref_squeeze %dma_wait3A_510 : memref<1x1x64xi32, #tpu.memory_space<vmem>> -> memref<64xi32, #tpu.memory_space<vmem>>
      %dma_wait3A_512 = arith.constant 0 : i32
      %dma_wait3A_513 = arith.constant 0 : i32
      %dma_wait3A_514 = tpu.memref_slice %arg8[%dma_wait3A_512, %dma_wait3A_513] : memref<10240x128xf32, #tpu.memory_space<vmem_shared>> -> memref<10240x128xf32, #tpu.memory_space<vmem_shared>>
      tpu.wait_indirect_dma semaphore(%run_scoped3A_494 : memref<!tpu.dma_semaphore, #tpu.memory_space<semaphore_mem>>) src(%dma_wait3A_508 : memref<64x128xf32, #tpu.memory_space<vmem>>) dst(%dma_wait3A_514 : memref<10240x128xf32, #tpu.memory_space<vmem_shared>>)
      tpu.yield
    }) : () -> ()
    %dma_wait3A_475 = arith.constant 7 : i32
    %dma_wait3A_476 = arith.constant 0 : i32
    %dma_wait3A_477 = arith.constant 3 : i32
    %dma_wait3A_478 = arith.constant 0 : i32
    %dma_wait3A_479 = arith.constant 0 : i32
    %dma_wait3A_480 = tpu.memref_slice %arg7[%dma_wait3A_477, %dma_wait3A_478, %dma_wait3A_479] : memref<4x64x128xf32, #tpu.memory_space<vmem>> -> memref<1x64x128xf32, #tpu.memory_space<vmem>>
    %dma_wait3A_481 = tpu.memref_squeeze %dma_wait3A_480 : memref<1x64x128xf32, #tpu.memory_space<vmem>> -> memref<64x128xf32, #tpu.memory_space<vmem>>
    %dma_wait3A_482 = arith.constant 0 : i32
    %dma_wait3A_483 = tpu.memref_slice %arg6[%dma_wait3A_475, %dma_wait3A_476, %dma_wait3A_482] : memref<8x2x64xi32, #tpu.memory_space<vmem>> -> memref<1x1x64xi32, #tpu.memory_space<vmem>>
    %dma_wait3A_484 = tpu.memref_squeeze %dma_wait3A_483 : memref<1x1x64xi32, #tpu.memory_space<vmem>> -> memref<64xi32, #tpu.memory_space<vmem>>
    %dma_wait3A_485 = arith.constant 0 : i32
    %dma_wait3A_486 = arith.constant 0 : i32
    %dma_wait3A_487 = tpu.memref_slice %arg2[%dma_wait3A_485, %dma_wait3A_486] : memref<10240x128xf32, #tpu.memory_space<hbm>> -> memref<10240x128xf32, #tpu.memory_space<hbm>>
    tpu.wait_indirect_dma semaphore(%arg20 : memref<!tpu.dma_semaphore, #tpu.memory_space<semaphore_mem>>) src(%dma_wait3A_487 : memref<10240x128xf32, #tpu.memory_space<hbm>>) dst(%dma_wait3A_481 : memref<64x128xf32, #tpu.memory_space<vmem>>)
    %run_scoped3A_488 = arith.constant 3 : i32
    %run_scoped3A_489 = arith.constant 7 : i32
    %run_scoped3A_490 = arith.constant 1 : i32
    "tpu.region"() ({
      %run_scoped3A_494 = tpu.sem_alloc : memref<!tpu.dma_semaphore, #tpu.memory_space<semaphore_mem>>
      %dma_start3A_495 = arith.constant 0 : i32
      %dma_start3A_496 = arith.constant 0 : i32
      %dma_start3A_497 = tpu.memref_slice %arg7[%run_scoped3A_488, %dma_start3A_495, %dma_start3A_496] : memref<4x64x128xf32, #tpu.memory_space<vmem>> -> memref<1x64x128xf32, #tpu.memory_space<vmem>>
      %dma_start3A_498 = tpu.memref_squeeze %dma_start3A_497 : memref<1x64x128xf32, #tpu.memory_space<vmem>> -> memref<64x128xf32, #tpu.memory_space<vmem>>
      %dma_start3A_499 = arith.constant 0 : i32
      %dma_start3A_500 = tpu.memref_slice %arg6[%run_scoped3A_489, %run_scoped3A_490, %dma_start3A_499] : memref<8x2x64xi32, #tpu.memory_space<vmem>> -> memref<1x1x64xi32, #tpu.memory_space<vmem>>
      %dma_start3A_501 = tpu.memref_squeeze %dma_start3A_500 : memref<1x1x64xi32, #tpu.memory_space<vmem>> -> memref<64xi32, #tpu.memory_space<vmem>>
      %dma_start3A_502 = arith.constant 0 : i32
      %dma_start3A_503 = arith.constant 0 : i32
      %dma_start3A_504 = tpu.memref_slice %arg8[%dma_start3A_502, %dma_start3A_503] : memref<10240x128xf32, #tpu.memory_space<vmem_shared>> -> memref<10240x128xf32, #tpu.memory_space<vmem_shared>>
      tpu.enqueue_indirect_dma source(%dma_start3A_498 : memref<64x128xf32, #tpu.memory_space<vmem>>) target(%dma_start3A_504 : memref<10240x128xf32, #tpu.memory_space<vmem_shared>>) offsets(%dma_start3A_501 : memref<64xi32, #tpu.memory_space<vmem>>) semaphore(%run_scoped3A_494 : memref<!tpu.dma_semaphore, #tpu.memory_space<semaphore_mem>>) {add = true}
      %dma_wait3A_505 = arith.constant 0 : i32
      %dma_wait3A_506 = arith.constant 0 : i32
      %dma_wait3A_507 = tpu.memref_slice %arg7[%run_scoped3A_488, %dma_wait3A_505, %dma_wait3A_506] : memref<4x64x128xf32, #tpu.memory_space<vmem>> -> memref<1x64x128xf32, #tpu.memory_space<vmem>>
      %dma_wait3A_508 = tpu.memref_squeeze %dma_wait3A_507 : memref<1x64x128xf32, #tpu.memory_space<vmem>> -> memref<64x128xf32, #tpu.memory_space<vmem>>
      %dma_wait3A_509 = arith.constant 0 : i32
      %dma_wait3A_510 = tpu.memref_slice %arg6[%run_scoped3A_489, %run_scoped3A_490, %dma_wait3A_509] : memref<8x2x64xi32, #tpu.memory_space<vmem>> -> memref<1x1x64xi32, #tpu.memory_space<vmem>>
      %dma_wait3A_511 = tpu.memref_squeeze %dma_wait3A_510 : memref<1x1x64xi32, #tpu.memory_space<vmem>> -> memref<64xi32, #tpu.memory_space<vmem>>
      %dma_wait3A_512 = arith.constant 0 : i32
      %dma_wait3A_513 = arith.constant 0 : i32
      %dma_wait3A_514 = tpu.memref_slice %arg8[%dma_wait3A_512, %dma_wait3A_513] : memref<10240x128xf32, #tpu.memory_space<vmem_shared>> -> memref<10240x128xf32, #tpu.memory_space<vmem_shared>>
      tpu.wait_indirect_dma semaphore(%run_scoped3A_494 : memref<!tpu.dma_semaphore, #tpu.memory_space<semaphore_mem>>) src(%dma_wait3A_508 : memref<64x128xf32, #tpu.memory_space<vmem>>) dst(%dma_wait3A_514 : memref<10240x128xf32, #tpu.memory_space<vmem_shared>>)
      tpu.yield
    }) : () -> ()
    %barrier3A_491 = arith.constant 0 : index
    tpu.barrier barrier_id(%barrier3A_491)
    %mul3A_492 = arith.constant 640 : i32
    %mul3A_493 = arith.muli %arg1, %mul3A_492 : i32
    "tpu.region"() ({
      %run_scoped3A_494 = tpu.sem_alloc : memref<!tpu.dma_semaphore, #tpu.memory_space<semaphore_mem>>
      %dma_start3A_495 = arith.constant 0 : i32
      %dma_start3A_496 = tpu.memref_slice %arg5[%arg0, %mul3A_493, %dma_start3A_495] : memref<2x10240x128xf32, #tpu.memory_space<hbm>> -> memref<1x640x128xf32, #tpu.memory_space<hbm>>
      %dma_start3A_497 = tpu.memref_squeeze %dma_start3A_496 : memref<1x640x128xf32, #tpu.memory_space<hbm>> -> memref<640x128xf32, #tpu.memory_space<hbm>>
      %dma_start3A_498 = arith.constant 0 : i32
      %dma_start3A_499 = tpu.memref_slice %arg8[%mul3A_493, %dma_start3A_498] : memref<10240x128xf32, #tpu.memory_space<vmem_shared>> -> memref<640x128xf32, #tpu.memory_space<vmem_shared>>
      tpu.enqueue_dma source(%dma_start3A_499 : memref<640x128xf32, #tpu.memory_space<vmem_shared>>) target(%dma_start3A_497 : memref<640x128xf32, #tpu.memory_space<hbm>>) target_semaphore(%run_scoped3A_494 : memref<!tpu.dma_semaphore, #tpu.memory_space<semaphore_mem>>)
      %dma_wait3A_500 = arith.constant 0 : i32
      %dma_wait3A_501 = tpu.memref_slice %arg5[%arg0, %mul3A_493, %dma_wait3A_500] : memref<2x10240x128xf32, #tpu.memory_space<hbm>> -> memref<1x640x128xf32, #tpu.memory_space<hbm>>
      %dma_wait3A_502 = tpu.memref_squeeze %dma_wait3A_501 : memref<1x640x128xf32, #tpu.memory_space<hbm>> -> memref<640x128xf32, #tpu.memory_space<hbm>>
      %dma_wait3A_503 = arith.constant 0 : i32
      %dma_wait3A_504 = tpu.memref_slice %arg8[%mul3A_493, %dma_wait3A_503] : memref<10240x128xf32, #tpu.memory_space<vmem_shared>> -> memref<640x128xf32, #tpu.memory_space<vmem_shared>>
      tpu.wait_dma2 semaphore(%run_scoped3A_494 : memref<!tpu.dma_semaphore, #tpu.memory_space<semaphore_mem>>) src(%dma_wait3A_504 : memref<640x128xf32, #tpu.memory_space<vmem_shared>>) dst(%dma_wait3A_502 : memref<640x128xf32, #tpu.memory_space<hbm>>)
      tpu.yield
    }) : () -> ()
    return
  }
}

module attributes {stable_mosaic.version = 14 : i64} {
  func.func @_tc_h1_body(%arg0: i32, %arg1: memref<1024x128xf32, #tpu.memory_space<vmem>>, %arg2: memref<128x128xf32, #tpu.memory_space<vmem>>, %arg3: memref<2x1024x128xf32, #tpu.memory_space<vmem>>, %arg4: memref<1024x128xf32, #tpu.memory_space<vmem>>) attributes {dimension_semantics = [#tpu.dimension_semantics<arbitrary>], iteration_bounds = array<i64: 10>, scalar_prefetch = 0 : i64, scratch_operands = 0 : i64, tpu.core_type = #tpu.core_type<tc>, window_params = [{transform_indices = @transform_0, window_bounds = array<i64: 1024, 128>}, {pipeline_mode = #tpu.pipeline_mode<synchronous>, transform_indices = @transform_1, window_bounds = array<i64: 128, 128>}, {transform_indices = @transform_2, window_bounds = array<i64: 2, 1024, 128>}, {transform_indices = @transform_3, window_bounds = array<i64: 1024, 128>}]} {
    %get3A = arith.constant 0 : index
    %get3A_0 = arith.constant 0 : index
    %get3A_1 = arith.constant 0 : index
    %get3A_2 = vector.load %arg3[%get3A, %get3A_0, %get3A_1] : memref<2x1024x128xf32, #tpu.memory_space<vmem>>, vector<1x1024x1xf32>
    %get3A_3 = vector.shape_cast %get3A_2 : vector<1x1024x1xf32> to vector<1024x1xf32>
    %get3A_4 = arith.constant 1 : index
    %get3A_5 = arith.constant 0 : index
    %get3A_6 = arith.constant 0 : index
    %get3A_7 = vector.load %arg3[%get3A_4, %get3A_5, %get3A_6] : memref<2x1024x128xf32, #tpu.memory_space<vmem>>, vector<1x1024x1xf32>
    %get3A_8 = vector.shape_cast %get3A_7 : vector<1x1024x1xf32> to vector<1024x1xf32>
    %add3A = arith.addf %get3A_3, %get3A_8 : vector<1024x1xf32>
    %add3A_9 = arith.constant 1.000000e+00 : f32
    %add3A_10 = vector.broadcast %add3A_9 : f32 to vector<1024x1xf32>
    %add3A_11 = arith.addf %add3A, %add3A_10 : vector<1024x1xf32>
    %rsqrt3A = math.rsqrt %add3A_11 : vector<1024x1xf32>
    %get3A_12 = arith.constant 0 : index
    %get3A_13 = arith.constant 0 : index
    %get3A_14 = vector.load %arg1[%get3A_12, %get3A_13] : memref<1024x128xf32, #tpu.memory_space<vmem>>, vector<1024x128xf32>
    %get3A_15 = arith.constant 0 : index
    %get3A_16 = arith.constant 0 : index
    %get3A_17 = vector.load %arg2[%get3A_15, %get3A_16] : memref<128x128xf32, #tpu.memory_space<vmem>>, vector<128x128xf32>
    %dot_general3A = arith.constant dense<0.000000e+00> : vector<1024x128xf32>
    %dot_general3A_18 = tpu.matmul %get3A_14, %get3A_17, %dot_general3A {dimension_numbers = #tpu.dot_dimension_numbers<[1], [0], [0], [1], [0, 0, 1, 1], [], []>, transpose_lhs_hint = false} : vector<1024x128xf32>, vector<128x128xf32>, vector<1024x128xf32> -> vector<1024x128xf32>
    %mul3A = vector.broadcast %rsqrt3A : vector<1024x1xf32> to vector<1024x128xf32>
    %mul3A_19 = arith.mulf %mul3A, %dot_general3A_18 : vector<1024x128xf32>
    %swap3A = arith.constant 0 : index
    %swap3A_20 = arith.constant 0 : index
    %swap3A_21 = vector.load %arg4[%swap3A, %swap3A_20] : memref<1024x128xf32, #tpu.memory_space<vmem>>, vector<1024x128xf32>
    tpu.vector_store %arg4[%swap3A, %swap3A_20], %mul3A_19 {strides = array<i32>} : memref<1024x128xf32, #tpu.memory_space<vmem>>, vector<1024x128xf32>,
    return
  }
  func.func @transform_0(%arg0: i32) -> (i32, i32) {
    %c0_i32 = arith.constant 0 : i32
    %c0_i32_0 = arith.constant 0 : i32
    return %arg0, %c0_i32 : i32, i32
  }
  func.func @transform_1(%arg0: i32) -> (i32, i32) {
    %c0_i32 = arith.constant 0 : i32
    %c0_i32_0 = arith.constant 0 : i32
    %c0_i32_1 = arith.constant 0 : i32
    return %c0_i32, %c0_i32_0 : i32, i32
  }
  func.func @transform_2(%arg0: i32) -> (i32, i32, i32) {
    %c0_i32 = arith.constant 0 : i32
    %c0_i32_0 = arith.constant 0 : i32
    %c0_i32_1 = arith.constant 0 : i32
    return %c0_i32, %arg0, %c0_i32_0 : i32, i32, i32
  }
  func.func @transform_3(%arg0: i32) -> (i32, i32) {
    %c0_i32 = arith.constant 0 : i32
    %c0_i32_0 = arith.constant 0 : i32
    return %arg0, %c0_i32 : i32, i32
  }
}

module attributes {stable_mosaic.version = 14 : i64} {
  func.func @_tc_mid_body(%arg0: i32, %arg1: memref<2x1024x128xf32, #tpu.memory_space<vmem>>, %arg2: memref<1024x128xf32, #tpu.memory_space<vmem>>, %arg3: memref<2x1024x128xf32, #tpu.memory_space<vmem>>, %arg4: memref<1x128xf32, #tpu.memory_space<vmem>>, %arg5: memref<128x128xf32, #tpu.memory_space<vmem>>, %arg6: memref<1024x128xf32, #tpu.memory_space<vmem>>) attributes {dimension_semantics = [#tpu.dimension_semantics<arbitrary>], iteration_bounds = array<i64: 10>, scalar_prefetch = 0 : i64, scratch_operands = 0 : i64, tpu.core_type = #tpu.core_type<tc>, window_params = [{transform_indices = @transform_0, window_bounds = array<i64: 2, 1024, 128>}, {transform_indices = @transform_1, window_bounds = array<i64: 1024, 128>}, {transform_indices = @transform_2, window_bounds = array<i64: 2, 1024, 128>}, {pipeline_mode = #tpu.pipeline_mode<synchronous>, transform_indices = @transform_3, window_bounds = array<i64: 1, 128>}, {pipeline_mode = #tpu.pipeline_mode<synchronous>, transform_indices = @transform_4, window_bounds = array<i64: 128, 128>}, {transform_indices = @transform_5, window_bounds = array<i64: 1024, 128>}]} {
    %get3A = arith.constant 0 : index
    %get3A_0 = arith.constant 0 : index
    %get3A_1 = arith.constant 0 : index
    %get3A_2 = vector.load %arg3[%get3A, %get3A_0, %get3A_1] : memref<2x1024x128xf32, #tpu.memory_space<vmem>>, vector<1x1024x1xf32>
    %get3A_3 = vector.shape_cast %get3A_2 : vector<1x1024x1xf32> to vector<1024x1xf32>
    %get3A_4 = arith.constant 1 : index
    %get3A_5 = arith.constant 0 : index
    %get3A_6 = arith.constant 0 : index
    %get3A_7 = vector.load %arg3[%get3A_4, %get3A_5, %get3A_6] : memref<2x1024x128xf32, #tpu.memory_space<vmem>>, vector<1x1024x1xf32>
    %get3A_8 = vector.shape_cast %get3A_7 : vector<1x1024x1xf32> to vector<1024x1xf32>
    %add3A = arith.addf %get3A_3, %get3A_8 : vector<1024x1xf32>
    %add3A_9 = arith.constant 1.000000e+00 : f32
    %add3A_10 = vector.broadcast %add3A_9 : f32 to vector<1024x1xf32>
    %add3A_11 = arith.addf %add3A, %add3A_10 : vector<1024x1xf32>
    %rsqrt3A = math.rsqrt %add3A_11 : vector<1024x1xf32>
    %get3A_12 = arith.constant 0 : index
    %get3A_13 = arith.constant 0 : index
    %get3A_14 = arith.constant 0 : index
    %get3A_15 = vector.load %arg1[%get3A_12, %get3A_13, %get3A_14] : memref<2x1024x128xf32, #tpu.memory_space<vmem>>, vector<1x1024x128xf32>
    %get3A_16 = vector.shape_cast %get3A_15 : vector<1x1024x128xf32> to vector<1024x128xf32>
    %get3A_17 = arith.constant 1 : index
    %get3A_18 = arith.constant 0 : index
    %get3A_19 = arith.constant 0 : index
    %get3A_20 = vector.load %arg1[%get3A_17, %get3A_18, %get3A_19] : memref<2x1024x128xf32, #tpu.memory_space<vmem>>, vector<1x1024x128xf32>
    %get3A_21 = vector.shape_cast %get3A_20 : vector<1x1024x128xf32> to vector<1024x128xf32>
    %add3A_22 = arith.addf %get3A_16, %get3A_21 : vector<1024x128xf32>
    %get3A_23 = arith.constant 0 : index
    %get3A_24 = arith.constant 0 : index
    %get3A_25 = vector.load %arg2[%get3A_23, %get3A_24] : memref<1024x128xf32, #tpu.memory_space<vmem>>, vector<1024x128xf32>
    %add3A_26 = arith.addf %add3A_22, %get3A_25 : vector<1024x128xf32>
    %mul3A = vector.broadcast %rsqrt3A : vector<1024x1xf32> to vector<1024x128xf32>
    %mul3A_27 = arith.mulf %mul3A, %add3A_26 : vector<1024x128xf32>
    %get3A_28 = arith.constant 0 : index
    %get3A_29 = arith.constant 0 : index
    %get3A_30 = vector.load %arg4[%get3A_28, %get3A_29] : memref<1x128xf32, #tpu.memory_space<vmem>>, vector<1x128xf32>
    %add3A_31 = vector.broadcast %get3A_30 : vector<1x128xf32> to vector<1024x128xf32>
    %add3A_32 = arith.addf %mul3A_27, %add3A_31 : vector<1024x128xf32>
    %max3A = arith.constant 0.000000e+00 : f32
    %max3A_33 = vector.broadcast %max3A : f32 to vector<1024x128xf32>
    %max3A_34 = arith.maximumf %add3A_32, %max3A_33 : vector<1024x128xf32>
    %get3A_35 = arith.constant 0 : index
    %get3A_36 = arith.constant 0 : index
    %get3A_37 = vector.load %arg5[%get3A_35, %get3A_36] : memref<128x128xf32, #tpu.memory_space<vmem>>, vector<128x128xf32>
    %dot_general3A = arith.constant dense<0.000000e+00> : vector<1024x128xf32>
    %dot_general3A_38 = tpu.matmul %max3A_34, %get3A_37, %dot_general3A {dimension_numbers = #tpu.dot_dimension_numbers<[1], [0], [0], [1], [0, 0, 1, 1], [], []>, transpose_lhs_hint = false} : vector<1024x128xf32>, vector<128x128xf32>, vector<1024x128xf32> -> vector<1024x128xf32>
    %mul3A_39 = vector.broadcast %rsqrt3A : vector<1024x1xf32> to vector<1024x128xf32>
    %mul3A_40 = arith.mulf %mul3A_39, %dot_general3A_38 : vector<1024x128xf32>
    %swap3A = arith.constant 0 : index
    %swap3A_41 = arith.constant 0 : index
    %swap3A_42 = vector.load %arg6[%swap3A, %swap3A_41] : memref<1024x128xf32, #tpu.memory_space<vmem>>, vector<1024x128xf32>
    tpu.vector_store %arg6[%swap3A, %swap3A_41], %mul3A_40 {strides = array<i32>} : memref<1024x128xf32, #tpu.memory_space<vmem>>, vector<1024x128xf32>,
    return
  }
  func.func @transform_0(%arg0: i32) -> (i32, i32, i32) {
    %c0_i32 = arith.constant 0 : i32
    %c0_i32_0 = arith.constant 0 : i32
    %c0_i32_1 = arith.constant 0 : i32
    return %c0_i32, %arg0, %c0_i32_0 : i32, i32, i32
  }
  func.func @transform_1(%arg0: i32) -> (i32, i32) {
    %c0_i32 = arith.constant 0 : i32
    %c0_i32_0 = arith.constant 0 : i32
    return %arg0, %c0_i32 : i32, i32
  }
  func.func @transform_2(%arg0: i32) -> (i32, i32, i32) {
    %c0_i32 = arith.constant 0 : i32
    %c0_i32_0 = arith.constant 0 : i32
    %c0_i32_1 = arith.constant 0 : i32
    return %c0_i32, %arg0, %c0_i32_0 : i32, i32, i32
  }
  func.func @transform_3(%arg0: i32) -> (i32, i32) {
    %c0_i32 = arith.constant 0 : i32
    %c0_i32_0 = arith.constant 0 : i32
    %c0_i32_1 = arith.constant 0 : i32
    return %c0_i32, %c0_i32_0 : i32, i32
  }
  func.func @transform_4(%arg0: i32) -> (i32, i32) {
    %c0_i32 = arith.constant 0 : i32
    %c0_i32_0 = arith.constant 0 : i32
    %c0_i32_1 = arith.constant 0 : i32
    return %c0_i32, %c0_i32_0 : i32, i32
  }
  func.func @transform_5(%arg0: i32) -> (i32, i32) {
    %c0_i32 = arith.constant 0 : i32
    %c0_i32_0 = arith.constant 0 : i32
    return %arg0, %c0_i32 : i32, i32
  }
}

module attributes {stable_mosaic.version = 14 : i64} {
  func.func @_tc_out_body(%arg0: i32, %arg1: memref<2x1024x128xf32, #tpu.memory_space<vmem>>, %arg2: memref<1024x128xf32, #tpu.memory_space<vmem>>, %arg3: memref<2x1024x128xf32, #tpu.memory_space<vmem>>, %arg4: memref<1x128xf32, #tpu.memory_space<vmem>>, %arg5: memref<1024x128xf32, #tpu.memory_space<vmem>>) attributes {dimension_semantics = [#tpu.dimension_semantics<arbitrary>], iteration_bounds = array<i64: 10>, scalar_prefetch = 0 : i64, scratch_operands = 0 : i64, tpu.core_type = #tpu.core_type<tc>, window_params = [{transform_indices = @transform_0, window_bounds = array<i64: 2, 1024, 128>}, {transform_indices = @transform_1, window_bounds = array<i64: 1024, 128>}, {transform_indices = @transform_2, window_bounds = array<i64: 2, 1024, 128>}, {pipeline_mode = #tpu.pipeline_mode<synchronous>, transform_indices = @transform_3, window_bounds = array<i64: 1, 128>}, {transform_indices = @transform_4, window_bounds = array<i64: 1024, 128>}]} {
    %get3A = arith.constant 0 : index
    %get3A_0 = arith.constant 0 : index
    %get3A_1 = arith.constant 0 : index
    %get3A_2 = vector.load %arg3[%get3A, %get3A_0, %get3A_1] : memref<2x1024x128xf32, #tpu.memory_space<vmem>>, vector<1x1024x1xf32>
    %get3A_3 = vector.shape_cast %get3A_2 : vector<1x1024x1xf32> to vector<1024x1xf32>
    %get3A_4 = arith.constant 1 : index
    %get3A_5 = arith.constant 0 : index
    %get3A_6 = arith.constant 0 : index
    %get3A_7 = vector.load %arg3[%get3A_4, %get3A_5, %get3A_6] : memref<2x1024x128xf32, #tpu.memory_space<vmem>>, vector<1x1024x1xf32>
    %get3A_8 = vector.shape_cast %get3A_7 : vector<1x1024x1xf32> to vector<1024x1xf32>
    %add3A = arith.addf %get3A_3, %get3A_8 : vector<1024x1xf32>
    %add3A_9 = arith.constant 1.000000e+00 : f32
    %add3A_10 = vector.broadcast %add3A_9 : f32 to vector<1024x1xf32>
    %add3A_11 = arith.addf %add3A, %add3A_10 : vector<1024x1xf32>
    %rsqrt3A = math.rsqrt %add3A_11 : vector<1024x1xf32>
    %get3A_12 = arith.constant 0 : index
    %get3A_13 = arith.constant 0 : index
    %get3A_14 = arith.constant 0 : index
    %get3A_15 = vector.load %arg1[%get3A_12, %get3A_13, %get3A_14] : memref<2x1024x128xf32, #tpu.memory_space<vmem>>, vector<1x1024x128xf32>
    %get3A_16 = vector.shape_cast %get3A_15 : vector<1x1024x128xf32> to vector<1024x128xf32>
    %get3A_17 = arith.constant 1 : index
    %get3A_18 = arith.constant 0 : index
    %get3A_19 = arith.constant 0 : index
    %get3A_20 = vector.load %arg1[%get3A_17, %get3A_18, %get3A_19] : memref<2x1024x128xf32, #tpu.memory_space<vmem>>, vector<1x1024x128xf32>
    %get3A_21 = vector.shape_cast %get3A_20 : vector<1x1024x128xf32> to vector<1024x128xf32>
    %add3A_22 = arith.addf %get3A_16, %get3A_21 : vector<1024x128xf32>
    %get3A_23 = arith.constant 0 : index
    %get3A_24 = arith.constant 0 : index
    %get3A_25 = vector.load %arg2[%get3A_23, %get3A_24] : memref<1024x128xf32, #tpu.memory_space<vmem>>, vector<1024x128xf32>
    %add3A_26 = arith.addf %add3A_22, %get3A_25 : vector<1024x128xf32>
    %mul3A = vector.broadcast %rsqrt3A : vector<1024x1xf32> to vector<1024x128xf32>
    %mul3A_27 = arith.mulf %mul3A, %add3A_26 : vector<1024x128xf32>
    %get3A_28 = arith.constant 0 : index
    %get3A_29 = arith.constant 0 : index
    %get3A_30 = vector.load %arg4[%get3A_28, %get3A_29] : memref<1x128xf32, #tpu.memory_space<vmem>>, vector<1x128xf32>
    %add3A_31 = vector.broadcast %get3A_30 : vector<1x128xf32> to vector<1024x128xf32>
    %add3A_32 = arith.addf %mul3A_27, %add3A_31 : vector<1024x128xf32>
    %swap3A = arith.constant 0 : index
    %swap3A_33 = arith.constant 0 : index
    %swap3A_34 = vector.load %arg5[%swap3A, %swap3A_33] : memref<1024x128xf32, #tpu.memory_space<vmem>>, vector<1024x128xf32>
    tpu.vector_store %arg5[%swap3A, %swap3A_33], %add3A_32 {strides = array<i32>} : memref<1024x128xf32, #tpu.memory_space<vmem>>, vector<1024x128xf32>,
    return
  }
  func.func @transform_0(%arg0: i32) -> (i32, i32, i32) {
    %c0_i32 = arith.constant 0 : i32
    %c0_i32_0 = arith.constant 0 : i32
    %c0_i32_1 = arith.constant 0 : i32
    return %c0_i32, %arg0, %c0_i32_0 : i32, i32, i32
  }
  func.func @transform_1(%arg0: i32) -> (i32, i32) {
    %c0_i32 = arith.constant 0 : i32
    %c0_i32_0 = arith.constant 0 : i32
    return %arg0, %c0_i32 : i32, i32
  }
  func.func @transform_2(%arg0: i32) -> (i32, i32, i32) {
    %c0_i32 = arith.constant 0 : i32
    %c0_i32_0 = arith.constant 0 : i32
    %c0_i32_1 = arith.constant 0 : i32
    return %c0_i32, %arg0, %c0_i32_0 : i32, i32, i32
  }
  func.func @transform_3(%arg0: i32) -> (i32, i32) {
    %c0_i32 = arith.constant 0 : i32
    %c0_i32_0 = arith.constant 0 : i32
    %c0_i32_1 = arith.constant 0 : i32
    return %c0_i32, %c0_i32_0 : i32, i32
  }
  func.func @transform_4(%arg0: i32) -> (i32, i32) {
    %c0_i32 = arith.constant 0 : i32
    %c0_i32_0 = arith.constant 0 : i32
    return %arg0, %c0_i32 : i32, i32
  }
}

</mosaic_0001>

<sc_bundles>
// kernel: kernel.11.cloned.1.call-start
scs
__scs_entry_jumppad:
0x0: {  	(pc) =	sbr.rel $0x88, $3  }
0x1: {  	(tag) =	ssettag $0x0;
	lr =	simm.s32 $0x1  }
0x2: {  	[smem:$0x3F9B] =	sst lr;
	_ =	strace $0xD0000000  }
0x3: {  	_ = 	snop  }
0x4: {  	_ = 	snop  }
0x5: {  	_ = 	snop  }
0x6: {  	_ = 	snop  }
0x7: {  	_ = 	snop  }
__scs_overlays_trampoline_lowered:
0x8: {  	[smem:$0x3FAA] =	sst s0  }
0x9: {  	[smem:$0x3FAB] =	sst s1  }
0xa: {  	[smem:$0x3FAC] =	sst s2  }
0xb: {  	[smem:$0x3FAD] =	sst s3  }
0xc: {  	[smem:$0x3FAE] =	sst s4  }
0xd: {  	[smem:$0x3FAF] =	sst s5  }
0xe: {  	[smem:$0x3FB0] =	sst s6  }
0xf: {  	[smem:$0x3FB1] =	sst s7  }
0x10: {  	[smem:$0x3FB2] =	sst s8  }
0x11: {  	[smem:$0x3FB3] =	sst s9;
	s0 =	simm.s32 @!p0 $0x0  }
0x12: {  	s1 =	sld [smem:$0x3F99];
	s0 =	simm.s32 @p0 $0x1  }
0x13: {  	[smem:$0x3FB4] =	sst s0;
	s0 =	simm.s32 @!p1 $0x0  }
0x14: {  	s2 =	sld [smem:$0x3F98];
	s0 =	simm.s32 @p1 $0x1  }
0x15: {  	[smem:$0x3FB5] =	sst s0;
	s0 =	simm.s32 @!p2 $0x0  }
0x16: {  	s3 =	sld [smem:$0x3FDB];
	s0 =	simm.s32 @p2 $0x1  }
0x17: {  	s4 =	simm.s32 $0x1BF5;
	[smem:$0x3FB7] =	sst s0  }
0x18: {  	s0 =	sld [smem:$0x3F9A];
	_ =	swait.ge [sflag:s4], $0x0  }
0x19: {  	s7 =	sld [smem:$0x3F9B]  }
0x1a: {  	s8 =	sadd.s32 $0xFFFFE003, lr  }
0x1b: {  	s9 =	sadd.s32 $0xFFFFFEF7, lr;
	s5 =	simm.s32 $0xFFFFFFFF;
	p2 =	slt.u32 s8, $0xFFFFF086  }
0x1c: {  	p1 =	slt.u32 s9, $0xF7A;
	s5 =	simm.s32 @!p2 $0x0  }
0x1d: {  	s5 =	simm.s32 @p1 $0x1;
	p0 =	seq.s32 s7, s2  }
0x1e: {  	s7 =	smul.u32 @!p0 $0xF7A, s2;
	p2 =	seq.s32 @!p0 s5, $0x0  }
0x1f: {  	s9 =	smul.u32 $0xF7A, s1;
	s8 =	simm.s32 @!p0 $0x1BF5;
	p2 =	por !p2, p0  }
0x20: {  	[sflag:s8] =	ssyncset.s32 @!p0 $0xFFFFF086;
	s6 =	sadd.s32 @!p0 s3, s7;
	s7 =	simm.s32 @!p0 $0x108  }
0x21: {  	s3 =	sadd.s32 s3, s9;
	s6 =	sadd.s32 @!p0 $0x88, s6;
	s7 =	simm.s32 @p2 $0x1082  }
0x22: {  	[simem:s7], [sflag:s8] =	dma.local @!p0 [hbm:s6], $0xF7A  }
0x23: {  	s9 =	sor.u32 $0xD0000000, s2;
	s6 =	simm.s32 $0x108;
	_ =	swait.ge @!p0 [sflag:s8], $0x0  }
0x24: {  	s3 =	sadd.s32 $0x88, s3;
	s6 =	simm.s32 @!p1 $0x1082;
	[sflag:s4] =	ssyncset.s32 $0xFFFFF086  }
0x25: {  	[simem:s6], [sflag:s4] =	dma.local [hbm:s3], $0xF7A  }
0x26: {  	[smem:$0x3F9B] =	sst s1;
	(tag) =	ssettag s2;
	_ =	strace s9  }
0x27: {  	s1 =	sld [smem:$0x3FAB]  }
0x28: {  	s2 =	sld [smem:$0x3FAC]  }
0x29: {  	s4 =	sld [smem:$0x3FAE]  }
0x2a: {  	p0 =	seq.s32 s5, $0x0;
	s5 =	sld [smem:$0x3FAF]  }
0x2b: {  	s6 =	sld [smem:$0x3FB0]  }
0x2c: {  	s7 =	sld [smem:$0x3FB1]  }
0x2d: {  	s3 =	simm.s32 $0x108;
	s8 =	sld [smem:$0x3FB2]  }
0x2e: {  	s3 =	simm.s32 @!p0 $0x1082;
	s9 =	sld [smem:$0x3FB3]  }
0x2f: {  	lr =	sadd.s32 s0, s3;
	s0 =	sld [smem:$0x3FAA]  }
0x30: {  	s3 =	sld [smem:$0x3FAD]  }
0x31: {  	[smem:$0x3FB6] =	sst s10  }
0x32: {  	s10 =	sld [smem:$0x3FB4];
	_ =	sdelay $0x3  }
0x33: {  	p0 =	seq.s32 s10, $0x1;
	s10 =	sld [smem:$0x3FB6];
	_ =	sdelay $0x3  }
0x34: {  	[smem:$0x3FB6] =	sst s10  }
0x35: {  	s10 =	sld [smem:$0x3FB5];
	_ =	sdelay $0x3  }
0x36: {  	p1 =	seq.s32 s10, $0x1;
	s10 =	sld [smem:$0x3FB6];
	_ =	sdelay $0x3  }
0x37: {  	[smem:$0x3FB6] =	sst s10  }
0x38: {  	s10 =	sld [smem:$0x3FB7]  }
0x39: {  	_ = 	snop;
	(pc) =	sbr.ind lr, $3  }
0x3a: {  	_ = 	snop  }
0x3b: {  	_ = 	snop  }
0x3c: {  	p2 =	seq.s32 s10, $0x1;
	s10 =	sld [smem:$0x3FB6]  }
0x3d: {  	_ =	shalt  }
0x3e: {  	_ =	shalt  }
0x3f: {  	_ =	shalt  }
0x40: {  	_ =	shalt  }
0x41: {  	_ =	shalt  }
0x42: {  	_ =	shalt  }
0x43: {  	_ =	shalt  }
0x44: {  	_ =	shalt  }
0x45: {  	_ =	shalt  }
0x46: {  	_ =	shalt  }
0x47: {  	_ =	shalt  }
0x48: {  	_ =	shalt  }
0x49: {  	_ =	shalt  }
0x4a: {  	_ =	shalt  }
0x4b: {  	_ =	shalt  }
0x4c: {  	_ =	shalt  }
0x4d: {  	_ =	shalt  }
0x4e: {  	_ =	shalt  }
0x4f: {  	_ =	shalt  }
0x50: {  	_ =	shalt  }
0x51: {  	_ =	shalt  }
0x52: {  	_ =	shalt  }
0x53: {  	_ =	shalt  }
0x54: {  	_ =	shalt  }
0x55: {  	_ =	shalt  }
0x56: {  	_ =	shalt  }
0x57: {  	_ =	shalt  }
0x58: {  	_ =	shalt  }
0x59: {  	_ =	shalt  }
0x5a: {  	_ =	shalt  }
0x5b: {  	_ =	shalt  }
0x5c: {  	_ =	shalt  }
0x5d: {  	_ =	shalt  }
0x5e: {  	_ =	shalt  }
0x5f: {  	_ =	shalt  }
0x60: {  	_ =	shalt  }
0x61: {  	_ =	shalt  }
0x62: {  	_ =	shalt  }
0x63: {  	_ =	shalt  }
0x64: {  	_ =	shalt  }
0x65: {  	_ =	shalt  }
0x66: {  	_ =	shalt  }
0x67: {  	_ =	shalt  }
0x68: {  	_ =	shalt  }
0x69: {  	_ =	shalt  }
0x6a: {  	_ =	shalt  }
0x6b: {  	_ =	shalt  }
0x6c: {  	_ =	shalt  }
0x6d: {  	_ =	shalt  }
0x6e: {  	_ =	shalt  }
0x6f: {  	_ =	shalt  }
0x70: {  	_ =	shalt  }
0x71: {  	_ =	shalt  }
0x72: {  	_ =	shalt  }
0x73: {  	_ =	shalt  }
0x74: {  	_ =	shalt  }
0x75: {  	_ =	shalt  }
0x76: {  	_ =	shalt  }
0x77: {  	_ =	shalt  }
0x78: {  	_ =	shalt  }
0x79: {  	_ =	shalt  }
0x7a: {  	_ =	shalt  }
0x7b: {  	_ =	shalt  }
0x7c: {  	_ =	shalt  }
0x7d: {  	_ =	shalt  }
0x7e: {  	_ =	shalt  }
0x7f: {  	_ =	shalt  }
0x80: {  	_ =	shalt  }
0x81: {  	_ =	shalt  }
0x82: {  	_ =	shalt  }
0x83: {  	_ =	shalt  }
0x84: {  	_ =	shalt  }
0x85: {  	_ =	shalt  }
0x86: {  	_ =	shalt  }
0x87: {  	_ =	shalt  }
.Lfunc_end0:
.L_simem_size_0:
called_computation.1_lowered:
.L_overlay_start_0:
0x88: {  	s2 =	sld [smem:$0x3FD9]  }
0x89: {  	s3 =	sld [smem:$0x3FFE];
	_ =	sdelay $0x1  }
0x8a: {  	s1 =	srdreg.scid  }
0x8b: {  	s0 =	sand.u32 $0x1, s1  }
0x8c: {  	s16 =	sshll.u32 s0, $0xA;
	s2 =	sadd.s32 s3, s2  }
0x8d: {  	s2 =	sadd.s32 s2, s16  }
0x8e: {  	[smem:$0x3FC2] =	sst s2  }
0x8f: {  	_ = 	snop  }
0x90: {  	(tm) =	ssettm $0x1  }
0x91: {  	s17 =	sld [smem:$0x3FFB];
	_ =	sdelay $0x3  }
0x92: {  	_ =	strace s17  }
0x93: {  	s2 =	sld [smem:$0x3FFC];
	_ =	sdelay $0x3  }
0x94: {  	_ =	strace s2  }
0x95: {  	s2 =	sld [smem:$0x3FFD];
	_ =	sdelay $0x3  }
0x96: {  	_ =	strace s2  }
0x97: {  	_ =	strace $0x8FFFFFFF  }
0x98: {  	s18 =	sld [smem:$0x3FDB];
	_ =	sdelay $0x1  }
0x99: {  	s19 =	simm.s32 $_scs_section_size  }
0x9a: {  	s4 =	simm.s32 $_size__tile_overlayer_lowered;
	s5 =	simm.s32 $_tile_overlayer_lowered  }
0x9b: {  	s22 =	simm.s32 $0x1BFF;
	s21 =	sshll.u32 s5, $0x1;
	s2 =	sadd.s32 s19, s18  }
0x9c: {  	s6 =	simm.s32 $0x0;
	s20 =	sshll.u32 s4, $0x1;
	s4 =	sadd.s32 s21, s2  }
0x9d: {  	[timem:s6], [sflag:s22] =	dma.local [hbm:s4], s20  }
0x9e: {  	_ =	swait.ge [sflag:s22], s20  }
0x9f: {  	s3 =	ssub.s32 $0x0, s20;
	[sflag:s22] =	ssyncset.done $0x0  }
0xa0: {  	[sflag:s22] =	ssyncadd.s32 s3;
	_ =	sdelay $0x1  }
0xa1: {  	s23 =	simm.s32 $0x1B8B  }
0xa2: {  	_ =	swait.ge [sflag:s23], $0x1  }
0xa3: {  	[sflag:s23] =	ssyncset.done $0x0  }
0xa4: {  	s25 =	simm.s32 $0x1B8E;
	s24 =	sld [smem:$0x3FFE];
	[sflag:s23] =	ssyncadd.s32 $0xFFFFFFFF  }
0xa5: {  	s26 =	simm.s32 $execute0_lowered;
	[smem:$0x3FD2] =	sst s25  }
0xa6: {  	s4 =	sshll.u32 s26, $0x1;
	_ =	strace $0x80000049;
	[dreg:$0x1] =	wrdreg $0xFFFFFFFF  }
0xa7: {  	s28 =	simm.s32 $_size_execute0_lowered;
	s2 =	sadd.s32 s2, s4;
	[dreg:$0x0] =	wrdreg $0x0  }
0xa8: {  	s4 =	sshll.u32 s28, $0x1;
	[dreg:$0x2] =	wrdreg s2  }
0xa9: {  	[dreg:$0x3] =	wrdreg s4  }
0xaa: {  	[dreg:$0x4] =	wrdreg $0xC0  }
0xab: {  	_ =	task [dreg:s6], $0x5FFFF  }
0xac: {  	[dreg:$0x1] =	wrdreg $0xFFFFFFFF  }
0xad: {  	[dreg:$0x0] =	wrdreg $0x60  }
0xae: {  	[dreg:$0x2] =	wrdreg s24  }
0xaf: {  	[dreg:$0x3] =	wrdreg $0x88000  }
0xb0: {  	[dreg:$0x4] =	wrdreg $0x9  }
0xb1: {  	_ =	task.clear_ibuf [dreg:s6], $0x5FFFF;
	_ =	strace $0x90000049  }
0xb2: {  	s29 =	simm.s32 $0x9;
	_ =	strace $0x8000004B  }
0xb3: {  	_ =	swait.ge [sflag:s29], $0x1  }
0xb4: {  	[sflag:s29] =	ssyncadd.s32 $0xFFFFFFFF  }
0xb5: {  	_ =	strace $0x9000004B  }
0xb6: {  	_ =	sfence  }
0xb7: {  	s30 =	sld [smem:$0x0];
	_ =	sdelay $0x2  }
0xb8: {  	s31 =	sshll.u32 s1, $0xD;
	s1 =	sshrl.u32 s1, $0x2  }
0xb9: {  	s3 =	sand.u32 $0x4000, s31;
	s1 =	sadd.s32 s1, s30  }
0xba: {  	s0 =	sor.u32 s3, s0;
	s1 =	sshll.u32 s1, $0x11  }
0xbb: {  	s0 =	sor.u32 s1, s0  }
0xbc: {  	s0 =	sadd.s32 $0x8F2B, s0  }
0xbd: {  	[sflag:s0] =	ssyncadd.remote.s32 $0x1  }
0xbe: {  	_ =	sfence.sel $0xFFFF  }
0xbf: {  	[dreg:$0x0] =	wrdreg $0xFFFFFFFF;
	(pc) =	sbr.abs _section_cstart, $3  }
0xc0: {  	[dreg:$0x1] =	wrdreg $0xFFFFFFFF  }
0xc1: {  	_ =	task.clear_ibuf [dreg:s6], $0x2FFFF;
	_ =	strace $0x9FFFFFFF  }
0xc2: {  	(tm) =	ssettm $0x7FFFFFFF  }
0xc3: {  	_ =	shalt  }
tec
execute0_lowered:
.L_overlay_start_1:
0x0: {  	(tag) =	ssettag $0x1  }
0x1: {  	s0 =	rddreg [dreg:$0x0]  }
0x2: {  	s1 =	rddreg [dreg:$0x1];
	s2 =	srdreg.scid;
	s3 =	simm.s32 $0x0  }
0x3: {  	s11 =	stileid.u32;
	s28 =	simm.s32 $0x800;
	s29 =	simm.s32 $0x2  }
0x4: {  	s30 =	simm.s32 $0x2800;
	s31 =	simm.s32 $0x3;
	s6 =	smul.u32 $0x14000, s11  }
0x5: {  	s2 =	sand.u32 $0x1, s2;
	[smem:$0x7FF] =	sst s3;
	s9 =	smul.u32 $0x50000, s11  }
0x6: {  	s4 =	sadd.s32 $0x7D400, s0;
	s7 =	sadd.s32 $0x55400, s0;
	s18 =	smul.u32 $0xA000, s11  }
0x7: {  	s12 =	sadd.s32 $0x2C00, s0;
	s16 =	sshll.u32 s11, $0x6;
	s5 =	smul.u32 $0x140000, s2  }
0x8: {  	_ =	strace $0x8000004A;
	s14 =	sshll.u32 s2, $0x4;
	s8 =	ssub.s32 $0x2, s2  }
0x9: {  	[dreg:$0xb] =	wrdreg s12;
	s2 =	smul.u32 $0xA0000, s2;
	s10 =	sshrl.u32 s8, $0x1  }
0xa: {  	s15 =	sshrl.u32 s9, $0x2;
	s9 =	simm.s32 $0x0;
	s5 =	sadd.s32 s6, s5  }
0xb: {  	s6 =	sor.u32 s11, s14;
	s2 =	sadd.s32 s18, s2;
	s5 =	sshrl.u32 s5, $0x3  }
0xc: {  	s6 =	smul.u32 $0xA000, s6;
	s24 =	sor.u32 $0xF00, s2;
	s26 =	sor.u32 $0xE00, s2  }
0xd: {  	s13 =	sor.u32 $0xD00, s2;
	s0 =	sadd.s32 s5, s0;
	s5 =	ssub.s32 s8, s10  }
0xe: {  	s8 =	sadd.s32 s15, s1;
	s15 =	sor.u32 $0x1C0D, s16;
	s14 =	sshrl.u32 s13, $0x3  }
0xf: {  	s16 =	sor.u32 $0xC00, s2;
	s10 =	simm.s32 $0x5;
	[dreg:$0xd] =	wrdreg s8  }
0x10: {  	s6 =	sshrl.u32 s6, $0x3;
	s0 =	sadd.s32 $0xA5400, s0;
	[dreg:$0xe] =	wrdreg s15  }
0x11: {  	s8 =	sshrl.u32 s26, $0x3;
	s26 =	smax.u32 s5, $0x1;
	[dreg:$0x16] =	wrdreg s0  }
0x12: {  	s13 =	simm.s32 $0x6;
	s17 =	sadd.s32 s7, s6;
	[dreg:$0x17] =	wrdreg s26  }
0x13: {  	s5 =	simm.s32 $0x6800;
	s12 =	sadd.s32 s8, s7;
	[dreg:$0xc] =	wrdreg s17  }
0x14: {  	s6 =	sshrl.u32 s24, $0x3;
	s19 =	sadd.s32 $0x20, s17;
	[dreg:$0x4] =	wrdreg s12  }
0x15: {  	s8 =	sshrl.u32 s16, $0x3;
	s20 =	sadd.s32 $0x40, s17;
	[dreg:$0xf] =	wrdreg s19  }
0x16: {  	s26 =	simm.s32 $0x40;
	s21 =	sadd.s32 $0x60, s17;
	[dreg:$0x10] =	wrdreg s20  }
0x17: {  	s0 =	simm.s32 $0x4800;
	s22 =	sadd.s32 $0x80, s17;
	[dreg:$0x11] =	wrdreg s21  }
0x18: {  	s16 =	simm.s32 $0x7;
	s23 =	sadd.s32 $0xA0, s17;
	[dreg:$0x12] =	wrdreg s22  }
0x19: {  	s25 =	sadd.s32 $0xC0, s17;
	s11 =	sadd.s32 $0xE0, s17;
	[dreg:$0x13] =	wrdreg s23  }
0x1a: {  	s6 =	sadd.s32 s6, s7;
	s17 =	sor.u32 $0xB00, s2;
	[dreg:$0x14] =	wrdreg s25  }
0x1b: {  	s18 =	sadd.s32 s8, s7;
	s12 =	simm.s32 $0x1;
	[dreg:$0x15] =	wrdreg s11  }
0x1c: {  	[dreg:$0x3] =	wrdreg s6;
	s6 =	sadd.s32 s14, s7;
	s19 =	sshrl.u32 s17, $0x3  }
0x1d: {  	[dreg:$0x6] =	wrdreg s18;
	s21 =	sor.u32 $0xA00, s2;
	s23 =	sor.u32 $0x900, s2  }
0x1e: {  	s2 =	sor.u32 $0x800, s2;
	s18 =	simm.s32 $0xD;
	s11 =	simm.s32 $0xA  }
0x1f: {  	s14 =	simm.s32 $0xB;
	s17 =	simm.s32 $0xC;
	[dreg:$0x5] =	wrdreg s6  }
0x20: {  	s20 =	sadd.s32 s19, s7;
	s22 =	sshrl.u32 s21, $0x3;
	s8 =	sshrl.u32 s23, $0x3  }
0x21: {  	s2 =	sshrl.u32 s2, $0x3;
	s19 =	simm.s32 $0x100;
	s21 =	simm.s32 $0x300  }
0x22: {  	s23 =	simm.s32 $0x500;
	[dreg:$0x7] =	wrdreg s20;
	s6 =	sadd.s32 s22, s7  }
0x23: {  	s24 =	sadd.s32 s8, s7;
	s25 =	sadd.s32 s2, s7;
	s20 =	simm.s32 $0x200  }
0x24: {  	s22 =	simm.s32 $0x400;
	s2 =	simm.s32 $0x4;
	[dreg:$0x8] =	wrdreg s6  }
0x25: {  	s7 =	simm.s32 $0x9;
	s8 =	simm.s32 $0x8;
	[dreg:$0x9] =	wrdreg s24  }
0x26: {  	[dreg:$0xa] =	wrdreg s25;
	s24 =	simm.s32 $0x600;
	s25 =	simm.s32 $0x700  }
.LBB2_1:
0x27: {  	[dreg:$0x18] =	wrdreg s9  }
0x28: {  	s6 =	rddreg [dreg:$0xd]  }
0x29: {  	s9 =	sshrl.u32 s6, $0x3;
	s6 =	rddreg [dreg:$0xb]  }
0x2a: {  	[dreg:$0x19] =	wrdreg s9  }
0x2b: {  	[spmem:s9], [sflag:s15] =	dma.local [hbm:s6], $0x2800  }
0x2c: {  	_ =	swait.ge [sflag:s18], $0x2800  }
0x2d: {  	[sflag:s18] =	ssyncset.done $0x0  }
0x2e: {  	s9 =	rddreg [dreg:$0xc];
	[sflag:s18] =	ssyncadd.s32 $0xFFFFD800  }
0x2f: {  	[tilespmem:s3], [sflag:$0xD] =	stream.linear.gather [hbm4b:s9+s3], $0x100, $0x38;
	[tilespmem:$0x1C800] =	vst v63  }
0x30: {  	_ =	swait.ge [sflag:s18], $0x100  }
0x31: {  	[sflag:s18] =	ssyncset.done $0x0  }
0x32: {  	s15 =	rddreg [dreg:$0xf];
	[sflag:s18] =	ssyncadd.s32 $0xFFFFFF00  }
0x33: {  	[tilespmem:s19], [sflag:$0x2] =	stream.linear.gather [hbm4b:s15+s3], $0x100, $0x38;
	[tilespmem:$0x1C800] =	vst v63  }
0x34: {  	s9 =	rddreg [dreg:$0x10]  }
0x35: {  	[tilespmem:s20], [sflag:$0x3] =	stream.linear.gather [hbm4b:s9+s3], $0x100, $0x38;
	[tilespmem:$0x1C800] =	vst v63  }
0x36: {  	s15 =	rddreg [dreg:$0x11]  }
0x37: {  	[tilespmem:s21], [sflag:$0x4] =	stream.linear.gather [hbm4b:s15+s3], $0x100, $0x38;
	[tilespmem:$0x1C800] =	vst v63  }
0x38: {  	s9 =	rddreg [dreg:$0x12]  }
0x39: {  	[tilespmem:s22], [sflag:$0x5] =	stream.linear.gather [hbm4b:s9+s3], $0x100, $0x38;
	[tilespmem:$0x1C800] =	vst v63  }
0x3a: {  	s15 =	rddreg [dreg:$0x13]  }
0x3b: {  	[tilespmem:s23], [sflag:$0x6] =	stream.linear.gather [hbm4b:s15+s3], $0x100, $0x38;
	[tilespmem:$0x1C800] =	vst v63  }
0x3c: {  	s9 =	rddreg [dreg:$0x14]  }
0x3d: {  	[tilespmem:s24], [sflag:$0x7] =	stream.linear.gather [hbm4b:s9+s3], $0x100, $0x38;
	[tilespmem:$0x1C800] =	vst v63  }
0x3e: {  	s15 =	rddreg [dreg:$0x15]  }
0x3f: {  	[tilespmem:s25], [sflag:$0x8] =	stream.linear.gather [hbm4b:s15+s3], $0x100, $0x38;
	[tilespmem:$0x1C800] =	vst v63  }
0x40: {  	[bflag:$0x0] =	sbarrier.arrive $0xFFFF  }
0x41: {  	[tilespmem:s28], [sflag:$0x9] =	stream.indirect.gather [hbm4b:s4+s26], $0x80, s3, s26, $0xb8;
	[tilespmem:$0x1C800] =	vst v63  }
0x42: {  	_ =	swait.ge [sflag:s29], $0x100  }
0x43: {  	[sflag:s29] =	ssyncset.done $0x0  }
0x44: {  	[sflag:s29] =	ssyncadd.s32 $0xFFFFFF00  }
0x45: {  	[tilespmem:s30], [sflag:$0xA] =	stream.indirect.gather [hbm4b:s4+s26], $0x80, s19, s26, $0xb8;
	[tilespmem:$0x1C800] =	vst v63  }
0x46: {  	_ =	swait.ge [sflag:s31], $0x100  }
0x47: {  	[sflag:s31] =	ssyncset.done $0x0  }
0x48: {  	[sflag:s31] =	ssyncadd.s32 $0xFFFFFF00  }
0x49: {  	[tilespmem:s0], [sflag:$0xB] =	stream.indirect.gather [hbm4b:s4+s26], $0x80, s20, s26, $0xb8;
	[tilespmem:$0x1C800] =	vst v63  }
0x4a: {  	_ =	swait.ge [sflag:s2], $0x100  }
0x4b: {  	[sflag:s2] =	ssyncset.done $0x0  }
0x4c: {  	[sflag:s2] =	ssyncadd.s32 $0xFFFFFF00  }
0x4d: {  	[tilespmem:s5], [sflag:$0xC] =	stream.indirect.gather [hbm4b:s4+s26], $0x80, s21, s26, $0xb8;
	[tilespmem:$0x1C800] =	vst v63  }
0x4e: {  	_ =	swait.ge [sflag:s7], $0x2000  }
0x4f: {  	[sflag:s7] =	ssyncset.done $0x0  }
0x50: {  	s9 =	simm.s32 $0x80;
	[sflag:s7] =	ssyncadd.s32 $0xFFFFE000  }
0x51: {  	[spmem:s1] =	stream.indirect.scatter.add.f32 [tilespmem:s28], [sflag:$0xD], $0x80, s9, s26, $0xb8;
	[tilespmem:$0x1C800] =	vst v63  }
0x52: {  	_ =	swait.ge [sflag:s18], $0x2000  }
0x53: {  	s15 =	rddreg [dreg:$0xa];
	[sflag:s18] =	ssyncset.done $0x0  }
0x54: {  	[sflag:s18] =	ssyncadd.s32 $0xFFFFE000;
	s6 =	sadd.s32 $0x0, s15  }
0x55: {  	[tilespmem:s3], [sflag:$0x1] =	stream.linear.gather [hbm4b:s6+s3], $0x100, $0x38;
	[tilespmem:$0x1C800] =	vst v63  }
0x56: {  	_ =	swait.ge [sflag:s10], $0x100  }
0x57: {  	[sflag:s10] =	ssyncset.done $0x0  }
0x58: {  	[sflag:s10] =	ssyncadd.s32 $0xFFFFFF00  }
0x59: {  	[tilespmem:s28], [sflag:$0x9] =	stream.indirect.gather [hbm4b:s4+s26], $0x80, s22, s26, $0xb8;
	[tilespmem:$0x1C800] =	vst v63  }
0x5a: {  	_ =	swait.ge [sflag:s11], $0x2000  }
0x5b: {  	[sflag:s11] =	ssyncset.done $0x0  }
0x5c: {  	s9 =	simm.s32 $0x180;
	[sflag:s11] =	ssyncadd.s32 $0xFFFFE000  }
0x5d: {  	[spmem:s1] =	stream.indirect.scatter.add.f32 [tilespmem:s30], [sflag:$0xD], $0x80, s9, s26, $0xb8;
	[tilespmem:$0x1C800] =	vst v63  }
0x5e: {  	_ =	swait.ge [sflag:s18], $0x2000  }
0x5f: {  	s15 =	rddreg [dreg:$0x9];
	[sflag:s18] =	ssyncset.done $0x0  }
0x60: {  	[sflag:s18] =	ssyncadd.s32 $0xFFFFE000;
	s6 =	sadd.s32 $0x0, s15  }
0x61: {  	[tilespmem:s19], [sflag:$0x2] =	stream.linear.gather [hbm4b:s6+s3], $0x100, $0x38;
	[tilespmem:$0x1C800] =	vst v63  }
0x62: {  	_ =	swait.ge [sflag:s13], $0x100  }
0x63: {  	[sflag:s13] =	ssyncset.done $0x0  }
0x64: {  	[sflag:s13] =	ssyncadd.s32 $0xFFFFFF00  }
0x65: {  	[tilespmem:s30], [sflag:$0xA] =	stream.indirect.gather [hbm4b:s4+s26], $0x80, s23, s26, $0xb8;
	[tilespmem:$0x1C800] =	vst v63  }
0x66: {  	_ =	swait.ge [sflag:s14], $0x2000  }
0x67: {  	[sflag:s14] =	ssyncset.done $0x0  }
0x68: {  	s9 =	simm.s32 $0x280;
	[sflag:s14] =	ssyncadd.s32 $0xFFFFE000  }
0x69: {  	[spmem:s1] =	stream.indirect.scatter.add.f32 [tilespmem:s0], [sflag:$0xD], $0x80, s9, s26, $0xb8;
	[tilespmem:$0x1C800] =	vst v63  }
0x6a: {  	_ =	swait.ge [sflag:s18], $0x2000  }
0x6b: {  	s15 =	rddreg [dreg:$0x8];
	[sflag:s18] =	ssyncset.done $0x0  }
0x6c: {  	[sflag:s18] =	ssyncadd.s32 $0xFFFFE000;
	s6 =	sadd.s32 $0x0, s15  }
0x6d: {  	[tilespmem:s20], [sflag:$0x3] =	stream.linear.gather [hbm4b:s6+s3], $0x100, $0x38;
	[tilespmem:$0x1C800] =	vst v63  }
0x6e: {  	_ =	swait.ge [sflag:s16], $0x100  }
0x6f: {  	[sflag:s16] =	ssyncset.done $0x0  }
0x70: {  	[sflag:s16] =	ssyncadd.s32 $0xFFFFFF00  }
0x71: {  	[tilespmem:s0], [sflag:$0xB] =	stream.indirect.gather [hbm4b:s4+s26], $0x80, s24, s26, $0xb8;
	[tilespmem:$0x1C800] =	vst v63  }
0x72: {  	_ =	swait.ge [sflag:s17], $0x2000  }
0x73: {  	[sflag:s17] =	ssyncset.done $0x0  }
0x74: {  	s9 =	simm.s32 $0x380;
	[sflag:s17] =	ssyncadd.s32 $0xFFFFE000  }
0x75: {  	[spmem:s1] =	stream.indirect.scatter.add.f32 [tilespmem:s5], [sflag:$0xD], $0x80, s9, s26, $0xb8;
	[tilespmem:$0x1C800] =	vst v63  }
0x76: {  	_ =	swait.ge [sflag:s18], $0x2000  }
0x77: {  	s15 =	rddreg [dreg:$0x7];
	[sflag:s18] =	ssyncset.done $0x0  }
0x78: {  	[sflag:s18] =	ssyncadd.s32 $0xFFFFE000;
	s6 =	sadd.s32 $0x0, s15  }
0x79: {  	[tilespmem:s21], [sflag:$0x4] =	stream.linear.gather [hbm4b:s6+s3], $0x100, $0x38;
	[tilespmem:$0x1C800] =	vst v63  }
0x7a: {  	_ =	swait.ge [sflag:s8], $0x100  }
0x7b: {  	[sflag:s8] =	ssyncset.done $0x0  }
0x7c: {  	[sflag:s8] =	ssyncadd.s32 $0xFFFFFF00  }
0x7d: {  	[tilespmem:s5], [sflag:$0xC] =	stream.indirect.gather [hbm4b:s4+s26], $0x80, s25, s26, $0xb8;
	[tilespmem:$0x1C800] =	vst v63  }
0x7e: {  	_ =	swait.ge [sflag:s7], $0x2000  }
0x7f: {  	[sflag:s7] =	ssyncset.done $0x0  }
0x80: {  	s9 =	simm.s32 $0x480;
	[sflag:s7] =	ssyncadd.s32 $0xFFFFE000  }
0x81: {  	[spmem:s1] =	stream.indirect.scatter.add.f32 [tilespmem:s28], [sflag:$0xD], $0x80, s9, s26, $0xb8;
	[tilespmem:$0x1C800] =	vst v63  }
0x82: {  	_ =	swait.ge [sflag:s18], $0x2000  }
0x83: {  	s15 =	rddreg [dreg:$0x6];
	[sflag:s18] =	ssyncset.done $0x0  }
0x84: {  	[sflag:s18] =	ssyncadd.s32 $0xFFFFE000;
	s6 =	sadd.s32 $0x0, s15  }
0x85: {  	[tilespmem:s22], [sflag:$0x5] =	stream.linear.gather [hbm4b:s6+s3], $0x100, $0x38;
	[tilespmem:$0x1C800] =	vst v63  }
0x86: {  	_ =	swait.ge [sflag:s12], $0x100  }
0x87: {  	[sflag:s12] =	ssyncset.done $0x0  }
0x88: {  	[sflag:s12] =	ssyncadd.s32 $0xFFFFFF00  }
0x89: {  	[tilespmem:s28], [sflag:$0x9] =	stream.indirect.gather [hbm4b:s4+s26], $0x80, s3, s26, $0xb8;
	[tilespmem:$0x1C800] =	vst v63  }
0x8a: {  	_ =	swait.ge [sflag:s11], $0x2000  }
0x8b: {  	[sflag:s11] =	ssyncset.done $0x0  }
0x8c: {  	s9 =	simm.s32 $0x580;
	[sflag:s11] =	ssyncadd.s32 $0xFFFFE000  }
0x8d: {  	[spmem:s1] =	stream.indirect.scatter.add.f32 [tilespmem:s30], [sflag:$0xD], $0x80, s9, s26, $0xb8;
	[tilespmem:$0x1C800] =	vst v63  }
0x8e: {  	_ =	swait.ge [sflag:s18], $0x2000  }
0x8f: {  	s15 =	rddreg [dreg:$0x5];
	[sflag:s18] =	ssyncset.done $0x0  }
0x90: {  	[sflag:s18] =	ssyncadd.s32 $0xFFFFE000;
	s6 =	sadd.s32 $0x0, s15  }
0x91: {  	[tilespmem:s23], [sflag:$0x6] =	stream.linear.gather [hbm4b:s6+s3], $0x100, $0x38;
	[tilespmem:$0x1C800] =	vst v63  }
0x92: {  	_ =	swait.ge [sflag:s29], $0x100  }
0x93: {  	[sflag:s29] =	ssyncset.done $0x0  }
0x94: {  	[sflag:s29] =	ssyncadd.s32 $0xFFFFFF00  }
0x95: {  	[tilespmem:s30], [sflag:$0xA] =	stream.indirect.gather [hbm4b:s4+s26], $0x80, s19, s26, $0xb8;
	[tilespmem:$0x1C800] =	vst v63  }
0x96: {  	_ =	swait.ge [sflag:s14], $0x2000  }
0x97: {  	[sflag:s14] =	ssyncset.done $0x0  }
0x98: {  	s9 =	simm.s32 $0x680;
	[sflag:s14] =	ssyncadd.s32 $0xFFFFE000  }
0x99: {  	[spmem:s1] =	stream.indirect.scatter.add.f32 [tilespmem:s0], [sflag:$0xD], $0x80, s9, s26, $0xb8;
	[tilespmem:$0x1C800] =	vst v63  }
0x9a: {  	_ =	swait.ge [sflag:s18], $0x2000  }
0x9b: {  	s15 =	rddreg [dreg:$0x4];
	[sflag:s18] =	ssyncset.done $0x0  }
0x9c: {  	[sflag:s18] =	ssyncadd.s32 $0xFFFFE000;
	s6 =	sadd.s32 $0x0, s15  }
0x9d: {  	[tilespmem:s24], [sflag:$0x7] =	stream.linear.gather [hbm4b:s6+s3], $0x100, $0x38;
	[tilespmem:$0x1C800] =	vst v63  }
0x9e: {  	_ =	swait.ge [sflag:s31], $0x100  }
0x9f: {  	[sflag:s31] =	ssyncset.done $0x0  }
0xa0: {  	[sflag:s31] =	ssyncadd.s32 $0xFFFFFF00  }
0xa1: {  	[tilespmem:s0], [sflag:$0xB] =	stream.indirect.gather [hbm4b:s4+s26], $0x80, s20, s26, $0xb8;
	[tilespmem:$0x1C800] =	vst v63  }
0xa2: {  	_ =	swait.ge [sflag:s17], $0x2000  }
0xa3: {  	[sflag:s17] =	ssyncset.done $0x0  }
0xa4: {  	s9 =	simm.s32 $0x780;
	[sflag:s17] =	ssyncadd.s32 $0xFFFFE000  }
0xa5: {  	[spmem:s1] =	stream.indirect.scatter.add.f32 [tilespmem:s5], [sflag:$0xD], $0x80, s9, s26, $0xb8;
	[tilespmem:$0x1C800] =	vst v63  }
0xa6: {  	_ =	swait.ge [sflag:s18], $0x2000  }
0xa7: {  	s15 =	rddreg [dreg:$0x3];
	[sflag:s18] =	ssyncset.done $0x0  }
0xa8: {  	[sflag:s18] =	ssyncadd.s32 $0xFFFFE000;
	s6 =	sadd.s32 $0x0, s15  }
0xa9: {  	[tilespmem:s25], [sflag:$0x8] =	stream.linear.gather [hbm4b:s6+s3], $0x100, $0x38;
	[tilespmem:$0x1C800] =	vst v63  }
0xaa: {  	_ =	swait.ge [sflag:s2], $0x100  }
0xab: {  	[sflag:s2] =	ssyncset.done $0x0  }
0xac: {  	s15 =	simm.s32 $0x100;
	[sflag:s2] =	ssyncadd.s32 $0xFFFFFF00  }
.LBB2_2:
0xad: {  	[tilespmem:s5], [sflag:$0xC] =	stream.indirect.gather [hbm4b:s4+s26], $0x80, s21, s26, $0xb8;
	[tilespmem:$0x1C800] =	vst v63  }
0xae: {  	_ =	swait.ge [sflag:s7], $0x2000  }
0xaf: {  	[sflag:s7] =	ssyncset.done $0x0  }
0xb0: {  	s9 =	simm.s32 $0x80;
	[sflag:s7] =	ssyncadd.s32 $0xFFFFE000  }
0xb1: {  	[spmem:s1] =	stream.indirect.scatter.add.f32 [tilespmem:s28], [sflag:$0xD], $0x80, s9, s26, $0xb8;
	[tilespmem:$0x1C800] =	vst v63  }
0xb2: {  	_ =	swait.ge [sflag:s18], $0x2000  }
0xb3: {  	s6 =	smov.u32 s15;
	s9 =	rddreg [dreg:$0xa];
	[sflag:s18] =	ssyncset.done $0x0  }
0xb4: {  	[sflag:s18] =	ssyncadd.s32 $0xFFFFE000;
	s9 =	sadd.s32 s6, s9  }
0xb5: {  	[tilespmem:s3], [sflag:$0x1] =	stream.linear.gather [hbm4b:s9+s3], $0x100, $0x38;
	[tilespmem:$0x1C800] =	vst v63  }
0xb6: {  	_ =	swait.ge [sflag:s10], $0x100  }
0xb7: {  	[sflag:s10] =	ssyncset.done $0x0  }
0xb8: {  	[sflag:s10] =	ssyncadd.s32 $0xFFFFFF00  }
0xb9: {  	[tilespmem:s28], [sflag:$0x9] =	stream.indirect.gather [hbm4b:s4+s26], $0x80, s22, s26, $0xb8;
	[tilespmem:$0x1C800] =	vst v63  }
0xba: {  	_ =	swait.ge [sflag:s11], $0x2000  }
0xbb: {  	[sflag:s11] =	ssyncset.done $0x0  }
0xbc: {  	s9 =	simm.s32 $0x180;
	[sflag:s11] =	ssyncadd.s32 $0xFFFFE000  }
0xbd: {  	[spmem:s1] =	stream.indirect.scatter.add.f32 [tilespmem:s30], [sflag:$0xD], $0x80, s9, s26, $0xb8;
	[tilespmem:$0x1C800] =	vst v63  }
0xbe: {  	_ =	swait.ge [sflag:s18], $0x2000  }
0xbf: {  	s9 =	rddreg [dreg:$0x9];
	[sflag:s18] =	ssyncset.done $0x0  }
0xc0: {  	[sflag:s18] =	ssyncadd.s32 $0xFFFFE000;
	s9 =	sadd.s32 s6, s9  }
0xc1: {  	[tilespmem:s19], [sflag:$0x2] =	stream.linear.gather [hbm4b:s9+s3], $0x100, $0x38;
	[tilespmem:$0x1C800] =	vst v63  }
0xc2: {  	_ =	swait.ge [sflag:s13], $0x100  }
0xc3: {  	[sflag:s13] =	ssyncset.done $0x0  }
0xc4: {  	[sflag:s13] =	ssyncadd.s32 $0xFFFFFF00  }
0xc5: {  	[tilespmem:s30], [sflag:$0xA] =	stream.indirect.gather [hbm4b:s4+s26], $0x80, s23, s26, $0xb8;
	[tilespmem:$0x1C800] =	vst v63  }
0xc6: {  	_ =	swait.ge [sflag:s14], $0x2000  }
0xc7: {  	[sflag:s14] =	ssyncset.done $0x0  }
0xc8: {  	s9 =	simm.s32 $0x280;
	[sflag:s14] =	ssyncadd.s32 $0xFFFFE000  }
0xc9: {  	[spmem:s1] =	stream.indirect.scatter.add.f32 [tilespmem:s0], [sflag:$0xD], $0x80, s9, s26, $0xb8;
	[tilespmem:$0x1C800] =	vst v63  }
0xca: {  	_ =	swait.ge [sflag:s18], $0x2000  }
0xcb: {  	s9 =	rddreg [dreg:$0x8];
	[sflag:s18] =	ssyncset.done $0x0  }
0xcc: {  	[sflag:s18] =	ssyncadd.s32 $0xFFFFE000;
	s9 =	sadd.s32 s6, s9  }
0xcd: {  	[tilespmem:s20], [sflag:$0x3] =	stream.linear.gather [hbm4b:s9+s3], $0x100, $0x38;
	[tilespmem:$0x1C800] =	vst v63  }
0xce: {  	_ =	swait.ge [sflag:s16], $0x100  }
0xcf: {  	[sflag:s16] =	ssyncset.done $0x0  }
0xd0: {  	[sflag:s16] =	ssyncadd.s32 $0xFFFFFF00  }
0xd1: {  	[tilespmem:s0], [sflag:$0xB] =	stream.indirect.gather [hbm4b:s4+s26], $0x80, s24, s26, $0xb8;
	[tilespmem:$0x1C800] =	vst v63  }
0xd2: {  	_ =	swait.ge [sflag:s17], $0x2000  }
0xd3: {  	[sflag:s17] =	ssyncset.done $0x0  }
0xd4: {  	s9 =	simm.s32 $0x380;
	[sflag:s17] =	ssyncadd.s32 $0xFFFFE000  }
0xd5: {  	[spmem:s1] =	stream.indirect.scatter.add.f32 [tilespmem:s5], [sflag:$0xD], $0x80, s9, s26, $0xb8;
	[tilespmem:$0x1C800] =	vst v63  }
0xd6: {  	_ =	swait.ge [sflag:s18], $0x2000  }
0xd7: {  	s9 =	rddreg [dreg:$0x7];
	[sflag:s18] =	ssyncset.done $0x0  }
0xd8: {  	[sflag:s18] =	ssyncadd.s32 $0xFFFFE000;
	s9 =	sadd.s32 s6, s9  }
0xd9: {  	[tilespmem:s21], [sflag:$0x4] =	stream.linear.gather [hbm4b:s9+s3], $0x100, $0x38;
	[tilespmem:$0x1C800] =	vst v63  }
0xda: {  	_ =	swait.ge [sflag:s8], $0x100  }
0xdb: {  	[sflag:s8] =	ssyncset.done $0x0  }
0xdc: {  	[sflag:s8] =	ssyncadd.s32 $0xFFFFFF00  }
0xdd: {  	[tilespmem:s5], [sflag:$0xC] =	stream.indirect.gather [hbm4b:s4+s26], $0x80, s25, s26, $0xb8;
	[tilespmem:$0x1C800] =	vst v63  }
0xde: {  	_ =	swait.ge [sflag:s7], $0x2000  }
0xdf: {  	[sflag:s7] =	ssyncset.done $0x0  }
0xe0: {  	s9 =	simm.s32 $0x480;
	[sflag:s7] =	ssyncadd.s32 $0xFFFFE000  }
0xe1: {  	[spmem:s1] =	stream.indirect.scatter.add.f32 [tilespmem:s28], [sflag:$0xD], $0x80, s9, s26, $0xb8;
	[tilespmem:$0x1C800] =	vst v63  }
0xe2: {  	_ =	swait.ge [sflag:s18], $0x2000  }
0xe3: {  	s9 =	rddreg [dreg:$0x6];
	[sflag:s18] =	ssyncset.done $0x0  }
0xe4: {  	[sflag:s18] =	ssyncadd.s32 $0xFFFFE000;
	s9 =	sadd.s32 s6, s9  }
0xe5: {  	[tilespmem:s22], [sflag:$0x5] =	stream.linear.gather [hbm4b:s9+s3], $0x100, $0x38;
	[tilespmem:$0x1C800] =	vst v63  }
0xe6: {  	_ =	swait.ge [sflag:s12], $0x100  }
0xe7: {  	[sflag:s12] =	ssyncset.done $0x0  }
0xe8: {  	[sflag:s12] =	ssyncadd.s32 $0xFFFFFF00  }
0xe9: {  	[tilespmem:s28], [sflag:$0x9] =	stream.indirect.gather [hbm4b:s4+s26], $0x80, s3, s26, $0xb8;
	[tilespmem:$0x1C800] =	vst v63  }
0xea: {  	_ =	swait.ge [sflag:s11], $0x2000  }
0xeb: {  	[sflag:s11] =	ssyncset.done $0x0  }
0xec: {  	s9 =	simm.s32 $0x580;
	[sflag:s11] =	ssyncadd.s32 $0xFFFFE000  }
0xed: {  	[spmem:s1] =	stream.indirect.scatter.add.f32 [tilespmem:s30], [sflag:$0xD], $0x80, s9, s26, $0xb8;
	[tilespmem:$0x1C800] =	vst v63  }
0xee: {  	_ =	swait.ge [sflag:s18], $0x2000  }
0xef: {  	s9 =	rddreg [dreg:$0x5];
	[sflag:s18] =	ssyncset.done $0x0  }
0xf0: {  	[sflag:s18] =	ssyncadd.s32 $0xFFFFE000;
	s9 =	sadd.s32 s6, s9  }
0xf1: {  	[tilespmem:s23], [sflag:$0x6] =	stream.linear.gather [hbm4b:s9+s3], $0x100, $0x38;
	[tilespmem:$0x1C800] =	vst v63  }
0xf2: {  	_ =	swait.ge [sflag:s29], $0x100  }
0xf3: {  	[sflag:s29] =	ssyncset.done $0x0  }
0xf4: {  	[sflag:s29] =	ssyncadd.s32 $0xFFFFFF00  }
0xf5: {  	[tilespmem:s30], [sflag:$0xA] =	stream.indirect.gather [hbm4b:s4+s26], $0x80, s19, s26, $0xb8;
	[tilespmem:$0x1C800] =	vst v63  }
0xf6: {  	_ =	swait.ge [sflag:s14], $0x2000  }
0xf7: {  	[sflag:s14] =	ssyncset.done $0x0  }
0xf8: {  	s9 =	simm.s32 $0x680;
	[sflag:s14] =	ssyncadd.s32 $0xFFFFE000  }
0xf9: {  	[spmem:s1] =	stream.indirect.scatter.add.f32 [tilespmem:s0], [sflag:$0xD], $0x80, s9, s26, $0xb8;
	[tilespmem:$0x1C800] =	vst v63  }
0xfa: {  	_ =	swait.ge [sflag:s18], $0x2000  }
0xfb: {  	s9 =	rddreg [dreg:$0x4];
	[sflag:s18] =	ssyncset.done $0x0  }
0xfc: {  	[sflag:s18] =	ssyncadd.s32 $0xFFFFE000;
	s9 =	sadd.s32 s6, s9  }
0xfd: {  	[tilespmem:s24], [sflag:$0x7] =	stream.linear.gather [hbm4b:s9+s3], $0x100, $0x38;
	[tilespmem:$0x1C800] =	vst v63  }
0xfe: {  	_ =	swait.ge [sflag:s31], $0x100  }
0xff: {  	[sflag:s31] =	ssyncset.done $0x0  }
0x100: {  	[sflag:s31] =	ssyncadd.s32 $0xFFFFFF00  }
0x101: {  	[tilespmem:s0], [sflag:$0xB] =	stream.indirect.gather [hbm4b:s4+s26], $0x80, s20, s26, $0xb8;
	[tilespmem:$0x1C800] =	vst v63  }
0x102: {  	_ =	swait.ge [sflag:s17], $0x2000  }
0x103: {  	[sflag:s17] =	ssyncset.done $0x0  }
0x104: {  	s9 =	simm.s32 $0x780;
	[sflag:s17] =	ssyncadd.s32 $0xFFFFE000  }
0x105: {  	[spmem:s1] =	stream.indirect.scatter.add.f32 [tilespmem:s5], [sflag:$0xD], $0x80, s9, s26, $0xb8;
	[tilespmem:$0x1C800] =	vst v63  }
0x106: {  	_ =	swait.ge [sflag:s18], $0x2000  }
0x107: {  	p0 =	sne.s32 s15, $0x1200;
	s9 =	rddreg [dreg:$0x3];
	[sflag:s18] =	ssyncset.done $0x0  }
.Ltmp0:
0x108: {  	[sflag:s18] =	ssyncadd.s32 $0xFFFFE000;
	s6 =	sadd.s32 s6, s9;
	(pc) =	sbr.rel @p0 .LBB2_2-.Ltmp0, $4  }
0x109: {  	[tilespmem:s25], [sflag:$0x8] =	stream.linear.gather [hbm4b:s6+s3], $0x100, $0x38;
	[tilespmem:$0x1C800] =	vst v63  }
0x10a: {  	_ =	swait.ge [sflag:s2], $0x100  }
0x10b: {  	[sflag:s2] =	ssyncset.done $0x0  }
0x10c: {  	s15 =	sadd.s32 $0x100, s15;
	[sflag:s2] =	ssyncadd.s32 $0xFFFFFF00  }
0x10d: {  	[tilespmem:s5], [sflag:$0xC] =	stream.indirect.gather [hbm4b:s4+s26], $0x80, s21, s26, $0xb8;
	[tilespmem:$0x1C800] =	vst v63  }
0x10e: {  	_ =	swait.ge [sflag:s7], $0x2000  }
0x10f: {  	[sflag:s7] =	ssyncset.done $0x0  }
0x110: {  	s6 =	simm.s32 $0x80;
	[sflag:s7] =	ssyncadd.s32 $0xFFFFE000  }
0x111: {  	[spmem:s1] =	stream.indirect.scatter.add.f32 [tilespmem:s28], [sflag:$0xD], $0x80, s6, s26, $0xb8;
	[tilespmem:$0x1C800] =	vst v63  }
0x112: {  	_ =	swait.ge [sflag:s18], $0x2000  }
0x113: {  	[sflag:s18] =	ssyncset.done $0x0  }
0x114: {  	[sflag:s18] =	ssyncadd.s32 $0xFFFFE000  }
0x115: {  	_ =	swait.ge [sflag:s10], $0x100  }
0x116: {  	[sflag:s10] =	ssyncset.done $0x0  }
0x117: {  	[sflag:s10] =	ssyncadd.s32 $0xFFFFFF00  }
0x118: {  	[tilespmem:s28], [sflag:$0x9] =	stream.indirect.gather [hbm4b:s4+s26], $0x80, s22, s26, $0xb8;
	[tilespmem:$0x1C800] =	vst v63  }
0x119: {  	_ =	swait.ge [sflag:s11], $0x2000  }
0x11a: {  	[sflag:s11] =	ssyncset.done $0x0  }
0x11b: {  	s15 =	simm.s32 $0x180;
	[sflag:s11] =	ssyncadd.s32 $0xFFFFE000  }
0x11c: {  	[spmem:s1] =	stream.indirect.scatter.add.f32 [tilespmem:s30], [sflag:$0xD], $0x80, s15, s26, $0xb8;
	[tilespmem:$0x1C800] =	vst v63  }
0x11d: {  	_ =	swait.ge [sflag:s18], $0x2000  }
0x11e: {  	[sflag:s18] =	ssyncset.done $0x0  }
0x11f: {  	[sflag:s18] =	ssyncadd.s32 $0xFFFFE000  }
0x120: {  	_ =	swait.ge [sflag:s13], $0x100  }
0x121: {  	[sflag:s13] =	ssyncset.done $0x0  }
0x122: {  	[sflag:s13] =	ssyncadd.s32 $0xFFFFFF00  }
0x123: {  	[tilespmem:s30], [sflag:$0xA] =	stream.indirect.gather [hbm4b:s4+s26], $0x80, s23, s26, $0xb8;
	[tilespmem:$0x1C800] =	vst v63  }
0x124: {  	_ =	swait.ge [sflag:s14], $0x2000  }
0x125: {  	[sflag:s14] =	ssyncset.done $0x0  }
0x126: {  	s9 =	simm.s32 $0x280;
	[sflag:s14] =	ssyncadd.s32 $0xFFFFE000  }
0x127: {  	[spmem:s1] =	stream.indirect.scatter.add.f32 [tilespmem:s0], [sflag:$0xD], $0x80, s9, s26, $0xb8;
	[tilespmem:$0x1C800] =	vst v63  }
0x128: {  	_ =	swait.ge [sflag:s18], $0x2000  }
0x129: {  	[sflag:s18] =	ssyncset.done $0x0  }
0x12a: {  	[sflag:s18] =	ssyncadd.s32 $0xFFFFE000  }
0x12b: {  	_ =	swait.ge [sflag:s16], $0x100  }
0x12c: {  	[sflag:s16] =	ssyncset.done $0x0  }
0x12d: {  	[sflag:s16] =	ssyncadd.s32 $0xFFFFFF00  }
0x12e: {  	[tilespmem:s0], [sflag:$0xB] =	stream.indirect.gather [hbm4b:s4+s26], $0x80, s24, s26, $0xb8;
	[tilespmem:$0x1C800] =	vst v63  }
0x12f: {  	_ =	swait.ge [sflag:s17], $0x2000  }
0x130: {  	[sflag:s17] =	ssyncset.done $0x0  }
0x131: {  	s15 =	simm.s32 $0x380;
	[sflag:s17] =	ssyncadd.s32 $0xFFFFE000  }
0x132: {  	[spmem:s1] =	stream.indirect.scatter.add.f32 [tilespmem:s5], [sflag:$0xD], $0x80, s15, s26, $0xb8;
	[tilespmem:$0x1C800] =	vst v63  }
0x133: {  	_ =	swait.ge [sflag:s18], $0x2000  }
0x134: {  	[sflag:s18] =	ssyncset.done $0x0  }
0x135: {  	[sflag:s18] =	ssyncadd.s32 $0xFFFFE000  }
0x136: {  	_ =	swait.ge [sflag:s8], $0x100  }
0x137: {  	[sflag:s8] =	ssyncset.done $0x0  }
0x138: {  	[sflag:s8] =	ssyncadd.s32 $0xFFFFFF00  }
0x139: {  	[tilespmem:s5], [sflag:$0xC] =	stream.indirect.gather [hbm4b:s4+s26], $0x80, s25, s26, $0xb8;
	[tilespmem:$0x1C800] =	vst v63  }
0x13a: {  	_ =	swait.ge [sflag:s7], $0x2000  }
0x13b: {  	[sflag:s7] =	ssyncset.done $0x0  }
0x13c: {  	s9 =	simm.s32 $0x480;
	[sflag:s7] =	ssyncadd.s32 $0xFFFFE000  }
0x13d: {  	[spmem:s1] =	stream.indirect.scatter.add.f32 [tilespmem:s28], [sflag:$0xD], $0x80, s9, s26, $0xb8;
	[tilespmem:$0x1C800] =	vst v63  }
0x13e: {  	_ =	swait.ge [sflag:s18], $0x2000  }
0x13f: {  	[sflag:s18] =	ssyncset.done $0x0  }
0x140: {  	[sflag:s18] =	ssyncadd.s32 $0xFFFFE000  }
0x141: {  	_ =	swait.ge [sflag:s11], $0x2000  }
0x142: {  	[sflag:s11] =	ssyncset.done $0x0  }
0x143: {  	s15 =	simm.s32 $0x580;
	[sflag:s11] =	ssyncadd.s32 $0xFFFFE000  }
0x144: {  	[spmem:s1] =	stream.indirect.scatter.add.f32 [tilespmem:s30], [sflag:$0xD], $0x80, s15, s26, $0xb8;
	[tilespmem:$0x1C800] =	vst v63  }
0x145: {  	_ =	swait.ge [sflag:s18], $0x2000  }
0x146: {  	[sflag:s18] =	ssyncset.done $0x0  }
0x147: {  	[sflag:s18] =	ssyncadd.s32 $0xFFFFE000  }
0x148: {  	_ =	swait.ge [sflag:s14], $0x2000  }
0x149: {  	[sflag:s14] =	ssyncset.done $0x0  }
0x14a: {  	s9 =	simm.s32 $0x680;
	[sflag:s14] =	ssyncadd.s32 $0xFFFFE000  }
0x14b: {  	[spmem:s1] =	stream.indirect.scatter.add.f32 [tilespmem:s0], [sflag:$0xD], $0x80, s9, s26, $0xb8;
	[tilespmem:$0x1C800] =	vst v63  }
0x14c: {  	_ =	swait.ge [sflag:s18], $0x2000  }
0x14d: {  	[sflag:s18] =	ssyncset.done $0x0  }
0x14e: {  	[sflag:s18] =	ssyncadd.s32 $0xFFFFE000  }
0x14f: {  	_ =	swait.ge [sflag:s17], $0x2000  }
0x150: {  	[sflag:s17] =	ssyncset.done $0x0  }
0x151: {  	s15 =	simm.s32 $0x780;
	[sflag:s17] =	ssyncadd.s32 $0xFFFFE000  }
0x152: {  	[spmem:s1] =	stream.indirect.scatter.add.f32 [tilespmem:s5], [sflag:$0xD], $0x80, s15, s26, $0xb8;
	[tilespmem:$0x1C800] =	vst v63  }
0x153: {  	_ =	swait.ge [sflag:s18], $0x2000  }
0x154: {  	[sflag:s18] =	ssyncset.done $0x0  }
0x155: {  	[sflag:s18] =	ssyncadd.s32 $0xFFFFE000  }
0x156: {  	[bflag:$0x0] =	sbarrier.arrive $0xFFFF  }
0x157: {  	s15 =	rddreg [dreg:$0xe]  }
0x158: {  	s6 =	rddreg [dreg:$0x16]  }
0x159: {  	s9 =	rddreg [dreg:$0x19]  }
0x15a: {  	[hbm:s6], [sflag:s15] =	dma.local [spmem:s9], $0x2800  }
0x15b: {  	_ =	swait.ge [sflag:s18], $0x2800  }
0x15c: {  	s6 =	rddreg [dreg:$0x18]  }
0x15d: {  	s9 =	sadd.s32 $0x1, s6;
	s6 =	rddreg [dreg:$0x17]  }
0x15e: {  	p0 =	sne.s32 s9, s6  }
.Ltmp1:
0x15f: {  	_ = 	snop;
	(pc) =	sbr.rel @p0 .LBB2_1-.Ltmp1, $3  }
0x160: {  	_ =	sdelay $0x1  }
0x161: {  	[sflag:s18] =	ssyncset.done $0x0  }
0x162: {  	[sflag:s18] =	ssyncadd.s32 $0xFFFFD800  }
0x163: {  	_ =	sfence.sel $0x180000  }
0x164: {  	[bflag:$0x0] =	sbarrier.arrive $0xFFFF  }
0x165: {  	_ =	strace $0x9000004A  }
0x166: {  	s0 =	stileid.u32;
	[bflag:$0x2] =	sbarrier.arrive $0xFFFF  }
0x167: {  	p0 =	sne.s32 s0, $0x0;
	s0 =	rddreg [dreg:$0x2]  }
0x168: {  	s0 =	sadd.s32 @!p0 $0x100000, s0  }
0x169: {  	[sflag:s0] =	ssyncadd.tile.s32 @!p0 $0x1;
	_ =	shalt  }
.Lfunc_end2:
_tile_overlayer_lowered:
.L_overlay_start_2:
0x16a: {  	(tag) =	ssettag $0x2  }
0x16b: {  	s0 =	rddreg [dreg:$0x0];
	s2 =	stileid.u32  }
0x16c: {  	s1 =	rddreg [dreg:$0x1];
	p0 =	sne.s32 s2, $0x0  }
0x16d: {  	s3 =	rddreg [dreg:$0x2];
	[bflag:$0x3] =	sbarrier.arrive $0xFFFF;
	s2 =	simm.s32 @!p0 $0x1C0D  }
0x16e: {  	[timem:s3], [sflag:s2] =	dma.local @!p0 [hbm:s0], s1  }
0x16f: {  	s0 =	simm.s32 @!p0 $0xD  }
0x170: {  	_ =	swait.ge @!p0 [sflag:s0], s1  }
0x171: {  	s1 =	ssub.s32 @!p0 $0x0, s1;
	[sflag:s0] =	ssyncset.done @!p0 $0x0  }
0x172: {  	[sflag:s0] =	ssyncadd.s32 @!p0 s1  }
0x173: {  	[bflag:$0x3] =	sbarrier.arrive $0xFFFF  }
0x174: {  	_ =	shalt  }

// kernel: kernel.14.cloned.1.call-start
scs
__scs_entry_jumppad:
0x0: {  	(pc) =	sbr.rel $0x88, $3  }
0x1: {  	(tag) =	ssettag $0x0;
	lr =	simm.s32 $0x1  }
0x2: {  	[smem:$0x3F9B] =	sst lr;
	_ =	strace $0xD0000000  }
0x3: {  	_ = 	snop  }
0x4: {  	_ = 	snop  }
0x5: {  	_ = 	snop  }
0x6: {  	_ = 	snop  }
0x7: {  	_ = 	snop  }
__scs_overlays_trampoline_lowered:
0x8: {  	[smem:$0x3FAA] =	sst s0  }
0x9: {  	[smem:$0x3FAB] =	sst s1  }
0xa: {  	[smem:$0x3FAC] =	sst s2  }
0xb: {  	[smem:$0x3FAD] =	sst s3  }
0xc: {  	[smem:$0x3FAE] =	sst s4  }
0xd: {  	[smem:$0x3FAF] =	sst s5  }
0xe: {  	[smem:$0x3FB0] =	sst s6  }
0xf: {  	[smem:$0x3FB1] =	sst s7  }
0x10: {  	[smem:$0x3FB2] =	sst s8  }
0x11: {  	[smem:$0x3FB3] =	sst s9;
	s0 =	simm.s32 @!p0 $0x0  }
0x12: {  	s1 =	sld [smem:$0x3F99];
	s0 =	simm.s32 @p0 $0x1  }
0x13: {  	[smem:$0x3FB4] =	sst s0;
	s0 =	simm.s32 @!p1 $0x0  }
0x14: {  	s2 =	sld [smem:$0x3F98];
	s0 =	simm.s32 @p1 $0x1  }
0x15: {  	[smem:$0x3FB5] =	sst s0;
	s0 =	simm.s32 @!p2 $0x0  }
0x16: {  	s3 =	sld [smem:$0x3FDB];
	s0 =	simm.s32 @p2 $0x1  }
0x17: {  	s4 =	simm.s32 $0x1BF5;
	[smem:$0x3FB7] =	sst s0  }
0x18: {  	s0 =	sld [smem:$0x3F9A];
	_ =	swait.ge [sflag:s4], $0x0  }
0x19: {  	s7 =	sld [smem:$0x3F9B]  }
0x1a: {  	s8 =	sadd.s32 $0xFFFFE003, lr  }
0x1b: {  	s9 =	sadd.s32 $0xFFFFFEF7, lr;
	s5 =	simm.s32 $0xFFFFFFFF;
	p2 =	slt.u32 s8, $0xFFFFF086  }
0x1c: {  	p1 =	slt.u32 s9, $0xF7A;
	s5 =	simm.s32 @!p2 $0x0  }
0x1d: {  	s5 =	simm.s32 @p1 $0x1;
	p0 =	seq.s32 s7, s2  }
0x1e: {  	s7 =	smul.u32 @!p0 $0xF7A, s2;
	p2 =	seq.s32 @!p0 s5, $0x0  }
0x1f: {  	s9 =	smul.u32 $0xF7A, s1;
	s8 =	simm.s32 @!p0 $0x1BF5;
	p2 =	por !p2, p0  }
0x20: {  	[sflag:s8] =	ssyncset.s32 @!p0 $0xFFFFF086;
	s6 =	sadd.s32 @!p0 s3, s7;
	s7 =	simm.s32 @!p0 $0x108  }
0x21: {  	s3 =	sadd.s32 s3, s9;
	s6 =	sadd.s32 @!p0 $0x88, s6;
	s7 =	simm.s32 @p2 $0x1082  }
0x22: {  	[simem:s7], [sflag:s8] =	dma.local @!p0 [hbm:s6], $0xF7A  }
0x23: {  	s9 =	sor.u32 $0xD0000000, s2;
	s6 =	simm.s32 $0x108;
	_ =	swait.ge @!p0 [sflag:s8], $0x0  }
0x24: {  	s3 =	sadd.s32 $0x88, s3;
	s6 =	simm.s32 @!p1 $0x1082;
	[sflag:s4] =	ssyncset.s32 $0xFFFFF086  }
0x25: {  	[simem:s6], [sflag:s4] =	dma.local [hbm:s3], $0xF7A  }
0x26: {  	[smem:$0x3F9B] =	sst s1;
	(tag) =	ssettag s2;
	_ =	strace s9  }
0x27: {  	s1 =	sld [smem:$0x3FAB]  }
0x28: {  	s2 =	sld [smem:$0x3FAC]  }
0x29: {  	s4 =	sld [smem:$0x3FAE]  }
0x2a: {  	p0 =	seq.s32 s5, $0x0;
	s5 =	sld [smem:$0x3FAF]  }
0x2b: {  	s6 =	sld [smem:$0x3FB0]  }
0x2c: {  	s7 =	sld [smem:$0x3FB1]  }
0x2d: {  	s3 =	simm.s32 $0x108;
	s8 =	sld [smem:$0x3FB2]  }
0x2e: {  	s3 =	simm.s32 @!p0 $0x1082;
	s9 =	sld [smem:$0x3FB3]  }
0x2f: {  	lr =	sadd.s32 s0, s3;
	s0 =	sld [smem:$0x3FAA]  }
0x30: {  	s3 =	sld [smem:$0x3FAD]  }
0x31: {  	[smem:$0x3FB6] =	sst s10  }
0x32: {  	s10 =	sld [smem:$0x3FB4];
	_ =	sdelay $0x3  }
0x33: {  	p0 =	seq.s32 s10, $0x1;
	s10 =	sld [smem:$0x3FB6];
	_ =	sdelay $0x3  }
0x34: {  	[smem:$0x3FB6] =	sst s10  }
0x35: {  	s10 =	sld [smem:$0x3FB5];
	_ =	sdelay $0x3  }
0x36: {  	p1 =	seq.s32 s10, $0x1;
	s10 =	sld [smem:$0x3FB6];
	_ =	sdelay $0x3  }
0x37: {  	[smem:$0x3FB6] =	sst s10  }
0x38: {  	s10 =	sld [smem:$0x3FB7]  }
0x39: {  	_ = 	snop;
	(pc) =	sbr.ind lr, $3  }
0x3a: {  	_ = 	snop  }
0x3b: {  	_ = 	snop  }
0x3c: {  	p2 =	seq.s32 s10, $0x1;
	s10 =	sld [smem:$0x3FB6]  }
0x3d: {  	_ =	shalt  }
0x3e: {  	_ =	shalt  }
0x3f: {  	_ =	shalt  }
0x40: {  	_ =	shalt  }
0x41: {  	_ =	shalt  }
0x42: {  	_ =	shalt  }
0x43: {  	_ =	shalt  }
0x44: {  	_ =	shalt  }
0x45: {  	_ =	shalt  }
0x46: {  	_ =	shalt  }
0x47: {  	_ =	shalt  }
0x48: {  	_ =	shalt  }
0x49: {  	_ =	shalt  }
0x4a: {  	_ =	shalt  }
0x4b: {  	_ =	shalt  }
0x4c: {  	_ =	shalt  }
0x4d: {  	_ =	shalt  }
0x4e: {  	_ =	shalt  }
0x4f: {  	_ =	shalt  }
0x50: {  	_ =	shalt  }
0x51: {  	_ =	shalt  }
0x52: {  	_ =	shalt  }
0x53: {  	_ =	shalt  }
0x54: {  	_ =	shalt  }
0x55: {  	_ =	shalt  }
0x56: {  	_ =	shalt  }
0x57: {  	_ =	shalt  }
0x58: {  	_ =	shalt  }
0x59: {  	_ =	shalt  }
0x5a: {  	_ =	shalt  }
0x5b: {  	_ =	shalt  }
0x5c: {  	_ =	shalt  }
0x5d: {  	_ =	shalt  }
0x5e: {  	_ =	shalt  }
0x5f: {  	_ =	shalt  }
0x60: {  	_ =	shalt  }
0x61: {  	_ =	shalt  }
0x62: {  	_ =	shalt  }
0x63: {  	_ =	shalt  }
0x64: {  	_ =	shalt  }
0x65: {  	_ =	shalt  }
0x66: {  	_ =	shalt  }
0x67: {  	_ =	shalt  }
0x68: {  	_ =	shalt  }
0x69: {  	_ =	shalt  }
0x6a: {  	_ =	shalt  }
0x6b: {  	_ =	shalt  }
0x6c: {  	_ =	shalt  }
0x6d: {  	_ =	shalt  }
0x6e: {  	_ =	shalt  }
0x6f: {  	_ =	shalt  }
0x70: {  	_ =	shalt  }
0x71: {  	_ =	shalt  }
0x72: {  	_ =	shalt  }
0x73: {  	_ =	shalt  }
0x74: {  	_ =	shalt  }
0x75: {  	_ =	shalt  }
0x76: {  	_ =	shalt  }
0x77: {  	_ =	shalt  }
0x78: {  	_ =	shalt  }
0x79: {  	_ =	shalt  }
0x7a: {  	_ =	shalt  }
0x7b: {  	_ =	shalt  }
0x7c: {  	_ =	shalt  }
0x7d: {  	_ =	shalt  }
0x7e: {  	_ =	shalt  }
0x7f: {  	_ =	shalt  }
0x80: {  	_ =	shalt  }
0x81: {  	_ =	shalt  }
0x82: {  	_ =	shalt  }
0x83: {  	_ =	shalt  }
0x84: {  	_ =	shalt  }
0x85: {  	_ =	shalt  }
0x86: {  	_ =	shalt  }
0x87: {  	_ =	shalt  }
.Lfunc_end0:
.L_simem_size_0:
called_computation.2_lowered:
.L_overlay_start_0:
0x88: {  	s2 =	sld [smem:$0x3FD9]  }
0x89: {  	s3 =	sld [smem:$0x3FFE];
	_ =	sdelay $0x1  }
0x8a: {  	s1 =	srdreg.scid  }
0x8b: {  	s0 =	sand.u32 $0x1, s1  }
0x8c: {  	s16 =	sshll.u32 s0, $0xA;
	s2 =	sadd.s32 s3, s2  }
0x8d: {  	s2 =	sadd.s32 s2, s16  }
0x8e: {  	[smem:$0x3FC2] =	sst s2  }
0x8f: {  	_ = 	snop  }
0x90: {  	(tm) =	ssettm $0x1  }
0x91: {  	s17 =	sld [smem:$0x3FFB];
	_ =	sdelay $0x3  }
0x92: {  	_ =	strace s17  }
0x93: {  	s2 =	sld [smem:$0x3FFC];
	_ =	sdelay $0x3  }
0x94: {  	_ =	strace s2  }
0x95: {  	s2 =	sld [smem:$0x3FFD];
	_ =	sdelay $0x3  }
0x96: {  	_ =	strace s2  }
0x97: {  	_ =	strace $0x8FFFFFFF  }
0x98: {  	s18 =	sld [smem:$0x3FDB];
	_ =	sdelay $0x1  }
0x99: {  	s19 =	simm.s32 $_scs_section_size  }
0x9a: {  	s4 =	simm.s32 $_size__tile_overlayer_lowered;
	s5 =	simm.s32 $_tile_overlayer_lowered  }
0x9b: {  	s22 =	simm.s32 $0x1BFF;
	s21 =	sshll.u32 s5, $0x1;
	s2 =	sadd.s32 s19, s18  }
0x9c: {  	s6 =	simm.s32 $0x0;
	s20 =	sshll.u32 s4, $0x1;
	s4 =	sadd.s32 s21, s2  }
0x9d: {  	[timem:s6], [sflag:s22] =	dma.local [hbm:s4], s20  }
0x9e: {  	_ =	swait.ge [sflag:s22], s20  }
0x9f: {  	s3 =	ssub.s32 $0x0, s20;
	[sflag:s22] =	ssyncset.done $0x0  }
0xa0: {  	[sflag:s22] =	ssyncadd.s32 s3;
	_ =	sdelay $0x1  }
0xa1: {  	s23 =	simm.s32 $0x1B8B  }
0xa2: {  	_ =	swait.ge [sflag:s23], $0x1  }
0xa3: {  	[sflag:s23] =	ssyncset.done $0x0  }
0xa4: {  	s25 =	simm.s32 $0x1B8E;
	s24 =	sld [smem:$0x3FFE];
	[sflag:s23] =	ssyncadd.s32 $0xFFFFFFFF  }
0xa5: {  	s26 =	simm.s32 $execute0_lowered;
	[smem:$0x3FD2] =	sst s25  }
0xa6: {  	s4 =	sshll.u32 s26, $0x1;
	_ =	strace $0x8000004C;
	[dreg:$0x1] =	wrdreg $0xFFFFFFFF  }
0xa7: {  	s28 =	simm.s32 $_size_execute0_lowered;
	s2 =	sadd.s32 s2, s4;
	[dreg:$0x0] =	wrdreg $0x0  }
0xa8: {  	s4 =	sshll.u32 s28, $0x1;
	[dreg:$0x2] =	wrdreg s2  }
0xa9: {  	[dreg:$0x3] =	wrdreg s4  }
0xaa: {  	[dreg:$0x4] =	wrdreg $0xC0  }
0xab: {  	_ =	task [dreg:s6], $0x5FFFF  }
0xac: {  	[dreg:$0x1] =	wrdreg $0xFFFFFFFF  }
0xad: {  	[dreg:$0x0] =	wrdreg $0x60  }
0xae: {  	[dreg:$0x2] =	wrdreg s24  }
0xaf: {  	[dreg:$0x3] =	wrdreg $0x88000  }
0xb0: {  	[dreg:$0x4] =	wrdreg $0x9  }
0xb1: {  	_ =	task.clear_ibuf [dreg:s6], $0x5FFFF;
	_ =	strace $0x9000004C  }
0xb2: {  	s29 =	simm.s32 $0x9;
	_ =	strace $0x8000004E  }
0xb3: {  	_ =	swait.ge [sflag:s29], $0x1  }
0xb4: {  	[sflag:s29] =	ssyncadd.s32 $0xFFFFFFFF  }
0xb5: {  	_ =	strace $0x9000004E  }
0xb6: {  	_ =	sfence  }
0xb7: {  	s30 =	sld [smem:$0x0];
	_ =	sdelay $0x2  }
0xb8: {  	s31 =	sshll.u32 s1, $0xD;
	s1 =	sshrl.u32 s1, $0x2  }
0xb9: {  	s3 =	sand.u32 $0x4000, s31;
	s1 =	sadd.s32 s1, s30  }
0xba: {  	s0 =	sor.u32 s3, s0;
	s1 =	sshll.u32 s1, $0x11  }
0xbb: {  	s0 =	sor.u32 s1, s0  }
0xbc: {  	s0 =	sadd.s32 $0x8F2B, s0  }
0xbd: {  	[sflag:s0] =	ssyncadd.remote.s32 $0x1  }
0xbe: {  	_ =	sfence.sel $0xFFFF  }
0xbf: {  	[dreg:$0x0] =	wrdreg $0xFFFFFFFF;
	(pc) =	sbr.abs _section_cstart, $3  }
0xc0: {  	[dreg:$0x1] =	wrdreg $0xFFFFFFFF  }
0xc1: {  	_ =	task.clear_ibuf [dreg:s6], $0x2FFFF;
	_ =	strace $0x9FFFFFFF  }
0xc2: {  	(tm) =	ssettm $0x7FFFFFFF  }
0xc3: {  	_ =	shalt  }
tec
execute0_lowered:
.L_overlay_start_1:
0x0: {  	(tag) =	ssettag $0x1  }
0x1: {  	s0 =	rddreg [dreg:$0x0]  }
0x2: {  	s1 =	rddreg [dreg:$0x1];
	s2 =	srdreg.scid;
	s3 =	simm.s32 $0x0  }
0x3: {  	s11 =	stileid.u32;
	s28 =	simm.s32 $0x800;
	s29 =	simm.s32 $0x2  }
0x4: {  	s30 =	simm.s32 $0x2800;
	s31 =	simm.s32 $0x3;
	s6 =	smul.u32 $0x14000, s11  }
0x5: {  	s2 =	sand.u32 $0x1, s2;
	[smem:$0x7FF] =	sst s3;
	s9 =	smul.u32 $0x50000, s11  }
0x6: {  	s4 =	sadd.s32 $0x7D400, s0;
	s7 =	sadd.s32 $0x55400, s0;
	s18 =	smul.u32 $0xA000, s11  }
0x7: {  	s12 =	sadd.s32 $0x2C00, s0;
	s16 =	sshll.u32 s11, $0x6;
	s5 =	smul.u32 $0x140000, s2  }
0x8: {  	_ =	strace $0x8000004D;
	s14 =	sshll.u32 s2, $0x4;
	s8 =	ssub.s32 $0x2, s2  }
0x9: {  	[dreg:$0xb] =	wrdreg s12;
	s2 =	smul.u32 $0xA0000, s2;
	s10 =	sshrl.u32 s8, $0x1  }
0xa: {  	s15 =	sshrl.u32 s9, $0x2;
	s9 =	simm.s32 $0x0;
	s5 =	sadd.s32 s6, s5  }
0xb: {  	s6 =	sor.u32 s11, s14;
	s2 =	sadd.s32 s18, s2;
	s5 =	sshrl.u32 s5, $0x3  }
0xc: {  	s6 =	smul.u32 $0xA000, s6;
	s24 =	sor.u32 $0xF00, s2;
	s26 =	sor.u32 $0xE00, s2  }
0xd: {  	s13 =	sor.u32 $0xD00, s2;
	s0 =	sadd.s32 s5, s0;
	s5 =	ssub.s32 s8, s10  }
0xe: {  	s8 =	sadd.s32 s15, s1;
	s15 =	sor.u32 $0x1C0D, s16;
	s14 =	sshrl.u32 s13, $0x3  }
0xf: {  	s16 =	sor.u32 $0xC00, s2;
	s10 =	simm.s32 $0x5;
	[dreg:$0xd] =	wrdreg s8  }
0x10: {  	s6 =	sshrl.u32 s6, $0x3;
	s0 =	sadd.s32 $0xA5400, s0;
	[dreg:$0xe] =	wrdreg s15  }
0x11: {  	s8 =	sshrl.u32 s26, $0x3;
	s26 =	smax.u32 s5, $0x1;
	[dreg:$0x16] =	wrdreg s0  }
0x12: {  	s13 =	simm.s32 $0x6;
	s17 =	sadd.s32 s7, s6;
	[dreg:$0x17] =	wrdreg s26  }
0x13: {  	s5 =	simm.s32 $0x6800;
	s12 =	sadd.s32 s8, s7;
	[dreg:$0xc] =	wrdreg s17  }
0x14: {  	s6 =	sshrl.u32 s24, $0x3;
	s19 =	sadd.s32 $0x20, s17;
	[dreg:$0x4] =	wrdreg s12  }
0x15: {  	s8 =	sshrl.u32 s16, $0x3;
	s20 =	sadd.s32 $0x40, s17;
	[dreg:$0xf] =	wrdreg s19  }
0x16: {  	s26 =	simm.s32 $0x40;
	s21 =	sadd.s32 $0x60, s17;
	[dreg:$0x10] =	wrdreg s20  }
0x17: {  	s0 =	simm.s32 $0x4800;
	s22 =	sadd.s32 $0x80, s17;
	[dreg:$0x11] =	wrdreg s21  }
0x18: {  	s16 =	simm.s32 $0x7;
	s23 =	sadd.s32 $0xA0, s17;
	[dreg:$0x12] =	wrdreg s22  }
0x19: {  	s25 =	sadd.s32 $0xC0, s17;
	s11 =	sadd.s32 $0xE0, s17;
	[dreg:$0x13] =	wrdreg s23  }
0x1a: {  	s6 =	sadd.s32 s6, s7;
	s17 =	sor.u32 $0xB00, s2;
	[dreg:$0x14] =	wrdreg s25  }
0x1b: {  	s18 =	sadd.s32 s8, s7;
	s12 =	simm.s32 $0x1;
	[dreg:$0x15] =	wrdreg s11  }
0x1c: {  	[dreg:$0x3] =	wrdreg s6;
	s6 =	sadd.s32 s14, s7;
	s19 =	sshrl.u32 s17, $0x3  }
0x1d: {  	[dreg:$0x6] =	wrdreg s18;
	s21 =	sor.u32 $0xA00, s2;
	s23 =	sor.u32 $0x900, s2  }
0x1e: {  	s2 =	sor.u32 $0x800, s2;
	s18 =	simm.s32 $0xD;
	s11 =	simm.s32 $0xA  }
0x1f: {  	s14 =	simm.s32 $0xB;
	s17 =	simm.s32 $0xC;
	[dreg:$0x5] =	wrdreg s6  }
0x20: {  	s20 =	sadd.s32 s19, s7;
	s22 =	sshrl.u32 s21, $0x3;
	s8 =	sshrl.u32 s23, $0x3  }
0x21: {  	s2 =	sshrl.u32 s2, $0x3;
	s19 =	simm.s32 $0x100;
	s21 =	simm.s32 $0x300  }
0x22: {  	s23 =	simm.s32 $0x500;
	[dreg:$0x7] =	wrdreg s20;
	s6 =	sadd.s32 s22, s7  }
0x23: {  	s24 =	sadd.s32 s8, s7;
	s25 =	sadd.s32 s2, s7;
	s20 =	simm.s32 $0x200  }
0x24: {  	s22 =	simm.s32 $0x400;
	s2 =	simm.s32 $0x4;
	[dreg:$0x8] =	wrdreg s6  }
0x25: {  	s7 =	simm.s32 $0x9;
	s8 =	simm.s32 $0x8;
	[dreg:$0x9] =	wrdreg s24  }
0x26: {  	[dreg:$0xa] =	wrdreg s25;
	s24 =	simm.s32 $0x600;
	s25 =	simm.s32 $0x700  }
.LBB2_1:
0x27: {  	[dreg:$0x18] =	wrdreg s9  }
0x28: {  	s6 =	rddreg [dreg:$0xd]  }
0x29: {  	s9 =	sshrl.u32 s6, $0x3;
	s6 =	rddreg [dreg:$0xb]  }
0x2a: {  	[dreg:$0x19] =	wrdreg s9  }
0x2b: {  	[spmem:s9], [sflag:s15] =	dma.local [hbm:s6], $0x2800  }
0x2c: {  	_ =	swait.ge [sflag:s18], $0x2800  }
0x2d: {  	[sflag:s18] =	ssyncset.done $0x0  }
0x2e: {  	s9 =	rddreg [dreg:$0xc];
	[sflag:s18] =	ssyncadd.s32 $0xFFFFD800  }
0x2f: {  	[tilespmem:s3], [sflag:$0xD] =	stream.linear.gather [hbm4b:s9+s3], $0x100, $0x38;
	[tilespmem:$0x1C800] =	vst v63  }
0x30: {  	_ =	swait.ge [sflag:s18], $0x100  }
0x31: {  	[sflag:s18] =	ssyncset.done $0x0  }
0x32: {  	s15 =	rddreg [dreg:$0xf];
	[sflag:s18] =	ssyncadd.s32 $0xFFFFFF00  }
0x33: {  	[tilespmem:s19], [sflag:$0x2] =	stream.linear.gather [hbm4b:s15+s3], $0x100, $0x38;
	[tilespmem:$0x1C800] =	vst v63  }
0x34: {  	s9 =	rddreg [dreg:$0x10]  }
0x35: {  	[tilespmem:s20], [sflag:$0x3] =	stream.linear.gather [hbm4b:s9+s3], $0x100, $0x38;
	[tilespmem:$0x1C800] =	vst v63  }
0x36: {  	s15 =	rddreg [dreg:$0x11]  }
0x37: {  	[tilespmem:s21], [sflag:$0x4] =	stream.linear.gather [hbm4b:s15+s3], $0x100, $0x38;
	[tilespmem:$0x1C800] =	vst v63  }
0x38: {  	s9 =	rddreg [dreg:$0x12]  }
0x39: {  	[tilespmem:s22], [sflag:$0x5] =	stream.linear.gather [hbm4b:s9+s3], $0x100, $0x38;
	[tilespmem:$0x1C800] =	vst v63  }
0x3a: {  	s15 =	rddreg [dreg:$0x13]  }
0x3b: {  	[tilespmem:s23], [sflag:$0x6] =	stream.linear.gather [hbm4b:s15+s3], $0x100, $0x38;
	[tilespmem:$0x1C800] =	vst v63  }
0x3c: {  	s9 =	rddreg [dreg:$0x14]  }
0x3d: {  	[tilespmem:s24], [sflag:$0x7] =	stream.linear.gather [hbm4b:s9+s3], $0x100, $0x38;
	[tilespmem:$0x1C800] =	vst v63  }
0x3e: {  	s15 =	rddreg [dreg:$0x15]  }
0x3f: {  	[tilespmem:s25], [sflag:$0x8] =	stream.linear.gather [hbm4b:s15+s3], $0x100, $0x38;
	[tilespmem:$0x1C800] =	vst v63  }
0x40: {  	[bflag:$0x0] =	sbarrier.arrive $0xFFFF  }
0x41: {  	[tilespmem:s28], [sflag:$0x9] =	stream.indirect.gather [hbm4b:s4+s26], $0x80, s3, s26, $0xb8;
	[tilespmem:$0x1C800] =	vst v63  }
0x42: {  	_ =	swait.ge [sflag:s29], $0x100  }
0x43: {  	[sflag:s29] =	ssyncset.done $0x0  }
0x44: {  	[sflag:s29] =	ssyncadd.s32 $0xFFFFFF00  }
0x45: {  	[tilespmem:s30], [sflag:$0xA] =	stream.indirect.gather [hbm4b:s4+s26], $0x80, s19, s26, $0xb8;
	[tilespmem:$0x1C800] =	vst v63  }
0x46: {  	_ =	swait.ge [sflag:s31], $0x100  }
0x47: {  	[sflag:s31] =	ssyncset.done $0x0  }
0x48: {  	[sflag:s31] =	ssyncadd.s32 $0xFFFFFF00  }
0x49: {  	[tilespmem:s0], [sflag:$0xB] =	stream.indirect.gather [hbm4b:s4+s26], $0x80, s20, s26, $0xb8;
	[tilespmem:$0x1C800] =	vst v63  }
0x4a: {  	_ =	swait.ge [sflag:s2], $0x100  }
0x4b: {  	[sflag:s2] =	ssyncset.done $0x0  }
0x4c: {  	[sflag:s2] =	ssyncadd.s32 $0xFFFFFF00  }
0x4d: {  	[tilespmem:s5], [sflag:$0xC] =	stream.indirect.gather [hbm4b:s4+s26], $0x80, s21, s26, $0xb8;
	[tilespmem:$0x1C800] =	vst v63  }
0x4e: {  	_ =	swait.ge [sflag:s7], $0x2000  }
0x4f: {  	[sflag:s7] =	ssyncset.done $0x0  }
0x50: {  	s9 =	simm.s32 $0x80;
	[sflag:s7] =	ssyncadd.s32 $0xFFFFE000  }
0x51: {  	[spmem:s1] =	stream.indirect.scatter.add.f32 [tilespmem:s28], [sflag:$0xD], $0x80, s9, s26, $0xb8;
	[tilespmem:$0x1C800] =	vst v63  }
0x52: {  	_ =	swait.ge [sflag:s18], $0x2000  }
0x53: {  	s15 =	rddreg [dreg:$0xa];
	[sflag:s18] =	ssyncset.done $0x0  }
0x54: {  	[sflag:s18] =	ssyncadd.s32 $0xFFFFE000;
	s6 =	sadd.s32 $0x0, s15  }
0x55: {  	[tilespmem:s3], [sflag:$0x1] =	stream.linear.gather [hbm4b:s6+s3], $0x100, $0x38;
	[tilespmem:$0x1C800] =	vst v63  }
0x56: {  	_ =	swait.ge [sflag:s10], $0x100  }
0x57: {  	[sflag:s10] =	ssyncset.done $0x0  }
0x58: {  	[sflag:s10] =	ssyncadd.s32 $0xFFFFFF00  }
0x59: {  	[tilespmem:s28], [sflag:$0x9] =	stream.indirect.gather [hbm4b:s4+s26], $0x80, s22, s26, $0xb8;
	[tilespmem:$0x1C800] =	vst v63  }
0x5a: {  	_ =	swait.ge [sflag:s11], $0x2000  }
0x5b: {  	[sflag:s11] =	ssyncset.done $0x0  }
0x5c: {  	s9 =	simm.s32 $0x180;
	[sflag:s11] =	ssyncadd.s32 $0xFFFFE000  }
0x5d: {  	[spmem:s1] =	stream.indirect.scatter.add.f32 [tilespmem:s30], [sflag:$0xD], $0x80, s9, s26, $0xb8;
	[tilespmem:$0x1C800] =	vst v63  }
0x5e: {  	_ =	swait.ge [sflag:s18], $0x2000  }
0x5f: {  	s15 =	rddreg [dreg:$0x9];
	[sflag:s18] =	ssyncset.done $0x0  }
0x60: {  	[sflag:s18] =	ssyncadd.s32 $0xFFFFE000;
	s6 =	sadd.s32 $0x0, s15  }
0x61: {  	[tilespmem:s19], [sflag:$0x2] =	stream.linear.gather [hbm4b:s6+s3], $0x100, $0x38;
	[tilespmem:$0x1C800] =	vst v63  }
0x62: {  	_ =	swait.ge [sflag:s13], $0x100  }
0x63: {  	[sflag:s13] =	ssyncset.done $0x0  }
0x64: {  	[sflag:s13] =	ssyncadd.s32 $0xFFFFFF00  }
0x65: {  	[tilespmem:s30], [sflag:$0xA] =	stream.indirect.gather [hbm4b:s4+s26], $0x80, s23, s26, $0xb8;
	[tilespmem:$0x1C800] =	vst v63  }
0x66: {  	_ =	swait.ge [sflag:s14], $0x2000  }
0x67: {  	[sflag:s14] =	ssyncset.done $0x0  }
0x68: {  	s9 =	simm.s32 $0x280;
	[sflag:s14] =	ssyncadd.s32 $0xFFFFE000  }
0x69: {  	[spmem:s1] =	stream.indirect.scatter.add.f32 [tilespmem:s0], [sflag:$0xD], $0x80, s9, s26, $0xb8;
	[tilespmem:$0x1C800] =	vst v63  }
0x6a: {  	_ =	swait.ge [sflag:s18], $0x2000  }
0x6b: {  	s15 =	rddreg [dreg:$0x8];
	[sflag:s18] =	ssyncset.done $0x0  }
0x6c: {  	[sflag:s18] =	ssyncadd.s32 $0xFFFFE000;
	s6 =	sadd.s32 $0x0, s15  }
0x6d: {  	[tilespmem:s20], [sflag:$0x3] =	stream.linear.gather [hbm4b:s6+s3], $0x100, $0x38;
	[tilespmem:$0x1C800] =	vst v63  }
0x6e: {  	_ =	swait.ge [sflag:s16], $0x100  }
0x6f: {  	[sflag:s16] =	ssyncset.done $0x0  }
0x70: {  	[sflag:s16] =	ssyncadd.s32 $0xFFFFFF00  }
0x71: {  	[tilespmem:s0], [sflag:$0xB] =	stream.indirect.gather [hbm4b:s4+s26], $0x80, s24, s26, $0xb8;
	[tilespmem:$0x1C800] =	vst v63  }
0x72: {  	_ =	swait.ge [sflag:s17], $0x2000  }
0x73: {  	[sflag:s17] =	ssyncset.done $0x0  }
0x74: {  	s9 =	simm.s32 $0x380;
	[sflag:s17] =	ssyncadd.s32 $0xFFFFE000  }
0x75: {  	[spmem:s1] =	stream.indirect.scatter.add.f32 [tilespmem:s5], [sflag:$0xD], $0x80, s9, s26, $0xb8;
	[tilespmem:$0x1C800] =	vst v63  }
0x76: {  	_ =	swait.ge [sflag:s18], $0x2000  }
0x77: {  	s15 =	rddreg [dreg:$0x7];
	[sflag:s18] =	ssyncset.done $0x0  }
0x78: {  	[sflag:s18] =	ssyncadd.s32 $0xFFFFE000;
	s6 =	sadd.s32 $0x0, s15  }
0x79: {  	[tilespmem:s21], [sflag:$0x4] =	stream.linear.gather [hbm4b:s6+s3], $0x100, $0x38;
	[tilespmem:$0x1C800] =	vst v63  }
0x7a: {  	_ =	swait.ge [sflag:s8], $0x100  }
0x7b: {  	[sflag:s8] =	ssyncset.done $0x0  }
0x7c: {  	[sflag:s8] =	ssyncadd.s32 $0xFFFFFF00  }
0x7d: {  	[tilespmem:s5], [sflag:$0xC] =	stream.indirect.gather [hbm4b:s4+s26], $0x80, s25, s26, $0xb8;
	[tilespmem:$0x1C800] =	vst v63  }
0x7e: {  	_ =	swait.ge [sflag:s7], $0x2000  }
0x7f: {  	[sflag:s7] =	ssyncset.done $0x0  }
0x80: {  	s9 =	simm.s32 $0x480;
	[sflag:s7] =	ssyncadd.s32 $0xFFFFE000  }
0x81: {  	[spmem:s1] =	stream.indirect.scatter.add.f32 [tilespmem:s28], [sflag:$0xD], $0x80, s9, s26, $0xb8;
	[tilespmem:$0x1C800] =	vst v63  }
0x82: {  	_ =	swait.ge [sflag:s18], $0x2000  }
0x83: {  	s15 =	rddreg [dreg:$0x6];
	[sflag:s18] =	ssyncset.done $0x0  }
0x84: {  	[sflag:s18] =	ssyncadd.s32 $0xFFFFE000;
	s6 =	sadd.s32 $0x0, s15  }
0x85: {  	[tilespmem:s22], [sflag:$0x5] =	stream.linear.gather [hbm4b:s6+s3], $0x100, $0x38;
	[tilespmem:$0x1C800] =	vst v63  }
0x86: {  	_ =	swait.ge [sflag:s12], $0x100  }
0x87: {  	[sflag:s12] =	ssyncset.done $0x0  }
0x88: {  	[sflag:s12] =	ssyncadd.s32 $0xFFFFFF00  }
0x89: {  	[tilespmem:s28], [sflag:$0x9] =	stream.indirect.gather [hbm4b:s4+s26], $0x80, s3, s26, $0xb8;
	[tilespmem:$0x1C800] =	vst v63  }
0x8a: {  	_ =	swait.ge [sflag:s11], $0x2000  }
0x8b: {  	[sflag:s11] =	ssyncset.done $0x0  }
0x8c: {  	s9 =	simm.s32 $0x580;
	[sflag:s11] =	ssyncadd.s32 $0xFFFFE000  }
0x8d: {  	[spmem:s1] =	stream.indirect.scatter.add.f32 [tilespmem:s30], [sflag:$0xD], $0x80, s9, s26, $0xb8;
	[tilespmem:$0x1C800] =	vst v63  }
0x8e: {  	_ =	swait.ge [sflag:s18], $0x2000  }
0x8f: {  	s15 =	rddreg [dreg:$0x5];
	[sflag:s18] =	ssyncset.done $0x0  }
0x90: {  	[sflag:s18] =	ssyncadd.s32 $0xFFFFE000;
	s6 =	sadd.s32 $0x0, s15  }
0x91: {  	[tilespmem:s23], [sflag:$0x6] =	stream.linear.gather [hbm4b:s6+s3], $0x100, $0x38;
	[tilespmem:$0x1C800] =	vst v63  }
0x92: {  	_ =	swait.ge [sflag:s29], $0x100  }
0x93: {  	[sflag:s29] =	ssyncset.done $0x0  }
0x94: {  	[sflag:s29] =	ssyncadd.s32 $0xFFFFFF00  }
0x95: {  	[tilespmem:s30], [sflag:$0xA] =	stream.indirect.gather [hbm4b:s4+s26], $0x80, s19, s26, $0xb8;
	[tilespmem:$0x1C800] =	vst v63  }
0x96: {  	_ =	swait.ge [sflag:s14], $0x2000  }
0x97: {  	[sflag:s14] =	ssyncset.done $0x0  }
0x98: {  	s9 =	simm.s32 $0x680;
	[sflag:s14] =	ssyncadd.s32 $0xFFFFE000  }
0x99: {  	[spmem:s1] =	stream.indirect.scatter.add.f32 [tilespmem:s0], [sflag:$0xD], $0x80, s9, s26, $0xb8;
	[tilespmem:$0x1C800] =	vst v63  }
0x9a: {  	_ =	swait.ge [sflag:s18], $0x2000  }
0x9b: {  	s15 =	rddreg [dreg:$0x4];
	[sflag:s18] =	ssyncset.done $0x0  }
0x9c: {  	[sflag:s18] =	ssyncadd.s32 $0xFFFFE000;
	s6 =	sadd.s32 $0x0, s15  }
0x9d: {  	[tilespmem:s24], [sflag:$0x7] =	stream.linear.gather [hbm4b:s6+s3], $0x100, $0x38;
	[tilespmem:$0x1C800] =	vst v63  }
0x9e: {  	_ =	swait.ge [sflag:s31], $0x100  }
0x9f: {  	[sflag:s31] =	ssyncset.done $0x0  }
0xa0: {  	[sflag:s31] =	ssyncadd.s32 $0xFFFFFF00  }
0xa1: {  	[tilespmem:s0], [sflag:$0xB] =	stream.indirect.gather [hbm4b:s4+s26], $0x80, s20, s26, $0xb8;
	[tilespmem:$0x1C800] =	vst v63  }
0xa2: {  	_ =	swait.ge [sflag:s17], $0x2000  }
0xa3: {  	[sflag:s17] =	ssyncset.done $0x0  }
0xa4: {  	s9 =	simm.s32 $0x780;
	[sflag:s17] =	ssyncadd.s32 $0xFFFFE000  }
0xa5: {  	[spmem:s1] =	stream.indirect.scatter.add.f32 [tilespmem:s5], [sflag:$0xD], $0x80, s9, s26, $0xb8;
	[tilespmem:$0x1C800] =	vst v63  }
0xa6: {  	_ =	swait.ge [sflag:s18], $0x2000  }
0xa7: {  	s15 =	rddreg [dreg:$0x3];
	[sflag:s18] =	ssyncset.done $0x0  }
0xa8: {  	[sflag:s18] =	ssyncadd.s32 $0xFFFFE000;
	s6 =	sadd.s32 $0x0, s15  }
0xa9: {  	[tilespmem:s25], [sflag:$0x8] =	stream.linear.gather [hbm4b:s6+s3], $0x100, $0x38;
	[tilespmem:$0x1C800] =	vst v63  }
0xaa: {  	_ =	swait.ge [sflag:s2], $0x100  }
0xab: {  	[sflag:s2] =	ssyncset.done $0x0  }
0xac: {  	s15 =	simm.s32 $0x100;
	[sflag:s2] =	ssyncadd.s32 $0xFFFFFF00  }
.LBB2_2:
0xad: {  	[tilespmem:s5], [sflag:$0xC] =	stream.indirect.gather [hbm4b:s4+s26], $0x80, s21, s26, $0xb8;
	[tilespmem:$0x1C800] =	vst v63  }
0xae: {  	_ =	swait.ge [sflag:s7], $0x2000  }
0xaf: {  	[sflag:s7] =	ssyncset.done $0x0  }
0xb0: {  	s9 =	simm.s32 $0x80;
	[sflag:s7] =	ssyncadd.s32 $0xFFFFE000  }
0xb1: {  	[spmem:s1] =	stream.indirect.scatter.add.f32 [tilespmem:s28], [sflag:$0xD], $0x80, s9, s26, $0xb8;
	[tilespmem:$0x1C800] =	vst v63  }
0xb2: {  	_ =	swait.ge [sflag:s18], $0x2000  }
0xb3: {  	s6 =	smov.u32 s15;
	s9 =	rddreg [dreg:$0xa];
	[sflag:s18] =	ssyncset.done $0x0  }
0xb4: {  	[sflag:s18] =	ssyncadd.s32 $0xFFFFE000;
	s9 =	sadd.s32 s6, s9  }
0xb5: {  	[tilespmem:s3], [sflag:$0x1] =	stream.linear.gather [hbm4b:s9+s3], $0x100, $0x38;
	[tilespmem:$0x1C800] =	vst v63  }
0xb6: {  	_ =	swait.ge [sflag:s10], $0x100  }
0xb7: {  	[sflag:s10] =	ssyncset.done $0x0  }
0xb8: {  	[sflag:s10] =	ssyncadd.s32 $0xFFFFFF00  }
0xb9: {  	[tilespmem:s28], [sflag:$0x9] =	stream.indirect.gather [hbm4b:s4+s26], $0x80, s22, s26, $0xb8;
	[tilespmem:$0x1C800] =	vst v63  }
0xba: {  	_ =	swait.ge [sflag:s11], $0x2000  }
0xbb: {  	[sflag:s11] =	ssyncset.done $0x0  }
0xbc: {  	s9 =	simm.s32 $0x180;
	[sflag:s11] =	ssyncadd.s32 $0xFFFFE000  }
0xbd: {  	[spmem:s1] =	stream.indirect.scatter.add.f32 [tilespmem:s30], [sflag:$0xD], $0x80, s9, s26, $0xb8;
	[tilespmem:$0x1C800] =	vst v63  }
0xbe: {  	_ =	swait.ge [sflag:s18], $0x2000  }
0xbf: {  	s9 =	rddreg [dreg:$0x9];
	[sflag:s18] =	ssyncset.done $0x0  }
0xc0: {  	[sflag:s18] =	ssyncadd.s32 $0xFFFFE000;
	s9 =	sadd.s32 s6, s9  }
0xc1: {  	[tilespmem:s19], [sflag:$0x2] =	stream.linear.gather [hbm4b:s9+s3], $0x100, $0x38;
	[tilespmem:$0x1C800] =	vst v63  }
0xc2: {  	_ =	swait.ge [sflag:s13], $0x100  }
0xc3: {  	[sflag:s13] =	ssyncset.done $0x0  }
0xc4: {  	[sflag:s13] =	ssyncadd.s32 $0xFFFFFF00  }
0xc5: {  	[tilespmem:s30], [sflag:$0xA] =	stream.indirect.gather [hbm4b:s4+s26], $0x80, s23, s26, $0xb8;
	[tilespmem:$0x1C800] =	vst v63  }
0xc6: {  	_ =	swait.ge [sflag:s14], $0x2000  }
0xc7: {  	[sflag:s14] =	ssyncset.done $0x0  }
0xc8: {  	s9 =	simm.s32 $0x280;
	[sflag:s14] =	ssyncadd.s32 $0xFFFFE000  }
0xc9: {  	[spmem:s1] =	stream.indirect.scatter.add.f32 [tilespmem:s0], [sflag:$0xD], $0x80, s9, s26, $0xb8;
	[tilespmem:$0x1C800] =	vst v63  }
0xca: {  	_ =	swait.ge [sflag:s18], $0x2000  }
0xcb: {  	s9 =	rddreg [dreg:$0x8];
	[sflag:s18] =	ssyncset.done $0x0  }
0xcc: {  	[sflag:s18] =	ssyncadd.s32 $0xFFFFE000;
	s9 =	sadd.s32 s6, s9  }
0xcd: {  	[tilespmem:s20], [sflag:$0x3] =	stream.linear.gather [hbm4b:s9+s3], $0x100, $0x38;
	[tilespmem:$0x1C800] =	vst v63  }
0xce: {  	_ =	swait.ge [sflag:s16], $0x100  }
0xcf: {  	[sflag:s16] =	ssyncset.done $0x0  }
0xd0: {  	[sflag:s16] =	ssyncadd.s32 $0xFFFFFF00  }
0xd1: {  	[tilespmem:s0], [sflag:$0xB] =	stream.indirect.gather [hbm4b:s4+s26], $0x80, s24, s26, $0xb8;
	[tilespmem:$0x1C800] =	vst v63  }
0xd2: {  	_ =	swait.ge [sflag:s17], $0x2000  }
0xd3: {  	[sflag:s17] =	ssyncset.done $0x0  }
0xd4: {  	s9 =	simm.s32 $0x380;
	[sflag:s17] =	ssyncadd.s32 $0xFFFFE000  }
0xd5: {  	[spmem:s1] =	stream.indirect.scatter.add.f32 [tilespmem:s5], [sflag:$0xD], $0x80, s9, s26, $0xb8;
	[tilespmem:$0x1C800] =	vst v63  }
0xd6: {  	_ =	swait.ge [sflag:s18], $0x2000  }
0xd7: {  	s9 =	rddreg [dreg:$0x7];
	[sflag:s18] =	ssyncset.done $0x0  }
0xd8: {  	[sflag:s18] =	ssyncadd.s32 $0xFFFFE000;
	s9 =	sadd.s32 s6, s9  }
0xd9: {  	[tilespmem:s21], [sflag:$0x4] =	stream.linear.gather [hbm4b:s9+s3], $0x100, $0x38;
	[tilespmem:$0x1C800] =	vst v63  }
0xda: {  	_ =	swait.ge [sflag:s8], $0x100  }
0xdb: {  	[sflag:s8] =	ssyncset.done $0x0  }
0xdc: {  	[sflag:s8] =	ssyncadd.s32 $0xFFFFFF00  }
0xdd: {  	[tilespmem:s5], [sflag:$0xC] =	stream.indirect.gather [hbm4b:s4+s26], $0x80, s25, s26, $0xb8;
	[tilespmem:$0x1C800] =	vst v63  }
0xde: {  	_ =	swait.ge [sflag:s7], $0x2000  }
0xdf: {  	[sflag:s7] =	ssyncset.done $0x0  }
0xe0: {  	s9 =	simm.s32 $0x480;
	[sflag:s7] =	ssyncadd.s32 $0xFFFFE000  }
0xe1: {  	[spmem:s1] =	stream.indirect.scatter.add.f32 [tilespmem:s28], [sflag:$0xD], $0x80, s9, s26, $0xb8;
	[tilespmem:$0x1C800] =	vst v63  }
0xe2: {  	_ =	swait.ge [sflag:s18], $0x2000  }
0xe3: {  	s9 =	rddreg [dreg:$0x6];
	[sflag:s18] =	ssyncset.done $0x0  }
0xe4: {  	[sflag:s18] =	ssyncadd.s32 $0xFFFFE000;
	s9 =	sadd.s32 s6, s9  }
0xe5: {  	[tilespmem:s22], [sflag:$0x5] =	stream.linear.gather [hbm4b:s9+s3], $0x100, $0x38;
	[tilespmem:$0x1C800] =	vst v63  }
0xe6: {  	_ =	swait.ge [sflag:s12], $0x100  }
0xe7: {  	[sflag:s12] =	ssyncset.done $0x0  }
0xe8: {  	[sflag:s12] =	ssyncadd.s32 $0xFFFFFF00  }
0xe9: {  	[tilespmem:s28], [sflag:$0x9] =	stream.indirect.gather [hbm4b:s4+s26], $0x80, s3, s26, $0xb8;
	[tilespmem:$0x1C800] =	vst v63  }
0xea: {  	_ =	swait.ge [sflag:s11], $0x2000  }
0xeb: {  	[sflag:s11] =	ssyncset.done $0x0  }
0xec: {  	s9 =	simm.s32 $0x580;
	[sflag:s11] =	ssyncadd.s32 $0xFFFFE000  }
0xed: {  	[spmem:s1] =	stream.indirect.scatter.add.f32 [tilespmem:s30], [sflag:$0xD], $0x80, s9, s26, $0xb8;
	[tilespmem:$0x1C800] =	vst v63  }
0xee: {  	_ =	swait.ge [sflag:s18], $0x2000  }
0xef: {  	s9 =	rddreg [dreg:$0x5];
	[sflag:s18] =	ssyncset.done $0x0  }
0xf0: {  	[sflag:s18] =	ssyncadd.s32 $0xFFFFE000;
	s9 =	sadd.s32 s6, s9  }
0xf1: {  	[tilespmem:s23], [sflag:$0x6] =	stream.linear.gather [hbm4b:s9+s3], $0x100, $0x38;
	[tilespmem:$0x1C800] =	vst v63  }
0xf2: {  	_ =	swait.ge [sflag:s29], $0x100  }
0xf3: {  	[sflag:s29] =	ssyncset.done $0x0  }
0xf4: {  	[sflag:s29] =	ssyncadd.s32 $0xFFFFFF00  }
0xf5: {  	[tilespmem:s30], [sflag:$0xA] =	stream.indirect.gather [hbm4b:s4+s26], $0x80, s19, s26, $0xb8;
	[tilespmem:$0x1C800] =	vst v63  }
0xf6: {  	_ =	swait.ge [sflag:s14], $0x2000  }
0xf7: {  	[sflag:s14] =	ssyncset.done $0x0  }
0xf8: {  	s9 =	simm.s32 $0x680;
	[sflag:s14] =	ssyncadd.s32 $0xFFFFE000  }
0xf9: {  	[spmem:s1] =	stream.indirect.scatter.add.f32 [tilespmem:s0], [sflag:$0xD], $0x80, s9, s26, $0xb8;
	[tilespmem:$0x1C800] =	vst v63  }
0xfa: {  	_ =	swait.ge [sflag:s18], $0x2000  }
0xfb: {  	s9 =	rddreg [dreg:$0x4];
	[sflag:s18] =	ssyncset.done $0x0  }
0xfc: {  	[sflag:s18] =	ssyncadd.s32 $0xFFFFE000;
	s9 =	sadd.s32 s6, s9  }
0xfd: {  	[tilespmem:s24], [sflag:$0x7] =	stream.linear.gather [hbm4b:s9+s3], $0x100, $0x38;
	[tilespmem:$0x1C800] =	vst v63  }
0xfe: {  	_ =	swait.ge [sflag:s31], $0x100  }
0xff: {  	[sflag:s31] =	ssyncset.done $0x0  }
0x100: {  	[sflag:s31] =	ssyncadd.s32 $0xFFFFFF00  }
0x101: {  	[tilespmem:s0], [sflag:$0xB] =	stream.indirect.gather [hbm4b:s4+s26], $0x80, s20, s26, $0xb8;
	[tilespmem:$0x1C800] =	vst v63  }
0x102: {  	_ =	swait.ge [sflag:s17], $0x2000  }
0x103: {  	[sflag:s17] =	ssyncset.done $0x0  }
0x104: {  	s9 =	simm.s32 $0x780;
	[sflag:s17] =	ssyncadd.s32 $0xFFFFE000  }
0x105: {  	[spmem:s1] =	stream.indirect.scatter.add.f32 [tilespmem:s5], [sflag:$0xD], $0x80, s9, s26, $0xb8;
	[tilespmem:$0x1C800] =	vst v63  }
0x106: {  	_ =	swait.ge [sflag:s18], $0x2000  }
0x107: {  	p0 =	sne.s32 s15, $0x1200;
	s9 =	rddreg [dreg:$0x3];
	[sflag:s18] =	ssyncset.done $0x0  }
.Ltmp0:
0x108: {  	[sflag:s18] =	ssyncadd.s32 $0xFFFFE000;
	s6 =	sadd.s32 s6, s9;
	(pc) =	sbr.rel @p0 .LBB2_2-.Ltmp0, $4  }
0x109: {  	[tilespmem:s25], [sflag:$0x8] =	stream.linear.gather [hbm4b:s6+s3], $0x100, $0x38;
	[tilespmem:$0x1C800] =	vst v63  }
0x10a: {  	_ =	swait.ge [sflag:s2], $0x100  }
0x10b: {  	[sflag:s2] =	ssyncset.done $0x0  }
0x10c: {  	s15 =	sadd.s32 $0x100, s15;
	[sflag:s2] =	ssyncadd.s32 $0xFFFFFF00  }
0x10d: {  	[tilespmem:s5], [sflag:$0xC] =	stream.indirect.gather [hbm4b:s4+s26], $0x80, s21, s26, $0xb8;
	[tilespmem:$0x1C800] =	vst v63  }
0x10e: {  	_ =	swait.ge [sflag:s7], $0x2000  }
0x10f: {  	[sflag:s7] =	ssyncset.done $0x0  }
0x110: {  	s6 =	simm.s32 $0x80;
	[sflag:s7] =	ssyncadd.s32 $0xFFFFE000  }
0x111: {  	[spmem:s1] =	stream.indirect.scatter.add.f32 [tilespmem:s28], [sflag:$0xD], $0x80, s6, s26, $0xb8;
	[tilespmem:$0x1C800] =	vst v63  }
0x112: {  	_ =	swait.ge [sflag:s18], $0x2000  }
0x113: {  	[sflag:s18] =	ssyncset.done $0x0  }
0x114: {  	[sflag:s18] =	ssyncadd.s32 $0xFFFFE000  }
0x115: {  	_ =	swait.ge [sflag:s10], $0x100  }
0x116: {  	[sflag:s10] =	ssyncset.done $0x0  }
0x117: {  	[sflag:s10] =	ssyncadd.s32 $0xFFFFFF00  }
0x118: {  	[tilespmem:s28], [sflag:$0x9] =	stream.indirect.gather [hbm4b:s4+s26], $0x80, s22, s26, $0xb8;
	[tilespmem:$0x1C800] =	vst v63  }
0x119: {  	_ =	swait.ge [sflag:s11], $0x2000  }
0x11a: {  	[sflag:s11] =	ssyncset.done $0x0  }
0x11b: {  	s15 =	simm.s32 $0x180;
	[sflag:s11] =	ssyncadd.s32 $0xFFFFE000  }
0x11c: {  	[spmem:s1] =	stream.indirect.scatter.add.f32 [tilespmem:s30], [sflag:$0xD], $0x80, s15, s26, $0xb8;
	[tilespmem:$0x1C800] =	vst v63  }
0x11d: {  	_ =	swait.ge [sflag:s18], $0x2000  }
0x11e: {  	[sflag:s18] =	ssyncset.done $0x0  }
0x11f: {  	[sflag:s18] =	ssyncadd.s32 $0xFFFFE000  }
0x120: {  	_ =	swait.ge [sflag:s13], $0x100  }
0x121: {  	[sflag:s13] =	ssyncset.done $0x0  }
0x122: {  	[sflag:s13] =	ssyncadd.s32 $0xFFFFFF00  }
0x123: {  	[tilespmem:s30], [sflag:$0xA] =	stream.indirect.gather [hbm4b:s4+s26], $0x80, s23, s26, $0xb8;
	[tilespmem:$0x1C800] =	vst v63  }
0x124: {  	_ =	swait.ge [sflag:s14], $0x2000  }
0x125: {  	[sflag:s14] =	ssyncset.done $0x0  }
0x126: {  	s9 =	simm.s32 $0x280;
	[sflag:s14] =	ssyncadd.s32 $0xFFFFE000  }
0x127: {  	[spmem:s1] =	stream.indirect.scatter.add.f32 [tilespmem:s0], [sflag:$0xD], $0x80, s9, s26, $0xb8;
	[tilespmem:$0x1C800] =	vst v63  }
0x128: {  	_ =	swait.ge [sflag:s18], $0x2000  }
0x129: {  	[sflag:s18] =	ssyncset.done $0x0  }
0x12a: {  	[sflag:s18] =	ssyncadd.s32 $0xFFFFE000  }
0x12b: {  	_ =	swait.ge [sflag:s16], $0x100  }
0x12c: {  	[sflag:s16] =	ssyncset.done $0x0  }
0x12d: {  	[sflag:s16] =	ssyncadd.s32 $0xFFFFFF00  }
0x12e: {  	[tilespmem:s0], [sflag:$0xB] =	stream.indirect.gather [hbm4b:s4+s26], $0x80, s24, s26, $0xb8;
	[tilespmem:$0x1C800] =	vst v63  }
0x12f: {  	_ =	swait.ge [sflag:s17], $0x2000  }
0x130: {  	[sflag:s17] =	ssyncset.done $0x0  }
0x131: {  	s15 =	simm.s32 $0x380;
	[sflag:s17] =	ssyncadd.s32 $0xFFFFE000  }
0x132: {  	[spmem:s1] =	stream.indirect.scatter.add.f32 [tilespmem:s5], [sflag:$0xD], $0x80, s15, s26, $0xb8;
	[tilespmem:$0x1C800] =	vst v63  }
0x133: {  	_ =	swait.ge [sflag:s18], $0x2000  }
0x134: {  	[sflag:s18] =	ssyncset.done $0x0  }
0x135: {  	[sflag:s18] =	ssyncadd.s32 $0xFFFFE000  }
0x136: {  	_ =	swait.ge [sflag:s8], $0x100  }
0x137: {  	[sflag:s8] =	ssyncset.done $0x0  }
0x138: {  	[sflag:s8] =	ssyncadd.s32 $0xFFFFFF00  }
0x139: {  	[tilespmem:s5], [sflag:$0xC] =	stream.indirect.gather [hbm4b:s4+s26], $0x80, s25, s26, $0xb8;
	[tilespmem:$0x1C800] =	vst v63  }
0x13a: {  	_ =	swait.ge [sflag:s7], $0x2000  }
0x13b: {  	[sflag:s7] =	ssyncset.done $0x0  }
0x13c: {  	s9 =	simm.s32 $0x480;
	[sflag:s7] =	ssyncadd.s32 $0xFFFFE000  }
0x13d: {  	[spmem:s1] =	stream.indirect.scatter.add.f32 [tilespmem:s28], [sflag:$0xD], $0x80, s9, s26, $0xb8;
	[tilespmem:$0x1C800] =	vst v63  }
0x13e: {  	_ =	swait.ge [sflag:s18], $0x2000  }
0x13f: {  	[sflag:s18] =	ssyncset.done $0x0  }
0x140: {  	[sflag:s18] =	ssyncadd.s32 $0xFFFFE000  }
0x141: {  	_ =	swait.ge [sflag:s11], $0x2000  }
0x142: {  	[sflag:s11] =	ssyncset.done $0x0  }
0x143: {  	s15 =	simm.s32 $0x580;
	[sflag:s11] =	ssyncadd.s32 $0xFFFFE000  }
0x144: {  	[spmem:s1] =	stream.indirect.scatter.add.f32 [tilespmem:s30], [sflag:$0xD], $0x80, s15, s26, $0xb8;
	[tilespmem:$0x1C800] =	vst v63  }
0x145: {  	_ =	swait.ge [sflag:s18], $0x2000  }
0x146: {  	[sflag:s18] =	ssyncset.done $0x0  }
0x147: {  	[sflag:s18] =	ssyncadd.s32 $0xFFFFE000  }
0x148: {  	_ =	swait.ge [sflag:s14], $0x2000  }
0x149: {  	[sflag:s14] =	ssyncset.done $0x0  }
0x14a: {  	s9 =	simm.s32 $0x680;
	[sflag:s14] =	ssyncadd.s32 $0xFFFFE000  }
0x14b: {  	[spmem:s1] =	stream.indirect.scatter.add.f32 [tilespmem:s0], [sflag:$0xD], $0x80, s9, s26, $0xb8;
	[tilespmem:$0x1C800] =	vst v63  }
0x14c: {  	_ =	swait.ge [sflag:s18], $0x2000  }
0x14d: {  	[sflag:s18] =	ssyncset.done $0x0  }
0x14e: {  	[sflag:s18] =	ssyncadd.s32 $0xFFFFE000  }
0x14f: {  	_ =	swait.ge [sflag:s17], $0x2000  }
0x150: {  	[sflag:s17] =	ssyncset.done $0x0  }
0x151: {  	s15 =	simm.s32 $0x780;
	[sflag:s17] =	ssyncadd.s32 $0xFFFFE000  }
0x152: {  	[spmem:s1] =	stream.indirect.scatter.add.f32 [tilespmem:s5], [sflag:$0xD], $0x80, s15, s26, $0xb8;
	[tilespmem:$0x1C800] =	vst v63  }
0x153: {  	_ =	swait.ge [sflag:s18], $0x2000  }
0x154: {  	[sflag:s18] =	ssyncset.done $0x0  }
0x155: {  	[sflag:s18] =	ssyncadd.s32 $0xFFFFE000  }
0x156: {  	[bflag:$0x0] =	sbarrier.arrive $0xFFFF  }
0x157: {  	s15 =	rddreg [dreg:$0xe]  }
0x158: {  	s6 =	rddreg [dreg:$0x16]  }
0x159: {  	s9 =	rddreg [dreg:$0x19]  }
0x15a: {  	[hbm:s6], [sflag:s15] =	dma.local [spmem:s9], $0x2800  }
0x15b: {  	_ =	swait.ge [sflag:s18], $0x2800  }
0x15c: {  	s6 =	rddreg [dreg:$0x18]  }
0x15d: {  	s9 =	sadd.s32 $0x1, s6;
	s6 =	rddreg [dreg:$0x17]  }
0x15e: {  	p0 =	sne.s32 s9, s6  }
.Ltmp1:
0x15f: {  	_ = 	snop;
	(pc) =	sbr.rel @p0 .LBB2_1-.Ltmp1, $3  }
0x160: {  	_ =	sdelay $0x1  }
0x161: {  	[sflag:s18] =	ssyncset.done $0x0  }
0x162: {  	[sflag:s18] =	ssyncadd.s32 $0xFFFFD800  }
0x163: {  	_ =	sfence.sel $0x180000  }
0x164: {  	[bflag:$0x0] =	sbarrier.arrive $0xFFFF  }
0x165: {  	_ =	strace $0x9000004D  }
0x166: {  	s0 =	stileid.u32;
	[bflag:$0x2] =	sbarrier.arrive $0xFFFF  }
0x167: {  	p0 =	sne.s32 s0, $0x0;
	s0 =	rddreg [dreg:$0x2]  }
0x168: {  	s0 =	sadd.s32 @!p0 $0x100000, s0  }
0x169: {  	[sflag:s0] =	ssyncadd.tile.s32 @!p0 $0x1;
	_ =	shalt  }
.Lfunc_end2:
_tile_overlayer_lowered:
.L_overlay_start_2:
0x16a: {  	(tag) =	ssettag $0x2  }
0x16b: {  	s0 =	rddreg [dreg:$0x0];
	s2 =	stileid.u32  }
0x16c: {  	s1 =	rddreg [dreg:$0x1];
	p0 =	sne.s32 s2, $0x0  }
0x16d: {  	s3 =	rddreg [dreg:$0x2];
	[bflag:$0x3] =	sbarrier.arrive $0xFFFF;
	s2 =	simm.s32 @!p0 $0x1C0D  }
0x16e: {  	[timem:s3], [sflag:s2] =	dma.local @!p0 [hbm:s0], s1  }
0x16f: {  	s0 =	simm.s32 @!p0 $0xD  }
0x170: {  	_ =	swait.ge @!p0 [sflag:s0], s1  }
0x171: {  	s1 =	ssub.s32 @!p0 $0x0, s1;
	[sflag:s0] =	ssyncset.done @!p0 $0x0  }
0x172: {  	[sflag:s0] =	ssyncadd.s32 @!p0 s1  }
0x173: {  	[bflag:$0x3] =	sbarrier.arrive $0xFFFF  }
0x174: {  	_ =	shalt  }

// kernel: kernel.8.cloned.1.call-start
scs
__scs_entry_jumppad:
0x0: {  	(pc) =	sbr.rel $0x88, $3  }
0x1: {  	(tag) =	ssettag $0x0;
	lr =	simm.s32 $0x1  }
0x2: {  	[smem:$0x3F9B] =	sst lr;
	_ =	strace $0xD0000000  }
0x3: {  	_ = 	snop  }
0x4: {  	_ = 	snop  }
0x5: {  	_ = 	snop  }
0x6: {  	_ = 	snop  }
0x7: {  	_ = 	snop  }
__scs_overlays_trampoline_lowered:
0x8: {  	[smem:$0x3FAA] =	sst s0  }
0x9: {  	[smem:$0x3FAB] =	sst s1  }
0xa: {  	[smem:$0x3FAC] =	sst s2  }
0xb: {  	[smem:$0x3FAD] =	sst s3  }
0xc: {  	[smem:$0x3FAE] =	sst s4  }
0xd: {  	[smem:$0x3FAF] =	sst s5  }
0xe: {  	[smem:$0x3FB0] =	sst s6  }
0xf: {  	[smem:$0x3FB1] =	sst s7  }
0x10: {  	[smem:$0x3FB2] =	sst s8  }
0x11: {  	[smem:$0x3FB3] =	sst s9;
	s0 =	simm.s32 @!p0 $0x0  }
0x12: {  	s1 =	sld [smem:$0x3F99];
	s0 =	simm.s32 @p0 $0x1  }
0x13: {  	[smem:$0x3FB4] =	sst s0;
	s0 =	simm.s32 @!p1 $0x0  }
0x14: {  	s2 =	sld [smem:$0x3F98];
	s0 =	simm.s32 @p1 $0x1  }
0x15: {  	[smem:$0x3FB5] =	sst s0;
	s0 =	simm.s32 @!p2 $0x0  }
0x16: {  	s3 =	sld [smem:$0x3FDB];
	s0 =	simm.s32 @p2 $0x1  }
0x17: {  	s4 =	simm.s32 $0x1BF5;
	[smem:$0x3FB7] =	sst s0  }
0x18: {  	s0 =	sld [smem:$0x3F9A];
	_ =	swait.ge [sflag:s4], $0x0  }
0x19: {  	s7 =	sld [smem:$0x3F9B]  }
0x1a: {  	s8 =	sadd.s32 $0xFFFFE003, lr  }
0x1b: {  	s9 =	sadd.s32 $0xFFFFFEF7, lr;
	s5 =	simm.s32 $0xFFFFFFFF;
	p2 =	slt.u32 s8, $0xFFFFF086  }
0x1c: {  	p1 =	slt.u32 s9, $0xF7A;
	s5 =	simm.s32 @!p2 $0x0  }
0x1d: {  	s5 =	simm.s32 @p1 $0x1;
	p0 =	seq.s32 s7, s2  }
0x1e: {  	s7 =	smul.u32 @!p0 $0xF7A, s2;
	p2 =	seq.s32 @!p0 s5, $0x0  }
0x1f: {  	s9 =	smul.u32 $0xF7A, s1;
	s8 =	simm.s32 @!p0 $0x1BF5;
	p2 =	por !p2, p0  }
0x20: {  	[sflag:s8] =	ssyncset.s32 @!p0 $0xFFFFF086;
	s6 =	sadd.s32 @!p0 s3, s7;
	s7 =	simm.s32 @!p0 $0x108  }
0x21: {  	s3 =	sadd.s32 s3, s9;
	s6 =	sadd.s32 @!p0 $0x88, s6;
	s7 =	simm.s32 @p2 $0x1082  }
0x22: {  	[simem:s7], [sflag:s8] =	dma.local @!p0 [hbm:s6], $0xF7A  }
0x23: {  	s9 =	sor.u32 $0xD0000000, s2;
	s6 =	simm.s32 $0x108;
	_ =	swait.ge @!p0 [sflag:s8], $0x0  }
0x24: {  	s3 =	sadd.s32 $0x88, s3;
	s6 =	simm.s32 @!p1 $0x1082;
	[sflag:s4] =	ssyncset.s32 $0xFFFFF086  }
0x25: {  	[simem:s6], [sflag:s4] =	dma.local [hbm:s3], $0xF7A  }
0x26: {  	[smem:$0x3F9B] =	sst s1;
	(tag) =	ssettag s2;
	_ =	strace s9  }
0x27: {  	s1 =	sld [smem:$0x3FAB]  }
0x28: {  	s2 =	sld [smem:$0x3FAC]  }
0x29: {  	s4 =	sld [smem:$0x3FAE]  }
0x2a: {  	p0 =	seq.s32 s5, $0x0;
	s5 =	sld [smem:$0x3FAF]  }
0x2b: {  	s6 =	sld [smem:$0x3FB0]  }
0x2c: {  	s7 =	sld [smem:$0x3FB1]  }
0x2d: {  	s3 =	simm.s32 $0x108;
	s8 =	sld [smem:$0x3FB2]  }
0x2e: {  	s3 =	simm.s32 @!p0 $0x1082;
	s9 =	sld [smem:$0x3FB3]  }
0x2f: {  	lr =	sadd.s32 s0, s3;
	s0 =	sld [smem:$0x3FAA]  }
0x30: {  	s3 =	sld [smem:$0x3FAD]  }
0x31: {  	[smem:$0x3FB6] =	sst s10  }
0x32: {  	s10 =	sld [smem:$0x3FB4];
	_ =	sdelay $0x3  }
0x33: {  	p0 =	seq.s32 s10, $0x1;
	s10 =	sld [smem:$0x3FB6];
	_ =	sdelay $0x3  }
0x34: {  	[smem:$0x3FB6] =	sst s10  }
0x35: {  	s10 =	sld [smem:$0x3FB5];
	_ =	sdelay $0x3  }
0x36: {  	p1 =	seq.s32 s10, $0x1;
	s10 =	sld [smem:$0x3FB6];
	_ =	sdelay $0x3  }
0x37: {  	[smem:$0x3FB6] =	sst s10  }
0x38: {  	s10 =	sld [smem:$0x3FB7]  }
0x39: {  	_ = 	snop;
	(pc) =	sbr.ind lr, $3  }
0x3a: {  	_ = 	snop  }
0x3b: {  	_ = 	snop  }
0x3c: {  	p2 =	seq.s32 s10, $0x1;
	s10 =	sld [smem:$0x3FB6]  }
0x3d: {  	_ =	shalt  }
0x3e: {  	_ =	shalt  }
0x3f: {  	_ =	shalt  }
0x40: {  	_ =	shalt  }
0x41: {  	_ =	shalt  }
0x42: {  	_ =	shalt  }
0x43: {  	_ =	shalt  }
0x44: {  	_ =	shalt  }
0x45: {  	_ =	shalt  }
0x46: {  	_ =	shalt  }
0x47: {  	_ =	shalt  }
0x48: {  	_ =	shalt  }
0x49: {  	_ =	shalt  }
0x4a: {  	_ =	shalt  }
0x4b: {  	_ =	shalt  }
0x4c: {  	_ =	shalt  }
0x4d: {  	_ =	shalt  }
0x4e: {  	_ =	shalt  }
0x4f: {  	_ =	shalt  }
0x50: {  	_ =	shalt  }
0x51: {  	_ =	shalt  }
0x52: {  	_ =	shalt  }
0x53: {  	_ =	shalt  }
0x54: {  	_ =	shalt  }
0x55: {  	_ =	shalt  }
0x56: {  	_ =	shalt  }
0x57: {  	_ =	shalt  }
0x58: {  	_ =	shalt  }
0x59: {  	_ =	shalt  }
0x5a: {  	_ =	shalt  }
0x5b: {  	_ =	shalt  }
0x5c: {  	_ =	shalt  }
0x5d: {  	_ =	shalt  }
0x5e: {  	_ =	shalt  }
0x5f: {  	_ =	shalt  }
0x60: {  	_ =	shalt  }
0x61: {  	_ =	shalt  }
0x62: {  	_ =	shalt  }
0x63: {  	_ =	shalt  }
0x64: {  	_ =	shalt  }
0x65: {  	_ =	shalt  }
0x66: {  	_ =	shalt  }
0x67: {  	_ =	shalt  }
0x68: {  	_ =	shalt  }
0x69: {  	_ =	shalt  }
0x6a: {  	_ =	shalt  }
0x6b: {  	_ =	shalt  }
0x6c: {  	_ =	shalt  }
0x6d: {  	_ =	shalt  }
0x6e: {  	_ =	shalt  }
0x6f: {  	_ =	shalt  }
0x70: {  	_ =	shalt  }
0x71: {  	_ =	shalt  }
0x72: {  	_ =	shalt  }
0x73: {  	_ =	shalt  }
0x74: {  	_ =	shalt  }
0x75: {  	_ =	shalt  }
0x76: {  	_ =	shalt  }
0x77: {  	_ =	shalt  }
0x78: {  	_ =	shalt  }
0x79: {  	_ =	shalt  }
0x7a: {  	_ =	shalt  }
0x7b: {  	_ =	shalt  }
0x7c: {  	_ =	shalt  }
0x7d: {  	_ =	shalt  }
0x7e: {  	_ =	shalt  }
0x7f: {  	_ =	shalt  }
0x80: {  	_ =	shalt  }
0x81: {  	_ =	shalt  }
0x82: {  	_ =	shalt  }
0x83: {  	_ =	shalt  }
0x84: {  	_ =	shalt  }
0x85: {  	_ =	shalt  }
0x86: {  	_ =	shalt  }
0x87: {  	_ =	shalt  }
.Lfunc_end0:
.L_simem_size_0:
called_computation_lowered:
.L_overlay_start_0:
0x88: {  	s2 =	sld [smem:$0x3FD9]  }
0x89: {  	s3 =	sld [smem:$0x3FFE];
	_ =	sdelay $0x1  }
0x8a: {  	s1 =	srdreg.scid  }
0x8b: {  	s0 =	sand.u32 $0x1, s1  }
0x8c: {  	s17 =	sshll.u32 s0, $0xA;
	s2 =	sadd.s32 s3, s2  }
0x8d: {  	s2 =	sadd.s32 s2, s17  }
0x8e: {  	[smem:$0x3FC2] =	sst s2  }
0x8f: {  	_ = 	snop  }
0x90: {  	s2 =	sld [smem:$0x3FD0];
	(tm) =	ssettm $0x1  }
0x91: {  	s18 =	sld [smem:$0x3FFB];
	_ =	sdelay $0x3  }
0x92: {  	_ =	strace s18  }
0x93: {  	s3 =	sld [smem:$0x3FFC];
	_ =	sdelay $0x3  }
0x94: {  	_ =	strace s3  }
0x95: {  	s3 =	sld [smem:$0x3FFD];
	_ =	sdelay $0x3  }
0x96: {  	_ =	strace s3  }
0x97: {  	_ =	strace $0x8FFFFFFF  }
0x98: {  	s19 =	sld [smem:$0x3FDB];
	_ =	sdelay $0x1  }
0x99: {  	s4 =	simm.s32 $_scs_section_size  }
0x9a: {  	s5 =	simm.s32 $_size__tile_overlayer_lowered;
	s6 =	simm.s32 $_tile_overlayer_lowered  }
0x9b: {  	s22 =	simm.s32 $0x1BFF;
	s21 =	sshll.u32 s6, $0x1;
	s3 =	sadd.s32 s4, s19  }
0x9c: {  	s7 =	simm.s32 $0x0;
	s20 =	sshll.u32 s5, $0x1;
	s5 =	sadd.s32 s21, s3  }
0x9d: {  	[timem:s7], [sflag:s22] =	dma.local [hbm:s5], s20  }
0x9e: {  	_ =	swait.ge [sflag:s22], s20  }
0x9f: {  	s4 =	ssub.s32 $0x0, s20;
	[sflag:s22] =	ssyncset.done $0x0  }
0xa0: {  	[sflag:s22] =	ssyncadd.s32 s4;
	_ =	sdelay $0x1  }
0xa1: {  	s23 =	simm.s32 $0x1B8B  }
0xa2: {  	_ =	swait.ge [sflag:s23], $0x1  }
0xa3: {  	[sflag:s23] =	ssyncset.done $0x0  }
0xa4: {  	s25 =	simm.s32 $0x1B8E;
	s24 =	sld [smem:$0x3FFE];
	[sflag:s23] =	ssyncadd.s32 $0xFFFFFFFF  }
0xa5: {  	s26 =	simm.s32 $execute0_lowered;
	[smem:$0x3FD2] =	sst s25  }
0xa6: {  	s5 =	sshll.u32 s26, $0x1;
	_ =	strace $0x80000046;
	[dreg:$0x1] =	wrdreg $0xFFFFFFFF  }
0xa7: {  	s28 =	simm.s32 $_size_execute0_lowered;
	s3 =	sadd.s32 s3, s5;
	[dreg:$0x0] =	wrdreg $0x0  }
0xa8: {  	s5 =	sshll.u32 s28, $0x1;
	[dreg:$0x2] =	wrdreg s3  }
0xa9: {  	[dreg:$0x3] =	wrdreg s5  }
0xaa: {  	[dreg:$0x4] =	wrdreg $0xC0  }
0xab: {  	_ =	task [dreg:s7], $0x5FFFF  }
0xac: {  	[dreg:$0x1] =	wrdreg $0xFFFFFFFF  }
0xad: {  	[dreg:$0x0] =	wrdreg $0x60  }
0xae: {  	[dreg:$0x2] =	wrdreg s2  }
0xaf: {  	[dreg:$0x3] =	wrdreg s24  }
0xb0: {  	[dreg:$0x4] =	wrdreg $0x68000  }
0xb1: {  	[dreg:$0x5] =	wrdreg $0x9  }
0xb2: {  	_ =	task.clear_ibuf [dreg:s7], $0x6FFFF;
	_ =	strace $0x90000046  }
0xb3: {  	s29 =	simm.s32 $0x9;
	_ =	strace $0x80000048  }
0xb4: {  	_ =	swait.ge [sflag:s29], $0x1  }
0xb5: {  	[sflag:s29] =	ssyncadd.s32 $0xFFFFFFFF  }
0xb6: {  	_ =	strace $0x90000048  }
0xb7: {  	_ =	sfence  }
0xb8: {  	s30 =	sld [smem:$0x0];
	_ =	sdelay $0x2  }
0xb9: {  	s31 =	sshll.u32 s1, $0xD;
	s1 =	sshrl.u32 s1, $0x2  }
0xba: {  	s3 =	sand.u32 $0x4000, s31;
	s1 =	sadd.s32 s1, s30  }
0xbb: {  	s0 =	sor.u32 s3, s0;
	s1 =	sshll.u32 s1, $0x11  }
0xbc: {  	s0 =	sor.u32 s1, s0  }
0xbd: {  	s0 =	sadd.s32 $0x8F2B, s0  }
0xbe: {  	[sflag:s0] =	ssyncadd.remote.s32 $0x1  }
0xbf: {  	_ =	sfence.sel $0xFFFF  }
0xc0: {  	[dreg:$0x0] =	wrdreg $0xFFFFFFFF;
	(pc) =	sbr.abs _section_cstart, $3  }
0xc1: {  	[dreg:$0x1] =	wrdreg $0xFFFFFFFF  }
0xc2: {  	_ =	task.clear_ibuf [dreg:s7], $0x2FFFF;
	_ =	strace $0x9FFFFFFF  }
0xc3: {  	(tm) =	ssettm $0x7FFFFFFF  }
tec
execute0_lowered:
.L_overlay_start_1:
0x0: {  	(tag) =	ssettag $0x1  }
0x1: {  	s6 =	rddreg [dreg:$0x0]  }
0x2: {  	s7 =	rddreg [dreg:$0x1]  }
0x3: {  	s1 =	rddreg [dreg:$0x2]  }
0x4: {  	s0 =	rddreg [dreg:$0x3];
	s3 =	simm.s32 $0x0;
	s2 =	srdreg.scid  }
0x5: {  	s13 =	simm.s32 $0x80;
	[smem:$0x7FF] =	sst s3;
	s8 =	sand.u32 $0x1, s2  }
0x6: {  	s14 =	simm.s32 $0x0;
	s2 =	stileid.u32;
	s9 =	smul.u32 $0x140000, s8  }
0x7: {  	s4 =	sadd.s32 $0x2C00, s7;
	s5 =	sadd.s32 $0x2400, s7;
	s10 =	smul.u32 $0x14000, s2  }
0x8: {  	_ =	strace $0x80000047;
	s11 =	sshll.u32 s8, $0x4;
	s29 =	smul.u32 $0x50000, s2  }
0x9: {  	s8 =	ssub.s32 $0x2, s8;
	s31 =	sshll.u32 s2, $0x6;
	s28 =	sor.u32 s2, s11  }
0xa: {  	s30 =	sshrl.u32 s8, $0x1;
	s9 =	sadd.s32 s10, s9;
	s10 =	smul.u32 $0x500, s28  }
0xb: {  	s11 =	sshrl.u32 s29, $0x2;
	s8 =	ssub.s32 s8, s30;
	s9 =	sshrl.u32 s9, $0x3  }
0xc: {  	s12 =	sadd.s32 s11, s1;
	s8 =	smax.u32 s8, $0x1;
	s11 =	sor.u32 $0x1C01, s31  }
0xd: {  	s7 =	sadd.s32 s9, s7;
	s6 =	sadd.s32 s6, s10;
	s9 =	simm.s32 $0x1  }
0xe: {  	s10 =	simm.s32 $0x4000;
	s12 =	sshrl.u32 s12, $0x3;
	s7 =	sadd.s32 $0x5400, s7  }
.LBB2_1:
0xf: {  	[tilespmem:s3], [sflag:$0x1] =	stream.linear.gather [hbm4b:s5+s3], $0x4000, $0x38;
	[tilespmem:$0x1A800] =	vst v63  }
0x10: {  	_ =	swait.ge [sflag:s9], $0x4000  }
0x11: {  	[sflag:s9] =	ssyncset.done $0x0  }
0x12: {  	[sflag:s9] =	ssyncadd.s32 $0xFFFFC000  }
0x13: {  	[tilespmem:s10], [sflag:$0x1] =	stream.linear.gather [hbm4b:s6+s3], $0x2800, $0x38;
	[tilespmem:$0x1A800] =	vst v63  }
0x14: {  	_ =	swait.ge [sflag:s9], $0x2800  }
0x15: {  	[sflag:s9] =	ssyncset.done $0x0  }
0x16: {  	[sflag:s9] =	ssyncadd.s32 $0xFFFFD800  }
0x17: {  	[spmem:s12], [sflag:s11] =	dma.local [hbm:s4], $0x2800  }
0x18: {  	_ =	swait.ge [sflag:s9], $0x2800  }
0x19: {  	[sflag:s9] =	ssyncset.done $0x0  }
0x1a: {  	[sflag:s9] =	ssyncadd.s32 $0xFFFFD800  }
0x1b: {  	s15 =	simm.s32 $0x4000;
	[bflag:$0x0] =	sbarrier.arrive $0xFFFF  }
0x1c: {  	[spmem:s1] =	stream.indirect.scatter.add.f32 [tilespmem:s3], [sflag:$0x1], $0x80, s15, s13, $0xb8;
	[tilespmem:$0x1A800] =	vst v63  }
0x1d: {  	s15 =	simm.s32 $0x200;
	_ =	swait.ge [sflag:s9], $0x4000  }
.LBB2_2:
0x1e: {  	s16 =	sshra.s32 s15, $0x2;
	[sflag:s9] =	ssyncset.done $0x0;
	p0 =	sne.s32 s15, $0x9E00  }
.Ltmp0:
0x1f: {  	s16 =	sadd.s32 $0x4000, s16;
	[sflag:s9] =	ssyncadd.s32 $0xFFFFC000;
	(pc) =	sbr.rel @p0 .LBB2_2-.Ltmp0, $3  }
0x20: {  	[spmem:s1] =	stream.indirect.scatter.add.f32 [tilespmem:s3], [sflag:$0x1], $0x80, s16, s13, $0xb8;
	[tilespmem:$0x1A800] =	vst v63  }
0x21: {  	s15 =	sadd.s32 $0x200, s15;
	_ =	sdelay $0x1  }
0x22: {  	_ =	swait.ge [sflag:s9], $0x4000  }
0x23: {  	[sflag:s9] =	ssyncset.done $0x0;
	s14 =	sadd.s32 $0x1, s14  }
0x24: {  	[sflag:s9] =	ssyncadd.s32 $0xFFFFC000;
	p0 =	sne.s32 s14, s8  }
.Ltmp1:
0x25: {  	[bflag:$0x0] =	sbarrier.arrive $0xFFFF;
	(pc) =	sbr.rel @p0 .LBB2_1-.Ltmp1, $4  }
0x26: {  	[hbm:s7], [sflag:s11] =	dma.local [spmem:s12], $0x2800  }
0x27: {  	_ =	swait.ge [sflag:s9], $0x2800  }
0x28: {  	[sflag:s9] =	ssyncset.done $0x0  }
0x29: {  	[sflag:s9] =	ssyncadd.s32 $0xFFFFD800  }
0x2a: {  	_ =	sfence.sel $0x180000  }
0x2b: {  	[bflag:$0x0] =	sbarrier.arrive $0xFFFF  }
0x2c: {  	p0 =	sne.s32 s2, $0x0;
	_ =	strace $0x90000047  }
0x2d: {  	s0 =	sadd.s32 @!p0 $0x100000, s0;
	[bflag:$0x2] =	sbarrier.arrive $0xFFFF  }
0x2e: {  	[sflag:s0] =	ssyncadd.tile.s32 @!p0 $0x1;
	_ =	shalt  }
.Lfunc_end2:
_tile_overlayer_lowered:
.L_overlay_start_2:
0x2f: {  	(tag) =	ssettag $0x2  }
0x30: {  	s0 =	rddreg [dreg:$0x0];
	s2 =	stileid.u32  }
0x31: {  	s1 =	rddreg [dreg:$0x1];
	p0 =	sne.s32 s2, $0x0  }
0x32: {  	s3 =	rddreg [dreg:$0x2];
	[bflag:$0x3] =	sbarrier.arrive $0xFFFF;
	s2 =	simm.s32 @!p0 $0x1C01  }
0x33: {  	[timem:s3], [sflag:s2] =	dma.local @!p0 [hbm:s0], s1  }
0x34: {  	s0 =	simm.s32 @!p0 $0x1  }
0x35: {  	_ =	swait.ge @!p0 [sflag:s0], s1  }
0x36: {  	s1 =	ssub.s32 @!p0 $0x0, s1;
	[sflag:s0] =	ssyncset.done @!p0 $0x0  }
0x37: {  	[sflag:s0] =	ssyncadd.s32 @!p0 s1  }
0x38: {  	[bflag:$0x3] =	sbarrier.arrive $0xFFFF  }
0x39: {  	_ =	shalt  }

</sc_bundles>
